<compile_context>
chip_gen: v7x
topology: tpu7x:2x2x1
jax: 0.10.2.dev20260603
libtpu: 0.0.44.dev20260713+nightly
codegen_flags: <defaults>
</compile_context>

<pallas_src>
import functools

import jax
import jax.numpy as jnp
from jax import lax
from jax.experimental import pallas as pl
from jax.experimental.pallas import tpu as pltpu
from jax.experimental.pallas import tpu_sc as plsc

N = 10000
D = 128
E = 320000

NC = 2
NS = 16
CH = 128
TOTCH = E // CH
CORECH = TOTCH // NC
CH0 = 80
CHR = 78
NACC = 10240

_SC_MESH = plsc.VectorSubcoreMesh(
    core_axis_name="c", subcore_axis_name="s", num_cores=NC, num_subcores=NS)


def _tile_chunks(c, s):
    base = c * CORECH + lax.select(s == 0, 0, CH0 + CHR * (s - 1))
    nch = lax.select(s == 0, CH0, CHR)
    return base, nch


@functools.partial(
    pl.kernel,
    out_type=jax.ShapeDtypeStruct((NC * N,), jnp.float32),
    mesh=_SC_MESH,
    scratch_types=[
        pltpu.VMEM((2, CH0 * CH), jnp.int32),
        pltpu.VMEM((CH,), jnp.float32),
        pltpu.VMEM((1000,), jnp.float32),
        pltpu.VMEM_SHARED((NACC,), jnp.float32),
    ],
)
def _sc_degree(ef_hbm, ones_hbm, zeros_hbm, out_hbm, idx_v, ones_v,
               stage_v, acc_sh):
    c = lax.axis_index("c")
    s = lax.axis_index("s")
    base, nch = _tile_chunks(c, s)

    @pl.when(s < 10)
    def _zero():
        pltpu.sync_copy(zeros_hbm, stage_v)
        pltpu.sync_copy(stage_v, acc_sh.at[pl.ds(s * 1000, 1000)])

    @pl.when(s == 0)
    def _load0():
        pltpu.sync_copy(ef_hbm.at[:, pl.ds(base * CH, CH0 * CH)], idx_v)

    @pl.when(s > 0)
    def _loadr():
        pltpu.sync_copy(ef_hbm.at[:, pl.ds(base * CH, CHR * CH)],
                        idx_v.at[:, pl.ds(0, CHR * CH)])

    pltpu.sync_copy(ones_hbm, ones_v)
    plsc.subcore_barrier()

    def body(i, carry):
        pltpu.sync_copy(ones_v, acc_sh.at[idx_v.at[1, pl.ds(i * CH, CH)]],
                        add=True)
        return carry

    lax.fori_loop(0, nch, body, 0, unroll=False)
    plsc.subcore_barrier()

    @pl.when(s < 10)
    def _writeout():
        pltpu.sync_copy(acc_sh.at[pl.ds(s * 1000, 1000)], stage_v)
        pltpu.sync_copy(stage_v, out_hbm.at[pl.ds(c * N + s * 1000, 1000)])


@functools.partial(
    pl.kernel,
    out_type=jax.ShapeDtypeStruct((NC, N, D), jnp.float32),
    mesh=_SC_MESH,
    scratch_types=[
        pltpu.VMEM((2, CH), jnp.int32),
        pltpu.VMEM((2, CH), jnp.int32),
        pltpu.VMEM((CH, D), jnp.float32),
        pltpu.VMEM((CH, D), jnp.float32),
        pltpu.VMEM((40, D), jnp.float32),
        pltpu.VMEM_SHARED((NACC, D), jnp.float32),
        pltpu.SemaphoreType.DMA,
        pltpu.SemaphoreType.DMA,
    ],
)
def _sc_aggregate(g_hbm, ef_hbm, zeros_hbm, out_hbm,
                  ibs0, ibs1, rows0_v, rows1_v, stage_v, acc_sh,
                  sem0, sem1):
    c = lax.axis_index("c")
    s = lax.axis_index("s")
    base, nch = _tile_chunks(c, s)

    pltpu.sync_copy(zeros_hbm, stage_v)
    for j in range(16):
        pltpu.sync_copy(stage_v, acc_sh.at[pl.ds(s * 640 + j * 40, 40)])

    pltpu.sync_copy(ef_hbm.at[:, pl.ds(base * CH, CH)], ibs0)
    pltpu.sync_copy(ef_hbm.at[:, pl.ds((base + 1) * CH, CH)], ibs1)
    plsc.subcore_barrier()

    pltpu.async_copy(g_hbm.at[ibs0.at[0]], rows0_v, sem0)

    def body(k, carry):
        i0 = 2 * k
        pltpu.async_copy(g_hbm.at[ibs1.at[0]], rows1_v, sem1)
        pltpu.make_async_copy(g_hbm.at[ibs0.at[0]], rows0_v, sem0).wait()
        pltpu.sync_copy(rows0_v, acc_sh.at[ibs0.at[1]], add=True)

        @pl.when(i0 + 2 < nch)
        def _next_even():
            pltpu.sync_copy(
                ef_hbm.at[:, pl.ds((base + i0 + 2) * CH, CH)], ibs0)
            pltpu.async_copy(g_hbm.at[ibs0.at[0]], rows0_v, sem0)

        pltpu.make_async_copy(g_hbm.at[ibs1.at[0]], rows1_v, sem1).wait()
        pltpu.sync_copy(rows1_v, acc_sh.at[ibs1.at[1]], add=True)

        @pl.when(i0 + 3 < nch)
        def _next_odd():
            pltpu.sync_copy(
                ef_hbm.at[:, pl.ds((base + i0 + 3) * CH, CH)], ibs1)

        return carry

    lax.fori_loop(0, nch // 2, body, 0, unroll=False)
    plsc.subcore_barrier()

    for j in range(16):
        blk = s + 16 * j

        @pl.when(blk < 250)
        def _wb():
            row = blk * 40
            pltpu.sync_copy(acc_sh.at[pl.ds(row, 40)], stage_v)
            pltpu.sync_copy(stage_v, out_hbm.at[c, pl.ds(row, 40)])


_BM = 2000


def _tc_matmul_body(x_ref, w_ref, h_ref):
    h_ref[...] = jnp.dot(
        x_ref[...], w_ref[...], preferred_element_type=jnp.float32)


def _tc_scale_body(degA, degB, h_ref, g_ref):
    dinv = lax.rsqrt(degA[...] + degB[...] + 1.0)
    g_ref[...] = h_ref[...] * dinv


def _tc_mid_body(degA, degB, aggA, aggB, g_ref, b_ref, w_ref, out_ref):
    dinv = lax.rsqrt(degA[...] + degB[...] + 1.0)
    h = (aggA[...] + aggB[...] + g_ref[...]) * dinv + b_ref[...]
    h = jnp.maximum(h, 0.0)
    out_ref[...] = jnp.dot(
        h, w_ref[...], preferred_element_type=jnp.float32) * dinv


def _tc_final_body(degA, degB, aggA, aggB, g_ref, b_ref, out_ref):
    dinv = lax.rsqrt(degA[...] + degB[...] + 1.0)
    h = (aggA[...] + aggB[...] + g_ref[...]) * dinv + b_ref[...]
    out_ref[...] = jnp.maximum(h, 0.0)


_col_spec = pl.BlockSpec((_BM, 1), lambda i: (i, 0))
_row_spec = pl.BlockSpec((_BM, D), lambda i: (i, 0))
_w_spec = pl.BlockSpec((D, D), lambda i: (0, 0))
_b_spec = pl.BlockSpec((1, D), lambda i: (0, 0))
_GRID = (N // _BM,)
_out_nd = jax.ShapeDtypeStruct((N, D), jnp.float32)

_tc_matmul = pl.pallas_call(
    _tc_matmul_body, grid=_GRID,
    in_specs=[_row_spec, _w_spec],
    out_specs=_row_spec, out_shape=_out_nd)

_tc_scale = pl.pallas_call(
    _tc_scale_body, grid=_GRID,
    in_specs=[_col_spec, _col_spec, _row_spec],
    out_specs=_row_spec, out_shape=_out_nd)

_tc_mid = pl.pallas_call(
    _tc_mid_body, grid=_GRID,
    in_specs=[_col_spec, _col_spec, _row_spec, _row_spec, _row_spec,
              _b_spec, _w_spec],
    out_specs=_row_spec, out_shape=_out_nd)

_tc_final = pl.pallas_call(
    _tc_final_body, grid=_GRID,
    in_specs=[_col_spec, _col_spec, _row_spec, _row_spec, _row_spec, _b_spec],
    out_specs=_row_spec, out_shape=_out_nd)


def kernel(x, edge_index, W1, b1, W2, b2):
    ef = edge_index
    zeros_n = jnp.zeros((1000,), jnp.float32)
    zeros_nd = jnp.zeros((40, D), jnp.float32)
    ones_ch = jnp.ones((CH,), jnp.float32)
    b1r = b1.reshape(1, D)
    b2r = b2.reshape(1, D)

    h1 = _tc_matmul(x, W1)
    degp = _sc_degree(ef, ones_ch, zeros_n).reshape(NC, N)
    degA = degp[0][:, None]
    degB = degp[1][:, None]

    g1 = _tc_scale(degA, degB, h1)
    agg1 = _sc_aggregate(g1, ef, zeros_nd)
    g2 = _tc_mid(degA, degB, agg1[0], agg1[1], g1, b1r, W2)
    agg2 = _sc_aggregate(g2, ef, zeros_nd)
    out = _tc_final(degA, degB, agg2[0], agg2[1], g2, b2r)
    return out

# --- scband reference (transcript-rebuilt; emitter-appended) ---
"""Pipeline reference for scband-gcn-23828478558291 (READ-ONLY COPY).

The authoritative reference and input builder live on the scoring server;
editing this copy changes nothing except your own understanding.
"""

import jax, jax.numpy as jnp
import numpy as np

N = 10000
D_IN = 128
D_HID = 128
E = 320000


def gcn_conv(x, edge_index, W, b):
    # PyG-style GCNConv: out = D^-1/2 (A + I) D^-1/2 (X W) + b
    n = x.shape[0]
    loop = jnp.arange(n, dtype=edge_index.dtype)
    src = jnp.concatenate([edge_index[0], loop])
    dst = jnp.concatenate([edge_index[1], loop])
    deg = jnp.zeros((n,), dtype=x.dtype).at[dst].add(1.0)
    dinv = jnp.where(deg > 0, deg ** -0.5, 0.0)
    norm = dinv[src] * dinv[dst]
    h = x @ W
    msg = h[src] * norm[:, None]
    out = jnp.zeros_like(h).at[dst].add(msg)
    return out + b


def setup_inputs(seed: int = 0) -> dict:
    key = jax.random.key(seed)
    k1, k2, k3, k4, k5, k6 = jax.random.split(key, 6)
    x = jax.random.normal(k1, (N, D_IN), dtype=jnp.float32)
    edge_index = jax.random.randint(k2, (2, E), 0, N, dtype=jnp.int32)
    s1 = 1.0 / np.sqrt(D_IN)
    s2 = 1.0 / np.sqrt(D_HID)
    W1 = jax.random.uniform(k3, (D_IN, D_HID), dtype=jnp.float32, minval=-s1, maxval=s1)
    b1 = jax.random.uniform(k4, (D_HID,), dtype=jnp.float32, minval=-s1, maxval=s1)
    W2 = jax.random.uniform(k5, (D_HID, D_HID), dtype=jnp.float32, minval=-s2, maxval=s2)
    b2 = jax.random.uniform(k6, (D_HID,), dtype=jnp.float32, minval=-s2, maxval=s2)
    return {"x": x, "edge_index": edge_index, "W1": W1, "b1": b1, "W2": W2, "b2": b2}


def reference(x, edge_index, W1, b1, W2, b2):
    # layer 1
    h = gcn_conv(x, edge_index, W1, b1)
    h = jax.nn.relu(h)
    # dropout is identity in eval mode
    # layer 2
    h = gcn_conv(h, edge_index, W2, b2)
    h = jax.nn.relu(h)
    return h

if __name__ == "__main__":
    import jax
    _d = setup_inputs()
    print(jax.jit(kernel)(*tuple(_d.values())))

</pallas_src>

<mosaic_0001>
#map = affine_map<(d0, d1) -> (0, 0)>
#map1 = affine_map<(d0, d1) -> (0, 0, 0)>
module attributes {stable_mosaic.version = 14 : i64} {
  func.func @_sc_aggregate(%arg0: i32, %arg1: i32, %arg2: memref<10000x128xf32, #tpu.memory_space<hbm>>, %arg3: memref<2x320000xi32, #tpu.memory_space<hbm>>, %arg4: memref<40x128xf32, #tpu.memory_space<hbm>>, %arg5: memref<2x10000x128xf32, #tpu.memory_space<hbm>>, %arg6: memref<2x128xi32, #tpu.memory_space<vmem>>, %arg7: memref<2x128xi32, #tpu.memory_space<vmem>>, %arg8: memref<128x128xf32, #tpu.memory_space<vmem>>, %arg9: memref<128x128xf32, #tpu.memory_space<vmem>>, %arg10: memref<40x128xf32, #tpu.memory_space<vmem>>, %arg11: memref<10240x128xf32, #tpu.memory_space<vmem_shared>>, %arg12: memref<!tpu.dma_semaphore, #tpu.memory_space<semaphore_mem>>, %arg13: memref<!tpu.dma_semaphore, #tpu.memory_space<semaphore_mem>>) attributes {dimension_semantics = [#tpu.dimension_semantics<core_parallel>, #tpu.dimension_semantics<subcore_parallel>], iteration_bounds = array<i64: 2, 16>, scalar_prefetch = 0 : i64, scratch_operands = 8 : i64, tpu.core_type = #tpu.core_type<sc_vector_subcore>, window_params = [{transform_indices = #map}, {transform_indices = #map}, {transform_indices = #map}, {transform_indices = #map1}]} {
    %mul3A = arith.constant 1250 : i32
    %mul3A_0 = arith.muli %arg0, %mul3A : i32
    %eq3A = arith.constant 0 : i32
    %eq3A_1 = arith.cmpi eq, %arg1, %eq3A : i32
    %sub3A = arith.constant 1 : i32
    %sub3A_2 = arith.subi %arg1, %sub3A : i32
    %mul3A_3 = arith.constant 78 : i32
    %mul3A_4 = arith.muli %mul3A_3, %sub3A_2 : i32
    %add3A = arith.constant 80 : i32
    %add3A_5 = arith.addi %add3A, %mul3A_4 : i32
    %select_n3A = arith.constant 0 : i32
    %select_n3A_6 = arith.select %eq3A_1, %select_n3A, %add3A_5 : i32
    %add3A_7 = arith.addi %mul3A_0, %select_n3A_6 : i32
    %eq3A_8 = arith.constant 0 : i32
    %eq3A_9 = arith.cmpi eq, %arg1, %eq3A_8 : i32
    %select_n3A_10 = arith.constant 78 : i32
    %select_n3A_11 = arith.constant 80 : i32
    %select_n3A_12 = arith.select %eq3A_9, %select_n3A_11, %select_n3A_10 : i32
    "tpu.region"() ({
      %run_scoped3A = tpu.sem_alloc : memref<!tpu.dma_semaphore, #tpu.memory_space<semaphore_mem>>
      tpu.enqueue_dma source(%arg4 : memref<40x128xf32, #tpu.memory_space<hbm>>) target(%arg10 : memref<40x128xf32, #tpu.memory_space<vmem>>) target_semaphore(%run_scoped3A : memref<!tpu.dma_semaphore, #tpu.memory_space<semaphore_mem>>)
      tpu.wait_dma2 semaphore(%run_scoped3A : memref<!tpu.dma_semaphore, #tpu.memory_space<semaphore_mem>>) src(%arg4 : memref<40x128xf32, #tpu.memory_space<hbm>>) dst(%arg10 : memref<40x128xf32, #tpu.memory_space<vmem>>)
      tpu.yield
    }) : () -> ()
    %mul3A_13 = arith.constant 640 : i32
    %mul3A_14 = arith.muli %arg1, %mul3A_13 : i32
    %add3A_15 = arith.constant 0 : i32
    %add3A_16 = arith.addi %mul3A_14, %add3A_15 : i32
    "tpu.region"() ({
      %run_scoped3A = tpu.sem_alloc : memref<!tpu.dma_semaphore, #tpu.memory_space<semaphore_mem>>
      %dma_start3A_226 = arith.constant 0 : i32
      %dma_start3A_227 = tpu.memref_slice %arg11[%add3A_16, %dma_start3A_226] : memref<10240x128xf32, #tpu.memory_space<vmem_shared>> -> memref<40x128xf32, #tpu.memory_space<vmem_shared>>
      %dma_start3A_228 = arith.constant 0 : i32
      %dma_start3A_229 = tpu.memref_slice %arg11[%add3A_16, %dma_start3A_228] : memref<10240x128xf32, #tpu.memory_space<vmem_shared>> -> memref<40x128xf32, #tpu.memory_space<vmem_shared>>
      tpu.enqueue_dma source(%arg10 : memref<40x128xf32, #tpu.memory_space<vmem>>) target(%dma_start3A_229 : memref<40x128xf32, #tpu.memory_space<vmem_shared>>) target_semaphore(%run_scoped3A : memref<!tpu.dma_semaphore, #tpu.memory_space<semaphore_mem>>)
      %dma_wait3A = arith.constant 0 : i32
      %dma_wait3A_230 = tpu.memref_slice %arg11[%add3A_16, %dma_wait3A] : memref<10240x128xf32, #tpu.memory_space<vmem_shared>> -> memref<40x128xf32, #tpu.memory_space<vmem_shared>>
      %dma_wait3A_231 = arith.constant 0 : i32
      %dma_wait3A_232 = tpu.memref_slice %arg11[%add3A_16, %dma_wait3A_231] : memref<10240x128xf32, #tpu.memory_space<vmem_shared>> -> memref<40x128xf32, #tpu.memory_space<vmem_shared>>
      tpu.wait_dma2 semaphore(%run_scoped3A : memref<!tpu.dma_semaphore, #tpu.memory_space<semaphore_mem>>) src(%arg10 : memref<40x128xf32, #tpu.memory_space<vmem>>) dst(%dma_wait3A_232 : memref<40x128xf32, #tpu.memory_space<vmem_shared>>)
      tpu.yield
    }) : () -> ()
    %mul3A_17 = arith.constant 640 : i32
    %mul3A_18 = arith.muli %arg1, %mul3A_17 : i32
    %add3A_19 = arith.constant 40 : i32
    %add3A_20 = arith.addi %mul3A_18, %add3A_19 : i32
    "tpu.region"() ({
      %run_scoped3A = tpu.sem_alloc : memref<!tpu.dma_semaphore, #tpu.memory_space<semaphore_mem>>
      %dma_start3A_226 = arith.constant 0 : i32
      %dma_start3A_227 = tpu.memref_slice %arg11[%add3A_20, %dma_start3A_226] : memref<10240x128xf32, #tpu.memory_space<vmem_shared>> -> memref<40x128xf32, #tpu.memory_space<vmem_shared>>
      %dma_start3A_228 = arith.constant 0 : i32
      %dma_start3A_229 = tpu.memref_slice %arg11[%add3A_20, %dma_start3A_228] : memref<10240x128xf32, #tpu.memory_space<vmem_shared>> -> memref<40x128xf32, #tpu.memory_space<vmem_shared>>
      tpu.enqueue_dma source(%arg10 : memref<40x128xf32, #tpu.memory_space<vmem>>) target(%dma_start3A_229 : memref<40x128xf32, #tpu.memory_space<vmem_shared>>) target_semaphore(%run_scoped3A : memref<!tpu.dma_semaphore, #tpu.memory_space<semaphore_mem>>)
      %dma_wait3A = arith.constant 0 : i32
      %dma_wait3A_230 = tpu.memref_slice %arg11[%add3A_20, %dma_wait3A] : memref<10240x128xf32, #tpu.memory_space<vmem_shared>> -> memref<40x128xf32, #tpu.memory_space<vmem_shared>>
      %dma_wait3A_231 = arith.constant 0 : i32
      %dma_wait3A_232 = tpu.memref_slice %arg11[%add3A_20, %dma_wait3A_231] : memref<10240x128xf32, #tpu.memory_space<vmem_shared>> -> memref<40x128xf32, #tpu.memory_space<vmem_shared>>
      tpu.wait_dma2 semaphore(%run_scoped3A : memref<!tpu.dma_semaphore, #tpu.memory_space<semaphore_mem>>) src(%arg10 : memref<40x128xf32, #tpu.memory_space<vmem>>) dst(%dma_wait3A_232 : memref<40x128xf32, #tpu.memory_space<vmem_shared>>)
      tpu.yield
    }) : () -> ()
    %mul3A_21 = arith.constant 640 : i32
    %mul3A_22 = arith.muli %arg1, %mul3A_21 : i32
    %add3A_23 = arith.constant 80 : i32
    %add3A_24 = arith.addi %mul3A_22, %add3A_23 : i32
    "tpu.region"() ({
      %run_scoped3A = tpu.sem_alloc : memref<!tpu.dma_semaphore, #tpu.memory_space<semaphore_mem>>
      %dma_start3A_226 = arith.constant 0 : i32
      %dma_start3A_227 = tpu.memref_slice %arg11[%add3A_24, %dma_start3A_226] : memref<10240x128xf32, #tpu.memory_space<vmem_shared>> -> memref<40x128xf32, #tpu.memory_space<vmem_shared>>
      %dma_start3A_228 = arith.constant 0 : i32
      %dma_start3A_229 = tpu.memref_slice %arg11[%add3A_24, %dma_start3A_228] : memref<10240x128xf32, #tpu.memory_space<vmem_shared>> -> memref<40x128xf32, #tpu.memory_space<vmem_shared>>
      tpu.enqueue_dma source(%arg10 : memref<40x128xf32, #tpu.memory_space<vmem>>) target(%dma_start3A_229 : memref<40x128xf32, #tpu.memory_space<vmem_shared>>) target_semaphore(%run_scoped3A : memref<!tpu.dma_semaphore, #tpu.memory_space<semaphore_mem>>)
      %dma_wait3A = arith.constant 0 : i32
      %dma_wait3A_230 = tpu.memref_slice %arg11[%add3A_24, %dma_wait3A] : memref<10240x128xf32, #tpu.memory_space<vmem_shared>> -> memref<40x128xf32, #tpu.memory_space<vmem_shared>>
      %dma_wait3A_231 = arith.constant 0 : i32
      %dma_wait3A_232 = tpu.memref_slice %arg11[%add3A_24, %dma_wait3A_231] : memref<10240x128xf32, #tpu.memory_space<vmem_shared>> -> memref<40x128xf32, #tpu.memory_space<vmem_shared>>
      tpu.wait_dma2 semaphore(%run_scoped3A : memref<!tpu.dma_semaphore, #tpu.memory_space<semaphore_mem>>) src(%arg10 : memref<40x128xf32, #tpu.memory_space<vmem>>) dst(%dma_wait3A_232 : memref<40x128xf32, #tpu.memory_space<vmem_shared>>)
      tpu.yield
    }) : () -> ()
    %mul3A_25 = arith.constant 640 : i32
    %mul3A_26 = arith.muli %arg1, %mul3A_25 : i32
    %add3A_27 = arith.constant 120 : i32
    %add3A_28 = arith.addi %mul3A_26, %add3A_27 : i32
    "tpu.region"() ({
      %run_scoped3A = tpu.sem_alloc : memref<!tpu.dma_semaphore, #tpu.memory_space<semaphore_mem>>
      %dma_start3A_226 = arith.constant 0 : i32
      %dma_start3A_227 = tpu.memref_slice %arg11[%add3A_28, %dma_start3A_226] : memref<10240x128xf32, #tpu.memory_space<vmem_shared>> -> memref<40x128xf32, #tpu.memory_space<vmem_shared>>
      %dma_start3A_228 = arith.constant 0 : i32
      %dma_start3A_229 = tpu.memref_slice %arg11[%add3A_28, %dma_start3A_228] : memref<10240x128xf32, #tpu.memory_space<vmem_shared>> -> memref<40x128xf32, #tpu.memory_space<vmem_shared>>
      tpu.enqueue_dma source(%arg10 : memref<40x128xf32, #tpu.memory_space<vmem>>) target(%dma_start3A_229 : memref<40x128xf32, #tpu.memory_space<vmem_shared>>) target_semaphore(%run_scoped3A : memref<!tpu.dma_semaphore, #tpu.memory_space<semaphore_mem>>)
      %dma_wait3A = arith.constant 0 : i32
      %dma_wait3A_230 = tpu.memref_slice %arg11[%add3A_28, %dma_wait3A] : memref<10240x128xf32, #tpu.memory_space<vmem_shared>> -> memref<40x128xf32, #tpu.memory_space<vmem_shared>>
      %dma_wait3A_231 = arith.constant 0 : i32
      %dma_wait3A_232 = tpu.memref_slice %arg11[%add3A_28, %dma_wait3A_231] : memref<10240x128xf32, #tpu.memory_space<vmem_shared>> -> memref<40x128xf32, #tpu.memory_space<vmem_shared>>
      tpu.wait_dma2 semaphore(%run_scoped3A : memref<!tpu.dma_semaphore, #tpu.memory_space<semaphore_mem>>) src(%arg10 : memref<40x128xf32, #tpu.memory_space<vmem>>) dst(%dma_wait3A_232 : memref<40x128xf32, #tpu.memory_space<vmem_shared>>)
      tpu.yield
    }) : () -> ()
    %mul3A_29 = arith.constant 640 : i32
    %mul3A_30 = arith.muli %arg1, %mul3A_29 : i32
    %add3A_31 = arith.constant 160 : i32
    %add3A_32 = arith.addi %mul3A_30, %add3A_31 : i32
    "tpu.region"() ({
      %run_scoped3A = tpu.sem_alloc : memref<!tpu.dma_semaphore, #tpu.memory_space<semaphore_mem>>
      %dma_start3A_226 = arith.constant 0 : i32
      %dma_start3A_227 = tpu.memref_slice %arg11[%add3A_32, %dma_start3A_226] : memref<10240x128xf32, #tpu.memory_space<vmem_shared>> -> memref<40x128xf32, #tpu.memory_space<vmem_shared>>
      %dma_start3A_228 = arith.constant 0 : i32
      %dma_start3A_229 = tpu.memref_slice %arg11[%add3A_32, %dma_start3A_228] : memref<10240x128xf32, #tpu.memory_space<vmem_shared>> -> memref<40x128xf32, #tpu.memory_space<vmem_shared>>
      tpu.enqueue_dma source(%arg10 : memref<40x128xf32, #tpu.memory_space<vmem>>) target(%dma_start3A_229 : memref<40x128xf32, #tpu.memory_space<vmem_shared>>) target_semaphore(%run_scoped3A : memref<!tpu.dma_semaphore, #tpu.memory_space<semaphore_mem>>)
      %dma_wait3A = arith.constant 0 : i32
      %dma_wait3A_230 = tpu.memref_slice %arg11[%add3A_32, %dma_wait3A] : memref<10240x128xf32, #tpu.memory_space<vmem_shared>> -> memref<40x128xf32, #tpu.memory_space<vmem_shared>>
      %dma_wait3A_231 = arith.constant 0 : i32
      %dma_wait3A_232 = tpu.memref_slice %arg11[%add3A_32, %dma_wait3A_231] : memref<10240x128xf32, #tpu.memory_space<vmem_shared>> -> memref<40x128xf32, #tpu.memory_space<vmem_shared>>
      tpu.wait_dma2 semaphore(%run_scoped3A : memref<!tpu.dma_semaphore, #tpu.memory_space<semaphore_mem>>) src(%arg10 : memref<40x128xf32, #tpu.memory_space<vmem>>) dst(%dma_wait3A_232 : memref<40x128xf32, #tpu.memory_space<vmem_shared>>)
      tpu.yield
    }) : () -> ()
    %mul3A_33 = arith.constant 640 : i32
    %mul3A_34 = arith.muli %arg1, %mul3A_33 : i32
    %add3A_35 = arith.constant 200 : i32
    %add3A_36 = arith.addi %mul3A_34, %add3A_35 : i32
    "tpu.region"() ({
      %run_scoped3A = tpu.sem_alloc : memref<!tpu.dma_semaphore, #tpu.memory_space<semaphore_mem>>
      %dma_start3A_226 = arith.constant 0 : i32
      %dma_start3A_227 = tpu.memref_slice %arg11[%add3A_36, %dma_start3A_226] : memref<10240x128xf32, #tpu.memory_space<vmem_shared>> -> memref<40x128xf32, #tpu.memory_space<vmem_shared>>
      %dma_start3A_228 = arith.constant 0 : i32
      %dma_start3A_229 = tpu.memref_slice %arg11[%add3A_36, %dma_start3A_228] : memref<10240x128xf32, #tpu.memory_space<vmem_shared>> -> memref<40x128xf32, #tpu.memory_space<vmem_shared>>
      tpu.enqueue_dma source(%arg10 : memref<40x128xf32, #tpu.memory_space<vmem>>) target(%dma_start3A_229 : memref<40x128xf32, #tpu.memory_space<vmem_shared>>) target_semaphore(%run_scoped3A : memref<!tpu.dma_semaphore, #tpu.memory_space<semaphore_mem>>)
      %dma_wait3A = arith.constant 0 : i32
      %dma_wait3A_230 = tpu.memref_slice %arg11[%add3A_36, %dma_wait3A] : memref<10240x128xf32, #tpu.memory_space<vmem_shared>> -> memref<40x128xf32, #tpu.memory_space<vmem_shared>>
      %dma_wait3A_231 = arith.constant 0 : i32
      %dma_wait3A_232 = tpu.memref_slice %arg11[%add3A_36, %dma_wait3A_231] : memref<10240x128xf32, #tpu.memory_space<vmem_shared>> -> memref<40x128xf32, #tpu.memory_space<vmem_shared>>
      tpu.wait_dma2 semaphore(%run_scoped3A : memref<!tpu.dma_semaphore, #tpu.memory_space<semaphore_mem>>) src(%arg10 : memref<40x128xf32, #tpu.memory_space<vmem>>) dst(%dma_wait3A_232 : memref<40x128xf32, #tpu.memory_space<vmem_shared>>)
      tpu.yield
    }) : () -> ()
    %mul3A_37 = arith.constant 640 : i32
    %mul3A_38 = arith.muli %arg1, %mul3A_37 : i32
    %add3A_39 = arith.constant 240 : i32
    %add3A_40 = arith.addi %mul3A_38, %add3A_39 : i32
    "tpu.region"() ({
      %run_scoped3A = tpu.sem_alloc : memref<!tpu.dma_semaphore, #tpu.memory_space<semaphore_mem>>
      %dma_start3A_226 = arith.constant 0 : i32
      %dma_start3A_227 = tpu.memref_slice %arg11[%add3A_40, %dma_start3A_226] : memref<10240x128xf32, #tpu.memory_space<vmem_shared>> -> memref<40x128xf32, #tpu.memory_space<vmem_shared>>
      %dma_start3A_228 = arith.constant 0 : i32
      %dma_start3A_229 = tpu.memref_slice %arg11[%add3A_40, %dma_start3A_228] : memref<10240x128xf32, #tpu.memory_space<vmem_shared>> -> memref<40x128xf32, #tpu.memory_space<vmem_shared>>
      tpu.enqueue_dma source(%arg10 : memref<40x128xf32, #tpu.memory_space<vmem>>) target(%dma_start3A_229 : memref<40x128xf32, #tpu.memory_space<vmem_shared>>) target_semaphore(%run_scoped3A : memref<!tpu.dma_semaphore, #tpu.memory_space<semaphore_mem>>)
      %dma_wait3A = arith.constant 0 : i32
      %dma_wait3A_230 = tpu.memref_slice %arg11[%add3A_40, %dma_wait3A] : memref<10240x128xf32, #tpu.memory_space<vmem_shared>> -> memref<40x128xf32, #tpu.memory_space<vmem_shared>>
      %dma_wait3A_231 = arith.constant 0 : i32
      %dma_wait3A_232 = tpu.memref_slice %arg11[%add3A_40, %dma_wait3A_231] : memref<10240x128xf32, #tpu.memory_space<vmem_shared>> -> memref<40x128xf32, #tpu.memory_space<vmem_shared>>
      tpu.wait_dma2 semaphore(%run_scoped3A : memref<!tpu.dma_semaphore, #tpu.memory_space<semaphore_mem>>) src(%arg10 : memref<40x128xf32, #tpu.memory_space<vmem>>) dst(%dma_wait3A_232 : memref<40x128xf32, #tpu.memory_space<vmem_shared>>)
      tpu.yield
    }) : () -> ()
    %mul3A_41 = arith.constant 640 : i32
    %mul3A_42 = arith.muli %arg1, %mul3A_41 : i32
    %add3A_43 = arith.constant 280 : i32
    %add3A_44 = arith.addi %mul3A_42, %add3A_43 : i32
    "tpu.region"() ({
      %run_scoped3A = tpu.sem_alloc : memref<!tpu.dma_semaphore, #tpu.memory_space<semaphore_mem>>
      %dma_start3A_226 = arith.constant 0 : i32
      %dma_start3A_227 = tpu.memref_slice %arg11[%add3A_44, %dma_start3A_226] : memref<10240x128xf32, #tpu.memory_space<vmem_shared>> -> memref<40x128xf32, #tpu.memory_space<vmem_shared>>
      %dma_start3A_228 = arith.constant 0 : i32
      %dma_start3A_229 = tpu.memref_slice %arg11[%add3A_44, %dma_start3A_228] : memref<10240x128xf32, #tpu.memory_space<vmem_shared>> -> memref<40x128xf32, #tpu.memory_space<vmem_shared>>
      tpu.enqueue_dma source(%arg10 : memref<40x128xf32, #tpu.memory_space<vmem>>) target(%dma_start3A_229 : memref<40x128xf32, #tpu.memory_space<vmem_shared>>) target_semaphore(%run_scoped3A : memref<!tpu.dma_semaphore, #tpu.memory_space<semaphore_mem>>)
      %dma_wait3A = arith.constant 0 : i32
      %dma_wait3A_230 = tpu.memref_slice %arg11[%add3A_44, %dma_wait3A] : memref<10240x128xf32, #tpu.memory_space<vmem_shared>> -> memref<40x128xf32, #tpu.memory_space<vmem_shared>>
      %dma_wait3A_231 = arith.constant 0 : i32
      %dma_wait3A_232 = tpu.memref_slice %arg11[%add3A_44, %dma_wait3A_231] : memref<10240x128xf32, #tpu.memory_space<vmem_shared>> -> memref<40x128xf32, #tpu.memory_space<vmem_shared>>
      tpu.wait_dma2 semaphore(%run_scoped3A : memref<!tpu.dma_semaphore, #tpu.memory_space<semaphore_mem>>) src(%arg10 : memref<40x128xf32, #tpu.memory_space<vmem>>) dst(%dma_wait3A_232 : memref<40x128xf32, #tpu.memory_space<vmem_shared>>)
      tpu.yield
    }) : () -> ()
    %mul3A_45 = arith.constant 640 : i32
    %mul3A_46 = arith.muli %arg1, %mul3A_45 : i32
    %add3A_47 = arith.constant 320 : i32
    %add3A_48 = arith.addi %mul3A_46, %add3A_47 : i32
    "tpu.region"() ({
      %run_scoped3A = tpu.sem_alloc : memref<!tpu.dma_semaphore, #tpu.memory_space<semaphore_mem>>
      %dma_start3A_226 = arith.constant 0 : i32
      %dma_start3A_227 = tpu.memref_slice %arg11[%add3A_48, %dma_start3A_226] : memref<10240x128xf32, #tpu.memory_space<vmem_shared>> -> memref<40x128xf32, #tpu.memory_space<vmem_shared>>
      %dma_start3A_228 = arith.constant 0 : i32
      %dma_start3A_229 = tpu.memref_slice %arg11[%add3A_48, %dma_start3A_228] : memref<10240x128xf32, #tpu.memory_space<vmem_shared>> -> memref<40x128xf32, #tpu.memory_space<vmem_shared>>
      tpu.enqueue_dma source(%arg10 : memref<40x128xf32, #tpu.memory_space<vmem>>) target(%dma_start3A_229 : memref<40x128xf32, #tpu.memory_space<vmem_shared>>) target_semaphore(%run_scoped3A : memref<!tpu.dma_semaphore, #tpu.memory_space<semaphore_mem>>)
      %dma_wait3A = arith.constant 0 : i32
      %dma_wait3A_230 = tpu.memref_slice %arg11[%add3A_48, %dma_wait3A] : memref<10240x128xf32, #tpu.memory_space<vmem_shared>> -> memref<40x128xf32, #tpu.memory_space<vmem_shared>>
      %dma_wait3A_231 = arith.constant 0 : i32
      %dma_wait3A_232 = tpu.memref_slice %arg11[%add3A_48, %dma_wait3A_231] : memref<10240x128xf32, #tpu.memory_space<vmem_shared>> -> memref<40x128xf32, #tpu.memory_space<vmem_shared>>
      tpu.wait_dma2 semaphore(%run_scoped3A : memref<!tpu.dma_semaphore, #tpu.memory_space<semaphore_mem>>) src(%arg10 : memref<40x128xf32, #tpu.memory_space<vmem>>) dst(%dma_wait3A_232 : memref<40x128xf32, #tpu.memory_space<vmem_shared>>)
      tpu.yield
    }) : () -> ()
    %mul3A_49 = arith.constant 640 : i32
    %mul3A_50 = arith.muli %arg1, %mul3A_49 : i32
    %add3A_51 = arith.constant 360 : i32
    %add3A_52 = arith.addi %mul3A_50, %add3A_51 : i32
    "tpu.region"() ({
      %run_scoped3A = tpu.sem_alloc : memref<!tpu.dma_semaphore, #tpu.memory_space<semaphore_mem>>
      %dma_start3A_226 = arith.constant 0 : i32
      %dma_start3A_227 = tpu.memref_slice %arg11[%add3A_52, %dma_start3A_226] : memref<10240x128xf32, #tpu.memory_space<vmem_shared>> -> memref<40x128xf32, #tpu.memory_space<vmem_shared>>
      %dma_start3A_228 = arith.constant 0 : i32
      %dma_start3A_229 = tpu.memref_slice %arg11[%add3A_52, %dma_start3A_228] : memref<10240x128xf32, #tpu.memory_space<vmem_shared>> -> memref<40x128xf32, #tpu.memory_space<vmem_shared>>
      tpu.enqueue_dma source(%arg10 : memref<40x128xf32, #tpu.memory_space<vmem>>) target(%dma_start3A_229 : memref<40x128xf32, #tpu.memory_space<vmem_shared>>) target_semaphore(%run_scoped3A : memref<!tpu.dma_semaphore, #tpu.memory_space<semaphore_mem>>)
      %dma_wait3A = arith.constant 0 : i32
      %dma_wait3A_230 = tpu.memref_slice %arg11[%add3A_52, %dma_wait3A] : memref<10240x128xf32, #tpu.memory_space<vmem_shared>> -> memref<40x128xf32, #tpu.memory_space<vmem_shared>>
      %dma_wait3A_231 = arith.constant 0 : i32
      %dma_wait3A_232 = tpu.memref_slice %arg11[%add3A_52, %dma_wait3A_231] : memref<10240x128xf32, #tpu.memory_space<vmem_shared>> -> memref<40x128xf32, #tpu.memory_space<vmem_shared>>
      tpu.wait_dma2 semaphore(%run_scoped3A : memref<!tpu.dma_semaphore, #tpu.memory_space<semaphore_mem>>) src(%arg10 : memref<40x128xf32, #tpu.memory_space<vmem>>) dst(%dma_wait3A_232 : memref<40x128xf32, #tpu.memory_space<vmem_shared>>)
      tpu.yield
    }) : () -> ()
    %mul3A_53 = arith.constant 640 : i32
    %mul3A_54 = arith.muli %arg1, %mul3A_53 : i32
    %add3A_55 = arith.constant 400 : i32
    %add3A_56 = arith.addi %mul3A_54, %add3A_55 : i32
    "tpu.region"() ({
      %run_scoped3A = tpu.sem_alloc : memref<!tpu.dma_semaphore, #tpu.memory_space<semaphore_mem>>
      %dma_start3A_226 = arith.constant 0 : i32
      %dma_start3A_227 = tpu.memref_slice %arg11[%add3A_56, %dma_start3A_226] : memref<10240x128xf32, #tpu.memory_space<vmem_shared>> -> memref<40x128xf32, #tpu.memory_space<vmem_shared>>
      %dma_start3A_228 = arith.constant 0 : i32
      %dma_start3A_229 = tpu.memref_slice %arg11[%add3A_56, %dma_start3A_228] : memref<10240x128xf32, #tpu.memory_space<vmem_shared>> -> memref<40x128xf32, #tpu.memory_space<vmem_shared>>
      tpu.enqueue_dma source(%arg10 : memref<40x128xf32, #tpu.memory_space<vmem>>) target(%dma_start3A_229 : memref<40x128xf32, #tpu.memory_space<vmem_shared>>) target_semaphore(%run_scoped3A : memref<!tpu.dma_semaphore, #tpu.memory_space<semaphore_mem>>)
      %dma_wait3A = arith.constant 0 : i32
      %dma_wait3A_230 = tpu.memref_slice %arg11[%add3A_56, %dma_wait3A] : memref<10240x128xf32, #tpu.memory_space<vmem_shared>> -> memref<40x128xf32, #tpu.memory_space<vmem_shared>>
      %dma_wait3A_231 = arith.constant 0 : i32
      %dma_wait3A_232 = tpu.memref_slice %arg11[%add3A_56, %dma_wait3A_231] : memref<10240x128xf32, #tpu.memory_space<vmem_shared>> -> memref<40x128xf32, #tpu.memory_space<vmem_shared>>
      tpu.wait_dma2 semaphore(%run_scoped3A : memref<!tpu.dma_semaphore, #tpu.memory_space<semaphore_mem>>) src(%arg10 : memref<40x128xf32, #tpu.memory_space<vmem>>) dst(%dma_wait3A_232 : memref<40x128xf32, #tpu.memory_space<vmem_shared>>)
      tpu.yield
    }) : () -> ()
    %mul3A_57 = arith.constant 640 : i32
    %mul3A_58 = arith.muli %arg1, %mul3A_57 : i32
    %add3A_59 = arith.constant 440 : i32
    %add3A_60 = arith.addi %mul3A_58, %add3A_59 : i32
    "tpu.region"() ({
      %run_scoped3A = tpu.sem_alloc : memref<!tpu.dma_semaphore, #tpu.memory_space<semaphore_mem>>
      %dma_start3A_226 = arith.constant 0 : i32
      %dma_start3A_227 = tpu.memref_slice %arg11[%add3A_60, %dma_start3A_226] : memref<10240x128xf32, #tpu.memory_space<vmem_shared>> -> memref<40x128xf32, #tpu.memory_space<vmem_shared>>
      %dma_start3A_228 = arith.constant 0 : i32
      %dma_start3A_229 = tpu.memref_slice %arg11[%add3A_60, %dma_start3A_228] : memref<10240x128xf32, #tpu.memory_space<vmem_shared>> -> memref<40x128xf32, #tpu.memory_space<vmem_shared>>
      tpu.enqueue_dma source(%arg10 : memref<40x128xf32, #tpu.memory_space<vmem>>) target(%dma_start3A_229 : memref<40x128xf32, #tpu.memory_space<vmem_shared>>) target_semaphore(%run_scoped3A : memref<!tpu.dma_semaphore, #tpu.memory_space<semaphore_mem>>)
      %dma_wait3A = arith.constant 0 : i32
      %dma_wait3A_230 = tpu.memref_slice %arg11[%add3A_60, %dma_wait3A] : memref<10240x128xf32, #tpu.memory_space<vmem_shared>> -> memref<40x128xf32, #tpu.memory_space<vmem_shared>>
      %dma_wait3A_231 = arith.constant 0 : i32
      %dma_wait3A_232 = tpu.memref_slice %arg11[%add3A_60, %dma_wait3A_231] : memref<10240x128xf32, #tpu.memory_space<vmem_shared>> -> memref<40x128xf32, #tpu.memory_space<vmem_shared>>
      tpu.wait_dma2 semaphore(%run_scoped3A : memref<!tpu.dma_semaphore, #tpu.memory_space<semaphore_mem>>) src(%arg10 : memref<40x128xf32, #tpu.memory_space<vmem>>) dst(%dma_wait3A_232 : memref<40x128xf32, #tpu.memory_space<vmem_shared>>)
      tpu.yield
    }) : () -> ()
    %mul3A_61 = arith.constant 640 : i32
    %mul3A_62 = arith.muli %arg1, %mul3A_61 : i32
    %add3A_63 = arith.constant 480 : i32
    %add3A_64 = arith.addi %mul3A_62, %add3A_63 : i32
    "tpu.region"() ({
      %run_scoped3A = tpu.sem_alloc : memref<!tpu.dma_semaphore, #tpu.memory_space<semaphore_mem>>
      %dma_start3A_226 = arith.constant 0 : i32
      %dma_start3A_227 = tpu.memref_slice %arg11[%add3A_64, %dma_start3A_226] : memref<10240x128xf32, #tpu.memory_space<vmem_shared>> -> memref<40x128xf32, #tpu.memory_space<vmem_shared>>
      %dma_start3A_228 = arith.constant 0 : i32
      %dma_start3A_229 = tpu.memref_slice %arg11[%add3A_64, %dma_start3A_228] : memref<10240x128xf32, #tpu.memory_space<vmem_shared>> -> memref<40x128xf32, #tpu.memory_space<vmem_shared>>
      tpu.enqueue_dma source(%arg10 : memref<40x128xf32, #tpu.memory_space<vmem>>) target(%dma_start3A_229 : memref<40x128xf32, #tpu.memory_space<vmem_shared>>) target_semaphore(%run_scoped3A : memref<!tpu.dma_semaphore, #tpu.memory_space<semaphore_mem>>)
      %dma_wait3A = arith.constant 0 : i32
      %dma_wait3A_230 = tpu.memref_slice %arg11[%add3A_64, %dma_wait3A] : memref<10240x128xf32, #tpu.memory_space<vmem_shared>> -> memref<40x128xf32, #tpu.memory_space<vmem_shared>>
      %dma_wait3A_231 = arith.constant 0 : i32
      %dma_wait3A_232 = tpu.memref_slice %arg11[%add3A_64, %dma_wait3A_231] : memref<10240x128xf32, #tpu.memory_space<vmem_shared>> -> memref<40x128xf32, #tpu.memory_space<vmem_shared>>
      tpu.wait_dma2 semaphore(%run_scoped3A : memref<!tpu.dma_semaphore, #tpu.memory_space<semaphore_mem>>) src(%arg10 : memref<40x128xf32, #tpu.memory_space<vmem>>) dst(%dma_wait3A_232 : memref<40x128xf32, #tpu.memory_space<vmem_shared>>)
      tpu.yield
    }) : () -> ()
    %mul3A_65 = arith.constant 640 : i32
    %mul3A_66 = arith.muli %arg1, %mul3A_65 : i32
    %add3A_67 = arith.constant 520 : i32
    %add3A_68 = arith.addi %mul3A_66, %add3A_67 : i32
    "tpu.region"() ({
      %run_scoped3A = tpu.sem_alloc : memref<!tpu.dma_semaphore, #tpu.memory_space<semaphore_mem>>
      %dma_start3A_226 = arith.constant 0 : i32
      %dma_start3A_227 = tpu.memref_slice %arg11[%add3A_68, %dma_start3A_226] : memref<10240x128xf32, #tpu.memory_space<vmem_shared>> -> memref<40x128xf32, #tpu.memory_space<vmem_shared>>
      %dma_start3A_228 = arith.constant 0 : i32
      %dma_start3A_229 = tpu.memref_slice %arg11[%add3A_68, %dma_start3A_228] : memref<10240x128xf32, #tpu.memory_space<vmem_shared>> -> memref<40x128xf32, #tpu.memory_space<vmem_shared>>
      tpu.enqueue_dma source(%arg10 : memref<40x128xf32, #tpu.memory_space<vmem>>) target(%dma_start3A_229 : memref<40x128xf32, #tpu.memory_space<vmem_shared>>) target_semaphore(%run_scoped3A : memref<!tpu.dma_semaphore, #tpu.memory_space<semaphore_mem>>)
      %dma_wait3A = arith.constant 0 : i32
      %dma_wait3A_230 = tpu.memref_slice %arg11[%add3A_68, %dma_wait3A] : memref<10240x128xf32, #tpu.memory_space<vmem_shared>> -> memref<40x128xf32, #tpu.memory_space<vmem_shared>>
      %dma_wait3A_231 = arith.constant 0 : i32
      %dma_wait3A_232 = tpu.memref_slice %arg11[%add3A_68, %dma_wait3A_231] : memref<10240x128xf32, #tpu.memory_space<vmem_shared>> -> memref<40x128xf32, #tpu.memory_space<vmem_shared>>
      tpu.wait_dma2 semaphore(%run_scoped3A : memref<!tpu.dma_semaphore, #tpu.memory_space<semaphore_mem>>) src(%arg10 : memref<40x128xf32, #tpu.memory_space<vmem>>) dst(%dma_wait3A_232 : memref<40x128xf32, #tpu.memory_space<vmem_shared>>)
      tpu.yield
    }) : () -> ()
    %mul3A_69 = arith.constant 640 : i32
    %mul3A_70 = arith.muli %arg1, %mul3A_69 : i32
    %add3A_71 = arith.constant 560 : i32
    %add3A_72 = arith.addi %mul3A_70, %add3A_71 : i32
    "tpu.region"() ({
      %run_scoped3A = tpu.sem_alloc : memref<!tpu.dma_semaphore, #tpu.memory_space<semaphore_mem>>
      %dma_start3A_226 = arith.constant 0 : i32
      %dma_start3A_227 = tpu.memref_slice %arg11[%add3A_72, %dma_start3A_226] : memref<10240x128xf32, #tpu.memory_space<vmem_shared>> -> memref<40x128xf32, #tpu.memory_space<vmem_shared>>
      %dma_start3A_228 = arith.constant 0 : i32
      %dma_start3A_229 = tpu.memref_slice %arg11[%add3A_72, %dma_start3A_228] : memref<10240x128xf32, #tpu.memory_space<vmem_shared>> -> memref<40x128xf32, #tpu.memory_space<vmem_shared>>
      tpu.enqueue_dma source(%arg10 : memref<40x128xf32, #tpu.memory_space<vmem>>) target(%dma_start3A_229 : memref<40x128xf32, #tpu.memory_space<vmem_shared>>) target_semaphore(%run_scoped3A : memref<!tpu.dma_semaphore, #tpu.memory_space<semaphore_mem>>)
      %dma_wait3A = arith.constant 0 : i32
      %dma_wait3A_230 = tpu.memref_slice %arg11[%add3A_72, %dma_wait3A] : memref<10240x128xf32, #tpu.memory_space<vmem_shared>> -> memref<40x128xf32, #tpu.memory_space<vmem_shared>>
      %dma_wait3A_231 = arith.constant 0 : i32
      %dma_wait3A_232 = tpu.memref_slice %arg11[%add3A_72, %dma_wait3A_231] : memref<10240x128xf32, #tpu.memory_space<vmem_shared>> -> memref<40x128xf32, #tpu.memory_space<vmem_shared>>
      tpu.wait_dma2 semaphore(%run_scoped3A : memref<!tpu.dma_semaphore, #tpu.memory_space<semaphore_mem>>) src(%arg10 : memref<40x128xf32, #tpu.memory_space<vmem>>) dst(%dma_wait3A_232 : memref<40x128xf32, #tpu.memory_space<vmem_shared>>)
      tpu.yield
    }) : () -> ()
    %mul3A_73 = arith.constant 640 : i32
    %mul3A_74 = arith.muli %arg1, %mul3A_73 : i32
    %add3A_75 = arith.constant 600 : i32
    %add3A_76 = arith.addi %mul3A_74, %add3A_75 : i32
    "tpu.region"() ({
      %run_scoped3A = tpu.sem_alloc : memref<!tpu.dma_semaphore, #tpu.memory_space<semaphore_mem>>
      %dma_start3A_226 = arith.constant 0 : i32
      %dma_start3A_227 = tpu.memref_slice %arg11[%add3A_76, %dma_start3A_226] : memref<10240x128xf32, #tpu.memory_space<vmem_shared>> -> memref<40x128xf32, #tpu.memory_space<vmem_shared>>
      %dma_start3A_228 = arith.constant 0 : i32
      %dma_start3A_229 = tpu.memref_slice %arg11[%add3A_76, %dma_start3A_228] : memref<10240x128xf32, #tpu.memory_space<vmem_shared>> -> memref<40x128xf32, #tpu.memory_space<vmem_shared>>
      tpu.enqueue_dma source(%arg10 : memref<40x128xf32, #tpu.memory_space<vmem>>) target(%dma_start3A_229 : memref<40x128xf32, #tpu.memory_space<vmem_shared>>) target_semaphore(%run_scoped3A : memref<!tpu.dma_semaphore, #tpu.memory_space<semaphore_mem>>)
      %dma_wait3A = arith.constant 0 : i32
      %dma_wait3A_230 = tpu.memref_slice %arg11[%add3A_76, %dma_wait3A] : memref<10240x128xf32, #tpu.memory_space<vmem_shared>> -> memref<40x128xf32, #tpu.memory_space<vmem_shared>>
      %dma_wait3A_231 = arith.constant 0 : i32
      %dma_wait3A_232 = tpu.memref_slice %arg11[%add3A_76, %dma_wait3A_231] : memref<10240x128xf32, #tpu.memory_space<vmem_shared>> -> memref<40x128xf32, #tpu.memory_space<vmem_shared>>
      tpu.wait_dma2 semaphore(%run_scoped3A : memref<!tpu.dma_semaphore, #tpu.memory_space<semaphore_mem>>) src(%arg10 : memref<40x128xf32, #tpu.memory_space<vmem>>) dst(%dma_wait3A_232 : memref<40x128xf32, #tpu.memory_space<vmem_shared>>)
      tpu.yield
    }) : () -> ()
    %mul3A_77 = arith.constant 128 : i32
    %mul3A_78 = arith.muli %add3A_7, %mul3A_77 : i32
    "tpu.region"() ({
      %run_scoped3A = tpu.sem_alloc : memref<!tpu.dma_semaphore, #tpu.memory_space<semaphore_mem>>
      %dma_start3A_226 = arith.constant 0 : i32
      %dma_start3A_227 = tpu.memref_slice %arg3[%dma_start3A_226, %mul3A_78] : memref<2x320000xi32, #tpu.memory_space<hbm>> -> memref<2x128xi32, #tpu.memory_space<hbm>>
      %dma_start3A_228 = arith.constant 0 : i32
      %dma_start3A_229 = tpu.memref_slice %arg3[%dma_start3A_228, %mul3A_78] : memref<2x320000xi32, #tpu.memory_space<hbm>> -> memref<2x128xi32, #tpu.memory_space<hbm>>
      tpu.enqueue_dma source(%dma_start3A_229 : memref<2x128xi32, #tpu.memory_space<hbm>>) target(%arg6 : memref<2x128xi32, #tpu.memory_space<vmem>>) target_semaphore(%run_scoped3A : memref<!tpu.dma_semaphore, #tpu.memory_space<semaphore_mem>>)
      %dma_wait3A = arith.constant 0 : i32
      %dma_wait3A_230 = tpu.memref_slice %arg3[%dma_wait3A, %mul3A_78] : memref<2x320000xi32, #tpu.memory_space<hbm>> -> memref<2x128xi32, #tpu.memory_space<hbm>>
      %dma_wait3A_231 = arith.constant 0 : i32
      %dma_wait3A_232 = tpu.memref_slice %arg3[%dma_wait3A_231, %mul3A_78] : memref<2x320000xi32, #tpu.memory_space<hbm>> -> memref<2x128xi32, #tpu.memory_space<hbm>>
      tpu.wait_dma2 semaphore(%run_scoped3A : memref<!tpu.dma_semaphore, #tpu.memory_space<semaphore_mem>>) src(%dma_wait3A_232 : memref<2x128xi32, #tpu.memory_space<hbm>>) dst(%arg6 : memref<2x128xi32, #tpu.memory_space<vmem>>)
      tpu.yield
    }) : () -> ()
    %add3A_79 = arith.constant 1 : i32
    %add3A_80 = arith.addi %add3A_7, %add3A_79 : i32
    %mul3A_81 = arith.constant 128 : i32
    %mul3A_82 = arith.muli %add3A_80, %mul3A_81 : i32
    "tpu.region"() ({
      %run_scoped3A = tpu.sem_alloc : memref<!tpu.dma_semaphore, #tpu.memory_space<semaphore_mem>>
      %dma_start3A_226 = arith.constant 0 : i32
      %dma_start3A_227 = tpu.memref_slice %arg3[%dma_start3A_226, %mul3A_82] : memref<2x320000xi32, #tpu.memory_space<hbm>> -> memref<2x128xi32, #tpu.memory_space<hbm>>
      %dma_start3A_228 = arith.constant 0 : i32
      %dma_start3A_229 = tpu.memref_slice %arg3[%dma_start3A_228, %mul3A_82] : memref<2x320000xi32, #tpu.memory_space<hbm>> -> memref<2x128xi32, #tpu.memory_space<hbm>>
      tpu.enqueue_dma source(%dma_start3A_229 : memref<2x128xi32, #tpu.memory_space<hbm>>) target(%arg7 : memref<2x128xi32, #tpu.memory_space<vmem>>) target_semaphore(%run_scoped3A : memref<!tpu.dma_semaphore, #tpu.memory_space<semaphore_mem>>)
      %dma_wait3A = arith.constant 0 : i32
      %dma_wait3A_230 = tpu.memref_slice %arg3[%dma_wait3A, %mul3A_82] : memref<2x320000xi32, #tpu.memory_space<hbm>> -> memref<2x128xi32, #tpu.memory_space<hbm>>
      %dma_wait3A_231 = arith.constant 0 : i32
      %dma_wait3A_232 = tpu.memref_slice %arg3[%dma_wait3A_231, %mul3A_82] : memref<2x320000xi32, #tpu.memory_space<hbm>> -> memref<2x128xi32, #tpu.memory_space<hbm>>
      tpu.wait_dma2 semaphore(%run_scoped3A : memref<!tpu.dma_semaphore, #tpu.memory_space<semaphore_mem>>) src(%dma_wait3A_232 : memref<2x128xi32, #tpu.memory_space<hbm>>) dst(%arg7 : memref<2x128xi32, #tpu.memory_space<vmem>>)
      tpu.yield
    }) : () -> ()
    %barrier3A = arith.constant 0 : index
    tpu.barrier barrier_id(%barrier3A)
    %dma_start3A = arith.constant 0 : i32
    %dma_start3A_83 = arith.constant 0 : i32
    %dma_start3A_84 = tpu.memref_slice %arg6[%dma_start3A, %dma_start3A_83] : memref<2x128xi32, #tpu.memory_space<vmem>> -> memref<1x128xi32, #tpu.memory_space<vmem>>
    %dma_start3A_85 = tpu.memref_squeeze %dma_start3A_84 : memref<1x128xi32, #tpu.memory_space<vmem>> -> memref<128xi32, #tpu.memory_space<vmem>>
    %dma_start3A_86 = arith.constant 0 : i32
    %dma_start3A_87 = arith.constant 0 : i32
    %dma_start3A_88 = tpu.memref_slice %arg2[%dma_start3A_86, %dma_start3A_87] : memref<10000x128xf32, #tpu.memory_space<hbm>> -> memref<10000x128xf32, #tpu.memory_space<hbm>>
    tpu.enqueue_indirect_dma source(%dma_start3A_88 : memref<10000x128xf32, #tpu.memory_space<hbm>>) target(%arg8 : memref<128x128xf32, #tpu.memory_space<vmem>>) offsets(%dma_start3A_85 : memref<128xi32, #tpu.memory_space<vmem>>) semaphore(%arg12 : memref<!tpu.dma_semaphore, #tpu.memory_space<semaphore_mem>>)
    %jit3A = arith.constant 2 : i32
    %div3A = arith.divsi %select_n3A_12, %jit3A : i32
    %sign3A = arith.constant 0 : i32
    %sign3A_89 = arith.cmpi sgt, %select_n3A_12, %sign3A : i32
    %sign3A_90 = arith.extui %sign3A_89 : i1 to i32
    %sign3A_91 = arith.constant 0 : i32
    %sign3A_92 = arith.cmpi slt, %select_n3A_12, %sign3A_91 : i32
    %sign3A_93 = arith.extui %sign3A_92 : i1 to i32
    %sign3A_94 = arith.subi %sign3A_90, %sign3A_93 : i32
    %sign3A_95 = arith.constant 0 : i32
    %sign3A_96 = arith.cmpi sgt, %jit3A, %sign3A_95 : i32
    %sign3A_97 = arith.extui %sign3A_96 : i1 to i32
    %sign3A_98 = arith.constant 0 : i32
    %sign3A_99 = arith.cmpi slt, %jit3A, %sign3A_98 : i32
    %sign3A_100 = arith.extui %sign3A_99 : i1 to i32
    %sign3A_101 = arith.subi %sign3A_97, %sign3A_100 : i32
    %ne3A = arith.cmpi ne, %sign3A_94, %sign3A_101 : i32
    %rem3A = arith.remsi %select_n3A_12, %jit3A : i32
    %ne3A_102 = arith.constant 0 : i32
    %ne3A_103 = arith.cmpi ne, %rem3A, %ne3A_102 : i32
    %and3A = arith.andi %ne3A, %ne3A_103 : i1
    %sub3A_104 = arith.constant 1 : i32
    %sub3A_105 = arith.subi %div3A, %sub3A_104 : i32
    %select_n3A_106 = arith.select %and3A, %sub3A_105, %div3A : i32
    %while3A = arith.constant 0 : i32
    %while3A_107 = arith.constant 0 : i32
    %while3A_108 = arith.subi %select_n3A_106, %while3A_107 : i32
    %while3A_109 = arith.addi %while3A_107, %while3A_108 : i32
    %while3A_110 = arith.constant 1 : i32
    %while3A_111 = arith.divsi %while3A_108, %while3A_110 : i32
    %while3A_112 = arith.muli %while3A_111, %while3A_110 : i32
    %while3A_113 = arith.addi %while3A_107, %while3A_112 : i32
    %while3A_114 = arith.constant 1 : i32
    scf.for %while3A_226 = %while3A_107 to %while3A_113 step %while3A_114  : i32 {
      %mul3A_227 = arith.constant 2 : i32
      %mul3A_228 = arith.muli %mul3A_227, %while3A_226 : i32
      %dma_start3A_229 = arith.constant 0 : i32
      %dma_start3A_230 = arith.constant 0 : i32
      %dma_start3A_231 = tpu.memref_slice %arg7[%dma_start3A_229, %dma_start3A_230] : memref<2x128xi32, #tpu.memory_space<vmem>> -> memref<1x128xi32, #tpu.memory_space<vmem>>
      %dma_start3A_232 = tpu.memref_squeeze %dma_start3A_231 : memref<1x128xi32, #tpu.memory_space<vmem>> -> memref<128xi32, #tpu.memory_space<vmem>>
      %dma_start3A_233 = arith.constant 0 : i32
      %dma_start3A_234 = arith.constant 0 : i32
      %dma_start3A_235 = tpu.memref_slice %arg2[%dma_start3A_233, %dma_start3A_234] : memref<10000x128xf32, #tpu.memory_space<hbm>> -> memref<10000x128xf32, #tpu.memory_space<hbm>>
      tpu.enqueue_indirect_dma source(%dma_start3A_235 : memref<10000x128xf32, #tpu.memory_space<hbm>>) target(%arg9 : memref<128x128xf32, #tpu.memory_space<vmem>>) offsets(%dma_start3A_232 : memref<128xi32, #tpu.memory_space<vmem>>) semaphore(%arg13 : memref<!tpu.dma_semaphore, #tpu.memory_space<semaphore_mem>>)
      %dma_wait3A = arith.constant 0 : i32
      %dma_wait3A_236 = arith.constant 0 : i32
      %dma_wait3A_237 = tpu.memref_slice %arg6[%dma_wait3A, %dma_wait3A_236] : memref<2x128xi32, #tpu.memory_space<vmem>> -> memref<1x128xi32, #tpu.memory_space<vmem>>
      %dma_wait3A_238 = tpu.memref_squeeze %dma_wait3A_237 : memref<1x128xi32, #tpu.memory_space<vmem>> -> memref<128xi32, #tpu.memory_space<vmem>>
      %dma_wait3A_239 = arith.constant 0 : i32
      %dma_wait3A_240 = arith.constant 0 : i32
      %dma_wait3A_241 = tpu.memref_slice %arg2[%dma_wait3A_239, %dma_wait3A_240] : memref<10000x128xf32, #tpu.memory_space<hbm>> -> memref<10000x128xf32, #tpu.memory_space<hbm>>
      tpu.wait_indirect_dma semaphore(%arg12 : memref<!tpu.dma_semaphore, #tpu.memory_space<semaphore_mem>>) src(%dma_wait3A_241 : memref<10000x128xf32, #tpu.memory_space<hbm>>) dst(%arg8 : memref<128x128xf32, #tpu.memory_space<vmem>>)
      %run_scoped3A = arith.constant 1 : i32
      "tpu.region"() ({
        %run_scoped3A_262 = tpu.sem_alloc : memref<!tpu.dma_semaphore, #tpu.memory_space<semaphore_mem>>
        %dma_start3A_263 = arith.constant 0 : i32
        %dma_start3A_264 = tpu.memref_slice %arg6[%run_scoped3A, %dma_start3A_263] : memref<2x128xi32, #tpu.memory_space<vmem>> -> memref<1x128xi32, #tpu.memory_space<vmem>>
        %dma_start3A_265 = tpu.memref_squeeze %dma_start3A_264 : memref<1x128xi32, #tpu.memory_space<vmem>> -> memref<128xi32, #tpu.memory_space<vmem>>
        %dma_start3A_266 = arith.constant 0 : i32
        %dma_start3A_267 = arith.constant 0 : i32
        %dma_start3A_268 = tpu.memref_slice %arg11[%dma_start3A_266, %dma_start3A_267] : memref<10240x128xf32, #tpu.memory_space<vmem_shared>> -> memref<10240x128xf32, #tpu.memory_space<vmem_shared>>
        tpu.enqueue_indirect_dma source(%arg8 : memref<128x128xf32, #tpu.memory_space<vmem>>) target(%dma_start3A_268 : memref<10240x128xf32, #tpu.memory_space<vmem_shared>>) offsets(%dma_start3A_265 : memref<128xi32, #tpu.memory_space<vmem>>) semaphore(%run_scoped3A_262 : memref<!tpu.dma_semaphore, #tpu.memory_space<semaphore_mem>>) {add = true}
        %dma_wait3A_269 = arith.constant 0 : i32
        %dma_wait3A_270 = tpu.memref_slice %arg6[%run_scoped3A, %dma_wait3A_269] : memref<2x128xi32, #tpu.memory_space<vmem>> -> memref<1x128xi32, #tpu.memory_space<vmem>>
        %dma_wait3A_271 = tpu.memref_squeeze %dma_wait3A_270 : memref<1x128xi32, #tpu.memory_space<vmem>> -> memref<128xi32, #tpu.memory_space<vmem>>
        %dma_wait3A_272 = arith.constant 0 : i32
        %dma_wait3A_273 = arith.constant 0 : i32
        %dma_wait3A_274 = tpu.memref_slice %arg11[%dma_wait3A_272, %dma_wait3A_273] : memref<10240x128xf32, #tpu.memory_space<vmem_shared>> -> memref<10240x128xf32, #tpu.memory_space<vmem_shared>>
        tpu.wait_indirect_dma semaphore(%run_scoped3A_262 : memref<!tpu.dma_semaphore, #tpu.memory_space<semaphore_mem>>) src(%arg8 : memref<128x128xf32, #tpu.memory_space<vmem>>) dst(%dma_wait3A_274 : memref<10240x128xf32, #tpu.memory_space<vmem_shared>>)
        tpu.yield
      }) : () -> ()
      %add3A_242 = arith.constant 2 : i32
      %add3A_243 = arith.addi %mul3A_228, %add3A_242 : i32
      %lt3A_244 = arith.cmpi slt, %add3A_243, %select_n3A_12 : i32
      %convert_element_type3A_245 = arith.extui %lt3A_244 : i1 to i32
      %cond3A_246 = arith.constant 0 : i32
      %cond3A_247 = arith.cmpi ne, %convert_element_type3A_245, %cond3A_246 : i32
      scf.if %cond3A_247 {
        %add3A_262 = arith.addi %add3A_7, %mul3A_228 : i32
        %add3A_263 = arith.constant 2 : i32
        %add3A_264 = arith.addi %add3A_262, %add3A_263 : i32
        %mul3A_265 = arith.constant 128 : i32
        %mul3A_266 = arith.muli %add3A_264, %mul3A_265 : i32
        "tpu.region"() ({
          %run_scoped3A_274 = tpu.sem_alloc : memref<!tpu.dma_semaphore, #tpu.memory_space<semaphore_mem>>
          %dma_start3A_275 = arith.constant 0 : i32
          %dma_start3A_276 = tpu.memref_slice %arg3[%dma_start3A_275, %mul3A_266] : memref<2x320000xi32, #tpu.memory_space<hbm>> -> memref<2x128xi32, #tpu.memory_space<hbm>>
          %dma_start3A_277 = arith.constant 0 : i32
          %dma_start3A_278 = tpu.memref_slice %arg3[%dma_start3A_277, %mul3A_266] : memref<2x320000xi32, #tpu.memory_space<hbm>> -> memref<2x128xi32, #tpu.memory_space<hbm>>
          tpu.enqueue_dma source(%dma_start3A_278 : memref<2x128xi32, #tpu.memory_space<hbm>>) target(%arg6 : memref<2x128xi32, #tpu.memory_space<vmem>>) target_semaphore(%run_scoped3A_274 : memref<!tpu.dma_semaphore, #tpu.memory_space<semaphore_mem>>)
          %dma_wait3A_279 = arith.constant 0 : i32
          %dma_wait3A_280 = tpu.memref_slice %arg3[%dma_wait3A_279, %mul3A_266] : memref<2x320000xi32, #tpu.memory_space<hbm>> -> memref<2x128xi32, #tpu.memory_space<hbm>>
          %dma_wait3A_281 = arith.constant 0 : i32
          %dma_wait3A_282 = tpu.memref_slice %arg3[%dma_wait3A_281, %mul3A_266] : memref<2x320000xi32, #tpu.memory_space<hbm>> -> memref<2x128xi32, #tpu.memory_space<hbm>>
          tpu.wait_dma2 semaphore(%run_scoped3A_274 : memref<!tpu.dma_semaphore, #tpu.memory_space<semaphore_mem>>) src(%dma_wait3A_282 : memref<2x128xi32, #tpu.memory_space<hbm>>) dst(%arg6 : memref<2x128xi32, #tpu.memory_space<vmem>>)
          tpu.yield
        }) : () -> ()
        %dma_start3A_267 = arith.constant 0 : i32
        %dma_start3A_268 = arith.constant 0 : i32
        %dma_start3A_269 = tpu.memref_slice %arg6[%dma_start3A_267, %dma_start3A_268] : memref<2x128xi32, #tpu.memory_space<vmem>> -> memref<1x128xi32, #tpu.memory_space<vmem>>
        %dma_start3A_270 = tpu.memref_squeeze %dma_start3A_269 : memref<1x128xi32, #tpu.memory_space<vmem>> -> memref<128xi32, #tpu.memory_space<vmem>>
        %dma_start3A_271 = arith.constant 0 : i32
        %dma_start3A_272 = arith.constant 0 : i32
        %dma_start3A_273 = tpu.memref_slice %arg2[%dma_start3A_271, %dma_start3A_272] : memref<10000x128xf32, #tpu.memory_space<hbm>> -> memref<10000x128xf32, #tpu.memory_space<hbm>>
        tpu.enqueue_indirect_dma source(%dma_start3A_273 : memref<10000x128xf32, #tpu.memory_space<hbm>>) target(%arg8 : memref<128x128xf32, #tpu.memory_space<vmem>>) offsets(%dma_start3A_270 : memref<128xi32, #tpu.memory_space<vmem>>) semaphore(%arg12 : memref<!tpu.dma_semaphore, #tpu.memory_space<semaphore_mem>>)
      } else {
      }
      %dma_wait3A_248 = arith.constant 0 : i32
      %dma_wait3A_249 = arith.constant 0 : i32
      %dma_wait3A_250 = tpu.memref_slice %arg7[%dma_wait3A_248, %dma_wait3A_249] : memref<2x128xi32, #tpu.memory_space<vmem>> -> memref<1x128xi32, #tpu.memory_space<vmem>>
      %dma_wait3A_251 = tpu.memref_squeeze %dma_wait3A_250 : memref<1x128xi32, #tpu.memory_space<vmem>> -> memref<128xi32, #tpu.memory_space<vmem>>
      %dma_wait3A_252 = arith.constant 0 : i32
      %dma_wait3A_253 = arith.constant 0 : i32
      %dma_wait3A_254 = tpu.memref_slice %arg2[%dma_wait3A_252, %dma_wait3A_253] : memref<10000x128xf32, #tpu.memory_space<hbm>> -> memref<10000x128xf32, #tpu.memory_space<hbm>>
      tpu.wait_indirect_dma semaphore(%arg13 : memref<!tpu.dma_semaphore, #tpu.memory_space<semaphore_mem>>) src(%dma_wait3A_254 : memref<10000x128xf32, #tpu.memory_space<hbm>>) dst(%arg9 : memref<128x128xf32, #tpu.memory_space<vmem>>)
      %run_scoped3A_255 = arith.constant 1 : i32
      "tpu.region"() ({
        %run_scoped3A_262 = tpu.sem_alloc : memref<!tpu.dma_semaphore, #tpu.memory_space<semaphore_mem>>
        %dma_start3A_263 = arith.constant 0 : i32
        %dma_start3A_264 = tpu.memref_slice %arg7[%run_scoped3A_255, %dma_start3A_263] : memref<2x128xi32, #tpu.memory_space<vmem>> -> memref<1x128xi32, #tpu.memory_space<vmem>>
        %dma_start3A_265 = tpu.memref_squeeze %dma_start3A_264 : memref<1x128xi32, #tpu.memory_space<vmem>> -> memref<128xi32, #tpu.memory_space<vmem>>
        %dma_start3A_266 = arith.constant 0 : i32
        %dma_start3A_267 = arith.constant 0 : i32
        %dma_start3A_268 = tpu.memref_slice %arg11[%dma_start3A_266, %dma_start3A_267] : memref<10240x128xf32, #tpu.memory_space<vmem_shared>> -> memref<10240x128xf32, #tpu.memory_space<vmem_shared>>
        tpu.enqueue_indirect_dma source(%arg9 : memref<128x128xf32, #tpu.memory_space<vmem>>) target(%dma_start3A_268 : memref<10240x128xf32, #tpu.memory_space<vmem_shared>>) offsets(%dma_start3A_265 : memref<128xi32, #tpu.memory_space<vmem>>) semaphore(%run_scoped3A_262 : memref<!tpu.dma_semaphore, #tpu.memory_space<semaphore_mem>>) {add = true}
        %dma_wait3A_269 = arith.constant 0 : i32
        %dma_wait3A_270 = tpu.memref_slice %arg7[%run_scoped3A_255, %dma_wait3A_269] : memref<2x128xi32, #tpu.memory_space<vmem>> -> memref<1x128xi32, #tpu.memory_space<vmem>>
        %dma_wait3A_271 = tpu.memref_squeeze %dma_wait3A_270 : memref<1x128xi32, #tpu.memory_space<vmem>> -> memref<128xi32, #tpu.memory_space<vmem>>
        %dma_wait3A_272 = arith.constant 0 : i32
        %dma_wait3A_273 = arith.constant 0 : i32
        %dma_wait3A_274 = tpu.memref_slice %arg11[%dma_wait3A_272, %dma_wait3A_273] : memref<10240x128xf32, #tpu.memory_space<vmem_shared>> -> memref<10240x128xf32, #tpu.memory_space<vmem_shared>>
        tpu.wait_indirect_dma semaphore(%run_scoped3A_262 : memref<!tpu.dma_semaphore, #tpu.memory_space<semaphore_mem>>) src(%arg9 : memref<128x128xf32, #tpu.memory_space<vmem>>) dst(%dma_wait3A_274 : memref<10240x128xf32, #tpu.memory_space<vmem_shared>>)
        tpu.yield
      }) : () -> ()
      %add3A_256 = arith.constant 3 : i32
      %add3A_257 = arith.addi %mul3A_228, %add3A_256 : i32
      %lt3A_258 = arith.cmpi slt, %add3A_257, %select_n3A_12 : i32
      %convert_element_type3A_259 = arith.extui %lt3A_258 : i1 to i32
      %cond3A_260 = arith.constant 0 : i32
      %cond3A_261 = arith.cmpi ne, %convert_element_type3A_259, %cond3A_260 : i32
      scf.if %cond3A_261 {
        %add3A_262 = arith.addi %add3A_7, %mul3A_228 : i32
        %add3A_263 = arith.constant 3 : i32
        %add3A_264 = arith.addi %add3A_262, %add3A_263 : i32
        %mul3A_265 = arith.constant 128 : i32
        %mul3A_266 = arith.muli %add3A_264, %mul3A_265 : i32
        "tpu.region"() ({
          %run_scoped3A_267 = tpu.sem_alloc : memref<!tpu.dma_semaphore, #tpu.memory_space<semaphore_mem>>
          %dma_start3A_268 = arith.constant 0 : i32
          %dma_start3A_269 = tpu.memref_slice %arg3[%dma_start3A_268, %mul3A_266] : memref<2x320000xi32, #tpu.memory_space<hbm>> -> memref<2x128xi32, #tpu.memory_space<hbm>>
          %dma_start3A_270 = arith.constant 0 : i32
          %dma_start3A_271 = tpu.memref_slice %arg3[%dma_start3A_270, %mul3A_266] : memref<2x320000xi32, #tpu.memory_space<hbm>> -> memref<2x128xi32, #tpu.memory_space<hbm>>
          tpu.enqueue_dma source(%dma_start3A_271 : memref<2x128xi32, #tpu.memory_space<hbm>>) target(%arg7 : memref<2x128xi32, #tpu.memory_space<vmem>>) target_semaphore(%run_scoped3A_267 : memref<!tpu.dma_semaphore, #tpu.memory_space<semaphore_mem>>)
          %dma_wait3A_272 = arith.constant 0 : i32
          %dma_wait3A_273 = tpu.memref_slice %arg3[%dma_wait3A_272, %mul3A_266] : memref<2x320000xi32, #tpu.memory_space<hbm>> -> memref<2x128xi32, #tpu.memory_space<hbm>>
          %dma_wait3A_274 = arith.constant 0 : i32
          %dma_wait3A_275 = tpu.memref_slice %arg3[%dma_wait3A_274, %mul3A_266] : memref<2x320000xi32, #tpu.memory_space<hbm>> -> memref<2x128xi32, #tpu.memory_space<hbm>>
          tpu.wait_dma2 semaphore(%run_scoped3A_267 : memref<!tpu.dma_semaphore, #tpu.memory_space<semaphore_mem>>) src(%dma_wait3A_275 : memref<2x128xi32, #tpu.memory_space<hbm>>) dst(%arg7 : memref<2x128xi32, #tpu.memory_space<vmem>>)
          tpu.yield
        }) : () -> ()
      } else {
      }
    }
    %while3A_115 = arith.constant 1 : i32
    scf.for %while3A_226 = %while3A_113 to %while3A_109 step %while3A_115  : i32 {
      %mul3A_227 = arith.constant 2 : i32
      %mul3A_228 = arith.muli %mul3A_227, %while3A_226 : i32
      %dma_start3A_229 = arith.constant 0 : i32
      %dma_start3A_230 = arith.constant 0 : i32
      %dma_start3A_231 = tpu.memref_slice %arg7[%dma_start3A_229, %dma_start3A_230] : memref<2x128xi32, #tpu.memory_space<vmem>> -> memref<1x128xi32, #tpu.memory_space<vmem>>
      %dma_start3A_232 = tpu.memref_squeeze %dma_start3A_231 : memref<1x128xi32, #tpu.memory_space<vmem>> -> memref<128xi32, #tpu.memory_space<vmem>>
      %dma_start3A_233 = arith.constant 0 : i32
      %dma_start3A_234 = arith.constant 0 : i32
      %dma_start3A_235 = tpu.memref_slice %arg2[%dma_start3A_233, %dma_start3A_234] : memref<10000x128xf32, #tpu.memory_space<hbm>> -> memref<10000x128xf32, #tpu.memory_space<hbm>>
      tpu.enqueue_indirect_dma source(%dma_start3A_235 : memref<10000x128xf32, #tpu.memory_space<hbm>>) target(%arg9 : memref<128x128xf32, #tpu.memory_space<vmem>>) offsets(%dma_start3A_232 : memref<128xi32, #tpu.memory_space<vmem>>) semaphore(%arg13 : memref<!tpu.dma_semaphore, #tpu.memory_space<semaphore_mem>>)
      %dma_wait3A = arith.constant 0 : i32
      %dma_wait3A_236 = arith.constant 0 : i32
      %dma_wait3A_237 = tpu.memref_slice %arg6[%dma_wait3A, %dma_wait3A_236] : memref<2x128xi32, #tpu.memory_space<vmem>> -> memref<1x128xi32, #tpu.memory_space<vmem>>
      %dma_wait3A_238 = tpu.memref_squeeze %dma_wait3A_237 : memref<1x128xi32, #tpu.memory_space<vmem>> -> memref<128xi32, #tpu.memory_space<vmem>>
      %dma_wait3A_239 = arith.constant 0 : i32
      %dma_wait3A_240 = arith.constant 0 : i32
      %dma_wait3A_241 = tpu.memref_slice %arg2[%dma_wait3A_239, %dma_wait3A_240] : memref<10000x128xf32, #tpu.memory_space<hbm>> -> memref<10000x128xf32, #tpu.memory_space<hbm>>
      tpu.wait_indirect_dma semaphore(%arg12 : memref<!tpu.dma_semaphore, #tpu.memory_space<semaphore_mem>>) src(%dma_wait3A_241 : memref<10000x128xf32, #tpu.memory_space<hbm>>) dst(%arg8 : memref<128x128xf32, #tpu.memory_space<vmem>>)
      %run_scoped3A = arith.constant 1 : i32
      "tpu.region"() ({
        %run_scoped3A_262 = tpu.sem_alloc : memref<!tpu.dma_semaphore, #tpu.memory_space<semaphore_mem>>
        %dma_start3A_263 = arith.constant 0 : i32
        %dma_start3A_264 = tpu.memref_slice %arg6[%run_scoped3A, %dma_start3A_263] : memref<2x128xi32, #tpu.memory_space<vmem>> -> memref<1x128xi32, #tpu.memory_space<vmem>>
        %dma_start3A_265 = tpu.memref_squeeze %dma_start3A_264 : memref<1x128xi32, #tpu.memory_space<vmem>> -> memref<128xi32, #tpu.memory_space<vmem>>
        %dma_start3A_266 = arith.constant 0 : i32
        %dma_start3A_267 = arith.constant 0 : i32
        %dma_start3A_268 = tpu.memref_slice %arg11[%dma_start3A_266, %dma_start3A_267] : memref<10240x128xf32, #tpu.memory_space<vmem_shared>> -> memref<10240x128xf32, #tpu.memory_space<vmem_shared>>
        tpu.enqueue_indirect_dma source(%arg8 : memref<128x128xf32, #tpu.memory_space<vmem>>) target(%dma_start3A_268 : memref<10240x128xf32, #tpu.memory_space<vmem_shared>>) offsets(%dma_start3A_265 : memref<128xi32, #tpu.memory_space<vmem>>) semaphore(%run_scoped3A_262 : memref<!tpu.dma_semaphore, #tpu.memory_space<semaphore_mem>>) {add = true}
        %dma_wait3A_269 = arith.constant 0 : i32
        %dma_wait3A_270 = tpu.memref_slice %arg6[%run_scoped3A, %dma_wait3A_269] : memref<2x128xi32, #tpu.memory_space<vmem>> -> memref<1x128xi32, #tpu.memory_space<vmem>>
        %dma_wait3A_271 = tpu.memref_squeeze %dma_wait3A_270 : memref<1x128xi32, #tpu.memory_space<vmem>> -> memref<128xi32, #tpu.memory_space<vmem>>
        %dma_wait3A_272 = arith.constant 0 : i32
        %dma_wait3A_273 = arith.constant 0 : i32
        %dma_wait3A_274 = tpu.memref_slice %arg11[%dma_wait3A_272, %dma_wait3A_273] : memref<10240x128xf32, #tpu.memory_space<vmem_shared>> -> memref<10240x128xf32, #tpu.memory_space<vmem_shared>>
        tpu.wait_indirect_dma semaphore(%run_scoped3A_262 : memref<!tpu.dma_semaphore, #tpu.memory_space<semaphore_mem>>) src(%arg8 : memref<128x128xf32, #tpu.memory_space<vmem>>) dst(%dma_wait3A_274 : memref<10240x128xf32, #tpu.memory_space<vmem_shared>>)
        tpu.yield
      }) : () -> ()
      %add3A_242 = arith.constant 2 : i32
      %add3A_243 = arith.addi %mul3A_228, %add3A_242 : i32
      %lt3A_244 = arith.cmpi slt, %add3A_243, %select_n3A_12 : i32
      %convert_element_type3A_245 = arith.extui %lt3A_244 : i1 to i32
      %cond3A_246 = arith.constant 0 : i32
      %cond3A_247 = arith.cmpi ne, %convert_element_type3A_245, %cond3A_246 : i32
      scf.if %cond3A_247 {
        %add3A_262 = arith.addi %add3A_7, %mul3A_228 : i32
        %add3A_263 = arith.constant 2 : i32
        %add3A_264 = arith.addi %add3A_262, %add3A_263 : i32
        %mul3A_265 = arith.constant 128 : i32
        %mul3A_266 = arith.muli %add3A_264, %mul3A_265 : i32
        "tpu.region"() ({
          %run_scoped3A_274 = tpu.sem_alloc : memref<!tpu.dma_semaphore, #tpu.memory_space<semaphore_mem>>
          %dma_start3A_275 = arith.constant 0 : i32
          %dma_start3A_276 = tpu.memref_slice %arg3[%dma_start3A_275, %mul3A_266] : memref<2x320000xi32, #tpu.memory_space<hbm>> -> memref<2x128xi32, #tpu.memory_space<hbm>>
          %dma_start3A_277 = arith.constant 0 : i32
          %dma_start3A_278 = tpu.memref_slice %arg3[%dma_start3A_277, %mul3A_266] : memref<2x320000xi32, #tpu.memory_space<hbm>> -> memref<2x128xi32, #tpu.memory_space<hbm>>
          tpu.enqueue_dma source(%dma_start3A_278 : memref<2x128xi32, #tpu.memory_space<hbm>>) target(%arg6 : memref<2x128xi32, #tpu.memory_space<vmem>>) target_semaphore(%run_scoped3A_274 : memref<!tpu.dma_semaphore, #tpu.memory_space<semaphore_mem>>)
          %dma_wait3A_279 = arith.constant 0 : i32
          %dma_wait3A_280 = tpu.memref_slice %arg3[%dma_wait3A_279, %mul3A_266] : memref<2x320000xi32, #tpu.memory_space<hbm>> -> memref<2x128xi32, #tpu.memory_space<hbm>>
          %dma_wait3A_281 = arith.constant 0 : i32
          %dma_wait3A_282 = tpu.memref_slice %arg3[%dma_wait3A_281, %mul3A_266] : memref<2x320000xi32, #tpu.memory_space<hbm>> -> memref<2x128xi32, #tpu.memory_space<hbm>>
          tpu.wait_dma2 semaphore(%run_scoped3A_274 : memref<!tpu.dma_semaphore, #tpu.memory_space<semaphore_mem>>) src(%dma_wait3A_282 : memref<2x128xi32, #tpu.memory_space<hbm>>) dst(%arg6 : memref<2x128xi32, #tpu.memory_space<vmem>>)
          tpu.yield
        }) : () -> ()
        %dma_start3A_267 = arith.constant 0 : i32
        %dma_start3A_268 = arith.constant 0 : i32
        %dma_start3A_269 = tpu.memref_slice %arg6[%dma_start3A_267, %dma_start3A_268] : memref<2x128xi32, #tpu.memory_space<vmem>> -> memref<1x128xi32, #tpu.memory_space<vmem>>
        %dma_start3A_270 = tpu.memref_squeeze %dma_start3A_269 : memref<1x128xi32, #tpu.memory_space<vmem>> -> memref<128xi32, #tpu.memory_space<vmem>>
        %dma_start3A_271 = arith.constant 0 : i32
        %dma_start3A_272 = arith.constant 0 : i32
        %dma_start3A_273 = tpu.memref_slice %arg2[%dma_start3A_271, %dma_start3A_272] : memref<10000x128xf32, #tpu.memory_space<hbm>> -> memref<10000x128xf32, #tpu.memory_space<hbm>>
        tpu.enqueue_indirect_dma source(%dma_start3A_273 : memref<10000x128xf32, #tpu.memory_space<hbm>>) target(%arg8 : memref<128x128xf32, #tpu.memory_space<vmem>>) offsets(%dma_start3A_270 : memref<128xi32, #tpu.memory_space<vmem>>) semaphore(%arg12 : memref<!tpu.dma_semaphore, #tpu.memory_space<semaphore_mem>>)
      } else {
      }
      %dma_wait3A_248 = arith.constant 0 : i32
      %dma_wait3A_249 = arith.constant 0 : i32
      %dma_wait3A_250 = tpu.memref_slice %arg7[%dma_wait3A_248, %dma_wait3A_249] : memref<2x128xi32, #tpu.memory_space<vmem>> -> memref<1x128xi32, #tpu.memory_space<vmem>>
      %dma_wait3A_251 = tpu.memref_squeeze %dma_wait3A_250 : memref<1x128xi32, #tpu.memory_space<vmem>> -> memref<128xi32, #tpu.memory_space<vmem>>
      %dma_wait3A_252 = arith.constant 0 : i32
      %dma_wait3A_253 = arith.constant 0 : i32
      %dma_wait3A_254 = tpu.memref_slice %arg2[%dma_wait3A_252, %dma_wait3A_253] : memref<10000x128xf32, #tpu.memory_space<hbm>> -> memref<10000x128xf32, #tpu.memory_space<hbm>>
      tpu.wait_indirect_dma semaphore(%arg13 : memref<!tpu.dma_semaphore, #tpu.memory_space<semaphore_mem>>) src(%dma_wait3A_254 : memref<10000x128xf32, #tpu.memory_space<hbm>>) dst(%arg9 : memref<128x128xf32, #tpu.memory_space<vmem>>)
      %run_scoped3A_255 = arith.constant 1 : i32
      "tpu.region"() ({
        %run_scoped3A_262 = tpu.sem_alloc : memref<!tpu.dma_semaphore, #tpu.memory_space<semaphore_mem>>
        %dma_start3A_263 = arith.constant 0 : i32
        %dma_start3A_264 = tpu.memref_slice %arg7[%run_scoped3A_255, %dma_start3A_263] : memref<2x128xi32, #tpu.memory_space<vmem>> -> memref<1x128xi32, #tpu.memory_space<vmem>>
        %dma_start3A_265 = tpu.memref_squeeze %dma_start3A_264 : memref<1x128xi32, #tpu.memory_space<vmem>> -> memref<128xi32, #tpu.memory_space<vmem>>
        %dma_start3A_266 = arith.constant 0 : i32
        %dma_start3A_267 = arith.constant 0 : i32
        %dma_start3A_268 = tpu.memref_slice %arg11[%dma_start3A_266, %dma_start3A_267] : memref<10240x128xf32, #tpu.memory_space<vmem_shared>> -> memref<10240x128xf32, #tpu.memory_space<vmem_shared>>
        tpu.enqueue_indirect_dma source(%arg9 : memref<128x128xf32, #tpu.memory_space<vmem>>) target(%dma_start3A_268 : memref<10240x128xf32, #tpu.memory_space<vmem_shared>>) offsets(%dma_start3A_265 : memref<128xi32, #tpu.memory_space<vmem>>) semaphore(%run_scoped3A_262 : memref<!tpu.dma_semaphore, #tpu.memory_space<semaphore_mem>>) {add = true}
        %dma_wait3A_269 = arith.constant 0 : i32
        %dma_wait3A_270 = tpu.memref_slice %arg7[%run_scoped3A_255, %dma_wait3A_269] : memref<2x128xi32, #tpu.memory_space<vmem>> -> memref<1x128xi32, #tpu.memory_space<vmem>>
        %dma_wait3A_271 = tpu.memref_squeeze %dma_wait3A_270 : memref<1x128xi32, #tpu.memory_space<vmem>> -> memref<128xi32, #tpu.memory_space<vmem>>
        %dma_wait3A_272 = arith.constant 0 : i32
        %dma_wait3A_273 = arith.constant 0 : i32
        %dma_wait3A_274 = tpu.memref_slice %arg11[%dma_wait3A_272, %dma_wait3A_273] : memref<10240x128xf32, #tpu.memory_space<vmem_shared>> -> memref<10240x128xf32, #tpu.memory_space<vmem_shared>>
        tpu.wait_indirect_dma semaphore(%run_scoped3A_262 : memref<!tpu.dma_semaphore, #tpu.memory_space<semaphore_mem>>) src(%arg9 : memref<128x128xf32, #tpu.memory_space<vmem>>) dst(%dma_wait3A_274 : memref<10240x128xf32, #tpu.memory_space<vmem_shared>>)
        tpu.yield
      }) : () -> ()
      %add3A_256 = arith.constant 3 : i32
      %add3A_257 = arith.addi %mul3A_228, %add3A_256 : i32
      %lt3A_258 = arith.cmpi slt, %add3A_257, %select_n3A_12 : i32
      %convert_element_type3A_259 = arith.extui %lt3A_258 : i1 to i32
      %cond3A_260 = arith.constant 0 : i32
      %cond3A_261 = arith.cmpi ne, %convert_element_type3A_259, %cond3A_260 : i32
      scf.if %cond3A_261 {
        %add3A_262 = arith.addi %add3A_7, %mul3A_228 : i32
        %add3A_263 = arith.constant 3 : i32
        %add3A_264 = arith.addi %add3A_262, %add3A_263 : i32
        %mul3A_265 = arith.constant 128 : i32
        %mul3A_266 = arith.muli %add3A_264, %mul3A_265 : i32
        "tpu.region"() ({
          %run_scoped3A_267 = tpu.sem_alloc : memref<!tpu.dma_semaphore, #tpu.memory_space<semaphore_mem>>
          %dma_start3A_268 = arith.constant 0 : i32
          %dma_start3A_269 = tpu.memref_slice %arg3[%dma_start3A_268, %mul3A_266] : memref<2x320000xi32, #tpu.memory_space<hbm>> -> memref<2x128xi32, #tpu.memory_space<hbm>>
          %dma_start3A_270 = arith.constant 0 : i32
          %dma_start3A_271 = tpu.memref_slice %arg3[%dma_start3A_270, %mul3A_266] : memref<2x320000xi32, #tpu.memory_space<hbm>> -> memref<2x128xi32, #tpu.memory_space<hbm>>
          tpu.enqueue_dma source(%dma_start3A_271 : memref<2x128xi32, #tpu.memory_space<hbm>>) target(%arg7 : memref<2x128xi32, #tpu.memory_space<vmem>>) target_semaphore(%run_scoped3A_267 : memref<!tpu.dma_semaphore, #tpu.memory_space<semaphore_mem>>)
          %dma_wait3A_272 = arith.constant 0 : i32
          %dma_wait3A_273 = tpu.memref_slice %arg3[%dma_wait3A_272, %mul3A_266] : memref<2x320000xi32, #tpu.memory_space<hbm>> -> memref<2x128xi32, #tpu.memory_space<hbm>>
          %dma_wait3A_274 = arith.constant 0 : i32
          %dma_wait3A_275 = tpu.memref_slice %arg3[%dma_wait3A_274, %mul3A_266] : memref<2x320000xi32, #tpu.memory_space<hbm>> -> memref<2x128xi32, #tpu.memory_space<hbm>>
          tpu.wait_dma2 semaphore(%run_scoped3A_267 : memref<!tpu.dma_semaphore, #tpu.memory_space<semaphore_mem>>) src(%dma_wait3A_275 : memref<2x128xi32, #tpu.memory_space<hbm>>) dst(%arg7 : memref<2x128xi32, #tpu.memory_space<vmem>>)
          tpu.yield
        }) : () -> ()
      } else {
      }
    }
    %barrier3A_116 = arith.constant 0 : index
    tpu.barrier barrier_id(%barrier3A_116)
    %add3A_117 = arith.constant 0 : i32
    %add3A_118 = arith.addi %arg1, %add3A_117 : i32
    %lt3A = arith.constant 250 : i32
    %lt3A_119 = arith.cmpi slt, %add3A_118, %lt3A : i32
    %convert_element_type3A = arith.extui %lt3A_119 : i1 to i32
    %cond3A = arith.constant 0 : i32
    %cond3A_120 = arith.cmpi ne, %convert_element_type3A, %cond3A : i32
    scf.if %cond3A_120 {
      %mul3A_226 = arith.constant 40 : i32
      %mul3A_227 = arith.muli %add3A_118, %mul3A_226 : i32
      "tpu.region"() ({
        %run_scoped3A = tpu.sem_alloc : memref<!tpu.dma_semaphore, #tpu.memory_space<semaphore_mem>>
        %dma_start3A_228 = arith.constant 0 : i32
        %dma_start3A_229 = tpu.memref_slice %arg11[%mul3A_227, %dma_start3A_228] : memref<10240x128xf32, #tpu.memory_space<vmem_shared>> -> memref<40x128xf32, #tpu.memory_space<vmem_shared>>
        %dma_start3A_230 = arith.constant 0 : i32
        %dma_start3A_231 = tpu.memref_slice %arg11[%mul3A_227, %dma_start3A_230] : memref<10240x128xf32, #tpu.memory_space<vmem_shared>> -> memref<40x128xf32, #tpu.memory_space<vmem_shared>>
        tpu.enqueue_dma source(%dma_start3A_231 : memref<40x128xf32, #tpu.memory_space<vmem_shared>>) target(%arg10 : memref<40x128xf32, #tpu.memory_space<vmem>>) target_semaphore(%run_scoped3A : memref<!tpu.dma_semaphore, #tpu.memory_space<semaphore_mem>>)
        %dma_wait3A = arith.constant 0 : i32
        %dma_wait3A_232 = tpu.memref_slice %arg11[%mul3A_227, %dma_wait3A] : memref<10240x128xf32, #tpu.memory_space<vmem_shared>> -> memref<40x128xf32, #tpu.memory_space<vmem_shared>>
        %dma_wait3A_233 = arith.constant 0 : i32
        %dma_wait3A_234 = tpu.memref_slice %arg11[%mul3A_227, %dma_wait3A_233] : memref<10240x128xf32, #tpu.memory_space<vmem_shared>> -> memref<40x128xf32, #tpu.memory_space<vmem_shared>>
        tpu.wait_dma2 semaphore(%run_scoped3A : memref<!tpu.dma_semaphore, #tpu.memory_space<semaphore_mem>>) src(%dma_wait3A_234 : memref<40x128xf32, #tpu.memory_space<vmem_shared>>) dst(%arg10 : memref<40x128xf32, #tpu.memory_space<vmem>>)
        tpu.yield
      }) : () -> ()
      "tpu.region"() ({
        %run_scoped3A = tpu.sem_alloc : memref<!tpu.dma_semaphore, #tpu.memory_space<semaphore_mem>>
        %dma_start3A_228 = arith.constant 0 : i32
        %dma_start3A_229 = tpu.memref_slice %arg5[%arg0, %mul3A_227, %dma_start3A_228] : memref<2x10000x128xf32, #tpu.memory_space<hbm>> -> memref<1x40x128xf32, #tpu.memory_space<hbm>>
        %dma_start3A_230 = tpu.memref_squeeze %dma_start3A_229 : memref<1x40x128xf32, #tpu.memory_space<hbm>> -> memref<40x128xf32, #tpu.memory_space<hbm>>
        %dma_start3A_231 = arith.constant 0 : i32
        %dma_start3A_232 = tpu.memref_slice %arg5[%arg0, %mul3A_227, %dma_start3A_231] : memref<2x10000x128xf32, #tpu.memory_space<hbm>> -> memref<1x40x128xf32, #tpu.memory_space<hbm>>
        %dma_start3A_233 = tpu.memref_squeeze %dma_start3A_232 : memref<1x40x128xf32, #tpu.memory_space<hbm>> -> memref<40x128xf32, #tpu.memory_space<hbm>>
        tpu.enqueue_dma source(%arg10 : memref<40x128xf32, #tpu.memory_space<vmem>>) target(%dma_start3A_233 : memref<40x128xf32, #tpu.memory_space<hbm>>) target_semaphore(%run_scoped3A : memref<!tpu.dma_semaphore, #tpu.memory_space<semaphore_mem>>)
        %dma_wait3A = arith.constant 0 : i32
        %dma_wait3A_234 = tpu.memref_slice %arg5[%arg0, %mul3A_227, %dma_wait3A] : memref<2x10000x128xf32, #tpu.memory_space<hbm>> -> memref<1x40x128xf32, #tpu.memory_space<hbm>>
        %dma_wait3A_235 = tpu.memref_squeeze %dma_wait3A_234 : memref<1x40x128xf32, #tpu.memory_space<hbm>> -> memref<40x128xf32, #tpu.memory_space<hbm>>
        %dma_wait3A_236 = arith.constant 0 : i32
        %dma_wait3A_237 = tpu.memref_slice %arg5[%arg0, %mul3A_227, %dma_wait3A_236] : memref<2x10000x128xf32, #tpu.memory_space<hbm>> -> memref<1x40x128xf32, #tpu.memory_space<hbm>>
        %dma_wait3A_238 = tpu.memref_squeeze %dma_wait3A_237 : memref<1x40x128xf32, #tpu.memory_space<hbm>> -> memref<40x128xf32, #tpu.memory_space<hbm>>
        tpu.wait_dma2 semaphore(%run_scoped3A : memref<!tpu.dma_semaphore, #tpu.memory_space<semaphore_mem>>) src(%arg10 : memref<40x128xf32, #tpu.memory_space<vmem>>) dst(%dma_wait3A_238 : memref<40x128xf32, #tpu.memory_space<hbm>>)
        tpu.yield
      }) : () -> ()
    } else {
    }
    %add3A_121 = arith.constant 16 : i32
    %add3A_122 = arith.addi %arg1, %add3A_121 : i32
    %lt3A_123 = arith.constant 250 : i32
    %lt3A_124 = arith.cmpi slt, %add3A_122, %lt3A_123 : i32
    %convert_element_type3A_125 = arith.extui %lt3A_124 : i1 to i32
    %cond3A_126 = arith.constant 0 : i32
    %cond3A_127 = arith.cmpi ne, %convert_element_type3A_125, %cond3A_126 : i32
    scf.if %cond3A_127 {
      %mul3A_226 = arith.constant 40 : i32
      %mul3A_227 = arith.muli %add3A_122, %mul3A_226 : i32
      "tpu.region"() ({
        %run_scoped3A = tpu.sem_alloc : memref<!tpu.dma_semaphore, #tpu.memory_space<semaphore_mem>>
        %dma_start3A_228 = arith.constant 0 : i32
        %dma_start3A_229 = tpu.memref_slice %arg11[%mul3A_227, %dma_start3A_228] : memref<10240x128xf32, #tpu.memory_space<vmem_shared>> -> memref<40x128xf32, #tpu.memory_space<vmem_shared>>
        %dma_start3A_230 = arith.constant 0 : i32
        %dma_start3A_231 = tpu.memref_slice %arg11[%mul3A_227, %dma_start3A_230] : memref<10240x128xf32, #tpu.memory_space<vmem_shared>> -> memref<40x128xf32, #tpu.memory_space<vmem_shared>>
        tpu.enqueue_dma source(%dma_start3A_231 : memref<40x128xf32, #tpu.memory_space<vmem_shared>>) target(%arg10 : memref<40x128xf32, #tpu.memory_space<vmem>>) target_semaphore(%run_scoped3A : memref<!tpu.dma_semaphore, #tpu.memory_space<semaphore_mem>>)
        %dma_wait3A = arith.constant 0 : i32
        %dma_wait3A_232 = tpu.memref_slice %arg11[%mul3A_227, %dma_wait3A] : memref<10240x128xf32, #tpu.memory_space<vmem_shared>> -> memref<40x128xf32, #tpu.memory_space<vmem_shared>>
        %dma_wait3A_233 = arith.constant 0 : i32
        %dma_wait3A_234 = tpu.memref_slice %arg11[%mul3A_227, %dma_wait3A_233] : memref<10240x128xf32, #tpu.memory_space<vmem_shared>> -> memref<40x128xf32, #tpu.memory_space<vmem_shared>>
        tpu.wait_dma2 semaphore(%run_scoped3A : memref<!tpu.dma_semaphore, #tpu.memory_space<semaphore_mem>>) src(%dma_wait3A_234 : memref<40x128xf32, #tpu.memory_space<vmem_shared>>) dst(%arg10 : memref<40x128xf32, #tpu.memory_space<vmem>>)
        tpu.yield
      }) : () -> ()
      "tpu.region"() ({
        %run_scoped3A = tpu.sem_alloc : memref<!tpu.dma_semaphore, #tpu.memory_space<semaphore_mem>>
        %dma_start3A_228 = arith.constant 0 : i32
        %dma_start3A_229 = tpu.memref_slice %arg5[%arg0, %mul3A_227, %dma_start3A_228] : memref<2x10000x128xf32, #tpu.memory_space<hbm>> -> memref<1x40x128xf32, #tpu.memory_space<hbm>>
        %dma_start3A_230 = tpu.memref_squeeze %dma_start3A_229 : memref<1x40x128xf32, #tpu.memory_space<hbm>> -> memref<40x128xf32, #tpu.memory_space<hbm>>
        %dma_start3A_231 = arith.constant 0 : i32
        %dma_start3A_232 = tpu.memref_slice %arg5[%arg0, %mul3A_227, %dma_start3A_231] : memref<2x10000x128xf32, #tpu.memory_space<hbm>> -> memref<1x40x128xf32, #tpu.memory_space<hbm>>
        %dma_start3A_233 = tpu.memref_squeeze %dma_start3A_232 : memref<1x40x128xf32, #tpu.memory_space<hbm>> -> memref<40x128xf32, #tpu.memory_space<hbm>>
        tpu.enqueue_dma source(%arg10 : memref<40x128xf32, #tpu.memory_space<vmem>>) target(%dma_start3A_233 : memref<40x128xf32, #tpu.memory_space<hbm>>) target_semaphore(%run_scoped3A : memref<!tpu.dma_semaphore, #tpu.memory_space<semaphore_mem>>)
        %dma_wait3A = arith.constant 0 : i32
        %dma_wait3A_234 = tpu.memref_slice %arg5[%arg0, %mul3A_227, %dma_wait3A] : memref<2x10000x128xf32, #tpu.memory_space<hbm>> -> memref<1x40x128xf32, #tpu.memory_space<hbm>>
        %dma_wait3A_235 = tpu.memref_squeeze %dma_wait3A_234 : memref<1x40x128xf32, #tpu.memory_space<hbm>> -> memref<40x128xf32, #tpu.memory_space<hbm>>
        %dma_wait3A_236 = arith.constant 0 : i32
        %dma_wait3A_237 = tpu.memref_slice %arg5[%arg0, %mul3A_227, %dma_wait3A_236] : memref<2x10000x128xf32, #tpu.memory_space<hbm>> -> memref<1x40x128xf32, #tpu.memory_space<hbm>>
        %dma_wait3A_238 = tpu.memref_squeeze %dma_wait3A_237 : memref<1x40x128xf32, #tpu.memory_space<hbm>> -> memref<40x128xf32, #tpu.memory_space<hbm>>
        tpu.wait_dma2 semaphore(%run_scoped3A : memref<!tpu.dma_semaphore, #tpu.memory_space<semaphore_mem>>) src(%arg10 : memref<40x128xf32, #tpu.memory_space<vmem>>) dst(%dma_wait3A_238 : memref<40x128xf32, #tpu.memory_space<hbm>>)
        tpu.yield
      }) : () -> ()
    } else {
    }
    %add3A_128 = arith.constant 32 : i32
    %add3A_129 = arith.addi %arg1, %add3A_128 : i32
    %lt3A_130 = arith.constant 250 : i32
    %lt3A_131 = arith.cmpi slt, %add3A_129, %lt3A_130 : i32
    %convert_element_type3A_132 = arith.extui %lt3A_131 : i1 to i32
    %cond3A_133 = arith.constant 0 : i32
    %cond3A_134 = arith.cmpi ne, %convert_element_type3A_132, %cond3A_133 : i32
    scf.if %cond3A_134 {
      %mul3A_226 = arith.constant 40 : i32
      %mul3A_227 = arith.muli %add3A_129, %mul3A_226 : i32
      "tpu.region"() ({
        %run_scoped3A = tpu.sem_alloc : memref<!tpu.dma_semaphore, #tpu.memory_space<semaphore_mem>>
        %dma_start3A_228 = arith.constant 0 : i32
        %dma_start3A_229 = tpu.memref_slice %arg11[%mul3A_227, %dma_start3A_228] : memref<10240x128xf32, #tpu.memory_space<vmem_shared>> -> memref<40x128xf32, #tpu.memory_space<vmem_shared>>
        %dma_start3A_230 = arith.constant 0 : i32
        %dma_start3A_231 = tpu.memref_slice %arg11[%mul3A_227, %dma_start3A_230] : memref<10240x128xf32, #tpu.memory_space<vmem_shared>> -> memref<40x128xf32, #tpu.memory_space<vmem_shared>>
        tpu.enqueue_dma source(%dma_start3A_231 : memref<40x128xf32, #tpu.memory_space<vmem_shared>>) target(%arg10 : memref<40x128xf32, #tpu.memory_space<vmem>>) target_semaphore(%run_scoped3A : memref<!tpu.dma_semaphore, #tpu.memory_space<semaphore_mem>>)
        %dma_wait3A = arith.constant 0 : i32
        %dma_wait3A_232 = tpu.memref_slice %arg11[%mul3A_227, %dma_wait3A] : memref<10240x128xf32, #tpu.memory_space<vmem_shared>> -> memref<40x128xf32, #tpu.memory_space<vmem_shared>>
        %dma_wait3A_233 = arith.constant 0 : i32
        %dma_wait3A_234 = tpu.memref_slice %arg11[%mul3A_227, %dma_wait3A_233] : memref<10240x128xf32, #tpu.memory_space<vmem_shared>> -> memref<40x128xf32, #tpu.memory_space<vmem_shared>>
        tpu.wait_dma2 semaphore(%run_scoped3A : memref<!tpu.dma_semaphore, #tpu.memory_space<semaphore_mem>>) src(%dma_wait3A_234 : memref<40x128xf32, #tpu.memory_space<vmem_shared>>) dst(%arg10 : memref<40x128xf32, #tpu.memory_space<vmem>>)
        tpu.yield
      }) : () -> ()
      "tpu.region"() ({
        %run_scoped3A = tpu.sem_alloc : memref<!tpu.dma_semaphore, #tpu.memory_space<semaphore_mem>>
        %dma_start3A_228 = arith.constant 0 : i32
        %dma_start3A_229 = tpu.memref_slice %arg5[%arg0, %mul3A_227, %dma_start3A_228] : memref<2x10000x128xf32, #tpu.memory_space<hbm>> -> memref<1x40x128xf32, #tpu.memory_space<hbm>>
        %dma_start3A_230 = tpu.memref_squeeze %dma_start3A_229 : memref<1x40x128xf32, #tpu.memory_space<hbm>> -> memref<40x128xf32, #tpu.memory_space<hbm>>
        %dma_start3A_231 = arith.constant 0 : i32
        %dma_start3A_232 = tpu.memref_slice %arg5[%arg0, %mul3A_227, %dma_start3A_231] : memref<2x10000x128xf32, #tpu.memory_space<hbm>> -> memref<1x40x128xf32, #tpu.memory_space<hbm>>
        %dma_start3A_233 = tpu.memref_squeeze %dma_start3A_232 : memref<1x40x128xf32, #tpu.memory_space<hbm>> -> memref<40x128xf32, #tpu.memory_space<hbm>>
        tpu.enqueue_dma source(%arg10 : memref<40x128xf32, #tpu.memory_space<vmem>>) target(%dma_start3A_233 : memref<40x128xf32, #tpu.memory_space<hbm>>) target_semaphore(%run_scoped3A : memref<!tpu.dma_semaphore, #tpu.memory_space<semaphore_mem>>)
        %dma_wait3A = arith.constant 0 : i32
        %dma_wait3A_234 = tpu.memref_slice %arg5[%arg0, %mul3A_227, %dma_wait3A] : memref<2x10000x128xf32, #tpu.memory_space<hbm>> -> memref<1x40x128xf32, #tpu.memory_space<hbm>>
        %dma_wait3A_235 = tpu.memref_squeeze %dma_wait3A_234 : memref<1x40x128xf32, #tpu.memory_space<hbm>> -> memref<40x128xf32, #tpu.memory_space<hbm>>
        %dma_wait3A_236 = arith.constant 0 : i32
        %dma_wait3A_237 = tpu.memref_slice %arg5[%arg0, %mul3A_227, %dma_wait3A_236] : memref<2x10000x128xf32, #tpu.memory_space<hbm>> -> memref<1x40x128xf32, #tpu.memory_space<hbm>>
        %dma_wait3A_238 = tpu.memref_squeeze %dma_wait3A_237 : memref<1x40x128xf32, #tpu.memory_space<hbm>> -> memref<40x128xf32, #tpu.memory_space<hbm>>
        tpu.wait_dma2 semaphore(%run_scoped3A : memref<!tpu.dma_semaphore, #tpu.memory_space<semaphore_mem>>) src(%arg10 : memref<40x128xf32, #tpu.memory_space<vmem>>) dst(%dma_wait3A_238 : memref<40x128xf32, #tpu.memory_space<hbm>>)
        tpu.yield
      }) : () -> ()
    } else {
    }
    %add3A_135 = arith.constant 48 : i32
    %add3A_136 = arith.addi %arg1, %add3A_135 : i32
    %lt3A_137 = arith.constant 250 : i32
    %lt3A_138 = arith.cmpi slt, %add3A_136, %lt3A_137 : i32
    %convert_element_type3A_139 = arith.extui %lt3A_138 : i1 to i32
    %cond3A_140 = arith.constant 0 : i32
    %cond3A_141 = arith.cmpi ne, %convert_element_type3A_139, %cond3A_140 : i32
    scf.if %cond3A_141 {
      %mul3A_226 = arith.constant 40 : i32
      %mul3A_227 = arith.muli %add3A_136, %mul3A_226 : i32
      "tpu.region"() ({
        %run_scoped3A = tpu.sem_alloc : memref<!tpu.dma_semaphore, #tpu.memory_space<semaphore_mem>>
        %dma_start3A_228 = arith.constant 0 : i32
        %dma_start3A_229 = tpu.memref_slice %arg11[%mul3A_227, %dma_start3A_228] : memref<10240x128xf32, #tpu.memory_space<vmem_shared>> -> memref<40x128xf32, #tpu.memory_space<vmem_shared>>
        %dma_start3A_230 = arith.constant 0 : i32
        %dma_start3A_231 = tpu.memref_slice %arg11[%mul3A_227, %dma_start3A_230] : memref<10240x128xf32, #tpu.memory_space<vmem_shared>> -> memref<40x128xf32, #tpu.memory_space<vmem_shared>>
        tpu.enqueue_dma source(%dma_start3A_231 : memref<40x128xf32, #tpu.memory_space<vmem_shared>>) target(%arg10 : memref<40x128xf32, #tpu.memory_space<vmem>>) target_semaphore(%run_scoped3A : memref<!tpu.dma_semaphore, #tpu.memory_space<semaphore_mem>>)
        %dma_wait3A = arith.constant 0 : i32
        %dma_wait3A_232 = tpu.memref_slice %arg11[%mul3A_227, %dma_wait3A] : memref<10240x128xf32, #tpu.memory_space<vmem_shared>> -> memref<40x128xf32, #tpu.memory_space<vmem_shared>>
        %dma_wait3A_233 = arith.constant 0 : i32
        %dma_wait3A_234 = tpu.memref_slice %arg11[%mul3A_227, %dma_wait3A_233] : memref<10240x128xf32, #tpu.memory_space<vmem_shared>> -> memref<40x128xf32, #tpu.memory_space<vmem_shared>>
        tpu.wait_dma2 semaphore(%run_scoped3A : memref<!tpu.dma_semaphore, #tpu.memory_space<semaphore_mem>>) src(%dma_wait3A_234 : memref<40x128xf32, #tpu.memory_space<vmem_shared>>) dst(%arg10 : memref<40x128xf32, #tpu.memory_space<vmem>>)
        tpu.yield
      }) : () -> ()
      "tpu.region"() ({
        %run_scoped3A = tpu.sem_alloc : memref<!tpu.dma_semaphore, #tpu.memory_space<semaphore_mem>>
        %dma_start3A_228 = arith.constant 0 : i32
        %dma_start3A_229 = tpu.memref_slice %arg5[%arg0, %mul3A_227, %dma_start3A_228] : memref<2x10000x128xf32, #tpu.memory_space<hbm>> -> memref<1x40x128xf32, #tpu.memory_space<hbm>>
        %dma_start3A_230 = tpu.memref_squeeze %dma_start3A_229 : memref<1x40x128xf32, #tpu.memory_space<hbm>> -> memref<40x128xf32, #tpu.memory_space<hbm>>
        %dma_start3A_231 = arith.constant 0 : i32
        %dma_start3A_232 = tpu.memref_slice %arg5[%arg0, %mul3A_227, %dma_start3A_231] : memref<2x10000x128xf32, #tpu.memory_space<hbm>> -> memref<1x40x128xf32, #tpu.memory_space<hbm>>
        %dma_start3A_233 = tpu.memref_squeeze %dma_start3A_232 : memref<1x40x128xf32, #tpu.memory_space<hbm>> -> memref<40x128xf32, #tpu.memory_space<hbm>>
        tpu.enqueue_dma source(%arg10 : memref<40x128xf32, #tpu.memory_space<vmem>>) target(%dma_start3A_233 : memref<40x128xf32, #tpu.memory_space<hbm>>) target_semaphore(%run_scoped3A : memref<!tpu.dma_semaphore, #tpu.memory_space<semaphore_mem>>)
        %dma_wait3A = arith.constant 0 : i32
        %dma_wait3A_234 = tpu.memref_slice %arg5[%arg0, %mul3A_227, %dma_wait3A] : memref<2x10000x128xf32, #tpu.memory_space<hbm>> -> memref<1x40x128xf32, #tpu.memory_space<hbm>>
        %dma_wait3A_235 = tpu.memref_squeeze %dma_wait3A_234 : memref<1x40x128xf32, #tpu.memory_space<hbm>> -> memref<40x128xf32, #tpu.memory_space<hbm>>
        %dma_wait3A_236 = arith.constant 0 : i32
        %dma_wait3A_237 = tpu.memref_slice %arg5[%arg0, %mul3A_227, %dma_wait3A_236] : memref<2x10000x128xf32, #tpu.memory_space<hbm>> -> memref<1x40x128xf32, #tpu.memory_space<hbm>>
        %dma_wait3A_238 = tpu.memref_squeeze %dma_wait3A_237 : memref<1x40x128xf32, #tpu.memory_space<hbm>> -> memref<40x128xf32, #tpu.memory_space<hbm>>
        tpu.wait_dma2 semaphore(%run_scoped3A : memref<!tpu.dma_semaphore, #tpu.memory_space<semaphore_mem>>) src(%arg10 : memref<40x128xf32, #tpu.memory_space<vmem>>) dst(%dma_wait3A_238 : memref<40x128xf32, #tpu.memory_space<hbm>>)
        tpu.yield
      }) : () -> ()
    } else {
    }
    %add3A_142 = arith.constant 64 : i32
    %add3A_143 = arith.addi %arg1, %add3A_142 : i32
    %lt3A_144 = arith.constant 250 : i32
    %lt3A_145 = arith.cmpi slt, %add3A_143, %lt3A_144 : i32
    %convert_element_type3A_146 = arith.extui %lt3A_145 : i1 to i32
    %cond3A_147 = arith.constant 0 : i32
    %cond3A_148 = arith.cmpi ne, %convert_element_type3A_146, %cond3A_147 : i32
    scf.if %cond3A_148 {
      %mul3A_226 = arith.constant 40 : i32
      %mul3A_227 = arith.muli %add3A_143, %mul3A_226 : i32
      "tpu.region"() ({
        %run_scoped3A = tpu.sem_alloc : memref<!tpu.dma_semaphore, #tpu.memory_space<semaphore_mem>>
        %dma_start3A_228 = arith.constant 0 : i32
        %dma_start3A_229 = tpu.memref_slice %arg11[%mul3A_227, %dma_start3A_228] : memref<10240x128xf32, #tpu.memory_space<vmem_shared>> -> memref<40x128xf32, #tpu.memory_space<vmem_shared>>
        %dma_start3A_230 = arith.constant 0 : i32
        %dma_start3A_231 = tpu.memref_slice %arg11[%mul3A_227, %dma_start3A_230] : memref<10240x128xf32, #tpu.memory_space<vmem_shared>> -> memref<40x128xf32, #tpu.memory_space<vmem_shared>>
        tpu.enqueue_dma source(%dma_start3A_231 : memref<40x128xf32, #tpu.memory_space<vmem_shared>>) target(%arg10 : memref<40x128xf32, #tpu.memory_space<vmem>>) target_semaphore(%run_scoped3A : memref<!tpu.dma_semaphore, #tpu.memory_space<semaphore_mem>>)
        %dma_wait3A = arith.constant 0 : i32
        %dma_wait3A_232 = tpu.memref_slice %arg11[%mul3A_227, %dma_wait3A] : memref<10240x128xf32, #tpu.memory_space<vmem_shared>> -> memref<40x128xf32, #tpu.memory_space<vmem_shared>>
        %dma_wait3A_233 = arith.constant 0 : i32
        %dma_wait3A_234 = tpu.memref_slice %arg11[%mul3A_227, %dma_wait3A_233] : memref<10240x128xf32, #tpu.memory_space<vmem_shared>> -> memref<40x128xf32, #tpu.memory_space<vmem_shared>>
        tpu.wait_dma2 semaphore(%run_scoped3A : memref<!tpu.dma_semaphore, #tpu.memory_space<semaphore_mem>>) src(%dma_wait3A_234 : memref<40x128xf32, #tpu.memory_space<vmem_shared>>) dst(%arg10 : memref<40x128xf32, #tpu.memory_space<vmem>>)
        tpu.yield
      }) : () -> ()
      "tpu.region"() ({
        %run_scoped3A = tpu.sem_alloc : memref<!tpu.dma_semaphore, #tpu.memory_space<semaphore_mem>>
        %dma_start3A_228 = arith.constant 0 : i32
        %dma_start3A_229 = tpu.memref_slice %arg5[%arg0, %mul3A_227, %dma_start3A_228] : memref<2x10000x128xf32, #tpu.memory_space<hbm>> -> memref<1x40x128xf32, #tpu.memory_space<hbm>>
        %dma_start3A_230 = tpu.memref_squeeze %dma_start3A_229 : memref<1x40x128xf32, #tpu.memory_space<hbm>> -> memref<40x128xf32, #tpu.memory_space<hbm>>
        %dma_start3A_231 = arith.constant 0 : i32
        %dma_start3A_232 = tpu.memref_slice %arg5[%arg0, %mul3A_227, %dma_start3A_231] : memref<2x10000x128xf32, #tpu.memory_space<hbm>> -> memref<1x40x128xf32, #tpu.memory_space<hbm>>
        %dma_start3A_233 = tpu.memref_squeeze %dma_start3A_232 : memref<1x40x128xf32, #tpu.memory_space<hbm>> -> memref<40x128xf32, #tpu.memory_space<hbm>>
        tpu.enqueue_dma source(%arg10 : memref<40x128xf32, #tpu.memory_space<vmem>>) target(%dma_start3A_233 : memref<40x128xf32, #tpu.memory_space<hbm>>) target_semaphore(%run_scoped3A : memref<!tpu.dma_semaphore, #tpu.memory_space<semaphore_mem>>)
        %dma_wait3A = arith.constant 0 : i32
        %dma_wait3A_234 = tpu.memref_slice %arg5[%arg0, %mul3A_227, %dma_wait3A] : memref<2x10000x128xf32, #tpu.memory_space<hbm>> -> memref<1x40x128xf32, #tpu.memory_space<hbm>>
        %dma_wait3A_235 = tpu.memref_squeeze %dma_wait3A_234 : memref<1x40x128xf32, #tpu.memory_space<hbm>> -> memref<40x128xf32, #tpu.memory_space<hbm>>
        %dma_wait3A_236 = arith.constant 0 : i32
        %dma_wait3A_237 = tpu.memref_slice %arg5[%arg0, %mul3A_227, %dma_wait3A_236] : memref<2x10000x128xf32, #tpu.memory_space<hbm>> -> memref<1x40x128xf32, #tpu.memory_space<hbm>>
        %dma_wait3A_238 = tpu.memref_squeeze %dma_wait3A_237 : memref<1x40x128xf32, #tpu.memory_space<hbm>> -> memref<40x128xf32, #tpu.memory_space<hbm>>
        tpu.wait_dma2 semaphore(%run_scoped3A : memref<!tpu.dma_semaphore, #tpu.memory_space<semaphore_mem>>) src(%arg10 : memref<40x128xf32, #tpu.memory_space<vmem>>) dst(%dma_wait3A_238 : memref<40x128xf32, #tpu.memory_space<hbm>>)
        tpu.yield
      }) : () -> ()
    } else {
    }
    %add3A_149 = arith.constant 80 : i32
    %add3A_150 = arith.addi %arg1, %add3A_149 : i32
    %lt3A_151 = arith.constant 250 : i32
    %lt3A_152 = arith.cmpi slt, %add3A_150, %lt3A_151 : i32
    %convert_element_type3A_153 = arith.extui %lt3A_152 : i1 to i32
    %cond3A_154 = arith.constant 0 : i32
    %cond3A_155 = arith.cmpi ne, %convert_element_type3A_153, %cond3A_154 : i32
    scf.if %cond3A_155 {
      %mul3A_226 = arith.constant 40 : i32
      %mul3A_227 = arith.muli %add3A_150, %mul3A_226 : i32
      "tpu.region"() ({
        %run_scoped3A = tpu.sem_alloc : memref<!tpu.dma_semaphore, #tpu.memory_space<semaphore_mem>>
        %dma_start3A_228 = arith.constant 0 : i32
        %dma_start3A_229 = tpu.memref_slice %arg11[%mul3A_227, %dma_start3A_228] : memref<10240x128xf32, #tpu.memory_space<vmem_shared>> -> memref<40x128xf32, #tpu.memory_space<vmem_shared>>
        %dma_start3A_230 = arith.constant 0 : i32
        %dma_start3A_231 = tpu.memref_slice %arg11[%mul3A_227, %dma_start3A_230] : memref<10240x128xf32, #tpu.memory_space<vmem_shared>> -> memref<40x128xf32, #tpu.memory_space<vmem_shared>>
        tpu.enqueue_dma source(%dma_start3A_231 : memref<40x128xf32, #tpu.memory_space<vmem_shared>>) target(%arg10 : memref<40x128xf32, #tpu.memory_space<vmem>>) target_semaphore(%run_scoped3A : memref<!tpu.dma_semaphore, #tpu.memory_space<semaphore_mem>>)
        %dma_wait3A = arith.constant 0 : i32
        %dma_wait3A_232 = tpu.memref_slice %arg11[%mul3A_227, %dma_wait3A] : memref<10240x128xf32, #tpu.memory_space<vmem_shared>> -> memref<40x128xf32, #tpu.memory_space<vmem_shared>>
        %dma_wait3A_233 = arith.constant 0 : i32
        %dma_wait3A_234 = tpu.memref_slice %arg11[%mul3A_227, %dma_wait3A_233] : memref<10240x128xf32, #tpu.memory_space<vmem_shared>> -> memref<40x128xf32, #tpu.memory_space<vmem_shared>>
        tpu.wait_dma2 semaphore(%run_scoped3A : memref<!tpu.dma_semaphore, #tpu.memory_space<semaphore_mem>>) src(%dma_wait3A_234 : memref<40x128xf32, #tpu.memory_space<vmem_shared>>) dst(%arg10 : memref<40x128xf32, #tpu.memory_space<vmem>>)
        tpu.yield
      }) : () -> ()
      "tpu.region"() ({
        %run_scoped3A = tpu.sem_alloc : memref<!tpu.dma_semaphore, #tpu.memory_space<semaphore_mem>>
        %dma_start3A_228 = arith.constant 0 : i32
        %dma_start3A_229 = tpu.memref_slice %arg5[%arg0, %mul3A_227, %dma_start3A_228] : memref<2x10000x128xf32, #tpu.memory_space<hbm>> -> memref<1x40x128xf32, #tpu.memory_space<hbm>>
        %dma_start3A_230 = tpu.memref_squeeze %dma_start3A_229 : memref<1x40x128xf32, #tpu.memory_space<hbm>> -> memref<40x128xf32, #tpu.memory_space<hbm>>
        %dma_start3A_231 = arith.constant 0 : i32
        %dma_start3A_232 = tpu.memref_slice %arg5[%arg0, %mul3A_227, %dma_start3A_231] : memref<2x10000x128xf32, #tpu.memory_space<hbm>> -> memref<1x40x128xf32, #tpu.memory_space<hbm>>
        %dma_start3A_233 = tpu.memref_squeeze %dma_start3A_232 : memref<1x40x128xf32, #tpu.memory_space<hbm>> -> memref<40x128xf32, #tpu.memory_space<hbm>>
        tpu.enqueue_dma source(%arg10 : memref<40x128xf32, #tpu.memory_space<vmem>>) target(%dma_start3A_233 : memref<40x128xf32, #tpu.memory_space<hbm>>) target_semaphore(%run_scoped3A : memref<!tpu.dma_semaphore, #tpu.memory_space<semaphore_mem>>)
        %dma_wait3A = arith.constant 0 : i32
        %dma_wait3A_234 = tpu.memref_slice %arg5[%arg0, %mul3A_227, %dma_wait3A] : memref<2x10000x128xf32, #tpu.memory_space<hbm>> -> memref<1x40x128xf32, #tpu.memory_space<hbm>>
        %dma_wait3A_235 = tpu.memref_squeeze %dma_wait3A_234 : memref<1x40x128xf32, #tpu.memory_space<hbm>> -> memref<40x128xf32, #tpu.memory_space<hbm>>
        %dma_wait3A_236 = arith.constant 0 : i32
        %dma_wait3A_237 = tpu.memref_slice %arg5[%arg0, %mul3A_227, %dma_wait3A_236] : memref<2x10000x128xf32, #tpu.memory_space<hbm>> -> memref<1x40x128xf32, #tpu.memory_space<hbm>>
        %dma_wait3A_238 = tpu.memref_squeeze %dma_wait3A_237 : memref<1x40x128xf32, #tpu.memory_space<hbm>> -> memref<40x128xf32, #tpu.memory_space<hbm>>
        tpu.wait_dma2 semaphore(%run_scoped3A : memref<!tpu.dma_semaphore, #tpu.memory_space<semaphore_mem>>) src(%arg10 : memref<40x128xf32, #tpu.memory_space<vmem>>) dst(%dma_wait3A_238 : memref<40x128xf32, #tpu.memory_space<hbm>>)
        tpu.yield
      }) : () -> ()
    } else {
    }
    %add3A_156 = arith.constant 96 : i32
    %add3A_157 = arith.addi %arg1, %add3A_156 : i32
    %lt3A_158 = arith.constant 250 : i32
    %lt3A_159 = arith.cmpi slt, %add3A_157, %lt3A_158 : i32
    %convert_element_type3A_160 = arith.extui %lt3A_159 : i1 to i32
    %cond3A_161 = arith.constant 0 : i32
    %cond3A_162 = arith.cmpi ne, %convert_element_type3A_160, %cond3A_161 : i32
    scf.if %cond3A_162 {
      %mul3A_226 = arith.constant 40 : i32
      %mul3A_227 = arith.muli %add3A_157, %mul3A_226 : i32
      "tpu.region"() ({
        %run_scoped3A = tpu.sem_alloc : memref<!tpu.dma_semaphore, #tpu.memory_space<semaphore_mem>>
        %dma_start3A_228 = arith.constant 0 : i32
        %dma_start3A_229 = tpu.memref_slice %arg11[%mul3A_227, %dma_start3A_228] : memref<10240x128xf32, #tpu.memory_space<vmem_shared>> -> memref<40x128xf32, #tpu.memory_space<vmem_shared>>
        %dma_start3A_230 = arith.constant 0 : i32
        %dma_start3A_231 = tpu.memref_slice %arg11[%mul3A_227, %dma_start3A_230] : memref<10240x128xf32, #tpu.memory_space<vmem_shared>> -> memref<40x128xf32, #tpu.memory_space<vmem_shared>>
        tpu.enqueue_dma source(%dma_start3A_231 : memref<40x128xf32, #tpu.memory_space<vmem_shared>>) target(%arg10 : memref<40x128xf32, #tpu.memory_space<vmem>>) target_semaphore(%run_scoped3A : memref<!tpu.dma_semaphore, #tpu.memory_space<semaphore_mem>>)
        %dma_wait3A = arith.constant 0 : i32
        %dma_wait3A_232 = tpu.memref_slice %arg11[%mul3A_227, %dma_wait3A] : memref<10240x128xf32, #tpu.memory_space<vmem_shared>> -> memref<40x128xf32, #tpu.memory_space<vmem_shared>>
        %dma_wait3A_233 = arith.constant 0 : i32
        %dma_wait3A_234 = tpu.memref_slice %arg11[%mul3A_227, %dma_wait3A_233] : memref<10240x128xf32, #tpu.memory_space<vmem_shared>> -> memref<40x128xf32, #tpu.memory_space<vmem_shared>>
        tpu.wait_dma2 semaphore(%run_scoped3A : memref<!tpu.dma_semaphore, #tpu.memory_space<semaphore_mem>>) src(%dma_wait3A_234 : memref<40x128xf32, #tpu.memory_space<vmem_shared>>) dst(%arg10 : memref<40x128xf32, #tpu.memory_space<vmem>>)
        tpu.yield
      }) : () -> ()
      "tpu.region"() ({
        %run_scoped3A = tpu.sem_alloc : memref<!tpu.dma_semaphore, #tpu.memory_space<semaphore_mem>>
        %dma_start3A_228 = arith.constant 0 : i32
        %dma_start3A_229 = tpu.memref_slice %arg5[%arg0, %mul3A_227, %dma_start3A_228] : memref<2x10000x128xf32, #tpu.memory_space<hbm>> -> memref<1x40x128xf32, #tpu.memory_space<hbm>>
        %dma_start3A_230 = tpu.memref_squeeze %dma_start3A_229 : memref<1x40x128xf32, #tpu.memory_space<hbm>> -> memref<40x128xf32, #tpu.memory_space<hbm>>
        %dma_start3A_231 = arith.constant 0 : i32
        %dma_start3A_232 = tpu.memref_slice %arg5[%arg0, %mul3A_227, %dma_start3A_231] : memref<2x10000x128xf32, #tpu.memory_space<hbm>> -> memref<1x40x128xf32, #tpu.memory_space<hbm>>
        %dma_start3A_233 = tpu.memref_squeeze %dma_start3A_232 : memref<1x40x128xf32, #tpu.memory_space<hbm>> -> memref<40x128xf32, #tpu.memory_space<hbm>>
        tpu.enqueue_dma source(%arg10 : memref<40x128xf32, #tpu.memory_space<vmem>>) target(%dma_start3A_233 : memref<40x128xf32, #tpu.memory_space<hbm>>) target_semaphore(%run_scoped3A : memref<!tpu.dma_semaphore, #tpu.memory_space<semaphore_mem>>)
        %dma_wait3A = arith.constant 0 : i32
        %dma_wait3A_234 = tpu.memref_slice %arg5[%arg0, %mul3A_227, %dma_wait3A] : memref<2x10000x128xf32, #tpu.memory_space<hbm>> -> memref<1x40x128xf32, #tpu.memory_space<hbm>>
        %dma_wait3A_235 = tpu.memref_squeeze %dma_wait3A_234 : memref<1x40x128xf32, #tpu.memory_space<hbm>> -> memref<40x128xf32, #tpu.memory_space<hbm>>
        %dma_wait3A_236 = arith.constant 0 : i32
        %dma_wait3A_237 = tpu.memref_slice %arg5[%arg0, %mul3A_227, %dma_wait3A_236] : memref<2x10000x128xf32, #tpu.memory_space<hbm>> -> memref<1x40x128xf32, #tpu.memory_space<hbm>>
        %dma_wait3A_238 = tpu.memref_squeeze %dma_wait3A_237 : memref<1x40x128xf32, #tpu.memory_space<hbm>> -> memref<40x128xf32, #tpu.memory_space<hbm>>
        tpu.wait_dma2 semaphore(%run_scoped3A : memref<!tpu.dma_semaphore, #tpu.memory_space<semaphore_mem>>) src(%arg10 : memref<40x128xf32, #tpu.memory_space<vmem>>) dst(%dma_wait3A_238 : memref<40x128xf32, #tpu.memory_space<hbm>>)
        tpu.yield
      }) : () -> ()
    } else {
    }
    %add3A_163 = arith.constant 112 : i32
    %add3A_164 = arith.addi %arg1, %add3A_163 : i32
    %lt3A_165 = arith.constant 250 : i32
    %lt3A_166 = arith.cmpi slt, %add3A_164, %lt3A_165 : i32
    %convert_element_type3A_167 = arith.extui %lt3A_166 : i1 to i32
    %cond3A_168 = arith.constant 0 : i32
    %cond3A_169 = arith.cmpi ne, %convert_element_type3A_167, %cond3A_168 : i32
    scf.if %cond3A_169 {
      %mul3A_226 = arith.constant 40 : i32
      %mul3A_227 = arith.muli %add3A_164, %mul3A_226 : i32
      "tpu.region"() ({
        %run_scoped3A = tpu.sem_alloc : memref<!tpu.dma_semaphore, #tpu.memory_space<semaphore_mem>>
        %dma_start3A_228 = arith.constant 0 : i32
        %dma_start3A_229 = tpu.memref_slice %arg11[%mul3A_227, %dma_start3A_228] : memref<10240x128xf32, #tpu.memory_space<vmem_shared>> -> memref<40x128xf32, #tpu.memory_space<vmem_shared>>
        %dma_start3A_230 = arith.constant 0 : i32
        %dma_start3A_231 = tpu.memref_slice %arg11[%mul3A_227, %dma_start3A_230] : memref<10240x128xf32, #tpu.memory_space<vmem_shared>> -> memref<40x128xf32, #tpu.memory_space<vmem_shared>>
        tpu.enqueue_dma source(%dma_start3A_231 : memref<40x128xf32, #tpu.memory_space<vmem_shared>>) target(%arg10 : memref<40x128xf32, #tpu.memory_space<vmem>>) target_semaphore(%run_scoped3A : memref<!tpu.dma_semaphore, #tpu.memory_space<semaphore_mem>>)
        %dma_wait3A = arith.constant 0 : i32
        %dma_wait3A_232 = tpu.memref_slice %arg11[%mul3A_227, %dma_wait3A] : memref<10240x128xf32, #tpu.memory_space<vmem_shared>> -> memref<40x128xf32, #tpu.memory_space<vmem_shared>>
        %dma_wait3A_233 = arith.constant 0 : i32
        %dma_wait3A_234 = tpu.memref_slice %arg11[%mul3A_227, %dma_wait3A_233] : memref<10240x128xf32, #tpu.memory_space<vmem_shared>> -> memref<40x128xf32, #tpu.memory_space<vmem_shared>>
        tpu.wait_dma2 semaphore(%run_scoped3A : memref<!tpu.dma_semaphore, #tpu.memory_space<semaphore_mem>>) src(%dma_wait3A_234 : memref<40x128xf32, #tpu.memory_space<vmem_shared>>) dst(%arg10 : memref<40x128xf32, #tpu.memory_space<vmem>>)
        tpu.yield
      }) : () -> ()
      "tpu.region"() ({
        %run_scoped3A = tpu.sem_alloc : memref<!tpu.dma_semaphore, #tpu.memory_space<semaphore_mem>>
        %dma_start3A_228 = arith.constant 0 : i32
        %dma_start3A_229 = tpu.memref_slice %arg5[%arg0, %mul3A_227, %dma_start3A_228] : memref<2x10000x128xf32, #tpu.memory_space<hbm>> -> memref<1x40x128xf32, #tpu.memory_space<hbm>>
        %dma_start3A_230 = tpu.memref_squeeze %dma_start3A_229 : memref<1x40x128xf32, #tpu.memory_space<hbm>> -> memref<40x128xf32, #tpu.memory_space<hbm>>
        %dma_start3A_231 = arith.constant 0 : i32
        %dma_start3A_232 = tpu.memref_slice %arg5[%arg0, %mul3A_227, %dma_start3A_231] : memref<2x10000x128xf32, #tpu.memory_space<hbm>> -> memref<1x40x128xf32, #tpu.memory_space<hbm>>
        %dma_start3A_233 = tpu.memref_squeeze %dma_start3A_232 : memref<1x40x128xf32, #tpu.memory_space<hbm>> -> memref<40x128xf32, #tpu.memory_space<hbm>>
        tpu.enqueue_dma source(%arg10 : memref<40x128xf32, #tpu.memory_space<vmem>>) target(%dma_start3A_233 : memref<40x128xf32, #tpu.memory_space<hbm>>) target_semaphore(%run_scoped3A : memref<!tpu.dma_semaphore, #tpu.memory_space<semaphore_mem>>)
        %dma_wait3A = arith.constant 0 : i32
        %dma_wait3A_234 = tpu.memref_slice %arg5[%arg0, %mul3A_227, %dma_wait3A] : memref<2x10000x128xf32, #tpu.memory_space<hbm>> -> memref<1x40x128xf32, #tpu.memory_space<hbm>>
        %dma_wait3A_235 = tpu.memref_squeeze %dma_wait3A_234 : memref<1x40x128xf32, #tpu.memory_space<hbm>> -> memref<40x128xf32, #tpu.memory_space<hbm>>
        %dma_wait3A_236 = arith.constant 0 : i32
        %dma_wait3A_237 = tpu.memref_slice %arg5[%arg0, %mul3A_227, %dma_wait3A_236] : memref<2x10000x128xf32, #tpu.memory_space<hbm>> -> memref<1x40x128xf32, #tpu.memory_space<hbm>>
        %dma_wait3A_238 = tpu.memref_squeeze %dma_wait3A_237 : memref<1x40x128xf32, #tpu.memory_space<hbm>> -> memref<40x128xf32, #tpu.memory_space<hbm>>
        tpu.wait_dma2 semaphore(%run_scoped3A : memref<!tpu.dma_semaphore, #tpu.memory_space<semaphore_mem>>) src(%arg10 : memref<40x128xf32, #tpu.memory_space<vmem>>) dst(%dma_wait3A_238 : memref<40x128xf32, #tpu.memory_space<hbm>>)
        tpu.yield
      }) : () -> ()
    } else {
    }
    %add3A_170 = arith.constant 128 : i32
    %add3A_171 = arith.addi %arg1, %add3A_170 : i32
    %lt3A_172 = arith.constant 250 : i32
    %lt3A_173 = arith.cmpi slt, %add3A_171, %lt3A_172 : i32
    %convert_element_type3A_174 = arith.extui %lt3A_173 : i1 to i32
    %cond3A_175 = arith.constant 0 : i32
    %cond3A_176 = arith.cmpi ne, %convert_element_type3A_174, %cond3A_175 : i32
    scf.if %cond3A_176 {
      %mul3A_226 = arith.constant 40 : i32
      %mul3A_227 = arith.muli %add3A_171, %mul3A_226 : i32
      "tpu.region"() ({
        %run_scoped3A = tpu.sem_alloc : memref<!tpu.dma_semaphore, #tpu.memory_space<semaphore_mem>>
        %dma_start3A_228 = arith.constant 0 : i32
        %dma_start3A_229 = tpu.memref_slice %arg11[%mul3A_227, %dma_start3A_228] : memref<10240x128xf32, #tpu.memory_space<vmem_shared>> -> memref<40x128xf32, #tpu.memory_space<vmem_shared>>
        %dma_start3A_230 = arith.constant 0 : i32
        %dma_start3A_231 = tpu.memref_slice %arg11[%mul3A_227, %dma_start3A_230] : memref<10240x128xf32, #tpu.memory_space<vmem_shared>> -> memref<40x128xf32, #tpu.memory_space<vmem_shared>>
        tpu.enqueue_dma source(%dma_start3A_231 : memref<40x128xf32, #tpu.memory_space<vmem_shared>>) target(%arg10 : memref<40x128xf32, #tpu.memory_space<vmem>>) target_semaphore(%run_scoped3A : memref<!tpu.dma_semaphore, #tpu.memory_space<semaphore_mem>>)
        %dma_wait3A = arith.constant 0 : i32
        %dma_wait3A_232 = tpu.memref_slice %arg11[%mul3A_227, %dma_wait3A] : memref<10240x128xf32, #tpu.memory_space<vmem_shared>> -> memref<40x128xf32, #tpu.memory_space<vmem_shared>>
        %dma_wait3A_233 = arith.constant 0 : i32
        %dma_wait3A_234 = tpu.memref_slice %arg11[%mul3A_227, %dma_wait3A_233] : memref<10240x128xf32, #tpu.memory_space<vmem_shared>> -> memref<40x128xf32, #tpu.memory_space<vmem_shared>>
        tpu.wait_dma2 semaphore(%run_scoped3A : memref<!tpu.dma_semaphore, #tpu.memory_space<semaphore_mem>>) src(%dma_wait3A_234 : memref<40x128xf32, #tpu.memory_space<vmem_shared>>) dst(%arg10 : memref<40x128xf32, #tpu.memory_space<vmem>>)
        tpu.yield
      }) : () -> ()
      "tpu.region"() ({
        %run_scoped3A = tpu.sem_alloc : memref<!tpu.dma_semaphore, #tpu.memory_space<semaphore_mem>>
        %dma_start3A_228 = arith.constant 0 : i32
        %dma_start3A_229 = tpu.memref_slice %arg5[%arg0, %mul3A_227, %dma_start3A_228] : memref<2x10000x128xf32, #tpu.memory_space<hbm>> -> memref<1x40x128xf32, #tpu.memory_space<hbm>>
        %dma_start3A_230 = tpu.memref_squeeze %dma_start3A_229 : memref<1x40x128xf32, #tpu.memory_space<hbm>> -> memref<40x128xf32, #tpu.memory_space<hbm>>
        %dma_start3A_231 = arith.constant 0 : i32
        %dma_start3A_232 = tpu.memref_slice %arg5[%arg0, %mul3A_227, %dma_start3A_231] : memref<2x10000x128xf32, #tpu.memory_space<hbm>> -> memref<1x40x128xf32, #tpu.memory_space<hbm>>
        %dma_start3A_233 = tpu.memref_squeeze %dma_start3A_232 : memref<1x40x128xf32, #tpu.memory_space<hbm>> -> memref<40x128xf32, #tpu.memory_space<hbm>>
        tpu.enqueue_dma source(%arg10 : memref<40x128xf32, #tpu.memory_space<vmem>>) target(%dma_start3A_233 : memref<40x128xf32, #tpu.memory_space<hbm>>) target_semaphore(%run_scoped3A : memref<!tpu.dma_semaphore, #tpu.memory_space<semaphore_mem>>)
        %dma_wait3A = arith.constant 0 : i32
        %dma_wait3A_234 = tpu.memref_slice %arg5[%arg0, %mul3A_227, %dma_wait3A] : memref<2x10000x128xf32, #tpu.memory_space<hbm>> -> memref<1x40x128xf32, #tpu.memory_space<hbm>>
        %dma_wait3A_235 = tpu.memref_squeeze %dma_wait3A_234 : memref<1x40x128xf32, #tpu.memory_space<hbm>> -> memref<40x128xf32, #tpu.memory_space<hbm>>
        %dma_wait3A_236 = arith.constant 0 : i32
        %dma_wait3A_237 = tpu.memref_slice %arg5[%arg0, %mul3A_227, %dma_wait3A_236] : memref<2x10000x128xf32, #tpu.memory_space<hbm>> -> memref<1x40x128xf32, #tpu.memory_space<hbm>>
        %dma_wait3A_238 = tpu.memref_squeeze %dma_wait3A_237 : memref<1x40x128xf32, #tpu.memory_space<hbm>> -> memref<40x128xf32, #tpu.memory_space<hbm>>
        tpu.wait_dma2 semaphore(%run_scoped3A : memref<!tpu.dma_semaphore, #tpu.memory_space<semaphore_mem>>) src(%arg10 : memref<40x128xf32, #tpu.memory_space<vmem>>) dst(%dma_wait3A_238 : memref<40x128xf32, #tpu.memory_space<hbm>>)
        tpu.yield
      }) : () -> ()
    } else {
    }
    %add3A_177 = arith.constant 144 : i32
    %add3A_178 = arith.addi %arg1, %add3A_177 : i32
    %lt3A_179 = arith.constant 250 : i32
    %lt3A_180 = arith.cmpi slt, %add3A_178, %lt3A_179 : i32
    %convert_element_type3A_181 = arith.extui %lt3A_180 : i1 to i32
    %cond3A_182 = arith.constant 0 : i32
    %cond3A_183 = arith.cmpi ne, %convert_element_type3A_181, %cond3A_182 : i32
    scf.if %cond3A_183 {
      %mul3A_226 = arith.constant 40 : i32
      %mul3A_227 = arith.muli %add3A_178, %mul3A_226 : i32
      "tpu.region"() ({
        %run_scoped3A = tpu.sem_alloc : memref<!tpu.dma_semaphore, #tpu.memory_space<semaphore_mem>>
        %dma_start3A_228 = arith.constant 0 : i32
        %dma_start3A_229 = tpu.memref_slice %arg11[%mul3A_227, %dma_start3A_228] : memref<10240x128xf32, #tpu.memory_space<vmem_shared>> -> memref<40x128xf32, #tpu.memory_space<vmem_shared>>
        %dma_start3A_230 = arith.constant 0 : i32
        %dma_start3A_231 = tpu.memref_slice %arg11[%mul3A_227, %dma_start3A_230] : memref<10240x128xf32, #tpu.memory_space<vmem_shared>> -> memref<40x128xf32, #tpu.memory_space<vmem_shared>>
        tpu.enqueue_dma source(%dma_start3A_231 : memref<40x128xf32, #tpu.memory_space<vmem_shared>>) target(%arg10 : memref<40x128xf32, #tpu.memory_space<vmem>>) target_semaphore(%run_scoped3A : memref<!tpu.dma_semaphore, #tpu.memory_space<semaphore_mem>>)
        %dma_wait3A = arith.constant 0 : i32
        %dma_wait3A_232 = tpu.memref_slice %arg11[%mul3A_227, %dma_wait3A] : memref<10240x128xf32, #tpu.memory_space<vmem_shared>> -> memref<40x128xf32, #tpu.memory_space<vmem_shared>>
        %dma_wait3A_233 = arith.constant 0 : i32
        %dma_wait3A_234 = tpu.memref_slice %arg11[%mul3A_227, %dma_wait3A_233] : memref<10240x128xf32, #tpu.memory_space<vmem_shared>> -> memref<40x128xf32, #tpu.memory_space<vmem_shared>>
        tpu.wait_dma2 semaphore(%run_scoped3A : memref<!tpu.dma_semaphore, #tpu.memory_space<semaphore_mem>>) src(%dma_wait3A_234 : memref<40x128xf32, #tpu.memory_space<vmem_shared>>) dst(%arg10 : memref<40x128xf32, #tpu.memory_space<vmem>>)
        tpu.yield
      }) : () -> ()
      "tpu.region"() ({
        %run_scoped3A = tpu.sem_alloc : memref<!tpu.dma_semaphore, #tpu.memory_space<semaphore_mem>>
        %dma_start3A_228 = arith.constant 0 : i32
        %dma_start3A_229 = tpu.memref_slice %arg5[%arg0, %mul3A_227, %dma_start3A_228] : memref<2x10000x128xf32, #tpu.memory_space<hbm>> -> memref<1x40x128xf32, #tpu.memory_space<hbm>>
        %dma_start3A_230 = tpu.memref_squeeze %dma_start3A_229 : memref<1x40x128xf32, #tpu.memory_space<hbm>> -> memref<40x128xf32, #tpu.memory_space<hbm>>
        %dma_start3A_231 = arith.constant 0 : i32
        %dma_start3A_232 = tpu.memref_slice %arg5[%arg0, %mul3A_227, %dma_start3A_231] : memref<2x10000x128xf32, #tpu.memory_space<hbm>> -> memref<1x40x128xf32, #tpu.memory_space<hbm>>
        %dma_start3A_233 = tpu.memref_squeeze %dma_start3A_232 : memref<1x40x128xf32, #tpu.memory_space<hbm>> -> memref<40x128xf32, #tpu.memory_space<hbm>>
        tpu.enqueue_dma source(%arg10 : memref<40x128xf32, #tpu.memory_space<vmem>>) target(%dma_start3A_233 : memref<40x128xf32, #tpu.memory_space<hbm>>) target_semaphore(%run_scoped3A : memref<!tpu.dma_semaphore, #tpu.memory_space<semaphore_mem>>)
        %dma_wait3A = arith.constant 0 : i32
        %dma_wait3A_234 = tpu.memref_slice %arg5[%arg0, %mul3A_227, %dma_wait3A] : memref<2x10000x128xf32, #tpu.memory_space<hbm>> -> memref<1x40x128xf32, #tpu.memory_space<hbm>>
        %dma_wait3A_235 = tpu.memref_squeeze %dma_wait3A_234 : memref<1x40x128xf32, #tpu.memory_space<hbm>> -> memref<40x128xf32, #tpu.memory_space<hbm>>
        %dma_wait3A_236 = arith.constant 0 : i32
        %dma_wait3A_237 = tpu.memref_slice %arg5[%arg0, %mul3A_227, %dma_wait3A_236] : memref<2x10000x128xf32, #tpu.memory_space<hbm>> -> memref<1x40x128xf32, #tpu.memory_space<hbm>>
        %dma_wait3A_238 = tpu.memref_squeeze %dma_wait3A_237 : memref<1x40x128xf32, #tpu.memory_space<hbm>> -> memref<40x128xf32, #tpu.memory_space<hbm>>
        tpu.wait_dma2 semaphore(%run_scoped3A : memref<!tpu.dma_semaphore, #tpu.memory_space<semaphore_mem>>) src(%arg10 : memref<40x128xf32, #tpu.memory_space<vmem>>) dst(%dma_wait3A_238 : memref<40x128xf32, #tpu.memory_space<hbm>>)
        tpu.yield
      }) : () -> ()
    } else {
    }
    %add3A_184 = arith.constant 160 : i32
    %add3A_185 = arith.addi %arg1, %add3A_184 : i32
    %lt3A_186 = arith.constant 250 : i32
    %lt3A_187 = arith.cmpi slt, %add3A_185, %lt3A_186 : i32
    %convert_element_type3A_188 = arith.extui %lt3A_187 : i1 to i32
    %cond3A_189 = arith.constant 0 : i32
    %cond3A_190 = arith.cmpi ne, %convert_element_type3A_188, %cond3A_189 : i32
    scf.if %cond3A_190 {
      %mul3A_226 = arith.constant 40 : i32
      %mul3A_227 = arith.muli %add3A_185, %mul3A_226 : i32
      "tpu.region"() ({
        %run_scoped3A = tpu.sem_alloc : memref<!tpu.dma_semaphore, #tpu.memory_space<semaphore_mem>>
        %dma_start3A_228 = arith.constant 0 : i32
        %dma_start3A_229 = tpu.memref_slice %arg11[%mul3A_227, %dma_start3A_228] : memref<10240x128xf32, #tpu.memory_space<vmem_shared>> -> memref<40x128xf32, #tpu.memory_space<vmem_shared>>
        %dma_start3A_230 = arith.constant 0 : i32
        %dma_start3A_231 = tpu.memref_slice %arg11[%mul3A_227, %dma_start3A_230] : memref<10240x128xf32, #tpu.memory_space<vmem_shared>> -> memref<40x128xf32, #tpu.memory_space<vmem_shared>>
        tpu.enqueue_dma source(%dma_start3A_231 : memref<40x128xf32, #tpu.memory_space<vmem_shared>>) target(%arg10 : memref<40x128xf32, #tpu.memory_space<vmem>>) target_semaphore(%run_scoped3A : memref<!tpu.dma_semaphore, #tpu.memory_space<semaphore_mem>>)
        %dma_wait3A = arith.constant 0 : i32
        %dma_wait3A_232 = tpu.memref_slice %arg11[%mul3A_227, %dma_wait3A] : memref<10240x128xf32, #tpu.memory_space<vmem_shared>> -> memref<40x128xf32, #tpu.memory_space<vmem_shared>>
        %dma_wait3A_233 = arith.constant 0 : i32
        %dma_wait3A_234 = tpu.memref_slice %arg11[%mul3A_227, %dma_wait3A_233] : memref<10240x128xf32, #tpu.memory_space<vmem_shared>> -> memref<40x128xf32, #tpu.memory_space<vmem_shared>>
        tpu.wait_dma2 semaphore(%run_scoped3A : memref<!tpu.dma_semaphore, #tpu.memory_space<semaphore_mem>>) src(%dma_wait3A_234 : memref<40x128xf32, #tpu.memory_space<vmem_shared>>) dst(%arg10 : memref<40x128xf32, #tpu.memory_space<vmem>>)
        tpu.yield
      }) : () -> ()
      "tpu.region"() ({
        %run_scoped3A = tpu.sem_alloc : memref<!tpu.dma_semaphore, #tpu.memory_space<semaphore_mem>>
        %dma_start3A_228 = arith.constant 0 : i32
        %dma_start3A_229 = tpu.memref_slice %arg5[%arg0, %mul3A_227, %dma_start3A_228] : memref<2x10000x128xf32, #tpu.memory_space<hbm>> -> memref<1x40x128xf32, #tpu.memory_space<hbm>>
        %dma_start3A_230 = tpu.memref_squeeze %dma_start3A_229 : memref<1x40x128xf32, #tpu.memory_space<hbm>> -> memref<40x128xf32, #tpu.memory_space<hbm>>
        %dma_start3A_231 = arith.constant 0 : i32
        %dma_start3A_232 = tpu.memref_slice %arg5[%arg0, %mul3A_227, %dma_start3A_231] : memref<2x10000x128xf32, #tpu.memory_space<hbm>> -> memref<1x40x128xf32, #tpu.memory_space<hbm>>
        %dma_start3A_233 = tpu.memref_squeeze %dma_start3A_232 : memref<1x40x128xf32, #tpu.memory_space<hbm>> -> memref<40x128xf32, #tpu.memory_space<hbm>>
        tpu.enqueue_dma source(%arg10 : memref<40x128xf32, #tpu.memory_space<vmem>>) target(%dma_start3A_233 : memref<40x128xf32, #tpu.memory_space<hbm>>) target_semaphore(%run_scoped3A : memref<!tpu.dma_semaphore, #tpu.memory_space<semaphore_mem>>)
        %dma_wait3A = arith.constant 0 : i32
        %dma_wait3A_234 = tpu.memref_slice %arg5[%arg0, %mul3A_227, %dma_wait3A] : memref<2x10000x128xf32, #tpu.memory_space<hbm>> -> memref<1x40x128xf32, #tpu.memory_space<hbm>>
        %dma_wait3A_235 = tpu.memref_squeeze %dma_wait3A_234 : memref<1x40x128xf32, #tpu.memory_space<hbm>> -> memref<40x128xf32, #tpu.memory_space<hbm>>
        %dma_wait3A_236 = arith.constant 0 : i32
        %dma_wait3A_237 = tpu.memref_slice %arg5[%arg0, %mul3A_227, %dma_wait3A_236] : memref<2x10000x128xf32, #tpu.memory_space<hbm>> -> memref<1x40x128xf32, #tpu.memory_space<hbm>>
        %dma_wait3A_238 = tpu.memref_squeeze %dma_wait3A_237 : memref<1x40x128xf32, #tpu.memory_space<hbm>> -> memref<40x128xf32, #tpu.memory_space<hbm>>
        tpu.wait_dma2 semaphore(%run_scoped3A : memref<!tpu.dma_semaphore, #tpu.memory_space<semaphore_mem>>) src(%arg10 : memref<40x128xf32, #tpu.memory_space<vmem>>) dst(%dma_wait3A_238 : memref<40x128xf32, #tpu.memory_space<hbm>>)
        tpu.yield
      }) : () -> ()
    } else {
    }
    %add3A_191 = arith.constant 176 : i32
    %add3A_192 = arith.addi %arg1, %add3A_191 : i32
    %lt3A_193 = arith.constant 250 : i32
    %lt3A_194 = arith.cmpi slt, %add3A_192, %lt3A_193 : i32
    %convert_element_type3A_195 = arith.extui %lt3A_194 : i1 to i32
    %cond3A_196 = arith.constant 0 : i32
    %cond3A_197 = arith.cmpi ne, %convert_element_type3A_195, %cond3A_196 : i32
    scf.if %cond3A_197 {
      %mul3A_226 = arith.constant 40 : i32
      %mul3A_227 = arith.muli %add3A_192, %mul3A_226 : i32
      "tpu.region"() ({
        %run_scoped3A = tpu.sem_alloc : memref<!tpu.dma_semaphore, #tpu.memory_space<semaphore_mem>>
        %dma_start3A_228 = arith.constant 0 : i32
        %dma_start3A_229 = tpu.memref_slice %arg11[%mul3A_227, %dma_start3A_228] : memref<10240x128xf32, #tpu.memory_space<vmem_shared>> -> memref<40x128xf32, #tpu.memory_space<vmem_shared>>
        %dma_start3A_230 = arith.constant 0 : i32
        %dma_start3A_231 = tpu.memref_slice %arg11[%mul3A_227, %dma_start3A_230] : memref<10240x128xf32, #tpu.memory_space<vmem_shared>> -> memref<40x128xf32, #tpu.memory_space<vmem_shared>>
        tpu.enqueue_dma source(%dma_start3A_231 : memref<40x128xf32, #tpu.memory_space<vmem_shared>>) target(%arg10 : memref<40x128xf32, #tpu.memory_space<vmem>>) target_semaphore(%run_scoped3A : memref<!tpu.dma_semaphore, #tpu.memory_space<semaphore_mem>>)
        %dma_wait3A = arith.constant 0 : i32
        %dma_wait3A_232 = tpu.memref_slice %arg11[%mul3A_227, %dma_wait3A] : memref<10240x128xf32, #tpu.memory_space<vmem_shared>> -> memref<40x128xf32, #tpu.memory_space<vmem_shared>>
        %dma_wait3A_233 = arith.constant 0 : i32
        %dma_wait3A_234 = tpu.memref_slice %arg11[%mul3A_227, %dma_wait3A_233] : memref<10240x128xf32, #tpu.memory_space<vmem_shared>> -> memref<40x128xf32, #tpu.memory_space<vmem_shared>>
        tpu.wait_dma2 semaphore(%run_scoped3A : memref<!tpu.dma_semaphore, #tpu.memory_space<semaphore_mem>>) src(%dma_wait3A_234 : memref<40x128xf32, #tpu.memory_space<vmem_shared>>) dst(%arg10 : memref<40x128xf32, #tpu.memory_space<vmem>>)
        tpu.yield
      }) : () -> ()
      "tpu.region"() ({
        %run_scoped3A = tpu.sem_alloc : memref<!tpu.dma_semaphore, #tpu.memory_space<semaphore_mem>>
        %dma_start3A_228 = arith.constant 0 : i32
        %dma_start3A_229 = tpu.memref_slice %arg5[%arg0, %mul3A_227, %dma_start3A_228] : memref<2x10000x128xf32, #tpu.memory_space<hbm>> -> memref<1x40x128xf32, #tpu.memory_space<hbm>>
        %dma_start3A_230 = tpu.memref_squeeze %dma_start3A_229 : memref<1x40x128xf32, #tpu.memory_space<hbm>> -> memref<40x128xf32, #tpu.memory_space<hbm>>
        %dma_start3A_231 = arith.constant 0 : i32
        %dma_start3A_232 = tpu.memref_slice %arg5[%arg0, %mul3A_227, %dma_start3A_231] : memref<2x10000x128xf32, #tpu.memory_space<hbm>> -> memref<1x40x128xf32, #tpu.memory_space<hbm>>
        %dma_start3A_233 = tpu.memref_squeeze %dma_start3A_232 : memref<1x40x128xf32, #tpu.memory_space<hbm>> -> memref<40x128xf32, #tpu.memory_space<hbm>>
        tpu.enqueue_dma source(%arg10 : memref<40x128xf32, #tpu.memory_space<vmem>>) target(%dma_start3A_233 : memref<40x128xf32, #tpu.memory_space<hbm>>) target_semaphore(%run_scoped3A : memref<!tpu.dma_semaphore, #tpu.memory_space<semaphore_mem>>)
        %dma_wait3A = arith.constant 0 : i32
        %dma_wait3A_234 = tpu.memref_slice %arg5[%arg0, %mul3A_227, %dma_wait3A] : memref<2x10000x128xf32, #tpu.memory_space<hbm>> -> memref<1x40x128xf32, #tpu.memory_space<hbm>>
        %dma_wait3A_235 = tpu.memref_squeeze %dma_wait3A_234 : memref<1x40x128xf32, #tpu.memory_space<hbm>> -> memref<40x128xf32, #tpu.memory_space<hbm>>
        %dma_wait3A_236 = arith.constant 0 : i32
        %dma_wait3A_237 = tpu.memref_slice %arg5[%arg0, %mul3A_227, %dma_wait3A_236] : memref<2x10000x128xf32, #tpu.memory_space<hbm>> -> memref<1x40x128xf32, #tpu.memory_space<hbm>>
        %dma_wait3A_238 = tpu.memref_squeeze %dma_wait3A_237 : memref<1x40x128xf32, #tpu.memory_space<hbm>> -> memref<40x128xf32, #tpu.memory_space<hbm>>
        tpu.wait_dma2 semaphore(%run_scoped3A : memref<!tpu.dma_semaphore, #tpu.memory_space<semaphore_mem>>) src(%arg10 : memref<40x128xf32, #tpu.memory_space<vmem>>) dst(%dma_wait3A_238 : memref<40x128xf32, #tpu.memory_space<hbm>>)
        tpu.yield
      }) : () -> ()
    } else {
    }
    %add3A_198 = arith.constant 192 : i32
    %add3A_199 = arith.addi %arg1, %add3A_198 : i32
    %lt3A_200 = arith.constant 250 : i32
    %lt3A_201 = arith.cmpi slt, %add3A_199, %lt3A_200 : i32
    %convert_element_type3A_202 = arith.extui %lt3A_201 : i1 to i32
    %cond3A_203 = arith.constant 0 : i32
    %cond3A_204 = arith.cmpi ne, %convert_element_type3A_202, %cond3A_203 : i32
    scf.if %cond3A_204 {
      %mul3A_226 = arith.constant 40 : i32
      %mul3A_227 = arith.muli %add3A_199, %mul3A_226 : i32
      "tpu.region"() ({
        %run_scoped3A = tpu.sem_alloc : memref<!tpu.dma_semaphore, #tpu.memory_space<semaphore_mem>>
        %dma_start3A_228 = arith.constant 0 : i32
        %dma_start3A_229 = tpu.memref_slice %arg11[%mul3A_227, %dma_start3A_228] : memref<10240x128xf32, #tpu.memory_space<vmem_shared>> -> memref<40x128xf32, #tpu.memory_space<vmem_shared>>
        %dma_start3A_230 = arith.constant 0 : i32
        %dma_start3A_231 = tpu.memref_slice %arg11[%mul3A_227, %dma_start3A_230] : memref<10240x128xf32, #tpu.memory_space<vmem_shared>> -> memref<40x128xf32, #tpu.memory_space<vmem_shared>>
        tpu.enqueue_dma source(%dma_start3A_231 : memref<40x128xf32, #tpu.memory_space<vmem_shared>>) target(%arg10 : memref<40x128xf32, #tpu.memory_space<vmem>>) target_semaphore(%run_scoped3A : memref<!tpu.dma_semaphore, #tpu.memory_space<semaphore_mem>>)
        %dma_wait3A = arith.constant 0 : i32
        %dma_wait3A_232 = tpu.memref_slice %arg11[%mul3A_227, %dma_wait3A] : memref<10240x128xf32, #tpu.memory_space<vmem_shared>> -> memref<40x128xf32, #tpu.memory_space<vmem_shared>>
        %dma_wait3A_233 = arith.constant 0 : i32
        %dma_wait3A_234 = tpu.memref_slice %arg11[%mul3A_227, %dma_wait3A_233] : memref<10240x128xf32, #tpu.memory_space<vmem_shared>> -> memref<40x128xf32, #tpu.memory_space<vmem_shared>>
        tpu.wait_dma2 semaphore(%run_scoped3A : memref<!tpu.dma_semaphore, #tpu.memory_space<semaphore_mem>>) src(%dma_wait3A_234 : memref<40x128xf32, #tpu.memory_space<vmem_shared>>) dst(%arg10 : memref<40x128xf32, #tpu.memory_space<vmem>>)
        tpu.yield
      }) : () -> ()
      "tpu.region"() ({
        %run_scoped3A = tpu.sem_alloc : memref<!tpu.dma_semaphore, #tpu.memory_space<semaphore_mem>>
        %dma_start3A_228 = arith.constant 0 : i32
        %dma_start3A_229 = tpu.memref_slice %arg5[%arg0, %mul3A_227, %dma_start3A_228] : memref<2x10000x128xf32, #tpu.memory_space<hbm>> -> memref<1x40x128xf32, #tpu.memory_space<hbm>>
        %dma_start3A_230 = tpu.memref_squeeze %dma_start3A_229 : memref<1x40x128xf32, #tpu.memory_space<hbm>> -> memref<40x128xf32, #tpu.memory_space<hbm>>
        %dma_start3A_231 = arith.constant 0 : i32
        %dma_start3A_232 = tpu.memref_slice %arg5[%arg0, %mul3A_227, %dma_start3A_231] : memref<2x10000x128xf32, #tpu.memory_space<hbm>> -> memref<1x40x128xf32, #tpu.memory_space<hbm>>
        %dma_start3A_233 = tpu.memref_squeeze %dma_start3A_232 : memref<1x40x128xf32, #tpu.memory_space<hbm>> -> memref<40x128xf32, #tpu.memory_space<hbm>>
        tpu.enqueue_dma source(%arg10 : memref<40x128xf32, #tpu.memory_space<vmem>>) target(%dma_start3A_233 : memref<40x128xf32, #tpu.memory_space<hbm>>) target_semaphore(%run_scoped3A : memref<!tpu.dma_semaphore, #tpu.memory_space<semaphore_mem>>)
        %dma_wait3A = arith.constant 0 : i32
        %dma_wait3A_234 = tpu.memref_slice %arg5[%arg0, %mul3A_227, %dma_wait3A] : memref<2x10000x128xf32, #tpu.memory_space<hbm>> -> memref<1x40x128xf32, #tpu.memory_space<hbm>>
        %dma_wait3A_235 = tpu.memref_squeeze %dma_wait3A_234 : memref<1x40x128xf32, #tpu.memory_space<hbm>> -> memref<40x128xf32, #tpu.memory_space<hbm>>
        %dma_wait3A_236 = arith.constant 0 : i32
        %dma_wait3A_237 = tpu.memref_slice %arg5[%arg0, %mul3A_227, %dma_wait3A_236] : memref<2x10000x128xf32, #tpu.memory_space<hbm>> -> memref<1x40x128xf32, #tpu.memory_space<hbm>>
        %dma_wait3A_238 = tpu.memref_squeeze %dma_wait3A_237 : memref<1x40x128xf32, #tpu.memory_space<hbm>> -> memref<40x128xf32, #tpu.memory_space<hbm>>
        tpu.wait_dma2 semaphore(%run_scoped3A : memref<!tpu.dma_semaphore, #tpu.memory_space<semaphore_mem>>) src(%arg10 : memref<40x128xf32, #tpu.memory_space<vmem>>) dst(%dma_wait3A_238 : memref<40x128xf32, #tpu.memory_space<hbm>>)
        tpu.yield
      }) : () -> ()
    } else {
    }
    %add3A_205 = arith.constant 208 : i32
    %add3A_206 = arith.addi %arg1, %add3A_205 : i32
    %lt3A_207 = arith.constant 250 : i32
    %lt3A_208 = arith.cmpi slt, %add3A_206, %lt3A_207 : i32
    %convert_element_type3A_209 = arith.extui %lt3A_208 : i1 to i32
    %cond3A_210 = arith.constant 0 : i32
    %cond3A_211 = arith.cmpi ne, %convert_element_type3A_209, %cond3A_210 : i32
    scf.if %cond3A_211 {
      %mul3A_226 = arith.constant 40 : i32
      %mul3A_227 = arith.muli %add3A_206, %mul3A_226 : i32
      "tpu.region"() ({
        %run_scoped3A = tpu.sem_alloc : memref<!tpu.dma_semaphore, #tpu.memory_space<semaphore_mem>>
        %dma_start3A_228 = arith.constant 0 : i32
        %dma_start3A_229 = tpu.memref_slice %arg11[%mul3A_227, %dma_start3A_228] : memref<10240x128xf32, #tpu.memory_space<vmem_shared>> -> memref<40x128xf32, #tpu.memory_space<vmem_shared>>
        %dma_start3A_230 = arith.constant 0 : i32
        %dma_start3A_231 = tpu.memref_slice %arg11[%mul3A_227, %dma_start3A_230] : memref<10240x128xf32, #tpu.memory_space<vmem_shared>> -> memref<40x128xf32, #tpu.memory_space<vmem_shared>>
        tpu.enqueue_dma source(%dma_start3A_231 : memref<40x128xf32, #tpu.memory_space<vmem_shared>>) target(%arg10 : memref<40x128xf32, #tpu.memory_space<vmem>>) target_semaphore(%run_scoped3A : memref<!tpu.dma_semaphore, #tpu.memory_space<semaphore_mem>>)
        %dma_wait3A = arith.constant 0 : i32
        %dma_wait3A_232 = tpu.memref_slice %arg11[%mul3A_227, %dma_wait3A] : memref<10240x128xf32, #tpu.memory_space<vmem_shared>> -> memref<40x128xf32, #tpu.memory_space<vmem_shared>>
        %dma_wait3A_233 = arith.constant 0 : i32
        %dma_wait3A_234 = tpu.memref_slice %arg11[%mul3A_227, %dma_wait3A_233] : memref<10240x128xf32, #tpu.memory_space<vmem_shared>> -> memref<40x128xf32, #tpu.memory_space<vmem_shared>>
        tpu.wait_dma2 semaphore(%run_scoped3A : memref<!tpu.dma_semaphore, #tpu.memory_space<semaphore_mem>>) src(%dma_wait3A_234 : memref<40x128xf32, #tpu.memory_space<vmem_shared>>) dst(%arg10 : memref<40x128xf32, #tpu.memory_space<vmem>>)
        tpu.yield
      }) : () -> ()
      "tpu.region"() ({
        %run_scoped3A = tpu.sem_alloc : memref<!tpu.dma_semaphore, #tpu.memory_space<semaphore_mem>>
        %dma_start3A_228 = arith.constant 0 : i32
        %dma_start3A_229 = tpu.memref_slice %arg5[%arg0, %mul3A_227, %dma_start3A_228] : memref<2x10000x128xf32, #tpu.memory_space<hbm>> -> memref<1x40x128xf32, #tpu.memory_space<hbm>>
        %dma_start3A_230 = tpu.memref_squeeze %dma_start3A_229 : memref<1x40x128xf32, #tpu.memory_space<hbm>> -> memref<40x128xf32, #tpu.memory_space<hbm>>
        %dma_start3A_231 = arith.constant 0 : i32
        %dma_start3A_232 = tpu.memref_slice %arg5[%arg0, %mul3A_227, %dma_start3A_231] : memref<2x10000x128xf32, #tpu.memory_space<hbm>> -> memref<1x40x128xf32, #tpu.memory_space<hbm>>
        %dma_start3A_233 = tpu.memref_squeeze %dma_start3A_232 : memref<1x40x128xf32, #tpu.memory_space<hbm>> -> memref<40x128xf32, #tpu.memory_space<hbm>>
        tpu.enqueue_dma source(%arg10 : memref<40x128xf32, #tpu.memory_space<vmem>>) target(%dma_start3A_233 : memref<40x128xf32, #tpu.memory_space<hbm>>) target_semaphore(%run_scoped3A : memref<!tpu.dma_semaphore, #tpu.memory_space<semaphore_mem>>)
        %dma_wait3A = arith.constant 0 : i32
        %dma_wait3A_234 = tpu.memref_slice %arg5[%arg0, %mul3A_227, %dma_wait3A] : memref<2x10000x128xf32, #tpu.memory_space<hbm>> -> memref<1x40x128xf32, #tpu.memory_space<hbm>>
        %dma_wait3A_235 = tpu.memref_squeeze %dma_wait3A_234 : memref<1x40x128xf32, #tpu.memory_space<hbm>> -> memref<40x128xf32, #tpu.memory_space<hbm>>
        %dma_wait3A_236 = arith.constant 0 : i32
        %dma_wait3A_237 = tpu.memref_slice %arg5[%arg0, %mul3A_227, %dma_wait3A_236] : memref<2x10000x128xf32, #tpu.memory_space<hbm>> -> memref<1x40x128xf32, #tpu.memory_space<hbm>>
        %dma_wait3A_238 = tpu.memref_squeeze %dma_wait3A_237 : memref<1x40x128xf32, #tpu.memory_space<hbm>> -> memref<40x128xf32, #tpu.memory_space<hbm>>
        tpu.wait_dma2 semaphore(%run_scoped3A : memref<!tpu.dma_semaphore, #tpu.memory_space<semaphore_mem>>) src(%arg10 : memref<40x128xf32, #tpu.memory_space<vmem>>) dst(%dma_wait3A_238 : memref<40x128xf32, #tpu.memory_space<hbm>>)
        tpu.yield
      }) : () -> ()
    } else {
    }
    %add3A_212 = arith.constant 224 : i32
    %add3A_213 = arith.addi %arg1, %add3A_212 : i32
    %lt3A_214 = arith.constant 250 : i32
    %lt3A_215 = arith.cmpi slt, %add3A_213, %lt3A_214 : i32
    %convert_element_type3A_216 = arith.extui %lt3A_215 : i1 to i32
    %cond3A_217 = arith.constant 0 : i32
    %cond3A_218 = arith.cmpi ne, %convert_element_type3A_216, %cond3A_217 : i32
    scf.if %cond3A_218 {
      %mul3A_226 = arith.constant 40 : i32
      %mul3A_227 = arith.muli %add3A_213, %mul3A_226 : i32
      "tpu.region"() ({
        %run_scoped3A = tpu.sem_alloc : memref<!tpu.dma_semaphore, #tpu.memory_space<semaphore_mem>>
        %dma_start3A_228 = arith.constant 0 : i32
        %dma_start3A_229 = tpu.memref_slice %arg11[%mul3A_227, %dma_start3A_228] : memref<10240x128xf32, #tpu.memory_space<vmem_shared>> -> memref<40x128xf32, #tpu.memory_space<vmem_shared>>
        %dma_start3A_230 = arith.constant 0 : i32
        %dma_start3A_231 = tpu.memref_slice %arg11[%mul3A_227, %dma_start3A_230] : memref<10240x128xf32, #tpu.memory_space<vmem_shared>> -> memref<40x128xf32, #tpu.memory_space<vmem_shared>>
        tpu.enqueue_dma source(%dma_start3A_231 : memref<40x128xf32, #tpu.memory_space<vmem_shared>>) target(%arg10 : memref<40x128xf32, #tpu.memory_space<vmem>>) target_semaphore(%run_scoped3A : memref<!tpu.dma_semaphore, #tpu.memory_space<semaphore_mem>>)
        %dma_wait3A = arith.constant 0 : i32
        %dma_wait3A_232 = tpu.memref_slice %arg11[%mul3A_227, %dma_wait3A] : memref<10240x128xf32, #tpu.memory_space<vmem_shared>> -> memref<40x128xf32, #tpu.memory_space<vmem_shared>>
        %dma_wait3A_233 = arith.constant 0 : i32
        %dma_wait3A_234 = tpu.memref_slice %arg11[%mul3A_227, %dma_wait3A_233] : memref<10240x128xf32, #tpu.memory_space<vmem_shared>> -> memref<40x128xf32, #tpu.memory_space<vmem_shared>>
        tpu.wait_dma2 semaphore(%run_scoped3A : memref<!tpu.dma_semaphore, #tpu.memory_space<semaphore_mem>>) src(%dma_wait3A_234 : memref<40x128xf32, #tpu.memory_space<vmem_shared>>) dst(%arg10 : memref<40x128xf32, #tpu.memory_space<vmem>>)
        tpu.yield
      }) : () -> ()
      "tpu.region"() ({
        %run_scoped3A = tpu.sem_alloc : memref<!tpu.dma_semaphore, #tpu.memory_space<semaphore_mem>>
        %dma_start3A_228 = arith.constant 0 : i32
        %dma_start3A_229 = tpu.memref_slice %arg5[%arg0, %mul3A_227, %dma_start3A_228] : memref<2x10000x128xf32, #tpu.memory_space<hbm>> -> memref<1x40x128xf32, #tpu.memory_space<hbm>>
        %dma_start3A_230 = tpu.memref_squeeze %dma_start3A_229 : memref<1x40x128xf32, #tpu.memory_space<hbm>> -> memref<40x128xf32, #tpu.memory_space<hbm>>
        %dma_start3A_231 = arith.constant 0 : i32
        %dma_start3A_232 = tpu.memref_slice %arg5[%arg0, %mul3A_227, %dma_start3A_231] : memref<2x10000x128xf32, #tpu.memory_space<hbm>> -> memref<1x40x128xf32, #tpu.memory_space<hbm>>
        %dma_start3A_233 = tpu.memref_squeeze %dma_start3A_232 : memref<1x40x128xf32, #tpu.memory_space<hbm>> -> memref<40x128xf32, #tpu.memory_space<hbm>>
        tpu.enqueue_dma source(%arg10 : memref<40x128xf32, #tpu.memory_space<vmem>>) target(%dma_start3A_233 : memref<40x128xf32, #tpu.memory_space<hbm>>) target_semaphore(%run_scoped3A : memref<!tpu.dma_semaphore, #tpu.memory_space<semaphore_mem>>)
        %dma_wait3A = arith.constant 0 : i32
        %dma_wait3A_234 = tpu.memref_slice %arg5[%arg0, %mul3A_227, %dma_wait3A] : memref<2x10000x128xf32, #tpu.memory_space<hbm>> -> memref<1x40x128xf32, #tpu.memory_space<hbm>>
        %dma_wait3A_235 = tpu.memref_squeeze %dma_wait3A_234 : memref<1x40x128xf32, #tpu.memory_space<hbm>> -> memref<40x128xf32, #tpu.memory_space<hbm>>
        %dma_wait3A_236 = arith.constant 0 : i32
        %dma_wait3A_237 = tpu.memref_slice %arg5[%arg0, %mul3A_227, %dma_wait3A_236] : memref<2x10000x128xf32, #tpu.memory_space<hbm>> -> memref<1x40x128xf32, #tpu.memory_space<hbm>>
        %dma_wait3A_238 = tpu.memref_squeeze %dma_wait3A_237 : memref<1x40x128xf32, #tpu.memory_space<hbm>> -> memref<40x128xf32, #tpu.memory_space<hbm>>
        tpu.wait_dma2 semaphore(%run_scoped3A : memref<!tpu.dma_semaphore, #tpu.memory_space<semaphore_mem>>) src(%arg10 : memref<40x128xf32, #tpu.memory_space<vmem>>) dst(%dma_wait3A_238 : memref<40x128xf32, #tpu.memory_space<hbm>>)
        tpu.yield
      }) : () -> ()
    } else {
    }
    %add3A_219 = arith.constant 240 : i32
    %add3A_220 = arith.addi %arg1, %add3A_219 : i32
    %lt3A_221 = arith.constant 250 : i32
    %lt3A_222 = arith.cmpi slt, %add3A_220, %lt3A_221 : i32
    %convert_element_type3A_223 = arith.extui %lt3A_222 : i1 to i32
    %cond3A_224 = arith.constant 0 : i32
    %cond3A_225 = arith.cmpi ne, %convert_element_type3A_223, %cond3A_224 : i32
    scf.if %cond3A_225 {
      %mul3A_226 = arith.constant 40 : i32
      %mul3A_227 = arith.muli %add3A_220, %mul3A_226 : i32
      "tpu.region"() ({
        %run_scoped3A = tpu.sem_alloc : memref<!tpu.dma_semaphore, #tpu.memory_space<semaphore_mem>>
        %dma_start3A_228 = arith.constant 0 : i32
        %dma_start3A_229 = tpu.memref_slice %arg11[%mul3A_227, %dma_start3A_228] : memref<10240x128xf32, #tpu.memory_space<vmem_shared>> -> memref<40x128xf32, #tpu.memory_space<vmem_shared>>
        %dma_start3A_230 = arith.constant 0 : i32
        %dma_start3A_231 = tpu.memref_slice %arg11[%mul3A_227, %dma_start3A_230] : memref<10240x128xf32, #tpu.memory_space<vmem_shared>> -> memref<40x128xf32, #tpu.memory_space<vmem_shared>>
        tpu.enqueue_dma source(%dma_start3A_231 : memref<40x128xf32, #tpu.memory_space<vmem_shared>>) target(%arg10 : memref<40x128xf32, #tpu.memory_space<vmem>>) target_semaphore(%run_scoped3A : memref<!tpu.dma_semaphore, #tpu.memory_space<semaphore_mem>>)
        %dma_wait3A = arith.constant 0 : i32
        %dma_wait3A_232 = tpu.memref_slice %arg11[%mul3A_227, %dma_wait3A] : memref<10240x128xf32, #tpu.memory_space<vmem_shared>> -> memref<40x128xf32, #tpu.memory_space<vmem_shared>>
        %dma_wait3A_233 = arith.constant 0 : i32
        %dma_wait3A_234 = tpu.memref_slice %arg11[%mul3A_227, %dma_wait3A_233] : memref<10240x128xf32, #tpu.memory_space<vmem_shared>> -> memref<40x128xf32, #tpu.memory_space<vmem_shared>>
        tpu.wait_dma2 semaphore(%run_scoped3A : memref<!tpu.dma_semaphore, #tpu.memory_space<semaphore_mem>>) src(%dma_wait3A_234 : memref<40x128xf32, #tpu.memory_space<vmem_shared>>) dst(%arg10 : memref<40x128xf32, #tpu.memory_space<vmem>>)
        tpu.yield
      }) : () -> ()
      "tpu.region"() ({
        %run_scoped3A = tpu.sem_alloc : memref<!tpu.dma_semaphore, #tpu.memory_space<semaphore_mem>>
        %dma_start3A_228 = arith.constant 0 : i32
        %dma_start3A_229 = tpu.memref_slice %arg5[%arg0, %mul3A_227, %dma_start3A_228] : memref<2x10000x128xf32, #tpu.memory_space<hbm>> -> memref<1x40x128xf32, #tpu.memory_space<hbm>>
        %dma_start3A_230 = tpu.memref_squeeze %dma_start3A_229 : memref<1x40x128xf32, #tpu.memory_space<hbm>> -> memref<40x128xf32, #tpu.memory_space<hbm>>
        %dma_start3A_231 = arith.constant 0 : i32
        %dma_start3A_232 = tpu.memref_slice %arg5[%arg0, %mul3A_227, %dma_start3A_231] : memref<2x10000x128xf32, #tpu.memory_space<hbm>> -> memref<1x40x128xf32, #tpu.memory_space<hbm>>
        %dma_start3A_233 = tpu.memref_squeeze %dma_start3A_232 : memref<1x40x128xf32, #tpu.memory_space<hbm>> -> memref<40x128xf32, #tpu.memory_space<hbm>>
        tpu.enqueue_dma source(%arg10 : memref<40x128xf32, #tpu.memory_space<vmem>>) target(%dma_start3A_233 : memref<40x128xf32, #tpu.memory_space<hbm>>) target_semaphore(%run_scoped3A : memref<!tpu.dma_semaphore, #tpu.memory_space<semaphore_mem>>)
        %dma_wait3A = arith.constant 0 : i32
        %dma_wait3A_234 = tpu.memref_slice %arg5[%arg0, %mul3A_227, %dma_wait3A] : memref<2x10000x128xf32, #tpu.memory_space<hbm>> -> memref<1x40x128xf32, #tpu.memory_space<hbm>>
        %dma_wait3A_235 = tpu.memref_squeeze %dma_wait3A_234 : memref<1x40x128xf32, #tpu.memory_space<hbm>> -> memref<40x128xf32, #tpu.memory_space<hbm>>
        %dma_wait3A_236 = arith.constant 0 : i32
        %dma_wait3A_237 = tpu.memref_slice %arg5[%arg0, %mul3A_227, %dma_wait3A_236] : memref<2x10000x128xf32, #tpu.memory_space<hbm>> -> memref<1x40x128xf32, #tpu.memory_space<hbm>>
        %dma_wait3A_238 = tpu.memref_squeeze %dma_wait3A_237 : memref<1x40x128xf32, #tpu.memory_space<hbm>> -> memref<40x128xf32, #tpu.memory_space<hbm>>
        tpu.wait_dma2 semaphore(%run_scoped3A : memref<!tpu.dma_semaphore, #tpu.memory_space<semaphore_mem>>) src(%arg10 : memref<40x128xf32, #tpu.memory_space<vmem>>) dst(%dma_wait3A_238 : memref<40x128xf32, #tpu.memory_space<hbm>>)
        tpu.yield
      }) : () -> ()
    } else {
    }
    return
  }
}

#map = affine_map<(d0, d1) -> (0, 0)>
#map1 = affine_map<(d0, d1) -> (0)>
module attributes {stable_mosaic.version = 14 : i64} {
  func.func @_sc_degree(%arg0: i32, %arg1: i32, %arg2: memref<2x320000xi32, #tpu.memory_space<hbm>>, %arg3: memref<128xf32, #tpu.memory_space<hbm>>, %arg4: memref<1000xf32, #tpu.memory_space<hbm>>, %arg5: memref<20000xf32, #tpu.memory_space<hbm>>, %arg6: memref<2x10240xi32, #tpu.memory_space<vmem>>, %arg7: memref<128xf32, #tpu.memory_space<vmem>>, %arg8: memref<1000xf32, #tpu.memory_space<vmem>>, %arg9: memref<10240xf32, #tpu.memory_space<vmem_shared>>) attributes {dimension_semantics = [#tpu.dimension_semantics<core_parallel>, #tpu.dimension_semantics<subcore_parallel>], iteration_bounds = array<i64: 2, 16>, scalar_prefetch = 0 : i64, scratch_operands = 4 : i64, tpu.core_type = #tpu.core_type<sc_vector_subcore>, window_params = [{transform_indices = #map}, {transform_indices = #map1}, {transform_indices = #map1}, {transform_indices = #map1}]} {
    %mul3A = arith.constant 1250 : i32
    %mul3A_0 = arith.muli %arg0, %mul3A : i32
    %eq3A = arith.constant 0 : i32
    %eq3A_1 = arith.cmpi eq, %arg1, %eq3A : i32
    %sub3A = arith.constant 1 : i32
    %sub3A_2 = arith.subi %arg1, %sub3A : i32
    %mul3A_3 = arith.constant 78 : i32
    %mul3A_4 = arith.muli %mul3A_3, %sub3A_2 : i32
    %add3A = arith.constant 80 : i32
    %add3A_5 = arith.addi %add3A, %mul3A_4 : i32
    %select_n3A = arith.constant 0 : i32
    %select_n3A_6 = arith.select %eq3A_1, %select_n3A, %add3A_5 : i32
    %add3A_7 = arith.addi %mul3A_0, %select_n3A_6 : i32
    %eq3A_8 = arith.constant 0 : i32
    %eq3A_9 = arith.cmpi eq, %arg1, %eq3A_8 : i32
    %select_n3A_10 = arith.constant 78 : i32
    %select_n3A_11 = arith.constant 80 : i32
    %select_n3A_12 = arith.select %eq3A_9, %select_n3A_11, %select_n3A_10 : i32
    %lt3A = arith.constant 10 : i32
    %lt3A_13 = arith.cmpi slt, %arg1, %lt3A : i32
    %convert_element_type3A = arith.extui %lt3A_13 : i1 to i32
    %cond3A = arith.constant 0 : i32
    %cond3A_14 = arith.cmpi ne, %convert_element_type3A, %cond3A : i32
    scf.if %cond3A_14 {
      "tpu.region"() ({
        %run_scoped3A = tpu.sem_alloc : memref<!tpu.dma_semaphore, #tpu.memory_space<semaphore_mem>>
        tpu.enqueue_dma source(%arg4 : memref<1000xf32, #tpu.memory_space<hbm>>) target(%arg8 : memref<1000xf32, #tpu.memory_space<vmem>>) target_semaphore(%run_scoped3A : memref<!tpu.dma_semaphore, #tpu.memory_space<semaphore_mem>>)
        tpu.wait_dma2 semaphore(%run_scoped3A : memref<!tpu.dma_semaphore, #tpu.memory_space<semaphore_mem>>) src(%arg4 : memref<1000xf32, #tpu.memory_space<hbm>>) dst(%arg8 : memref<1000xf32, #tpu.memory_space<vmem>>)
        tpu.yield
      }) : () -> ()
      %mul3A_39 = arith.constant 1000 : i32
      %mul3A_40 = arith.muli %arg1, %mul3A_39 : i32
      "tpu.region"() ({
        %run_scoped3A = tpu.sem_alloc : memref<!tpu.dma_semaphore, #tpu.memory_space<semaphore_mem>>
        %dma_start3A = tpu.memref_slice %arg9[%mul3A_40] : memref<10240xf32, #tpu.memory_space<vmem_shared>> -> memref<1000xf32, #tpu.memory_space<vmem_shared>>
        %dma_start3A_41 = tpu.memref_slice %arg9[%mul3A_40] : memref<10240xf32, #tpu.memory_space<vmem_shared>> -> memref<1000xf32, #tpu.memory_space<vmem_shared>>
        tpu.enqueue_dma source(%arg8 : memref<1000xf32, #tpu.memory_space<vmem>>) target(%dma_start3A_41 : memref<1000xf32, #tpu.memory_space<vmem_shared>>) target_semaphore(%run_scoped3A : memref<!tpu.dma_semaphore, #tpu.memory_space<semaphore_mem>>)
        %dma_wait3A = tpu.memref_slice %arg9[%mul3A_40] : memref<10240xf32, #tpu.memory_space<vmem_shared>> -> memref<1000xf32, #tpu.memory_space<vmem_shared>>
        %dma_wait3A_42 = tpu.memref_slice %arg9[%mul3A_40] : memref<10240xf32, #tpu.memory_space<vmem_shared>> -> memref<1000xf32, #tpu.memory_space<vmem_shared>>
        tpu.wait_dma2 semaphore(%run_scoped3A : memref<!tpu.dma_semaphore, #tpu.memory_space<semaphore_mem>>) src(%arg8 : memref<1000xf32, #tpu.memory_space<vmem>>) dst(%dma_wait3A_42 : memref<1000xf32, #tpu.memory_space<vmem_shared>>)
        tpu.yield
      }) : () -> ()
    } else {
    }
    %eq3A_15 = arith.constant 0 : i32
    %eq3A_16 = arith.cmpi eq, %arg1, %eq3A_15 : i32
    %convert_element_type3A_17 = arith.extui %eq3A_16 : i1 to i32
    %cond3A_18 = arith.constant 0 : i32
    %cond3A_19 = arith.cmpi ne, %convert_element_type3A_17, %cond3A_18 : i32
    scf.if %cond3A_19 {
      %mul3A_39 = arith.constant 128 : i32
      %mul3A_40 = arith.muli %add3A_7, %mul3A_39 : i32
      "tpu.region"() ({
        %run_scoped3A = tpu.sem_alloc : memref<!tpu.dma_semaphore, #tpu.memory_space<semaphore_mem>>
        %dma_start3A = arith.constant 0 : i32
        %dma_start3A_41 = tpu.memref_slice %arg2[%dma_start3A, %mul3A_40] : memref<2x320000xi32, #tpu.memory_space<hbm>> -> memref<2x10240xi32, #tpu.memory_space<hbm>>
        %dma_start3A_42 = arith.constant 0 : i32
        %dma_start3A_43 = tpu.memref_slice %arg2[%dma_start3A_42, %mul3A_40] : memref<2x320000xi32, #tpu.memory_space<hbm>> -> memref<2x10240xi32, #tpu.memory_space<hbm>>
        tpu.enqueue_dma source(%dma_start3A_43 : memref<2x10240xi32, #tpu.memory_space<hbm>>) target(%arg6 : memref<2x10240xi32, #tpu.memory_space<vmem>>) target_semaphore(%run_scoped3A : memref<!tpu.dma_semaphore, #tpu.memory_space<semaphore_mem>>)
        %dma_wait3A = arith.constant 0 : i32
        %dma_wait3A_44 = tpu.memref_slice %arg2[%dma_wait3A, %mul3A_40] : memref<2x320000xi32, #tpu.memory_space<hbm>> -> memref<2x10240xi32, #tpu.memory_space<hbm>>
        %dma_wait3A_45 = arith.constant 0 : i32
        %dma_wait3A_46 = tpu.memref_slice %arg2[%dma_wait3A_45, %mul3A_40] : memref<2x320000xi32, #tpu.memory_space<hbm>> -> memref<2x10240xi32, #tpu.memory_space<hbm>>
        tpu.wait_dma2 semaphore(%run_scoped3A : memref<!tpu.dma_semaphore, #tpu.memory_space<semaphore_mem>>) src(%dma_wait3A_46 : memref<2x10240xi32, #tpu.memory_space<hbm>>) dst(%arg6 : memref<2x10240xi32, #tpu.memory_space<vmem>>)
        tpu.yield
      }) : () -> ()
    } else {
    }
    %gt3A = arith.constant 0 : i32
    %gt3A_20 = arith.cmpi sgt, %arg1, %gt3A : i32
    %convert_element_type3A_21 = arith.extui %gt3A_20 : i1 to i32
    %cond3A_22 = arith.constant 0 : i32
    %cond3A_23 = arith.cmpi ne, %convert_element_type3A_21, %cond3A_22 : i32
    scf.if %cond3A_23 {
      %mul3A_39 = arith.constant 128 : i32
      %mul3A_40 = arith.muli %add3A_7, %mul3A_39 : i32
      "tpu.region"() ({
        %run_scoped3A = tpu.sem_alloc : memref<!tpu.dma_semaphore, #tpu.memory_space<semaphore_mem>>
        %dma_start3A = arith.constant 0 : i32
        %dma_start3A_41 = arith.constant 0 : i32
        %dma_start3A_42 = tpu.memref_slice %arg6[%dma_start3A, %dma_start3A_41] : memref<2x10240xi32, #tpu.memory_space<vmem>> -> memref<2x9984xi32, #tpu.memory_space<vmem>>
        %dma_start3A_43 = arith.constant 0 : i32
        %dma_start3A_44 = tpu.memref_slice %arg2[%dma_start3A_43, %mul3A_40] : memref<2x320000xi32, #tpu.memory_space<hbm>> -> memref<2x9984xi32, #tpu.memory_space<hbm>>
        %dma_start3A_45 = arith.constant 0 : i32
        %dma_start3A_46 = arith.constant 0 : i32
        %dma_start3A_47 = tpu.memref_slice %arg6[%dma_start3A_45, %dma_start3A_46] : memref<2x10240xi32, #tpu.memory_space<vmem>> -> memref<2x9984xi32, #tpu.memory_space<vmem>>
        %dma_start3A_48 = arith.constant 0 : i32
        %dma_start3A_49 = tpu.memref_slice %arg2[%dma_start3A_48, %mul3A_40] : memref<2x320000xi32, #tpu.memory_space<hbm>> -> memref<2x9984xi32, #tpu.memory_space<hbm>>
        tpu.enqueue_dma source(%dma_start3A_49 : memref<2x9984xi32, #tpu.memory_space<hbm>>) target(%dma_start3A_47 : memref<2x9984xi32, #tpu.memory_space<vmem>>) target_semaphore(%run_scoped3A : memref<!tpu.dma_semaphore, #tpu.memory_space<semaphore_mem>>)
        %dma_wait3A = arith.constant 0 : i32
        %dma_wait3A_50 = arith.constant 0 : i32
        %dma_wait3A_51 = tpu.memref_slice %arg6[%dma_wait3A, %dma_wait3A_50] : memref<2x10240xi32, #tpu.memory_space<vmem>> -> memref<2x9984xi32, #tpu.memory_space<vmem>>
        %dma_wait3A_52 = arith.constant 0 : i32
        %dma_wait3A_53 = tpu.memref_slice %arg2[%dma_wait3A_52, %mul3A_40] : memref<2x320000xi32, #tpu.memory_space<hbm>> -> memref<2x9984xi32, #tpu.memory_space<hbm>>
        %dma_wait3A_54 = arith.constant 0 : i32
        %dma_wait3A_55 = arith.constant 0 : i32
        %dma_wait3A_56 = tpu.memref_slice %arg6[%dma_wait3A_54, %dma_wait3A_55] : memref<2x10240xi32, #tpu.memory_space<vmem>> -> memref<2x9984xi32, #tpu.memory_space<vmem>>
        %dma_wait3A_57 = arith.constant 0 : i32
        %dma_wait3A_58 = tpu.memref_slice %arg2[%dma_wait3A_57, %mul3A_40] : memref<2x320000xi32, #tpu.memory_space<hbm>> -> memref<2x9984xi32, #tpu.memory_space<hbm>>
        tpu.wait_dma2 semaphore(%run_scoped3A : memref<!tpu.dma_semaphore, #tpu.memory_space<semaphore_mem>>) src(%dma_wait3A_58 : memref<2x9984xi32, #tpu.memory_space<hbm>>) dst(%dma_wait3A_56 : memref<2x9984xi32, #tpu.memory_space<vmem>>)
        tpu.yield
      }) : () -> ()
    } else {
    }
    "tpu.region"() ({
      %run_scoped3A = tpu.sem_alloc : memref<!tpu.dma_semaphore, #tpu.memory_space<semaphore_mem>>
      tpu.enqueue_dma source(%arg3 : memref<128xf32, #tpu.memory_space<hbm>>) target(%arg7 : memref<128xf32, #tpu.memory_space<vmem>>) target_semaphore(%run_scoped3A : memref<!tpu.dma_semaphore, #tpu.memory_space<semaphore_mem>>)
      tpu.wait_dma2 semaphore(%run_scoped3A : memref<!tpu.dma_semaphore, #tpu.memory_space<semaphore_mem>>) src(%arg3 : memref<128xf32, #tpu.memory_space<hbm>>) dst(%arg7 : memref<128xf32, #tpu.memory_space<vmem>>)
      tpu.yield
    }) : () -> ()
    %barrier3A = arith.constant 0 : index
    tpu.barrier barrier_id(%barrier3A)
    %while3A = arith.constant 0 : i32
    %while3A_24 = arith.constant 0 : i32
    %while3A_25 = arith.subi %select_n3A_12, %while3A_24 : i32
    %while3A_26 = arith.addi %while3A_24, %while3A_25 : i32
    %while3A_27 = arith.constant 1 : i32
    %while3A_28 = arith.divsi %while3A_25, %while3A_27 : i32
    %while3A_29 = arith.muli %while3A_28, %while3A_27 : i32
    %while3A_30 = arith.addi %while3A_24, %while3A_29 : i32
    %while3A_31 = arith.constant 1 : i32
    scf.for %while3A_39 = %while3A_24 to %while3A_30 step %while3A_31  : i32 {
      %mul3A_40 = arith.constant 128 : i32
      %mul3A_41 = arith.muli %while3A_39, %mul3A_40 : i32
      %run_scoped3A = arith.constant 1 : i32
      "tpu.region"() ({
        %run_scoped3A_42 = tpu.sem_alloc : memref<!tpu.dma_semaphore, #tpu.memory_space<semaphore_mem>>
        %dma_start3A = tpu.memref_slice %arg6[%run_scoped3A, %mul3A_41] : memref<2x10240xi32, #tpu.memory_space<vmem>> -> memref<1x128xi32, #tpu.memory_space<vmem>>
        %dma_start3A_43 = tpu.memref_squeeze %dma_start3A : memref<1x128xi32, #tpu.memory_space<vmem>> -> memref<128xi32, #tpu.memory_space<vmem>>
        %dma_start3A_44 = arith.constant 0 : i32
        %dma_start3A_45 = tpu.memref_slice %arg9[%dma_start3A_44] : memref<10240xf32, #tpu.memory_space<vmem_shared>> -> memref<10240xf32, #tpu.memory_space<vmem_shared>>
        tpu.enqueue_indirect_dma source(%arg7 : memref<128xf32, #tpu.memory_space<vmem>>) target(%dma_start3A_45 : memref<10240xf32, #tpu.memory_space<vmem_shared>>) offsets(%dma_start3A_43 : memref<128xi32, #tpu.memory_space<vmem>>) semaphore(%run_scoped3A_42 : memref<!tpu.dma_semaphore, #tpu.memory_space<semaphore_mem>>) {add = true}
        %dma_wait3A = tpu.memref_slice %arg6[%run_scoped3A, %mul3A_41] : memref<2x10240xi32, #tpu.memory_space<vmem>> -> memref<1x128xi32, #tpu.memory_space<vmem>>
        %dma_wait3A_46 = tpu.memref_squeeze %dma_wait3A : memref<1x128xi32, #tpu.memory_space<vmem>> -> memref<128xi32, #tpu.memory_space<vmem>>
        %dma_wait3A_47 = arith.constant 0 : i32
        %dma_wait3A_48 = tpu.memref_slice %arg9[%dma_wait3A_47] : memref<10240xf32, #tpu.memory_space<vmem_shared>> -> memref<10240xf32, #tpu.memory_space<vmem_shared>>
        tpu.wait_indirect_dma semaphore(%run_scoped3A_42 : memref<!tpu.dma_semaphore, #tpu.memory_space<semaphore_mem>>) src(%arg7 : memref<128xf32, #tpu.memory_space<vmem>>) dst(%dma_wait3A_48 : memref<10240xf32, #tpu.memory_space<vmem_shared>>)
        tpu.yield
      }) : () -> ()
    }
    %while3A_32 = arith.constant 1 : i32
    scf.for %while3A_39 = %while3A_30 to %while3A_26 step %while3A_32  : i32 {
      %mul3A_40 = arith.constant 128 : i32
      %mul3A_41 = arith.muli %while3A_39, %mul3A_40 : i32
      %run_scoped3A = arith.constant 1 : i32
      "tpu.region"() ({
        %run_scoped3A_42 = tpu.sem_alloc : memref<!tpu.dma_semaphore, #tpu.memory_space<semaphore_mem>>
        %dma_start3A = tpu.memref_slice %arg6[%run_scoped3A, %mul3A_41] : memref<2x10240xi32, #tpu.memory_space<vmem>> -> memref<1x128xi32, #tpu.memory_space<vmem>>
        %dma_start3A_43 = tpu.memref_squeeze %dma_start3A : memref<1x128xi32, #tpu.memory_space<vmem>> -> memref<128xi32, #tpu.memory_space<vmem>>
        %dma_start3A_44 = arith.constant 0 : i32
        %dma_start3A_45 = tpu.memref_slice %arg9[%dma_start3A_44] : memref<10240xf32, #tpu.memory_space<vmem_shared>> -> memref<10240xf32, #tpu.memory_space<vmem_shared>>
        tpu.enqueue_indirect_dma source(%arg7 : memref<128xf32, #tpu.memory_space<vmem>>) target(%dma_start3A_45 : memref<10240xf32, #tpu.memory_space<vmem_shared>>) offsets(%dma_start3A_43 : memref<128xi32, #tpu.memory_space<vmem>>) semaphore(%run_scoped3A_42 : memref<!tpu.dma_semaphore, #tpu.memory_space<semaphore_mem>>) {add = true}
        %dma_wait3A = tpu.memref_slice %arg6[%run_scoped3A, %mul3A_41] : memref<2x10240xi32, #tpu.memory_space<vmem>> -> memref<1x128xi32, #tpu.memory_space<vmem>>
        %dma_wait3A_46 = tpu.memref_squeeze %dma_wait3A : memref<1x128xi32, #tpu.memory_space<vmem>> -> memref<128xi32, #tpu.memory_space<vmem>>
        %dma_wait3A_47 = arith.constant 0 : i32
        %dma_wait3A_48 = tpu.memref_slice %arg9[%dma_wait3A_47] : memref<10240xf32, #tpu.memory_space<vmem_shared>> -> memref<10240xf32, #tpu.memory_space<vmem_shared>>
        tpu.wait_indirect_dma semaphore(%run_scoped3A_42 : memref<!tpu.dma_semaphore, #tpu.memory_space<semaphore_mem>>) src(%arg7 : memref<128xf32, #tpu.memory_space<vmem>>) dst(%dma_wait3A_48 : memref<10240xf32, #tpu.memory_space<vmem_shared>>)
        tpu.yield
      }) : () -> ()
    }
    %barrier3A_33 = arith.constant 0 : index
    tpu.barrier barrier_id(%barrier3A_33)
    %lt3A_34 = arith.constant 10 : i32
    %lt3A_35 = arith.cmpi slt, %arg1, %lt3A_34 : i32
    %convert_element_type3A_36 = arith.extui %lt3A_35 : i1 to i32
    %cond3A_37 = arith.constant 0 : i32
    %cond3A_38 = arith.cmpi ne, %convert_element_type3A_36, %cond3A_37 : i32
    scf.if %cond3A_38 {
      %mul3A_39 = arith.constant 1000 : i32
      %mul3A_40 = arith.muli %arg1, %mul3A_39 : i32
      "tpu.region"() ({
        %run_scoped3A = tpu.sem_alloc : memref<!tpu.dma_semaphore, #tpu.memory_space<semaphore_mem>>
        %dma_start3A = tpu.memref_slice %arg9[%mul3A_40] : memref<10240xf32, #tpu.memory_space<vmem_shared>> -> memref<1000xf32, #tpu.memory_space<vmem_shared>>
        %dma_start3A_46 = tpu.memref_slice %arg9[%mul3A_40] : memref<10240xf32, #tpu.memory_space<vmem_shared>> -> memref<1000xf32, #tpu.memory_space<vmem_shared>>
        tpu.enqueue_dma source(%dma_start3A_46 : memref<1000xf32, #tpu.memory_space<vmem_shared>>) target(%arg8 : memref<1000xf32, #tpu.memory_space<vmem>>) target_semaphore(%run_scoped3A : memref<!tpu.dma_semaphore, #tpu.memory_space<semaphore_mem>>)
        %dma_wait3A = tpu.memref_slice %arg9[%mul3A_40] : memref<10240xf32, #tpu.memory_space<vmem_shared>> -> memref<1000xf32, #tpu.memory_space<vmem_shared>>
        %dma_wait3A_47 = tpu.memref_slice %arg9[%mul3A_40] : memref<10240xf32, #tpu.memory_space<vmem_shared>> -> memref<1000xf32, #tpu.memory_space<vmem_shared>>
        tpu.wait_dma2 semaphore(%run_scoped3A : memref<!tpu.dma_semaphore, #tpu.memory_space<semaphore_mem>>) src(%dma_wait3A_47 : memref<1000xf32, #tpu.memory_space<vmem_shared>>) dst(%arg8 : memref<1000xf32, #tpu.memory_space<vmem>>)
        tpu.yield
      }) : () -> ()
      %mul3A_41 = arith.constant 10000 : i32
      %mul3A_42 = arith.muli %arg0, %mul3A_41 : i32
      %mul3A_43 = arith.constant 1000 : i32
      %mul3A_44 = arith.muli %arg1, %mul3A_43 : i32
      %add3A_45 = arith.addi %mul3A_42, %mul3A_44 : i32
      "tpu.region"() ({
        %run_scoped3A = tpu.sem_alloc : memref<!tpu.dma_semaphore, #tpu.memory_space<semaphore_mem>>
        %dma_start3A = tpu.memref_slice %arg5[%add3A_45] : memref<20000xf32, #tpu.memory_space<hbm>> -> memref<1000xf32, #tpu.memory_space<hbm>>
        %dma_start3A_46 = tpu.memref_slice %arg5[%add3A_45] : memref<20000xf32, #tpu.memory_space<hbm>> -> memref<1000xf32, #tpu.memory_space<hbm>>
        tpu.enqueue_dma source(%arg8 : memref<1000xf32, #tpu.memory_space<vmem>>) target(%dma_start3A_46 : memref<1000xf32, #tpu.memory_space<hbm>>) target_semaphore(%run_scoped3A : memref<!tpu.dma_semaphore, #tpu.memory_space<semaphore_mem>>)
        %dma_wait3A = tpu.memref_slice %arg5[%add3A_45] : memref<20000xf32, #tpu.memory_space<hbm>> -> memref<1000xf32, #tpu.memory_space<hbm>>
        %dma_wait3A_47 = tpu.memref_slice %arg5[%add3A_45] : memref<20000xf32, #tpu.memory_space<hbm>> -> memref<1000xf32, #tpu.memory_space<hbm>>
        tpu.wait_dma2 semaphore(%run_scoped3A : memref<!tpu.dma_semaphore, #tpu.memory_space<semaphore_mem>>) src(%arg8 : memref<1000xf32, #tpu.memory_space<vmem>>) dst(%dma_wait3A_47 : memref<1000xf32, #tpu.memory_space<hbm>>)
        tpu.yield
      }) : () -> ()
    } else {
    }
    return
  }
}

#map = affine_map<(d0, d1) -> (0, 0)>
#map1 = affine_map<(d0, d1) -> (0, 0, 0)>
module attributes {stable_mosaic.version = 14 : i64} {
  func.func @_sc_aggregate(%arg0: i32, %arg1: i32, %arg2: memref<10000x128xf32, #tpu.memory_space<hbm>>, %arg3: memref<2x320000xi32, #tpu.memory_space<hbm>>, %arg4: memref<40x128xf32, #tpu.memory_space<hbm>>, %arg5: memref<2x10000x128xf32, #tpu.memory_space<hbm>>, %arg6: memref<2x128xi32, #tpu.memory_space<vmem>>, %arg7: memref<2x128xi32, #tpu.memory_space<vmem>>, %arg8: memref<128x128xf32, #tpu.memory_space<vmem>>, %arg9: memref<128x128xf32, #tpu.memory_space<vmem>>, %arg10: memref<40x128xf32, #tpu.memory_space<vmem>>, %arg11: memref<10240x128xf32, #tpu.memory_space<vmem_shared>>, %arg12: memref<!tpu.dma_semaphore, #tpu.memory_space<semaphore_mem>>, %arg13: memref<!tpu.dma_semaphore, #tpu.memory_space<semaphore_mem>>) attributes {dimension_semantics = [#tpu.dimension_semantics<core_parallel>, #tpu.dimension_semantics<subcore_parallel>], iteration_bounds = array<i64: 2, 16>, scalar_prefetch = 0 : i64, scratch_operands = 8 : i64, tpu.core_type = #tpu.core_type<sc_vector_subcore>, window_params = [{transform_indices = #map}, {transform_indices = #map}, {transform_indices = #map}, {transform_indices = #map1}]} {
    %mul3A = arith.constant 1250 : i32
    %mul3A_0 = arith.muli %arg0, %mul3A : i32
    %eq3A = arith.constant 0 : i32
    %eq3A_1 = arith.cmpi eq, %arg1, %eq3A : i32
    %sub3A = arith.constant 1 : i32
    %sub3A_2 = arith.subi %arg1, %sub3A : i32
    %mul3A_3 = arith.constant 78 : i32
    %mul3A_4 = arith.muli %mul3A_3, %sub3A_2 : i32
    %add3A = arith.constant 80 : i32
    %add3A_5 = arith.addi %add3A, %mul3A_4 : i32
    %select_n3A = arith.constant 0 : i32
    %select_n3A_6 = arith.select %eq3A_1, %select_n3A, %add3A_5 : i32
    %add3A_7 = arith.addi %mul3A_0, %select_n3A_6 : i32
    %eq3A_8 = arith.constant 0 : i32
    %eq3A_9 = arith.cmpi eq, %arg1, %eq3A_8 : i32
    %select_n3A_10 = arith.constant 78 : i32
    %select_n3A_11 = arith.constant 80 : i32
    %select_n3A_12 = arith.select %eq3A_9, %select_n3A_11, %select_n3A_10 : i32
    "tpu.region"() ({
      %run_scoped3A = tpu.sem_alloc : memref<!tpu.dma_semaphore, #tpu.memory_space<semaphore_mem>>
      tpu.enqueue_dma source(%arg4 : memref<40x128xf32, #tpu.memory_space<hbm>>) target(%arg10 : memref<40x128xf32, #tpu.memory_space<vmem>>) target_semaphore(%run_scoped3A : memref<!tpu.dma_semaphore, #tpu.memory_space<semaphore_mem>>)
      tpu.wait_dma2 semaphore(%run_scoped3A : memref<!tpu.dma_semaphore, #tpu.memory_space<semaphore_mem>>) src(%arg4 : memref<40x128xf32, #tpu.memory_space<hbm>>) dst(%arg10 : memref<40x128xf32, #tpu.memory_space<vmem>>)
      tpu.yield
    }) : () -> ()
    %mul3A_13 = arith.constant 640 : i32
    %mul3A_14 = arith.muli %arg1, %mul3A_13 : i32
    %add3A_15 = arith.constant 0 : i32
    %add3A_16 = arith.addi %mul3A_14, %add3A_15 : i32
    "tpu.region"() ({
      %run_scoped3A = tpu.sem_alloc : memref<!tpu.dma_semaphore, #tpu.memory_space<semaphore_mem>>
      %dma_start3A_226 = arith.constant 0 : i32
      %dma_start3A_227 = tpu.memref_slice %arg11[%add3A_16, %dma_start3A_226] : memref<10240x128xf32, #tpu.memory_space<vmem_shared>> -> memref<40x128xf32, #tpu.memory_space<vmem_shared>>
      %dma_start3A_228 = arith.constant 0 : i32
      %dma_start3A_229 = tpu.memref_slice %arg11[%add3A_16, %dma_start3A_228] : memref<10240x128xf32, #tpu.memory_space<vmem_shared>> -> memref<40x128xf32, #tpu.memory_space<vmem_shared>>
      tpu.enqueue_dma source(%arg10 : memref<40x128xf32, #tpu.memory_space<vmem>>) target(%dma_start3A_229 : memref<40x128xf32, #tpu.memory_space<vmem_shared>>) target_semaphore(%run_scoped3A : memref<!tpu.dma_semaphore, #tpu.memory_space<semaphore_mem>>)
      %dma_wait3A = arith.constant 0 : i32
      %dma_wait3A_230 = tpu.memref_slice %arg11[%add3A_16, %dma_wait3A] : memref<10240x128xf32, #tpu.memory_space<vmem_shared>> -> memref<40x128xf32, #tpu.memory_space<vmem_shared>>
      %dma_wait3A_231 = arith.constant 0 : i32
      %dma_wait3A_232 = tpu.memref_slice %arg11[%add3A_16, %dma_wait3A_231] : memref<10240x128xf32, #tpu.memory_space<vmem_shared>> -> memref<40x128xf32, #tpu.memory_space<vmem_shared>>
      tpu.wait_dma2 semaphore(%run_scoped3A : memref<!tpu.dma_semaphore, #tpu.memory_space<semaphore_mem>>) src(%arg10 : memref<40x128xf32, #tpu.memory_space<vmem>>) dst(%dma_wait3A_232 : memref<40x128xf32, #tpu.memory_space<vmem_shared>>)
      tpu.yield
    }) : () -> ()
    %mul3A_17 = arith.constant 640 : i32
    %mul3A_18 = arith.muli %arg1, %mul3A_17 : i32
    %add3A_19 = arith.constant 40 : i32
    %add3A_20 = arith.addi %mul3A_18, %add3A_19 : i32
    "tpu.region"() ({
      %run_scoped3A = tpu.sem_alloc : memref<!tpu.dma_semaphore, #tpu.memory_space<semaphore_mem>>
      %dma_start3A_226 = arith.constant 0 : i32
      %dma_start3A_227 = tpu.memref_slice %arg11[%add3A_20, %dma_start3A_226] : memref<10240x128xf32, #tpu.memory_space<vmem_shared>> -> memref<40x128xf32, #tpu.memory_space<vmem_shared>>
      %dma_start3A_228 = arith.constant 0 : i32
      %dma_start3A_229 = tpu.memref_slice %arg11[%add3A_20, %dma_start3A_228] : memref<10240x128xf32, #tpu.memory_space<vmem_shared>> -> memref<40x128xf32, #tpu.memory_space<vmem_shared>>
      tpu.enqueue_dma source(%arg10 : memref<40x128xf32, #tpu.memory_space<vmem>>) target(%dma_start3A_229 : memref<40x128xf32, #tpu.memory_space<vmem_shared>>) target_semaphore(%run_scoped3A : memref<!tpu.dma_semaphore, #tpu.memory_space<semaphore_mem>>)
      %dma_wait3A = arith.constant 0 : i32
      %dma_wait3A_230 = tpu.memref_slice %arg11[%add3A_20, %dma_wait3A] : memref<10240x128xf32, #tpu.memory_space<vmem_shared>> -> memref<40x128xf32, #tpu.memory_space<vmem_shared>>
      %dma_wait3A_231 = arith.constant 0 : i32
      %dma_wait3A_232 = tpu.memref_slice %arg11[%add3A_20, %dma_wait3A_231] : memref<10240x128xf32, #tpu.memory_space<vmem_shared>> -> memref<40x128xf32, #tpu.memory_space<vmem_shared>>
      tpu.wait_dma2 semaphore(%run_scoped3A : memref<!tpu.dma_semaphore, #tpu.memory_space<semaphore_mem>>) src(%arg10 : memref<40x128xf32, #tpu.memory_space<vmem>>) dst(%dma_wait3A_232 : memref<40x128xf32, #tpu.memory_space<vmem_shared>>)
      tpu.yield
    }) : () -> ()
    %mul3A_21 = arith.constant 640 : i32
    %mul3A_22 = arith.muli %arg1, %mul3A_21 : i32
    %add3A_23 = arith.constant 80 : i32
    %add3A_24 = arith.addi %mul3A_22, %add3A_23 : i32
    "tpu.region"() ({
      %run_scoped3A = tpu.sem_alloc : memref<!tpu.dma_semaphore, #tpu.memory_space<semaphore_mem>>
      %dma_start3A_226 = arith.constant 0 : i32
      %dma_start3A_227 = tpu.memref_slice %arg11[%add3A_24, %dma_start3A_226] : memref<10240x128xf32, #tpu.memory_space<vmem_shared>> -> memref<40x128xf32, #tpu.memory_space<vmem_shared>>
      %dma_start3A_228 = arith.constant 0 : i32
      %dma_start3A_229 = tpu.memref_slice %arg11[%add3A_24, %dma_start3A_228] : memref<10240x128xf32, #tpu.memory_space<vmem_shared>> -> memref<40x128xf32, #tpu.memory_space<vmem_shared>>
      tpu.enqueue_dma source(%arg10 : memref<40x128xf32, #tpu.memory_space<vmem>>) target(%dma_start3A_229 : memref<40x128xf32, #tpu.memory_space<vmem_shared>>) target_semaphore(%run_scoped3A : memref<!tpu.dma_semaphore, #tpu.memory_space<semaphore_mem>>)
      %dma_wait3A = arith.constant 0 : i32
      %dma_wait3A_230 = tpu.memref_slice %arg11[%add3A_24, %dma_wait3A] : memref<10240x128xf32, #tpu.memory_space<vmem_shared>> -> memref<40x128xf32, #tpu.memory_space<vmem_shared>>
      %dma_wait3A_231 = arith.constant 0 : i32
      %dma_wait3A_232 = tpu.memref_slice %arg11[%add3A_24, %dma_wait3A_231] : memref<10240x128xf32, #tpu.memory_space<vmem_shared>> -> memref<40x128xf32, #tpu.memory_space<vmem_shared>>
      tpu.wait_dma2 semaphore(%run_scoped3A : memref<!tpu.dma_semaphore, #tpu.memory_space<semaphore_mem>>) src(%arg10 : memref<40x128xf32, #tpu.memory_space<vmem>>) dst(%dma_wait3A_232 : memref<40x128xf32, #tpu.memory_space<vmem_shared>>)
      tpu.yield
    }) : () -> ()
    %mul3A_25 = arith.constant 640 : i32
    %mul3A_26 = arith.muli %arg1, %mul3A_25 : i32
    %add3A_27 = arith.constant 120 : i32
    %add3A_28 = arith.addi %mul3A_26, %add3A_27 : i32
    "tpu.region"() ({
      %run_scoped3A = tpu.sem_alloc : memref<!tpu.dma_semaphore, #tpu.memory_space<semaphore_mem>>
      %dma_start3A_226 = arith.constant 0 : i32
      %dma_start3A_227 = tpu.memref_slice %arg11[%add3A_28, %dma_start3A_226] : memref<10240x128xf32, #tpu.memory_space<vmem_shared>> -> memref<40x128xf32, #tpu.memory_space<vmem_shared>>
      %dma_start3A_228 = arith.constant 0 : i32
      %dma_start3A_229 = tpu.memref_slice %arg11[%add3A_28, %dma_start3A_228] : memref<10240x128xf32, #tpu.memory_space<vmem_shared>> -> memref<40x128xf32, #tpu.memory_space<vmem_shared>>
      tpu.enqueue_dma source(%arg10 : memref<40x128xf32, #tpu.memory_space<vmem>>) target(%dma_start3A_229 : memref<40x128xf32, #tpu.memory_space<vmem_shared>>) target_semaphore(%run_scoped3A : memref<!tpu.dma_semaphore, #tpu.memory_space<semaphore_mem>>)
      %dma_wait3A = arith.constant 0 : i32
      %dma_wait3A_230 = tpu.memref_slice %arg11[%add3A_28, %dma_wait3A] : memref<10240x128xf32, #tpu.memory_space<vmem_shared>> -> memref<40x128xf32, #tpu.memory_space<vmem_shared>>
      %dma_wait3A_231 = arith.constant 0 : i32
      %dma_wait3A_232 = tpu.memref_slice %arg11[%add3A_28, %dma_wait3A_231] : memref<10240x128xf32, #tpu.memory_space<vmem_shared>> -> memref<40x128xf32, #tpu.memory_space<vmem_shared>>
      tpu.wait_dma2 semaphore(%run_scoped3A : memref<!tpu.dma_semaphore, #tpu.memory_space<semaphore_mem>>) src(%arg10 : memref<40x128xf32, #tpu.memory_space<vmem>>) dst(%dma_wait3A_232 : memref<40x128xf32, #tpu.memory_space<vmem_shared>>)
      tpu.yield
    }) : () -> ()
    %mul3A_29 = arith.constant 640 : i32
    %mul3A_30 = arith.muli %arg1, %mul3A_29 : i32
    %add3A_31 = arith.constant 160 : i32
    %add3A_32 = arith.addi %mul3A_30, %add3A_31 : i32
    "tpu.region"() ({
      %run_scoped3A = tpu.sem_alloc : memref<!tpu.dma_semaphore, #tpu.memory_space<semaphore_mem>>
      %dma_start3A_226 = arith.constant 0 : i32
      %dma_start3A_227 = tpu.memref_slice %arg11[%add3A_32, %dma_start3A_226] : memref<10240x128xf32, #tpu.memory_space<vmem_shared>> -> memref<40x128xf32, #tpu.memory_space<vmem_shared>>
      %dma_start3A_228 = arith.constant 0 : i32
      %dma_start3A_229 = tpu.memref_slice %arg11[%add3A_32, %dma_start3A_228] : memref<10240x128xf32, #tpu.memory_space<vmem_shared>> -> memref<40x128xf32, #tpu.memory_space<vmem_shared>>
      tpu.enqueue_dma source(%arg10 : memref<40x128xf32, #tpu.memory_space<vmem>>) target(%dma_start3A_229 : memref<40x128xf32, #tpu.memory_space<vmem_shared>>) target_semaphore(%run_scoped3A : memref<!tpu.dma_semaphore, #tpu.memory_space<semaphore_mem>>)
      %dma_wait3A = arith.constant 0 : i32
      %dma_wait3A_230 = tpu.memref_slice %arg11[%add3A_32, %dma_wait3A] : memref<10240x128xf32, #tpu.memory_space<vmem_shared>> -> memref<40x128xf32, #tpu.memory_space<vmem_shared>>
      %dma_wait3A_231 = arith.constant 0 : i32
      %dma_wait3A_232 = tpu.memref_slice %arg11[%add3A_32, %dma_wait3A_231] : memref<10240x128xf32, #tpu.memory_space<vmem_shared>> -> memref<40x128xf32, #tpu.memory_space<vmem_shared>>
      tpu.wait_dma2 semaphore(%run_scoped3A : memref<!tpu.dma_semaphore, #tpu.memory_space<semaphore_mem>>) src(%arg10 : memref<40x128xf32, #tpu.memory_space<vmem>>) dst(%dma_wait3A_232 : memref<40x128xf32, #tpu.memory_space<vmem_shared>>)
      tpu.yield
    }) : () -> ()
    %mul3A_33 = arith.constant 640 : i32
    %mul3A_34 = arith.muli %arg1, %mul3A_33 : i32
    %add3A_35 = arith.constant 200 : i32
    %add3A_36 = arith.addi %mul3A_34, %add3A_35 : i32
    "tpu.region"() ({
      %run_scoped3A = tpu.sem_alloc : memref<!tpu.dma_semaphore, #tpu.memory_space<semaphore_mem>>
      %dma_start3A_226 = arith.constant 0 : i32
      %dma_start3A_227 = tpu.memref_slice %arg11[%add3A_36, %dma_start3A_226] : memref<10240x128xf32, #tpu.memory_space<vmem_shared>> -> memref<40x128xf32, #tpu.memory_space<vmem_shared>>
      %dma_start3A_228 = arith.constant 0 : i32
      %dma_start3A_229 = tpu.memref_slice %arg11[%add3A_36, %dma_start3A_228] : memref<10240x128xf32, #tpu.memory_space<vmem_shared>> -> memref<40x128xf32, #tpu.memory_space<vmem_shared>>
      tpu.enqueue_dma source(%arg10 : memref<40x128xf32, #tpu.memory_space<vmem>>) target(%dma_start3A_229 : memref<40x128xf32, #tpu.memory_space<vmem_shared>>) target_semaphore(%run_scoped3A : memref<!tpu.dma_semaphore, #tpu.memory_space<semaphore_mem>>)
      %dma_wait3A = arith.constant 0 : i32
      %dma_wait3A_230 = tpu.memref_slice %arg11[%add3A_36, %dma_wait3A] : memref<10240x128xf32, #tpu.memory_space<vmem_shared>> -> memref<40x128xf32, #tpu.memory_space<vmem_shared>>
      %dma_wait3A_231 = arith.constant 0 : i32
      %dma_wait3A_232 = tpu.memref_slice %arg11[%add3A_36, %dma_wait3A_231] : memref<10240x128xf32, #tpu.memory_space<vmem_shared>> -> memref<40x128xf32, #tpu.memory_space<vmem_shared>>
      tpu.wait_dma2 semaphore(%run_scoped3A : memref<!tpu.dma_semaphore, #tpu.memory_space<semaphore_mem>>) src(%arg10 : memref<40x128xf32, #tpu.memory_space<vmem>>) dst(%dma_wait3A_232 : memref<40x128xf32, #tpu.memory_space<vmem_shared>>)
      tpu.yield
    }) : () -> ()
    %mul3A_37 = arith.constant 640 : i32
    %mul3A_38 = arith.muli %arg1, %mul3A_37 : i32
    %add3A_39 = arith.constant 240 : i32
    %add3A_40 = arith.addi %mul3A_38, %add3A_39 : i32
    "tpu.region"() ({
      %run_scoped3A = tpu.sem_alloc : memref<!tpu.dma_semaphore, #tpu.memory_space<semaphore_mem>>
      %dma_start3A_226 = arith.constant 0 : i32
      %dma_start3A_227 = tpu.memref_slice %arg11[%add3A_40, %dma_start3A_226] : memref<10240x128xf32, #tpu.memory_space<vmem_shared>> -> memref<40x128xf32, #tpu.memory_space<vmem_shared>>
      %dma_start3A_228 = arith.constant 0 : i32
      %dma_start3A_229 = tpu.memref_slice %arg11[%add3A_40, %dma_start3A_228] : memref<10240x128xf32, #tpu.memory_space<vmem_shared>> -> memref<40x128xf32, #tpu.memory_space<vmem_shared>>
      tpu.enqueue_dma source(%arg10 : memref<40x128xf32, #tpu.memory_space<vmem>>) target(%dma_start3A_229 : memref<40x128xf32, #tpu.memory_space<vmem_shared>>) target_semaphore(%run_scoped3A : memref<!tpu.dma_semaphore, #tpu.memory_space<semaphore_mem>>)
      %dma_wait3A = arith.constant 0 : i32
      %dma_wait3A_230 = tpu.memref_slice %arg11[%add3A_40, %dma_wait3A] : memref<10240x128xf32, #tpu.memory_space<vmem_shared>> -> memref<40x128xf32, #tpu.memory_space<vmem_shared>>
      %dma_wait3A_231 = arith.constant 0 : i32
      %dma_wait3A_232 = tpu.memref_slice %arg11[%add3A_40, %dma_wait3A_231] : memref<10240x128xf32, #tpu.memory_space<vmem_shared>> -> memref<40x128xf32, #tpu.memory_space<vmem_shared>>
      tpu.wait_dma2 semaphore(%run_scoped3A : memref<!tpu.dma_semaphore, #tpu.memory_space<semaphore_mem>>) src(%arg10 : memref<40x128xf32, #tpu.memory_space<vmem>>) dst(%dma_wait3A_232 : memref<40x128xf32, #tpu.memory_space<vmem_shared>>)
      tpu.yield
    }) : () -> ()
    %mul3A_41 = arith.constant 640 : i32
    %mul3A_42 = arith.muli %arg1, %mul3A_41 : i32
    %add3A_43 = arith.constant 280 : i32
    %add3A_44 = arith.addi %mul3A_42, %add3A_43 : i32
    "tpu.region"() ({
      %run_scoped3A = tpu.sem_alloc : memref<!tpu.dma_semaphore, #tpu.memory_space<semaphore_mem>>
      %dma_start3A_226 = arith.constant 0 : i32
      %dma_start3A_227 = tpu.memref_slice %arg11[%add3A_44, %dma_start3A_226] : memref<10240x128xf32, #tpu.memory_space<vmem_shared>> -> memref<40x128xf32, #tpu.memory_space<vmem_shared>>
      %dma_start3A_228 = arith.constant 0 : i32
      %dma_start3A_229 = tpu.memref_slice %arg11[%add3A_44, %dma_start3A_228] : memref<10240x128xf32, #tpu.memory_space<vmem_shared>> -> memref<40x128xf32, #tpu.memory_space<vmem_shared>>
      tpu.enqueue_dma source(%arg10 : memref<40x128xf32, #tpu.memory_space<vmem>>) target(%dma_start3A_229 : memref<40x128xf32, #tpu.memory_space<vmem_shared>>) target_semaphore(%run_scoped3A : memref<!tpu.dma_semaphore, #tpu.memory_space<semaphore_mem>>)
      %dma_wait3A = arith.constant 0 : i32
      %dma_wait3A_230 = tpu.memref_slice %arg11[%add3A_44, %dma_wait3A] : memref<10240x128xf32, #tpu.memory_space<vmem_shared>> -> memref<40x128xf32, #tpu.memory_space<vmem_shared>>
      %dma_wait3A_231 = arith.constant 0 : i32
      %dma_wait3A_232 = tpu.memref_slice %arg11[%add3A_44, %dma_wait3A_231] : memref<10240x128xf32, #tpu.memory_space<vmem_shared>> -> memref<40x128xf32, #tpu.memory_space<vmem_shared>>
      tpu.wait_dma2 semaphore(%run_scoped3A : memref<!tpu.dma_semaphore, #tpu.memory_space<semaphore_mem>>) src(%arg10 : memref<40x128xf32, #tpu.memory_space<vmem>>) dst(%dma_wait3A_232 : memref<40x128xf32, #tpu.memory_space<vmem_shared>>)
      tpu.yield
    }) : () -> ()
    %mul3A_45 = arith.constant 640 : i32
    %mul3A_46 = arith.muli %arg1, %mul3A_45 : i32
    %add3A_47 = arith.constant 320 : i32
    %add3A_48 = arith.addi %mul3A_46, %add3A_47 : i32
    "tpu.region"() ({
      %run_scoped3A = tpu.sem_alloc : memref<!tpu.dma_semaphore, #tpu.memory_space<semaphore_mem>>
      %dma_start3A_226 = arith.constant 0 : i32
      %dma_start3A_227 = tpu.memref_slice %arg11[%add3A_48, %dma_start3A_226] : memref<10240x128xf32, #tpu.memory_space<vmem_shared>> -> memref<40x128xf32, #tpu.memory_space<vmem_shared>>
      %dma_start3A_228 = arith.constant 0 : i32
      %dma_start3A_229 = tpu.memref_slice %arg11[%add3A_48, %dma_start3A_228] : memref<10240x128xf32, #tpu.memory_space<vmem_shared>> -> memref<40x128xf32, #tpu.memory_space<vmem_shared>>
      tpu.enqueue_dma source(%arg10 : memref<40x128xf32, #tpu.memory_space<vmem>>) target(%dma_start3A_229 : memref<40x128xf32, #tpu.memory_space<vmem_shared>>) target_semaphore(%run_scoped3A : memref<!tpu.dma_semaphore, #tpu.memory_space<semaphore_mem>>)
      %dma_wait3A = arith.constant 0 : i32
      %dma_wait3A_230 = tpu.memref_slice %arg11[%add3A_48, %dma_wait3A] : memref<10240x128xf32, #tpu.memory_space<vmem_shared>> -> memref<40x128xf32, #tpu.memory_space<vmem_shared>>
      %dma_wait3A_231 = arith.constant 0 : i32
      %dma_wait3A_232 = tpu.memref_slice %arg11[%add3A_48, %dma_wait3A_231] : memref<10240x128xf32, #tpu.memory_space<vmem_shared>> -> memref<40x128xf32, #tpu.memory_space<vmem_shared>>
      tpu.wait_dma2 semaphore(%run_scoped3A : memref<!tpu.dma_semaphore, #tpu.memory_space<semaphore_mem>>) src(%arg10 : memref<40x128xf32, #tpu.memory_space<vmem>>) dst(%dma_wait3A_232 : memref<40x128xf32, #tpu.memory_space<vmem_shared>>)
      tpu.yield
    }) : () -> ()
    %mul3A_49 = arith.constant 640 : i32
    %mul3A_50 = arith.muli %arg1, %mul3A_49 : i32
    %add3A_51 = arith.constant 360 : i32
    %add3A_52 = arith.addi %mul3A_50, %add3A_51 : i32
    "tpu.region"() ({
      %run_scoped3A = tpu.sem_alloc : memref<!tpu.dma_semaphore, #tpu.memory_space<semaphore_mem>>
      %dma_start3A_226 = arith.constant 0 : i32
      %dma_start3A_227 = tpu.memref_slice %arg11[%add3A_52, %dma_start3A_226] : memref<10240x128xf32, #tpu.memory_space<vmem_shared>> -> memref<40x128xf32, #tpu.memory_space<vmem_shared>>
      %dma_start3A_228 = arith.constant 0 : i32
      %dma_start3A_229 = tpu.memref_slice %arg11[%add3A_52, %dma_start3A_228] : memref<10240x128xf32, #tpu.memory_space<vmem_shared>> -> memref<40x128xf32, #tpu.memory_space<vmem_shared>>
      tpu.enqueue_dma source(%arg10 : memref<40x128xf32, #tpu.memory_space<vmem>>) target(%dma_start3A_229 : memref<40x128xf32, #tpu.memory_space<vmem_shared>>) target_semaphore(%run_scoped3A : memref<!tpu.dma_semaphore, #tpu.memory_space<semaphore_mem>>)
      %dma_wait3A = arith.constant 0 : i32
      %dma_wait3A_230 = tpu.memref_slice %arg11[%add3A_52, %dma_wait3A] : memref<10240x128xf32, #tpu.memory_space<vmem_shared>> -> memref<40x128xf32, #tpu.memory_space<vmem_shared>>
      %dma_wait3A_231 = arith.constant 0 : i32
      %dma_wait3A_232 = tpu.memref_slice %arg11[%add3A_52, %dma_wait3A_231] : memref<10240x128xf32, #tpu.memory_space<vmem_shared>> -> memref<40x128xf32, #tpu.memory_space<vmem_shared>>
      tpu.wait_dma2 semaphore(%run_scoped3A : memref<!tpu.dma_semaphore, #tpu.memory_space<semaphore_mem>>) src(%arg10 : memref<40x128xf32, #tpu.memory_space<vmem>>) dst(%dma_wait3A_232 : memref<40x128xf32, #tpu.memory_space<vmem_shared>>)
      tpu.yield
    }) : () -> ()
    %mul3A_53 = arith.constant 640 : i32
    %mul3A_54 = arith.muli %arg1, %mul3A_53 : i32
    %add3A_55 = arith.constant 400 : i32
    %add3A_56 = arith.addi %mul3A_54, %add3A_55 : i32
    "tpu.region"() ({
      %run_scoped3A = tpu.sem_alloc : memref<!tpu.dma_semaphore, #tpu.memory_space<semaphore_mem>>
      %dma_start3A_226 = arith.constant 0 : i32
      %dma_start3A_227 = tpu.memref_slice %arg11[%add3A_56, %dma_start3A_226] : memref<10240x128xf32, #tpu.memory_space<vmem_shared>> -> memref<40x128xf32, #tpu.memory_space<vmem_shared>>
      %dma_start3A_228 = arith.constant 0 : i32
      %dma_start3A_229 = tpu.memref_slice %arg11[%add3A_56, %dma_start3A_228] : memref<10240x128xf32, #tpu.memory_space<vmem_shared>> -> memref<40x128xf32, #tpu.memory_space<vmem_shared>>
      tpu.enqueue_dma source(%arg10 : memref<40x128xf32, #tpu.memory_space<vmem>>) target(%dma_start3A_229 : memref<40x128xf32, #tpu.memory_space<vmem_shared>>) target_semaphore(%run_scoped3A : memref<!tpu.dma_semaphore, #tpu.memory_space<semaphore_mem>>)
      %dma_wait3A = arith.constant 0 : i32
      %dma_wait3A_230 = tpu.memref_slice %arg11[%add3A_56, %dma_wait3A] : memref<10240x128xf32, #tpu.memory_space<vmem_shared>> -> memref<40x128xf32, #tpu.memory_space<vmem_shared>>
      %dma_wait3A_231 = arith.constant 0 : i32
      %dma_wait3A_232 = tpu.memref_slice %arg11[%add3A_56, %dma_wait3A_231] : memref<10240x128xf32, #tpu.memory_space<vmem_shared>> -> memref<40x128xf32, #tpu.memory_space<vmem_shared>>
      tpu.wait_dma2 semaphore(%run_scoped3A : memref<!tpu.dma_semaphore, #tpu.memory_space<semaphore_mem>>) src(%arg10 : memref<40x128xf32, #tpu.memory_space<vmem>>) dst(%dma_wait3A_232 : memref<40x128xf32, #tpu.memory_space<vmem_shared>>)
      tpu.yield
    }) : () -> ()
    %mul3A_57 = arith.constant 640 : i32
    %mul3A_58 = arith.muli %arg1, %mul3A_57 : i32
    %add3A_59 = arith.constant 440 : i32
    %add3A_60 = arith.addi %mul3A_58, %add3A_59 : i32
    "tpu.region"() ({
      %run_scoped3A = tpu.sem_alloc : memref<!tpu.dma_semaphore, #tpu.memory_space<semaphore_mem>>
      %dma_start3A_226 = arith.constant 0 : i32
      %dma_start3A_227 = tpu.memref_slice %arg11[%add3A_60, %dma_start3A_226] : memref<10240x128xf32, #tpu.memory_space<vmem_shared>> -> memref<40x128xf32, #tpu.memory_space<vmem_shared>>
      %dma_start3A_228 = arith.constant 0 : i32
      %dma_start3A_229 = tpu.memref_slice %arg11[%add3A_60, %dma_start3A_228] : memref<10240x128xf32, #tpu.memory_space<vmem_shared>> -> memref<40x128xf32, #tpu.memory_space<vmem_shared>>
      tpu.enqueue_dma source(%arg10 : memref<40x128xf32, #tpu.memory_space<vmem>>) target(%dma_start3A_229 : memref<40x128xf32, #tpu.memory_space<vmem_shared>>) target_semaphore(%run_scoped3A : memref<!tpu.dma_semaphore, #tpu.memory_space<semaphore_mem>>)
      %dma_wait3A = arith.constant 0 : i32
      %dma_wait3A_230 = tpu.memref_slice %arg11[%add3A_60, %dma_wait3A] : memref<10240x128xf32, #tpu.memory_space<vmem_shared>> -> memref<40x128xf32, #tpu.memory_space<vmem_shared>>
      %dma_wait3A_231 = arith.constant 0 : i32
      %dma_wait3A_232 = tpu.memref_slice %arg11[%add3A_60, %dma_wait3A_231] : memref<10240x128xf32, #tpu.memory_space<vmem_shared>> -> memref<40x128xf32, #tpu.memory_space<vmem_shared>>
      tpu.wait_dma2 semaphore(%run_scoped3A : memref<!tpu.dma_semaphore, #tpu.memory_space<semaphore_mem>>) src(%arg10 : memref<40x128xf32, #tpu.memory_space<vmem>>) dst(%dma_wait3A_232 : memref<40x128xf32, #tpu.memory_space<vmem_shared>>)
      tpu.yield
    }) : () -> ()
    %mul3A_61 = arith.constant 640 : i32
    %mul3A_62 = arith.muli %arg1, %mul3A_61 : i32
    %add3A_63 = arith.constant 480 : i32
    %add3A_64 = arith.addi %mul3A_62, %add3A_63 : i32
    "tpu.region"() ({
      %run_scoped3A = tpu.sem_alloc : memref<!tpu.dma_semaphore, #tpu.memory_space<semaphore_mem>>
      %dma_start3A_226 = arith.constant 0 : i32
      %dma_start3A_227 = tpu.memref_slice %arg11[%add3A_64, %dma_start3A_226] : memref<10240x128xf32, #tpu.memory_space<vmem_shared>> -> memref<40x128xf32, #tpu.memory_space<vmem_shared>>
      %dma_start3A_228 = arith.constant 0 : i32
      %dma_start3A_229 = tpu.memref_slice %arg11[%add3A_64, %dma_start3A_228] : memref<10240x128xf32, #tpu.memory_space<vmem_shared>> -> memref<40x128xf32, #tpu.memory_space<vmem_shared>>
      tpu.enqueue_dma source(%arg10 : memref<40x128xf32, #tpu.memory_space<vmem>>) target(%dma_start3A_229 : memref<40x128xf32, #tpu.memory_space<vmem_shared>>) target_semaphore(%run_scoped3A : memref<!tpu.dma_semaphore, #tpu.memory_space<semaphore_mem>>)
      %dma_wait3A = arith.constant 0 : i32
      %dma_wait3A_230 = tpu.memref_slice %arg11[%add3A_64, %dma_wait3A] : memref<10240x128xf32, #tpu.memory_space<vmem_shared>> -> memref<40x128xf32, #tpu.memory_space<vmem_shared>>
      %dma_wait3A_231 = arith.constant 0 : i32
      %dma_wait3A_232 = tpu.memref_slice %arg11[%add3A_64, %dma_wait3A_231] : memref<10240x128xf32, #tpu.memory_space<vmem_shared>> -> memref<40x128xf32, #tpu.memory_space<vmem_shared>>
      tpu.wait_dma2 semaphore(%run_scoped3A : memref<!tpu.dma_semaphore, #tpu.memory_space<semaphore_mem>>) src(%arg10 : memref<40x128xf32, #tpu.memory_space<vmem>>) dst(%dma_wait3A_232 : memref<40x128xf32, #tpu.memory_space<vmem_shared>>)
      tpu.yield
    }) : () -> ()
    %mul3A_65 = arith.constant 640 : i32
    %mul3A_66 = arith.muli %arg1, %mul3A_65 : i32
    %add3A_67 = arith.constant 520 : i32
    %add3A_68 = arith.addi %mul3A_66, %add3A_67 : i32
    "tpu.region"() ({
      %run_scoped3A = tpu.sem_alloc : memref<!tpu.dma_semaphore, #tpu.memory_space<semaphore_mem>>
      %dma_start3A_226 = arith.constant 0 : i32
      %dma_start3A_227 = tpu.memref_slice %arg11[%add3A_68, %dma_start3A_226] : memref<10240x128xf32, #tpu.memory_space<vmem_shared>> -> memref<40x128xf32, #tpu.memory_space<vmem_shared>>
      %dma_start3A_228 = arith.constant 0 : i32
      %dma_start3A_229 = tpu.memref_slice %arg11[%add3A_68, %dma_start3A_228] : memref<10240x128xf32, #tpu.memory_space<vmem_shared>> -> memref<40x128xf32, #tpu.memory_space<vmem_shared>>
      tpu.enqueue_dma source(%arg10 : memref<40x128xf32, #tpu.memory_space<vmem>>) target(%dma_start3A_229 : memref<40x128xf32, #tpu.memory_space<vmem_shared>>) target_semaphore(%run_scoped3A : memref<!tpu.dma_semaphore, #tpu.memory_space<semaphore_mem>>)
      %dma_wait3A = arith.constant 0 : i32
      %dma_wait3A_230 = tpu.memref_slice %arg11[%add3A_68, %dma_wait3A] : memref<10240x128xf32, #tpu.memory_space<vmem_shared>> -> memref<40x128xf32, #tpu.memory_space<vmem_shared>>
      %dma_wait3A_231 = arith.constant 0 : i32
      %dma_wait3A_232 = tpu.memref_slice %arg11[%add3A_68, %dma_wait3A_231] : memref<10240x128xf32, #tpu.memory_space<vmem_shared>> -> memref<40x128xf32, #tpu.memory_space<vmem_shared>>
      tpu.wait_dma2 semaphore(%run_scoped3A : memref<!tpu.dma_semaphore, #tpu.memory_space<semaphore_mem>>) src(%arg10 : memref<40x128xf32, #tpu.memory_space<vmem>>) dst(%dma_wait3A_232 : memref<40x128xf32, #tpu.memory_space<vmem_shared>>)
      tpu.yield
    }) : () -> ()
    %mul3A_69 = arith.constant 640 : i32
    %mul3A_70 = arith.muli %arg1, %mul3A_69 : i32
    %add3A_71 = arith.constant 560 : i32
    %add3A_72 = arith.addi %mul3A_70, %add3A_71 : i32
    "tpu.region"() ({
      %run_scoped3A = tpu.sem_alloc : memref<!tpu.dma_semaphore, #tpu.memory_space<semaphore_mem>>
      %dma_start3A_226 = arith.constant 0 : i32
      %dma_start3A_227 = tpu.memref_slice %arg11[%add3A_72, %dma_start3A_226] : memref<10240x128xf32, #tpu.memory_space<vmem_shared>> -> memref<40x128xf32, #tpu.memory_space<vmem_shared>>
      %dma_start3A_228 = arith.constant 0 : i32
      %dma_start3A_229 = tpu.memref_slice %arg11[%add3A_72, %dma_start3A_228] : memref<10240x128xf32, #tpu.memory_space<vmem_shared>> -> memref<40x128xf32, #tpu.memory_space<vmem_shared>>
      tpu.enqueue_dma source(%arg10 : memref<40x128xf32, #tpu.memory_space<vmem>>) target(%dma_start3A_229 : memref<40x128xf32, #tpu.memory_space<vmem_shared>>) target_semaphore(%run_scoped3A : memref<!tpu.dma_semaphore, #tpu.memory_space<semaphore_mem>>)
      %dma_wait3A = arith.constant 0 : i32
      %dma_wait3A_230 = tpu.memref_slice %arg11[%add3A_72, %dma_wait3A] : memref<10240x128xf32, #tpu.memory_space<vmem_shared>> -> memref<40x128xf32, #tpu.memory_space<vmem_shared>>
      %dma_wait3A_231 = arith.constant 0 : i32
      %dma_wait3A_232 = tpu.memref_slice %arg11[%add3A_72, %dma_wait3A_231] : memref<10240x128xf32, #tpu.memory_space<vmem_shared>> -> memref<40x128xf32, #tpu.memory_space<vmem_shared>>
      tpu.wait_dma2 semaphore(%run_scoped3A : memref<!tpu.dma_semaphore, #tpu.memory_space<semaphore_mem>>) src(%arg10 : memref<40x128xf32, #tpu.memory_space<vmem>>) dst(%dma_wait3A_232 : memref<40x128xf32, #tpu.memory_space<vmem_shared>>)
      tpu.yield
    }) : () -> ()
    %mul3A_73 = arith.constant 640 : i32
    %mul3A_74 = arith.muli %arg1, %mul3A_73 : i32
    %add3A_75 = arith.constant 600 : i32
    %add3A_76 = arith.addi %mul3A_74, %add3A_75 : i32
    "tpu.region"() ({
      %run_scoped3A = tpu.sem_alloc : memref<!tpu.dma_semaphore, #tpu.memory_space<semaphore_mem>>
      %dma_start3A_226 = arith.constant 0 : i32
      %dma_start3A_227 = tpu.memref_slice %arg11[%add3A_76, %dma_start3A_226] : memref<10240x128xf32, #tpu.memory_space<vmem_shared>> -> memref<40x128xf32, #tpu.memory_space<vmem_shared>>
      %dma_start3A_228 = arith.constant 0 : i32
      %dma_start3A_229 = tpu.memref_slice %arg11[%add3A_76, %dma_start3A_228] : memref<10240x128xf32, #tpu.memory_space<vmem_shared>> -> memref<40x128xf32, #tpu.memory_space<vmem_shared>>
      tpu.enqueue_dma source(%arg10 : memref<40x128xf32, #tpu.memory_space<vmem>>) target(%dma_start3A_229 : memref<40x128xf32, #tpu.memory_space<vmem_shared>>) target_semaphore(%run_scoped3A : memref<!tpu.dma_semaphore, #tpu.memory_space<semaphore_mem>>)
      %dma_wait3A = arith.constant 0 : i32
      %dma_wait3A_230 = tpu.memref_slice %arg11[%add3A_76, %dma_wait3A] : memref<10240x128xf32, #tpu.memory_space<vmem_shared>> -> memref<40x128xf32, #tpu.memory_space<vmem_shared>>
      %dma_wait3A_231 = arith.constant 0 : i32
      %dma_wait3A_232 = tpu.memref_slice %arg11[%add3A_76, %dma_wait3A_231] : memref<10240x128xf32, #tpu.memory_space<vmem_shared>> -> memref<40x128xf32, #tpu.memory_space<vmem_shared>>
      tpu.wait_dma2 semaphore(%run_scoped3A : memref<!tpu.dma_semaphore, #tpu.memory_space<semaphore_mem>>) src(%arg10 : memref<40x128xf32, #tpu.memory_space<vmem>>) dst(%dma_wait3A_232 : memref<40x128xf32, #tpu.memory_space<vmem_shared>>)
      tpu.yield
    }) : () -> ()
    %mul3A_77 = arith.constant 128 : i32
    %mul3A_78 = arith.muli %add3A_7, %mul3A_77 : i32
    "tpu.region"() ({
      %run_scoped3A = tpu.sem_alloc : memref<!tpu.dma_semaphore, #tpu.memory_space<semaphore_mem>>
      %dma_start3A_226 = arith.constant 0 : i32
      %dma_start3A_227 = tpu.memref_slice %arg3[%dma_start3A_226, %mul3A_78] : memref<2x320000xi32, #tpu.memory_space<hbm>> -> memref<2x128xi32, #tpu.memory_space<hbm>>
      %dma_start3A_228 = arith.constant 0 : i32
      %dma_start3A_229 = tpu.memref_slice %arg3[%dma_start3A_228, %mul3A_78] : memref<2x320000xi32, #tpu.memory_space<hbm>> -> memref<2x128xi32, #tpu.memory_space<hbm>>
      tpu.enqueue_dma source(%dma_start3A_229 : memref<2x128xi32, #tpu.memory_space<hbm>>) target(%arg6 : memref<2x128xi32, #tpu.memory_space<vmem>>) target_semaphore(%run_scoped3A : memref<!tpu.dma_semaphore, #tpu.memory_space<semaphore_mem>>)
      %dma_wait3A = arith.constant 0 : i32
      %dma_wait3A_230 = tpu.memref_slice %arg3[%dma_wait3A, %mul3A_78] : memref<2x320000xi32, #tpu.memory_space<hbm>> -> memref<2x128xi32, #tpu.memory_space<hbm>>
      %dma_wait3A_231 = arith.constant 0 : i32
      %dma_wait3A_232 = tpu.memref_slice %arg3[%dma_wait3A_231, %mul3A_78] : memref<2x320000xi32, #tpu.memory_space<hbm>> -> memref<2x128xi32, #tpu.memory_space<hbm>>
      tpu.wait_dma2 semaphore(%run_scoped3A : memref<!tpu.dma_semaphore, #tpu.memory_space<semaphore_mem>>) src(%dma_wait3A_232 : memref<2x128xi32, #tpu.memory_space<hbm>>) dst(%arg6 : memref<2x128xi32, #tpu.memory_space<vmem>>)
      tpu.yield
    }) : () -> ()
    %add3A_79 = arith.constant 1 : i32
    %add3A_80 = arith.addi %add3A_7, %add3A_79 : i32
    %mul3A_81 = arith.constant 128 : i32
    %mul3A_82 = arith.muli %add3A_80, %mul3A_81 : i32
    "tpu.region"() ({
      %run_scoped3A = tpu.sem_alloc : memref<!tpu.dma_semaphore, #tpu.memory_space<semaphore_mem>>
      %dma_start3A_226 = arith.constant 0 : i32
      %dma_start3A_227 = tpu.memref_slice %arg3[%dma_start3A_226, %mul3A_82] : memref<2x320000xi32, #tpu.memory_space<hbm>> -> memref<2x128xi32, #tpu.memory_space<hbm>>
      %dma_start3A_228 = arith.constant 0 : i32
      %dma_start3A_229 = tpu.memref_slice %arg3[%dma_start3A_228, %mul3A_82] : memref<2x320000xi32, #tpu.memory_space<hbm>> -> memref<2x128xi32, #tpu.memory_space<hbm>>
      tpu.enqueue_dma source(%dma_start3A_229 : memref<2x128xi32, #tpu.memory_space<hbm>>) target(%arg7 : memref<2x128xi32, #tpu.memory_space<vmem>>) target_semaphore(%run_scoped3A : memref<!tpu.dma_semaphore, #tpu.memory_space<semaphore_mem>>)
      %dma_wait3A = arith.constant 0 : i32
      %dma_wait3A_230 = tpu.memref_slice %arg3[%dma_wait3A, %mul3A_82] : memref<2x320000xi32, #tpu.memory_space<hbm>> -> memref<2x128xi32, #tpu.memory_space<hbm>>
      %dma_wait3A_231 = arith.constant 0 : i32
      %dma_wait3A_232 = tpu.memref_slice %arg3[%dma_wait3A_231, %mul3A_82] : memref<2x320000xi32, #tpu.memory_space<hbm>> -> memref<2x128xi32, #tpu.memory_space<hbm>>
      tpu.wait_dma2 semaphore(%run_scoped3A : memref<!tpu.dma_semaphore, #tpu.memory_space<semaphore_mem>>) src(%dma_wait3A_232 : memref<2x128xi32, #tpu.memory_space<hbm>>) dst(%arg7 : memref<2x128xi32, #tpu.memory_space<vmem>>)
      tpu.yield
    }) : () -> ()
    %barrier3A = arith.constant 0 : index
    tpu.barrier barrier_id(%barrier3A)
    %dma_start3A = arith.constant 0 : i32
    %dma_start3A_83 = arith.constant 0 : i32
    %dma_start3A_84 = tpu.memref_slice %arg6[%dma_start3A, %dma_start3A_83] : memref<2x128xi32, #tpu.memory_space<vmem>> -> memref<1x128xi32, #tpu.memory_space<vmem>>
    %dma_start3A_85 = tpu.memref_squeeze %dma_start3A_84 : memref<1x128xi32, #tpu.memory_space<vmem>> -> memref<128xi32, #tpu.memory_space<vmem>>
    %dma_start3A_86 = arith.constant 0 : i32
    %dma_start3A_87 = arith.constant 0 : i32
    %dma_start3A_88 = tpu.memref_slice %arg2[%dma_start3A_86, %dma_start3A_87] : memref<10000x128xf32, #tpu.memory_space<hbm>> -> memref<10000x128xf32, #tpu.memory_space<hbm>>
    tpu.enqueue_indirect_dma source(%dma_start3A_88 : memref<10000x128xf32, #tpu.memory_space<hbm>>) target(%arg8 : memref<128x128xf32, #tpu.memory_space<vmem>>) offsets(%dma_start3A_85 : memref<128xi32, #tpu.memory_space<vmem>>) semaphore(%arg12 : memref<!tpu.dma_semaphore, #tpu.memory_space<semaphore_mem>>)
    %jit3A = arith.constant 2 : i32
    %div3A = arith.divsi %select_n3A_12, %jit3A : i32
    %sign3A = arith.constant 0 : i32
    %sign3A_89 = arith.cmpi sgt, %select_n3A_12, %sign3A : i32
    %sign3A_90 = arith.extui %sign3A_89 : i1 to i32
    %sign3A_91 = arith.constant 0 : i32
    %sign3A_92 = arith.cmpi slt, %select_n3A_12, %sign3A_91 : i32
    %sign3A_93 = arith.extui %sign3A_92 : i1 to i32
    %sign3A_94 = arith.subi %sign3A_90, %sign3A_93 : i32
    %sign3A_95 = arith.constant 0 : i32
    %sign3A_96 = arith.cmpi sgt, %jit3A, %sign3A_95 : i32
    %sign3A_97 = arith.extui %sign3A_96 : i1 to i32
    %sign3A_98 = arith.constant 0 : i32
    %sign3A_99 = arith.cmpi slt, %jit3A, %sign3A_98 : i32
    %sign3A_100 = arith.extui %sign3A_99 : i1 to i32
    %sign3A_101 = arith.subi %sign3A_97, %sign3A_100 : i32
    %ne3A = arith.cmpi ne, %sign3A_94, %sign3A_101 : i32
    %rem3A = arith.remsi %select_n3A_12, %jit3A : i32
    %ne3A_102 = arith.constant 0 : i32
    %ne3A_103 = arith.cmpi ne, %rem3A, %ne3A_102 : i32
    %and3A = arith.andi %ne3A, %ne3A_103 : i1
    %sub3A_104 = arith.constant 1 : i32
    %sub3A_105 = arith.subi %div3A, %sub3A_104 : i32
    %select_n3A_106 = arith.select %and3A, %sub3A_105, %div3A : i32
    %while3A = arith.constant 0 : i32
    %while3A_107 = arith.constant 0 : i32
    %while3A_108 = arith.subi %select_n3A_106, %while3A_107 : i32
    %while3A_109 = arith.addi %while3A_107, %while3A_108 : i32
    %while3A_110 = arith.constant 1 : i32
    %while3A_111 = arith.divsi %while3A_108, %while3A_110 : i32
    %while3A_112 = arith.muli %while3A_111, %while3A_110 : i32
    %while3A_113 = arith.addi %while3A_107, %while3A_112 : i32
    %while3A_114 = arith.constant 1 : i32
    scf.for %while3A_226 = %while3A_107 to %while3A_113 step %while3A_114  : i32 {
      %mul3A_227 = arith.constant 2 : i32
      %mul3A_228 = arith.muli %mul3A_227, %while3A_226 : i32
      %dma_start3A_229 = arith.constant 0 : i32
      %dma_start3A_230 = arith.constant 0 : i32
      %dma_start3A_231 = tpu.memref_slice %arg7[%dma_start3A_229, %dma_start3A_230] : memref<2x128xi32, #tpu.memory_space<vmem>> -> memref<1x128xi32, #tpu.memory_space<vmem>>
      %dma_start3A_232 = tpu.memref_squeeze %dma_start3A_231 : memref<1x128xi32, #tpu.memory_space<vmem>> -> memref<128xi32, #tpu.memory_space<vmem>>
      %dma_start3A_233 = arith.constant 0 : i32
      %dma_start3A_234 = arith.constant 0 : i32
      %dma_start3A_235 = tpu.memref_slice %arg2[%dma_start3A_233, %dma_start3A_234] : memref<10000x128xf32, #tpu.memory_space<hbm>> -> memref<10000x128xf32, #tpu.memory_space<hbm>>
      tpu.enqueue_indirect_dma source(%dma_start3A_235 : memref<10000x128xf32, #tpu.memory_space<hbm>>) target(%arg9 : memref<128x128xf32, #tpu.memory_space<vmem>>) offsets(%dma_start3A_232 : memref<128xi32, #tpu.memory_space<vmem>>) semaphore(%arg13 : memref<!tpu.dma_semaphore, #tpu.memory_space<semaphore_mem>>)
      %dma_wait3A = arith.constant 0 : i32
      %dma_wait3A_236 = arith.constant 0 : i32
      %dma_wait3A_237 = tpu.memref_slice %arg6[%dma_wait3A, %dma_wait3A_236] : memref<2x128xi32, #tpu.memory_space<vmem>> -> memref<1x128xi32, #tpu.memory_space<vmem>>
      %dma_wait3A_238 = tpu.memref_squeeze %dma_wait3A_237 : memref<1x128xi32, #tpu.memory_space<vmem>> -> memref<128xi32, #tpu.memory_space<vmem>>
      %dma_wait3A_239 = arith.constant 0 : i32
      %dma_wait3A_240 = arith.constant 0 : i32
      %dma_wait3A_241 = tpu.memref_slice %arg2[%dma_wait3A_239, %dma_wait3A_240] : memref<10000x128xf32, #tpu.memory_space<hbm>> -> memref<10000x128xf32, #tpu.memory_space<hbm>>
      tpu.wait_indirect_dma semaphore(%arg12 : memref<!tpu.dma_semaphore, #tpu.memory_space<semaphore_mem>>) src(%dma_wait3A_241 : memref<10000x128xf32, #tpu.memory_space<hbm>>) dst(%arg8 : memref<128x128xf32, #tpu.memory_space<vmem>>)
      %run_scoped3A = arith.constant 1 : i32
      "tpu.region"() ({
        %run_scoped3A_262 = tpu.sem_alloc : memref<!tpu.dma_semaphore, #tpu.memory_space<semaphore_mem>>
        %dma_start3A_263 = arith.constant 0 : i32
        %dma_start3A_264 = tpu.memref_slice %arg6[%run_scoped3A, %dma_start3A_263] : memref<2x128xi32, #tpu.memory_space<vmem>> -> memref<1x128xi32, #tpu.memory_space<vmem>>
        %dma_start3A_265 = tpu.memref_squeeze %dma_start3A_264 : memref<1x128xi32, #tpu.memory_space<vmem>> -> memref<128xi32, #tpu.memory_space<vmem>>
        %dma_start3A_266 = arith.constant 0 : i32
        %dma_start3A_267 = arith.constant 0 : i32
        %dma_start3A_268 = tpu.memref_slice %arg11[%dma_start3A_266, %dma_start3A_267] : memref<10240x128xf32, #tpu.memory_space<vmem_shared>> -> memref<10240x128xf32, #tpu.memory_space<vmem_shared>>
        tpu.enqueue_indirect_dma source(%arg8 : memref<128x128xf32, #tpu.memory_space<vmem>>) target(%dma_start3A_268 : memref<10240x128xf32, #tpu.memory_space<vmem_shared>>) offsets(%dma_start3A_265 : memref<128xi32, #tpu.memory_space<vmem>>) semaphore(%run_scoped3A_262 : memref<!tpu.dma_semaphore, #tpu.memory_space<semaphore_mem>>) {add = true}
        %dma_wait3A_269 = arith.constant 0 : i32
        %dma_wait3A_270 = tpu.memref_slice %arg6[%run_scoped3A, %dma_wait3A_269] : memref<2x128xi32, #tpu.memory_space<vmem>> -> memref<1x128xi32, #tpu.memory_space<vmem>>
        %dma_wait3A_271 = tpu.memref_squeeze %dma_wait3A_270 : memref<1x128xi32, #tpu.memory_space<vmem>> -> memref<128xi32, #tpu.memory_space<vmem>>
        %dma_wait3A_272 = arith.constant 0 : i32
        %dma_wait3A_273 = arith.constant 0 : i32
        %dma_wait3A_274 = tpu.memref_slice %arg11[%dma_wait3A_272, %dma_wait3A_273] : memref<10240x128xf32, #tpu.memory_space<vmem_shared>> -> memref<10240x128xf32, #tpu.memory_space<vmem_shared>>
        tpu.wait_indirect_dma semaphore(%run_scoped3A_262 : memref<!tpu.dma_semaphore, #tpu.memory_space<semaphore_mem>>) src(%arg8 : memref<128x128xf32, #tpu.memory_space<vmem>>) dst(%dma_wait3A_274 : memref<10240x128xf32, #tpu.memory_space<vmem_shared>>)
        tpu.yield
      }) : () -> ()
      %add3A_242 = arith.constant 2 : i32
      %add3A_243 = arith.addi %mul3A_228, %add3A_242 : i32
      %lt3A_244 = arith.cmpi slt, %add3A_243, %select_n3A_12 : i32
      %convert_element_type3A_245 = arith.extui %lt3A_244 : i1 to i32
      %cond3A_246 = arith.constant 0 : i32
      %cond3A_247 = arith.cmpi ne, %convert_element_type3A_245, %cond3A_246 : i32
      scf.if %cond3A_247 {
        %add3A_262 = arith.addi %add3A_7, %mul3A_228 : i32
        %add3A_263 = arith.constant 2 : i32
        %add3A_264 = arith.addi %add3A_262, %add3A_263 : i32
        %mul3A_265 = arith.constant 128 : i32
        %mul3A_266 = arith.muli %add3A_264, %mul3A_265 : i32
        "tpu.region"() ({
          %run_scoped3A_274 = tpu.sem_alloc : memref<!tpu.dma_semaphore, #tpu.memory_space<semaphore_mem>>
          %dma_start3A_275 = arith.constant 0 : i32
          %dma_start3A_276 = tpu.memref_slice %arg3[%dma_start3A_275, %mul3A_266] : memref<2x320000xi32, #tpu.memory_space<hbm>> -> memref<2x128xi32, #tpu.memory_space<hbm>>
          %dma_start3A_277 = arith.constant 0 : i32
          %dma_start3A_278 = tpu.memref_slice %arg3[%dma_start3A_277, %mul3A_266] : memref<2x320000xi32, #tpu.memory_space<hbm>> -> memref<2x128xi32, #tpu.memory_space<hbm>>
          tpu.enqueue_dma source(%dma_start3A_278 : memref<2x128xi32, #tpu.memory_space<hbm>>) target(%arg6 : memref<2x128xi32, #tpu.memory_space<vmem>>) target_semaphore(%run_scoped3A_274 : memref<!tpu.dma_semaphore, #tpu.memory_space<semaphore_mem>>)
          %dma_wait3A_279 = arith.constant 0 : i32
          %dma_wait3A_280 = tpu.memref_slice %arg3[%dma_wait3A_279, %mul3A_266] : memref<2x320000xi32, #tpu.memory_space<hbm>> -> memref<2x128xi32, #tpu.memory_space<hbm>>
          %dma_wait3A_281 = arith.constant 0 : i32
          %dma_wait3A_282 = tpu.memref_slice %arg3[%dma_wait3A_281, %mul3A_266] : memref<2x320000xi32, #tpu.memory_space<hbm>> -> memref<2x128xi32, #tpu.memory_space<hbm>>
          tpu.wait_dma2 semaphore(%run_scoped3A_274 : memref<!tpu.dma_semaphore, #tpu.memory_space<semaphore_mem>>) src(%dma_wait3A_282 : memref<2x128xi32, #tpu.memory_space<hbm>>) dst(%arg6 : memref<2x128xi32, #tpu.memory_space<vmem>>)
          tpu.yield
        }) : () -> ()
        %dma_start3A_267 = arith.constant 0 : i32
        %dma_start3A_268 = arith.constant 0 : i32
        %dma_start3A_269 = tpu.memref_slice %arg6[%dma_start3A_267, %dma_start3A_268] : memref<2x128xi32, #tpu.memory_space<vmem>> -> memref<1x128xi32, #tpu.memory_space<vmem>>
        %dma_start3A_270 = tpu.memref_squeeze %dma_start3A_269 : memref<1x128xi32, #tpu.memory_space<vmem>> -> memref<128xi32, #tpu.memory_space<vmem>>
        %dma_start3A_271 = arith.constant 0 : i32
        %dma_start3A_272 = arith.constant 0 : i32
        %dma_start3A_273 = tpu.memref_slice %arg2[%dma_start3A_271, %dma_start3A_272] : memref<10000x128xf32, #tpu.memory_space<hbm>> -> memref<10000x128xf32, #tpu.memory_space<hbm>>
        tpu.enqueue_indirect_dma source(%dma_start3A_273 : memref<10000x128xf32, #tpu.memory_space<hbm>>) target(%arg8 : memref<128x128xf32, #tpu.memory_space<vmem>>) offsets(%dma_start3A_270 : memref<128xi32, #tpu.memory_space<vmem>>) semaphore(%arg12 : memref<!tpu.dma_semaphore, #tpu.memory_space<semaphore_mem>>)
      } else {
      }
      %dma_wait3A_248 = arith.constant 0 : i32
      %dma_wait3A_249 = arith.constant 0 : i32
      %dma_wait3A_250 = tpu.memref_slice %arg7[%dma_wait3A_248, %dma_wait3A_249] : memref<2x128xi32, #tpu.memory_space<vmem>> -> memref<1x128xi32, #tpu.memory_space<vmem>>
      %dma_wait3A_251 = tpu.memref_squeeze %dma_wait3A_250 : memref<1x128xi32, #tpu.memory_space<vmem>> -> memref<128xi32, #tpu.memory_space<vmem>>
      %dma_wait3A_252 = arith.constant 0 : i32
      %dma_wait3A_253 = arith.constant 0 : i32
      %dma_wait3A_254 = tpu.memref_slice %arg2[%dma_wait3A_252, %dma_wait3A_253] : memref<10000x128xf32, #tpu.memory_space<hbm>> -> memref<10000x128xf32, #tpu.memory_space<hbm>>
      tpu.wait_indirect_dma semaphore(%arg13 : memref<!tpu.dma_semaphore, #tpu.memory_space<semaphore_mem>>) src(%dma_wait3A_254 : memref<10000x128xf32, #tpu.memory_space<hbm>>) dst(%arg9 : memref<128x128xf32, #tpu.memory_space<vmem>>)
      %run_scoped3A_255 = arith.constant 1 : i32
      "tpu.region"() ({
        %run_scoped3A_262 = tpu.sem_alloc : memref<!tpu.dma_semaphore, #tpu.memory_space<semaphore_mem>>
        %dma_start3A_263 = arith.constant 0 : i32
        %dma_start3A_264 = tpu.memref_slice %arg7[%run_scoped3A_255, %dma_start3A_263] : memref<2x128xi32, #tpu.memory_space<vmem>> -> memref<1x128xi32, #tpu.memory_space<vmem>>
        %dma_start3A_265 = tpu.memref_squeeze %dma_start3A_264 : memref<1x128xi32, #tpu.memory_space<vmem>> -> memref<128xi32, #tpu.memory_space<vmem>>
        %dma_start3A_266 = arith.constant 0 : i32
        %dma_start3A_267 = arith.constant 0 : i32
        %dma_start3A_268 = tpu.memref_slice %arg11[%dma_start3A_266, %dma_start3A_267] : memref<10240x128xf32, #tpu.memory_space<vmem_shared>> -> memref<10240x128xf32, #tpu.memory_space<vmem_shared>>
        tpu.enqueue_indirect_dma source(%arg9 : memref<128x128xf32, #tpu.memory_space<vmem>>) target(%dma_start3A_268 : memref<10240x128xf32, #tpu.memory_space<vmem_shared>>) offsets(%dma_start3A_265 : memref<128xi32, #tpu.memory_space<vmem>>) semaphore(%run_scoped3A_262 : memref<!tpu.dma_semaphore, #tpu.memory_space<semaphore_mem>>) {add = true}
        %dma_wait3A_269 = arith.constant 0 : i32
        %dma_wait3A_270 = tpu.memref_slice %arg7[%run_scoped3A_255, %dma_wait3A_269] : memref<2x128xi32, #tpu.memory_space<vmem>> -> memref<1x128xi32, #tpu.memory_space<vmem>>
        %dma_wait3A_271 = tpu.memref_squeeze %dma_wait3A_270 : memref<1x128xi32, #tpu.memory_space<vmem>> -> memref<128xi32, #tpu.memory_space<vmem>>
        %dma_wait3A_272 = arith.constant 0 : i32
        %dma_wait3A_273 = arith.constant 0 : i32
        %dma_wait3A_274 = tpu.memref_slice %arg11[%dma_wait3A_272, %dma_wait3A_273] : memref<10240x128xf32, #tpu.memory_space<vmem_shared>> -> memref<10240x128xf32, #tpu.memory_space<vmem_shared>>
        tpu.wait_indirect_dma semaphore(%run_scoped3A_262 : memref<!tpu.dma_semaphore, #tpu.memory_space<semaphore_mem>>) src(%arg9 : memref<128x128xf32, #tpu.memory_space<vmem>>) dst(%dma_wait3A_274 : memref<10240x128xf32, #tpu.memory_space<vmem_shared>>)
        tpu.yield
      }) : () -> ()
      %add3A_256 = arith.constant 3 : i32
      %add3A_257 = arith.addi %mul3A_228, %add3A_256 : i32
      %lt3A_258 = arith.cmpi slt, %add3A_257, %select_n3A_12 : i32
      %convert_element_type3A_259 = arith.extui %lt3A_258 : i1 to i32
      %cond3A_260 = arith.constant 0 : i32
      %cond3A_261 = arith.cmpi ne, %convert_element_type3A_259, %cond3A_260 : i32
      scf.if %cond3A_261 {
        %add3A_262 = arith.addi %add3A_7, %mul3A_228 : i32
        %add3A_263 = arith.constant 3 : i32
        %add3A_264 = arith.addi %add3A_262, %add3A_263 : i32
        %mul3A_265 = arith.constant 128 : i32
        %mul3A_266 = arith.muli %add3A_264, %mul3A_265 : i32
        "tpu.region"() ({
          %run_scoped3A_267 = tpu.sem_alloc : memref<!tpu.dma_semaphore, #tpu.memory_space<semaphore_mem>>
          %dma_start3A_268 = arith.constant 0 : i32
          %dma_start3A_269 = tpu.memref_slice %arg3[%dma_start3A_268, %mul3A_266] : memref<2x320000xi32, #tpu.memory_space<hbm>> -> memref<2x128xi32, #tpu.memory_space<hbm>>
          %dma_start3A_270 = arith.constant 0 : i32
          %dma_start3A_271 = tpu.memref_slice %arg3[%dma_start3A_270, %mul3A_266] : memref<2x320000xi32, #tpu.memory_space<hbm>> -> memref<2x128xi32, #tpu.memory_space<hbm>>
          tpu.enqueue_dma source(%dma_start3A_271 : memref<2x128xi32, #tpu.memory_space<hbm>>) target(%arg7 : memref<2x128xi32, #tpu.memory_space<vmem>>) target_semaphore(%run_scoped3A_267 : memref<!tpu.dma_semaphore, #tpu.memory_space<semaphore_mem>>)
          %dma_wait3A_272 = arith.constant 0 : i32
          %dma_wait3A_273 = tpu.memref_slice %arg3[%dma_wait3A_272, %mul3A_266] : memref<2x320000xi32, #tpu.memory_space<hbm>> -> memref<2x128xi32, #tpu.memory_space<hbm>>
          %dma_wait3A_274 = arith.constant 0 : i32
          %dma_wait3A_275 = tpu.memref_slice %arg3[%dma_wait3A_274, %mul3A_266] : memref<2x320000xi32, #tpu.memory_space<hbm>> -> memref<2x128xi32, #tpu.memory_space<hbm>>
          tpu.wait_dma2 semaphore(%run_scoped3A_267 : memref<!tpu.dma_semaphore, #tpu.memory_space<semaphore_mem>>) src(%dma_wait3A_275 : memref<2x128xi32, #tpu.memory_space<hbm>>) dst(%arg7 : memref<2x128xi32, #tpu.memory_space<vmem>>)
          tpu.yield
        }) : () -> ()
      } else {
      }
    }
    %while3A_115 = arith.constant 1 : i32
    scf.for %while3A_226 = %while3A_113 to %while3A_109 step %while3A_115  : i32 {
      %mul3A_227 = arith.constant 2 : i32
      %mul3A_228 = arith.muli %mul3A_227, %while3A_226 : i32
      %dma_start3A_229 = arith.constant 0 : i32
      %dma_start3A_230 = arith.constant 0 : i32
      %dma_start3A_231 = tpu.memref_slice %arg7[%dma_start3A_229, %dma_start3A_230] : memref<2x128xi32, #tpu.memory_space<vmem>> -> memref<1x128xi32, #tpu.memory_space<vmem>>
      %dma_start3A_232 = tpu.memref_squeeze %dma_start3A_231 : memref<1x128xi32, #tpu.memory_space<vmem>> -> memref<128xi32, #tpu.memory_space<vmem>>
      %dma_start3A_233 = arith.constant 0 : i32
      %dma_start3A_234 = arith.constant 0 : i32
      %dma_start3A_235 = tpu.memref_slice %arg2[%dma_start3A_233, %dma_start3A_234] : memref<10000x128xf32, #tpu.memory_space<hbm>> -> memref<10000x128xf32, #tpu.memory_space<hbm>>
      tpu.enqueue_indirect_dma source(%dma_start3A_235 : memref<10000x128xf32, #tpu.memory_space<hbm>>) target(%arg9 : memref<128x128xf32, #tpu.memory_space<vmem>>) offsets(%dma_start3A_232 : memref<128xi32, #tpu.memory_space<vmem>>) semaphore(%arg13 : memref<!tpu.dma_semaphore, #tpu.memory_space<semaphore_mem>>)
      %dma_wait3A = arith.constant 0 : i32
      %dma_wait3A_236 = arith.constant 0 : i32
      %dma_wait3A_237 = tpu.memref_slice %arg6[%dma_wait3A, %dma_wait3A_236] : memref<2x128xi32, #tpu.memory_space<vmem>> -> memref<1x128xi32, #tpu.memory_space<vmem>>
      %dma_wait3A_238 = tpu.memref_squeeze %dma_wait3A_237 : memref<1x128xi32, #tpu.memory_space<vmem>> -> memref<128xi32, #tpu.memory_space<vmem>>
      %dma_wait3A_239 = arith.constant 0 : i32
      %dma_wait3A_240 = arith.constant 0 : i32
      %dma_wait3A_241 = tpu.memref_slice %arg2[%dma_wait3A_239, %dma_wait3A_240] : memref<10000x128xf32, #tpu.memory_space<hbm>> -> memref<10000x128xf32, #tpu.memory_space<hbm>>
      tpu.wait_indirect_dma semaphore(%arg12 : memref<!tpu.dma_semaphore, #tpu.memory_space<semaphore_mem>>) src(%dma_wait3A_241 : memref<10000x128xf32, #tpu.memory_space<hbm>>) dst(%arg8 : memref<128x128xf32, #tpu.memory_space<vmem>>)
      %run_scoped3A = arith.constant 1 : i32
      "tpu.region"() ({
        %run_scoped3A_262 = tpu.sem_alloc : memref<!tpu.dma_semaphore, #tpu.memory_space<semaphore_mem>>
        %dma_start3A_263 = arith.constant 0 : i32
        %dma_start3A_264 = tpu.memref_slice %arg6[%run_scoped3A, %dma_start3A_263] : memref<2x128xi32, #tpu.memory_space<vmem>> -> memref<1x128xi32, #tpu.memory_space<vmem>>
        %dma_start3A_265 = tpu.memref_squeeze %dma_start3A_264 : memref<1x128xi32, #tpu.memory_space<vmem>> -> memref<128xi32, #tpu.memory_space<vmem>>
        %dma_start3A_266 = arith.constant 0 : i32
        %dma_start3A_267 = arith.constant 0 : i32
        %dma_start3A_268 = tpu.memref_slice %arg11[%dma_start3A_266, %dma_start3A_267] : memref<10240x128xf32, #tpu.memory_space<vmem_shared>> -> memref<10240x128xf32, #tpu.memory_space<vmem_shared>>
        tpu.enqueue_indirect_dma source(%arg8 : memref<128x128xf32, #tpu.memory_space<vmem>>) target(%dma_start3A_268 : memref<10240x128xf32, #tpu.memory_space<vmem_shared>>) offsets(%dma_start3A_265 : memref<128xi32, #tpu.memory_space<vmem>>) semaphore(%run_scoped3A_262 : memref<!tpu.dma_semaphore, #tpu.memory_space<semaphore_mem>>) {add = true}
        %dma_wait3A_269 = arith.constant 0 : i32
        %dma_wait3A_270 = tpu.memref_slice %arg6[%run_scoped3A, %dma_wait3A_269] : memref<2x128xi32, #tpu.memory_space<vmem>> -> memref<1x128xi32, #tpu.memory_space<vmem>>
        %dma_wait3A_271 = tpu.memref_squeeze %dma_wait3A_270 : memref<1x128xi32, #tpu.memory_space<vmem>> -> memref<128xi32, #tpu.memory_space<vmem>>
        %dma_wait3A_272 = arith.constant 0 : i32
        %dma_wait3A_273 = arith.constant 0 : i32
        %dma_wait3A_274 = tpu.memref_slice %arg11[%dma_wait3A_272, %dma_wait3A_273] : memref<10240x128xf32, #tpu.memory_space<vmem_shared>> -> memref<10240x128xf32, #tpu.memory_space<vmem_shared>>
        tpu.wait_indirect_dma semaphore(%run_scoped3A_262 : memref<!tpu.dma_semaphore, #tpu.memory_space<semaphore_mem>>) src(%arg8 : memref<128x128xf32, #tpu.memory_space<vmem>>) dst(%dma_wait3A_274 : memref<10240x128xf32, #tpu.memory_space<vmem_shared>>)
        tpu.yield
      }) : () -> ()
      %add3A_242 = arith.constant 2 : i32
      %add3A_243 = arith.addi %mul3A_228, %add3A_242 : i32
      %lt3A_244 = arith.cmpi slt, %add3A_243, %select_n3A_12 : i32
      %convert_element_type3A_245 = arith.extui %lt3A_244 : i1 to i32
      %cond3A_246 = arith.constant 0 : i32
      %cond3A_247 = arith.cmpi ne, %convert_element_type3A_245, %cond3A_246 : i32
      scf.if %cond3A_247 {
        %add3A_262 = arith.addi %add3A_7, %mul3A_228 : i32
        %add3A_263 = arith.constant 2 : i32
        %add3A_264 = arith.addi %add3A_262, %add3A_263 : i32
        %mul3A_265 = arith.constant 128 : i32
        %mul3A_266 = arith.muli %add3A_264, %mul3A_265 : i32
        "tpu.region"() ({
          %run_scoped3A_274 = tpu.sem_alloc : memref<!tpu.dma_semaphore, #tpu.memory_space<semaphore_mem>>
          %dma_start3A_275 = arith.constant 0 : i32
          %dma_start3A_276 = tpu.memref_slice %arg3[%dma_start3A_275, %mul3A_266] : memref<2x320000xi32, #tpu.memory_space<hbm>> -> memref<2x128xi32, #tpu.memory_space<hbm>>
          %dma_start3A_277 = arith.constant 0 : i32
          %dma_start3A_278 = tpu.memref_slice %arg3[%dma_start3A_277, %mul3A_266] : memref<2x320000xi32, #tpu.memory_space<hbm>> -> memref<2x128xi32, #tpu.memory_space<hbm>>
          tpu.enqueue_dma source(%dma_start3A_278 : memref<2x128xi32, #tpu.memory_space<hbm>>) target(%arg6 : memref<2x128xi32, #tpu.memory_space<vmem>>) target_semaphore(%run_scoped3A_274 : memref<!tpu.dma_semaphore, #tpu.memory_space<semaphore_mem>>)
          %dma_wait3A_279 = arith.constant 0 : i32
          %dma_wait3A_280 = tpu.memref_slice %arg3[%dma_wait3A_279, %mul3A_266] : memref<2x320000xi32, #tpu.memory_space<hbm>> -> memref<2x128xi32, #tpu.memory_space<hbm>>
          %dma_wait3A_281 = arith.constant 0 : i32
          %dma_wait3A_282 = tpu.memref_slice %arg3[%dma_wait3A_281, %mul3A_266] : memref<2x320000xi32, #tpu.memory_space<hbm>> -> memref<2x128xi32, #tpu.memory_space<hbm>>
          tpu.wait_dma2 semaphore(%run_scoped3A_274 : memref<!tpu.dma_semaphore, #tpu.memory_space<semaphore_mem>>) src(%dma_wait3A_282 : memref<2x128xi32, #tpu.memory_space<hbm>>) dst(%arg6 : memref<2x128xi32, #tpu.memory_space<vmem>>)
          tpu.yield
        }) : () -> ()
        %dma_start3A_267 = arith.constant 0 : i32
        %dma_start3A_268 = arith.constant 0 : i32
        %dma_start3A_269 = tpu.memref_slice %arg6[%dma_start3A_267, %dma_start3A_268] : memref<2x128xi32, #tpu.memory_space<vmem>> -> memref<1x128xi32, #tpu.memory_space<vmem>>
        %dma_start3A_270 = tpu.memref_squeeze %dma_start3A_269 : memref<1x128xi32, #tpu.memory_space<vmem>> -> memref<128xi32, #tpu.memory_space<vmem>>
        %dma_start3A_271 = arith.constant 0 : i32
        %dma_start3A_272 = arith.constant 0 : i32
        %dma_start3A_273 = tpu.memref_slice %arg2[%dma_start3A_271, %dma_start3A_272] : memref<10000x128xf32, #tpu.memory_space<hbm>> -> memref<10000x128xf32, #tpu.memory_space<hbm>>
        tpu.enqueue_indirect_dma source(%dma_start3A_273 : memref<10000x128xf32, #tpu.memory_space<hbm>>) target(%arg8 : memref<128x128xf32, #tpu.memory_space<vmem>>) offsets(%dma_start3A_270 : memref<128xi32, #tpu.memory_space<vmem>>) semaphore(%arg12 : memref<!tpu.dma_semaphore, #tpu.memory_space<semaphore_mem>>)
      } else {
      }
      %dma_wait3A_248 = arith.constant 0 : i32
      %dma_wait3A_249 = arith.constant 0 : i32
      %dma_wait3A_250 = tpu.memref_slice %arg7[%dma_wait3A_248, %dma_wait3A_249] : memref<2x128xi32, #tpu.memory_space<vmem>> -> memref<1x128xi32, #tpu.memory_space<vmem>>
      %dma_wait3A_251 = tpu.memref_squeeze %dma_wait3A_250 : memref<1x128xi32, #tpu.memory_space<vmem>> -> memref<128xi32, #tpu.memory_space<vmem>>
      %dma_wait3A_252 = arith.constant 0 : i32
      %dma_wait3A_253 = arith.constant 0 : i32
      %dma_wait3A_254 = tpu.memref_slice %arg2[%dma_wait3A_252, %dma_wait3A_253] : memref<10000x128xf32, #tpu.memory_space<hbm>> -> memref<10000x128xf32, #tpu.memory_space<hbm>>
      tpu.wait_indirect_dma semaphore(%arg13 : memref<!tpu.dma_semaphore, #tpu.memory_space<semaphore_mem>>) src(%dma_wait3A_254 : memref<10000x128xf32, #tpu.memory_space<hbm>>) dst(%arg9 : memref<128x128xf32, #tpu.memory_space<vmem>>)
      %run_scoped3A_255 = arith.constant 1 : i32
      "tpu.region"() ({
        %run_scoped3A_262 = tpu.sem_alloc : memref<!tpu.dma_semaphore, #tpu.memory_space<semaphore_mem>>
        %dma_start3A_263 = arith.constant 0 : i32
        %dma_start3A_264 = tpu.memref_slice %arg7[%run_scoped3A_255, %dma_start3A_263] : memref<2x128xi32, #tpu.memory_space<vmem>> -> memref<1x128xi32, #tpu.memory_space<vmem>>
        %dma_start3A_265 = tpu.memref_squeeze %dma_start3A_264 : memref<1x128xi32, #tpu.memory_space<vmem>> -> memref<128xi32, #tpu.memory_space<vmem>>
        %dma_start3A_266 = arith.constant 0 : i32
        %dma_start3A_267 = arith.constant 0 : i32
        %dma_start3A_268 = tpu.memref_slice %arg11[%dma_start3A_266, %dma_start3A_267] : memref<10240x128xf32, #tpu.memory_space<vmem_shared>> -> memref<10240x128xf32, #tpu.memory_space<vmem_shared>>
        tpu.enqueue_indirect_dma source(%arg9 : memref<128x128xf32, #tpu.memory_space<vmem>>) target(%dma_start3A_268 : memref<10240x128xf32, #tpu.memory_space<vmem_shared>>) offsets(%dma_start3A_265 : memref<128xi32, #tpu.memory_space<vmem>>) semaphore(%run_scoped3A_262 : memref<!tpu.dma_semaphore, #tpu.memory_space<semaphore_mem>>) {add = true}
        %dma_wait3A_269 = arith.constant 0 : i32
        %dma_wait3A_270 = tpu.memref_slice %arg7[%run_scoped3A_255, %dma_wait3A_269] : memref<2x128xi32, #tpu.memory_space<vmem>> -> memref<1x128xi32, #tpu.memory_space<vmem>>
        %dma_wait3A_271 = tpu.memref_squeeze %dma_wait3A_270 : memref<1x128xi32, #tpu.memory_space<vmem>> -> memref<128xi32, #tpu.memory_space<vmem>>
        %dma_wait3A_272 = arith.constant 0 : i32
        %dma_wait3A_273 = arith.constant 0 : i32
        %dma_wait3A_274 = tpu.memref_slice %arg11[%dma_wait3A_272, %dma_wait3A_273] : memref<10240x128xf32, #tpu.memory_space<vmem_shared>> -> memref<10240x128xf32, #tpu.memory_space<vmem_shared>>
        tpu.wait_indirect_dma semaphore(%run_scoped3A_262 : memref<!tpu.dma_semaphore, #tpu.memory_space<semaphore_mem>>) src(%arg9 : memref<128x128xf32, #tpu.memory_space<vmem>>) dst(%dma_wait3A_274 : memref<10240x128xf32, #tpu.memory_space<vmem_shared>>)
        tpu.yield
      }) : () -> ()
      %add3A_256 = arith.constant 3 : i32
      %add3A_257 = arith.addi %mul3A_228, %add3A_256 : i32
      %lt3A_258 = arith.cmpi slt, %add3A_257, %select_n3A_12 : i32
      %convert_element_type3A_259 = arith.extui %lt3A_258 : i1 to i32
      %cond3A_260 = arith.constant 0 : i32
      %cond3A_261 = arith.cmpi ne, %convert_element_type3A_259, %cond3A_260 : i32
      scf.if %cond3A_261 {
        %add3A_262 = arith.addi %add3A_7, %mul3A_228 : i32
        %add3A_263 = arith.constant 3 : i32
        %add3A_264 = arith.addi %add3A_262, %add3A_263 : i32
        %mul3A_265 = arith.constant 128 : i32
        %mul3A_266 = arith.muli %add3A_264, %mul3A_265 : i32
        "tpu.region"() ({
          %run_scoped3A_267 = tpu.sem_alloc : memref<!tpu.dma_semaphore, #tpu.memory_space<semaphore_mem>>
          %dma_start3A_268 = arith.constant 0 : i32
          %dma_start3A_269 = tpu.memref_slice %arg3[%dma_start3A_268, %mul3A_266] : memref<2x320000xi32, #tpu.memory_space<hbm>> -> memref<2x128xi32, #tpu.memory_space<hbm>>
          %dma_start3A_270 = arith.constant 0 : i32
          %dma_start3A_271 = tpu.memref_slice %arg3[%dma_start3A_270, %mul3A_266] : memref<2x320000xi32, #tpu.memory_space<hbm>> -> memref<2x128xi32, #tpu.memory_space<hbm>>
          tpu.enqueue_dma source(%dma_start3A_271 : memref<2x128xi32, #tpu.memory_space<hbm>>) target(%arg7 : memref<2x128xi32, #tpu.memory_space<vmem>>) target_semaphore(%run_scoped3A_267 : memref<!tpu.dma_semaphore, #tpu.memory_space<semaphore_mem>>)
          %dma_wait3A_272 = arith.constant 0 : i32
          %dma_wait3A_273 = tpu.memref_slice %arg3[%dma_wait3A_272, %mul3A_266] : memref<2x320000xi32, #tpu.memory_space<hbm>> -> memref<2x128xi32, #tpu.memory_space<hbm>>
          %dma_wait3A_274 = arith.constant 0 : i32
          %dma_wait3A_275 = tpu.memref_slice %arg3[%dma_wait3A_274, %mul3A_266] : memref<2x320000xi32, #tpu.memory_space<hbm>> -> memref<2x128xi32, #tpu.memory_space<hbm>>
          tpu.wait_dma2 semaphore(%run_scoped3A_267 : memref<!tpu.dma_semaphore, #tpu.memory_space<semaphore_mem>>) src(%dma_wait3A_275 : memref<2x128xi32, #tpu.memory_space<hbm>>) dst(%arg7 : memref<2x128xi32, #tpu.memory_space<vmem>>)
          tpu.yield
        }) : () -> ()
      } else {
      }
    }
    %barrier3A_116 = arith.constant 0 : index
    tpu.barrier barrier_id(%barrier3A_116)
    %add3A_117 = arith.constant 0 : i32
    %add3A_118 = arith.addi %arg1, %add3A_117 : i32
    %lt3A = arith.constant 250 : i32
    %lt3A_119 = arith.cmpi slt, %add3A_118, %lt3A : i32
    %convert_element_type3A = arith.extui %lt3A_119 : i1 to i32
    %cond3A = arith.constant 0 : i32
    %cond3A_120 = arith.cmpi ne, %convert_element_type3A, %cond3A : i32
    scf.if %cond3A_120 {
      %mul3A_226 = arith.constant 40 : i32
      %mul3A_227 = arith.muli %add3A_118, %mul3A_226 : i32
      "tpu.region"() ({
        %run_scoped3A = tpu.sem_alloc : memref<!tpu.dma_semaphore, #tpu.memory_space<semaphore_mem>>
        %dma_start3A_228 = arith.constant 0 : i32
        %dma_start3A_229 = tpu.memref_slice %arg11[%mul3A_227, %dma_start3A_228] : memref<10240x128xf32, #tpu.memory_space<vmem_shared>> -> memref<40x128xf32, #tpu.memory_space<vmem_shared>>
        %dma_start3A_230 = arith.constant 0 : i32
        %dma_start3A_231 = tpu.memref_slice %arg11[%mul3A_227, %dma_start3A_230] : memref<10240x128xf32, #tpu.memory_space<vmem_shared>> -> memref<40x128xf32, #tpu.memory_space<vmem_shared>>
        tpu.enqueue_dma source(%dma_start3A_231 : memref<40x128xf32, #tpu.memory_space<vmem_shared>>) target(%arg10 : memref<40x128xf32, #tpu.memory_space<vmem>>) target_semaphore(%run_scoped3A : memref<!tpu.dma_semaphore, #tpu.memory_space<semaphore_mem>>)
        %dma_wait3A = arith.constant 0 : i32
        %dma_wait3A_232 = tpu.memref_slice %arg11[%mul3A_227, %dma_wait3A] : memref<10240x128xf32, #tpu.memory_space<vmem_shared>> -> memref<40x128xf32, #tpu.memory_space<vmem_shared>>
        %dma_wait3A_233 = arith.constant 0 : i32
        %dma_wait3A_234 = tpu.memref_slice %arg11[%mul3A_227, %dma_wait3A_233] : memref<10240x128xf32, #tpu.memory_space<vmem_shared>> -> memref<40x128xf32, #tpu.memory_space<vmem_shared>>
        tpu.wait_dma2 semaphore(%run_scoped3A : memref<!tpu.dma_semaphore, #tpu.memory_space<semaphore_mem>>) src(%dma_wait3A_234 : memref<40x128xf32, #tpu.memory_space<vmem_shared>>) dst(%arg10 : memref<40x128xf32, #tpu.memory_space<vmem>>)
        tpu.yield
      }) : () -> ()
      "tpu.region"() ({
        %run_scoped3A = tpu.sem_alloc : memref<!tpu.dma_semaphore, #tpu.memory_space<semaphore_mem>>
        %dma_start3A_228 = arith.constant 0 : i32
        %dma_start3A_229 = tpu.memref_slice %arg5[%arg0, %mul3A_227, %dma_start3A_228] : memref<2x10000x128xf32, #tpu.memory_space<hbm>> -> memref<1x40x128xf32, #tpu.memory_space<hbm>>
        %dma_start3A_230 = tpu.memref_squeeze %dma_start3A_229 : memref<1x40x128xf32, #tpu.memory_space<hbm>> -> memref<40x128xf32, #tpu.memory_space<hbm>>
        %dma_start3A_231 = arith.constant 0 : i32
        %dma_start3A_232 = tpu.memref_slice %arg5[%arg0, %mul3A_227, %dma_start3A_231] : memref<2x10000x128xf32, #tpu.memory_space<hbm>> -> memref<1x40x128xf32, #tpu.memory_space<hbm>>
        %dma_start3A_233 = tpu.memref_squeeze %dma_start3A_232 : memref<1x40x128xf32, #tpu.memory_space<hbm>> -> memref<40x128xf32, #tpu.memory_space<hbm>>
        tpu.enqueue_dma source(%arg10 : memref<40x128xf32, #tpu.memory_space<vmem>>) target(%dma_start3A_233 : memref<40x128xf32, #tpu.memory_space<hbm>>) target_semaphore(%run_scoped3A : memref<!tpu.dma_semaphore, #tpu.memory_space<semaphore_mem>>)
        %dma_wait3A = arith.constant 0 : i32
        %dma_wait3A_234 = tpu.memref_slice %arg5[%arg0, %mul3A_227, %dma_wait3A] : memref<2x10000x128xf32, #tpu.memory_space<hbm>> -> memref<1x40x128xf32, #tpu.memory_space<hbm>>
        %dma_wait3A_235 = tpu.memref_squeeze %dma_wait3A_234 : memref<1x40x128xf32, #tpu.memory_space<hbm>> -> memref<40x128xf32, #tpu.memory_space<hbm>>
        %dma_wait3A_236 = arith.constant 0 : i32
        %dma_wait3A_237 = tpu.memref_slice %arg5[%arg0, %mul3A_227, %dma_wait3A_236] : memref<2x10000x128xf32, #tpu.memory_space<hbm>> -> memref<1x40x128xf32, #tpu.memory_space<hbm>>
        %dma_wait3A_238 = tpu.memref_squeeze %dma_wait3A_237 : memref<1x40x128xf32, #tpu.memory_space<hbm>> -> memref<40x128xf32, #tpu.memory_space<hbm>>
        tpu.wait_dma2 semaphore(%run_scoped3A : memref<!tpu.dma_semaphore, #tpu.memory_space<semaphore_mem>>) src(%arg10 : memref<40x128xf32, #tpu.memory_space<vmem>>) dst(%dma_wait3A_238 : memref<40x128xf32, #tpu.memory_space<hbm>>)
        tpu.yield
      }) : () -> ()
    } else {
    }
    %add3A_121 = arith.constant 16 : i32
    %add3A_122 = arith.addi %arg1, %add3A_121 : i32
    %lt3A_123 = arith.constant 250 : i32
    %lt3A_124 = arith.cmpi slt, %add3A_122, %lt3A_123 : i32
    %convert_element_type3A_125 = arith.extui %lt3A_124 : i1 to i32
    %cond3A_126 = arith.constant 0 : i32
    %cond3A_127 = arith.cmpi ne, %convert_element_type3A_125, %cond3A_126 : i32
    scf.if %cond3A_127 {
      %mul3A_226 = arith.constant 40 : i32
      %mul3A_227 = arith.muli %add3A_122, %mul3A_226 : i32
      "tpu.region"() ({
        %run_scoped3A = tpu.sem_alloc : memref<!tpu.dma_semaphore, #tpu.memory_space<semaphore_mem>>
        %dma_start3A_228 = arith.constant 0 : i32
        %dma_start3A_229 = tpu.memref_slice %arg11[%mul3A_227, %dma_start3A_228] : memref<10240x128xf32, #tpu.memory_space<vmem_shared>> -> memref<40x128xf32, #tpu.memory_space<vmem_shared>>
        %dma_start3A_230 = arith.constant 0 : i32
        %dma_start3A_231 = tpu.memref_slice %arg11[%mul3A_227, %dma_start3A_230] : memref<10240x128xf32, #tpu.memory_space<vmem_shared>> -> memref<40x128xf32, #tpu.memory_space<vmem_shared>>
        tpu.enqueue_dma source(%dma_start3A_231 : memref<40x128xf32, #tpu.memory_space<vmem_shared>>) target(%arg10 : memref<40x128xf32, #tpu.memory_space<vmem>>) target_semaphore(%run_scoped3A : memref<!tpu.dma_semaphore, #tpu.memory_space<semaphore_mem>>)
        %dma_wait3A = arith.constant 0 : i32
        %dma_wait3A_232 = tpu.memref_slice %arg11[%mul3A_227, %dma_wait3A] : memref<10240x128xf32, #tpu.memory_space<vmem_shared>> -> memref<40x128xf32, #tpu.memory_space<vmem_shared>>
        %dma_wait3A_233 = arith.constant 0 : i32
        %dma_wait3A_234 = tpu.memref_slice %arg11[%mul3A_227, %dma_wait3A_233] : memref<10240x128xf32, #tpu.memory_space<vmem_shared>> -> memref<40x128xf32, #tpu.memory_space<vmem_shared>>
        tpu.wait_dma2 semaphore(%run_scoped3A : memref<!tpu.dma_semaphore, #tpu.memory_space<semaphore_mem>>) src(%dma_wait3A_234 : memref<40x128xf32, #tpu.memory_space<vmem_shared>>) dst(%arg10 : memref<40x128xf32, #tpu.memory_space<vmem>>)
        tpu.yield
      }) : () -> ()
      "tpu.region"() ({
        %run_scoped3A = tpu.sem_alloc : memref<!tpu.dma_semaphore, #tpu.memory_space<semaphore_mem>>
        %dma_start3A_228 = arith.constant 0 : i32
        %dma_start3A_229 = tpu.memref_slice %arg5[%arg0, %mul3A_227, %dma_start3A_228] : memref<2x10000x128xf32, #tpu.memory_space<hbm>> -> memref<1x40x128xf32, #tpu.memory_space<hbm>>
        %dma_start3A_230 = tpu.memref_squeeze %dma_start3A_229 : memref<1x40x128xf32, #tpu.memory_space<hbm>> -> memref<40x128xf32, #tpu.memory_space<hbm>>
        %dma_start3A_231 = arith.constant 0 : i32
        %dma_start3A_232 = tpu.memref_slice %arg5[%arg0, %mul3A_227, %dma_start3A_231] : memref<2x10000x128xf32, #tpu.memory_space<hbm>> -> memref<1x40x128xf32, #tpu.memory_space<hbm>>
        %dma_start3A_233 = tpu.memref_squeeze %dma_start3A_232 : memref<1x40x128xf32, #tpu.memory_space<hbm>> -> memref<40x128xf32, #tpu.memory_space<hbm>>
        tpu.enqueue_dma source(%arg10 : memref<40x128xf32, #tpu.memory_space<vmem>>) target(%dma_start3A_233 : memref<40x128xf32, #tpu.memory_space<hbm>>) target_semaphore(%run_scoped3A : memref<!tpu.dma_semaphore, #tpu.memory_space<semaphore_mem>>)
        %dma_wait3A = arith.constant 0 : i32
        %dma_wait3A_234 = tpu.memref_slice %arg5[%arg0, %mul3A_227, %dma_wait3A] : memref<2x10000x128xf32, #tpu.memory_space<hbm>> -> memref<1x40x128xf32, #tpu.memory_space<hbm>>
        %dma_wait3A_235 = tpu.memref_squeeze %dma_wait3A_234 : memref<1x40x128xf32, #tpu.memory_space<hbm>> -> memref<40x128xf32, #tpu.memory_space<hbm>>
        %dma_wait3A_236 = arith.constant 0 : i32
        %dma_wait3A_237 = tpu.memref_slice %arg5[%arg0, %mul3A_227, %dma_wait3A_236] : memref<2x10000x128xf32, #tpu.memory_space<hbm>> -> memref<1x40x128xf32, #tpu.memory_space<hbm>>
        %dma_wait3A_238 = tpu.memref_squeeze %dma_wait3A_237 : memref<1x40x128xf32, #tpu.memory_space<hbm>> -> memref<40x128xf32, #tpu.memory_space<hbm>>
        tpu.wait_dma2 semaphore(%run_scoped3A : memref<!tpu.dma_semaphore, #tpu.memory_space<semaphore_mem>>) src(%arg10 : memref<40x128xf32, #tpu.memory_space<vmem>>) dst(%dma_wait3A_238 : memref<40x128xf32, #tpu.memory_space<hbm>>)
        tpu.yield
      }) : () -> ()
    } else {
    }
    %add3A_128 = arith.constant 32 : i32
    %add3A_129 = arith.addi %arg1, %add3A_128 : i32
    %lt3A_130 = arith.constant 250 : i32
    %lt3A_131 = arith.cmpi slt, %add3A_129, %lt3A_130 : i32
    %convert_element_type3A_132 = arith.extui %lt3A_131 : i1 to i32
    %cond3A_133 = arith.constant 0 : i32
    %cond3A_134 = arith.cmpi ne, %convert_element_type3A_132, %cond3A_133 : i32
    scf.if %cond3A_134 {
      %mul3A_226 = arith.constant 40 : i32
      %mul3A_227 = arith.muli %add3A_129, %mul3A_226 : i32
      "tpu.region"() ({
        %run_scoped3A = tpu.sem_alloc : memref<!tpu.dma_semaphore, #tpu.memory_space<semaphore_mem>>
        %dma_start3A_228 = arith.constant 0 : i32
        %dma_start3A_229 = tpu.memref_slice %arg11[%mul3A_227, %dma_start3A_228] : memref<10240x128xf32, #tpu.memory_space<vmem_shared>> -> memref<40x128xf32, #tpu.memory_space<vmem_shared>>
        %dma_start3A_230 = arith.constant 0 : i32
        %dma_start3A_231 = tpu.memref_slice %arg11[%mul3A_227, %dma_start3A_230] : memref<10240x128xf32, #tpu.memory_space<vmem_shared>> -> memref<40x128xf32, #tpu.memory_space<vmem_shared>>
        tpu.enqueue_dma source(%dma_start3A_231 : memref<40x128xf32, #tpu.memory_space<vmem_shared>>) target(%arg10 : memref<40x128xf32, #tpu.memory_space<vmem>>) target_semaphore(%run_scoped3A : memref<!tpu.dma_semaphore, #tpu.memory_space<semaphore_mem>>)
        %dma_wait3A = arith.constant 0 : i32
        %dma_wait3A_232 = tpu.memref_slice %arg11[%mul3A_227, %dma_wait3A] : memref<10240x128xf32, #tpu.memory_space<vmem_shared>> -> memref<40x128xf32, #tpu.memory_space<vmem_shared>>
        %dma_wait3A_233 = arith.constant 0 : i32
        %dma_wait3A_234 = tpu.memref_slice %arg11[%mul3A_227, %dma_wait3A_233] : memref<10240x128xf32, #tpu.memory_space<vmem_shared>> -> memref<40x128xf32, #tpu.memory_space<vmem_shared>>
        tpu.wait_dma2 semaphore(%run_scoped3A : memref<!tpu.dma_semaphore, #tpu.memory_space<semaphore_mem>>) src(%dma_wait3A_234 : memref<40x128xf32, #tpu.memory_space<vmem_shared>>) dst(%arg10 : memref<40x128xf32, #tpu.memory_space<vmem>>)
        tpu.yield
      }) : () -> ()
      "tpu.region"() ({
        %run_scoped3A = tpu.sem_alloc : memref<!tpu.dma_semaphore, #tpu.memory_space<semaphore_mem>>
        %dma_start3A_228 = arith.constant 0 : i32
        %dma_start3A_229 = tpu.memref_slice %arg5[%arg0, %mul3A_227, %dma_start3A_228] : memref<2x10000x128xf32, #tpu.memory_space<hbm>> -> memref<1x40x128xf32, #tpu.memory_space<hbm>>
        %dma_start3A_230 = tpu.memref_squeeze %dma_start3A_229 : memref<1x40x128xf32, #tpu.memory_space<hbm>> -> memref<40x128xf32, #tpu.memory_space<hbm>>
        %dma_start3A_231 = arith.constant 0 : i32
        %dma_start3A_232 = tpu.memref_slice %arg5[%arg0, %mul3A_227, %dma_start3A_231] : memref<2x10000x128xf32, #tpu.memory_space<hbm>> -> memref<1x40x128xf32, #tpu.memory_space<hbm>>
        %dma_start3A_233 = tpu.memref_squeeze %dma_start3A_232 : memref<1x40x128xf32, #tpu.memory_space<hbm>> -> memref<40x128xf32, #tpu.memory_space<hbm>>
        tpu.enqueue_dma source(%arg10 : memref<40x128xf32, #tpu.memory_space<vmem>>) target(%dma_start3A_233 : memref<40x128xf32, #tpu.memory_space<hbm>>) target_semaphore(%run_scoped3A : memref<!tpu.dma_semaphore, #tpu.memory_space<semaphore_mem>>)
        %dma_wait3A = arith.constant 0 : i32
        %dma_wait3A_234 = tpu.memref_slice %arg5[%arg0, %mul3A_227, %dma_wait3A] : memref<2x10000x128xf32, #tpu.memory_space<hbm>> -> memref<1x40x128xf32, #tpu.memory_space<hbm>>
        %dma_wait3A_235 = tpu.memref_squeeze %dma_wait3A_234 : memref<1x40x128xf32, #tpu.memory_space<hbm>> -> memref<40x128xf32, #tpu.memory_space<hbm>>
        %dma_wait3A_236 = arith.constant 0 : i32
        %dma_wait3A_237 = tpu.memref_slice %arg5[%arg0, %mul3A_227, %dma_wait3A_236] : memref<2x10000x128xf32, #tpu.memory_space<hbm>> -> memref<1x40x128xf32, #tpu.memory_space<hbm>>
        %dma_wait3A_238 = tpu.memref_squeeze %dma_wait3A_237 : memref<1x40x128xf32, #tpu.memory_space<hbm>> -> memref<40x128xf32, #tpu.memory_space<hbm>>
        tpu.wait_dma2 semaphore(%run_scoped3A : memref<!tpu.dma_semaphore, #tpu.memory_space<semaphore_mem>>) src(%arg10 : memref<40x128xf32, #tpu.memory_space<vmem>>) dst(%dma_wait3A_238 : memref<40x128xf32, #tpu.memory_space<hbm>>)
        tpu.yield
      }) : () -> ()
    } else {
    }
    %add3A_135 = arith.constant 48 : i32
    %add3A_136 = arith.addi %arg1, %add3A_135 : i32
    %lt3A_137 = arith.constant 250 : i32
    %lt3A_138 = arith.cmpi slt, %add3A_136, %lt3A_137 : i32
    %convert_element_type3A_139 = arith.extui %lt3A_138 : i1 to i32
    %cond3A_140 = arith.constant 0 : i32
    %cond3A_141 = arith.cmpi ne, %convert_element_type3A_139, %cond3A_140 : i32
    scf.if %cond3A_141 {
      %mul3A_226 = arith.constant 40 : i32
      %mul3A_227 = arith.muli %add3A_136, %mul3A_226 : i32
      "tpu.region"() ({
        %run_scoped3A = tpu.sem_alloc : memref<!tpu.dma_semaphore, #tpu.memory_space<semaphore_mem>>
        %dma_start3A_228 = arith.constant 0 : i32
        %dma_start3A_229 = tpu.memref_slice %arg11[%mul3A_227, %dma_start3A_228] : memref<10240x128xf32, #tpu.memory_space<vmem_shared>> -> memref<40x128xf32, #tpu.memory_space<vmem_shared>>
        %dma_start3A_230 = arith.constant 0 : i32
        %dma_start3A_231 = tpu.memref_slice %arg11[%mul3A_227, %dma_start3A_230] : memref<10240x128xf32, #tpu.memory_space<vmem_shared>> -> memref<40x128xf32, #tpu.memory_space<vmem_shared>>
        tpu.enqueue_dma source(%dma_start3A_231 : memref<40x128xf32, #tpu.memory_space<vmem_shared>>) target(%arg10 : memref<40x128xf32, #tpu.memory_space<vmem>>) target_semaphore(%run_scoped3A : memref<!tpu.dma_semaphore, #tpu.memory_space<semaphore_mem>>)
        %dma_wait3A = arith.constant 0 : i32
        %dma_wait3A_232 = tpu.memref_slice %arg11[%mul3A_227, %dma_wait3A] : memref<10240x128xf32, #tpu.memory_space<vmem_shared>> -> memref<40x128xf32, #tpu.memory_space<vmem_shared>>
        %dma_wait3A_233 = arith.constant 0 : i32
        %dma_wait3A_234 = tpu.memref_slice %arg11[%mul3A_227, %dma_wait3A_233] : memref<10240x128xf32, #tpu.memory_space<vmem_shared>> -> memref<40x128xf32, #tpu.memory_space<vmem_shared>>
        tpu.wait_dma2 semaphore(%run_scoped3A : memref<!tpu.dma_semaphore, #tpu.memory_space<semaphore_mem>>) src(%dma_wait3A_234 : memref<40x128xf32, #tpu.memory_space<vmem_shared>>) dst(%arg10 : memref<40x128xf32, #tpu.memory_space<vmem>>)
        tpu.yield
      }) : () -> ()
      "tpu.region"() ({
        %run_scoped3A = tpu.sem_alloc : memref<!tpu.dma_semaphore, #tpu.memory_space<semaphore_mem>>
        %dma_start3A_228 = arith.constant 0 : i32
        %dma_start3A_229 = tpu.memref_slice %arg5[%arg0, %mul3A_227, %dma_start3A_228] : memref<2x10000x128xf32, #tpu.memory_space<hbm>> -> memref<1x40x128xf32, #tpu.memory_space<hbm>>
        %dma_start3A_230 = tpu.memref_squeeze %dma_start3A_229 : memref<1x40x128xf32, #tpu.memory_space<hbm>> -> memref<40x128xf32, #tpu.memory_space<hbm>>
        %dma_start3A_231 = arith.constant 0 : i32
        %dma_start3A_232 = tpu.memref_slice %arg5[%arg0, %mul3A_227, %dma_start3A_231] : memref<2x10000x128xf32, #tpu.memory_space<hbm>> -> memref<1x40x128xf32, #tpu.memory_space<hbm>>
        %dma_start3A_233 = tpu.memref_squeeze %dma_start3A_232 : memref<1x40x128xf32, #tpu.memory_space<hbm>> -> memref<40x128xf32, #tpu.memory_space<hbm>>
        tpu.enqueue_dma source(%arg10 : memref<40x128xf32, #tpu.memory_space<vmem>>) target(%dma_start3A_233 : memref<40x128xf32, #tpu.memory_space<hbm>>) target_semaphore(%run_scoped3A : memref<!tpu.dma_semaphore, #tpu.memory_space<semaphore_mem>>)
        %dma_wait3A = arith.constant 0 : i32
        %dma_wait3A_234 = tpu.memref_slice %arg5[%arg0, %mul3A_227, %dma_wait3A] : memref<2x10000x128xf32, #tpu.memory_space<hbm>> -> memref<1x40x128xf32, #tpu.memory_space<hbm>>
        %dma_wait3A_235 = tpu.memref_squeeze %dma_wait3A_234 : memref<1x40x128xf32, #tpu.memory_space<hbm>> -> memref<40x128xf32, #tpu.memory_space<hbm>>
        %dma_wait3A_236 = arith.constant 0 : i32
        %dma_wait3A_237 = tpu.memref_slice %arg5[%arg0, %mul3A_227, %dma_wait3A_236] : memref<2x10000x128xf32, #tpu.memory_space<hbm>> -> memref<1x40x128xf32, #tpu.memory_space<hbm>>
        %dma_wait3A_238 = tpu.memref_squeeze %dma_wait3A_237 : memref<1x40x128xf32, #tpu.memory_space<hbm>> -> memref<40x128xf32, #tpu.memory_space<hbm>>
        tpu.wait_dma2 semaphore(%run_scoped3A : memref<!tpu.dma_semaphore, #tpu.memory_space<semaphore_mem>>) src(%arg10 : memref<40x128xf32, #tpu.memory_space<vmem>>) dst(%dma_wait3A_238 : memref<40x128xf32, #tpu.memory_space<hbm>>)
        tpu.yield
      }) : () -> ()
    } else {
    }
    %add3A_142 = arith.constant 64 : i32
    %add3A_143 = arith.addi %arg1, %add3A_142 : i32
    %lt3A_144 = arith.constant 250 : i32
    %lt3A_145 = arith.cmpi slt, %add3A_143, %lt3A_144 : i32
    %convert_element_type3A_146 = arith.extui %lt3A_145 : i1 to i32
    %cond3A_147 = arith.constant 0 : i32
    %cond3A_148 = arith.cmpi ne, %convert_element_type3A_146, %cond3A_147 : i32
    scf.if %cond3A_148 {
      %mul3A_226 = arith.constant 40 : i32
      %mul3A_227 = arith.muli %add3A_143, %mul3A_226 : i32
      "tpu.region"() ({
        %run_scoped3A = tpu.sem_alloc : memref<!tpu.dma_semaphore, #tpu.memory_space<semaphore_mem>>
        %dma_start3A_228 = arith.constant 0 : i32
        %dma_start3A_229 = tpu.memref_slice %arg11[%mul3A_227, %dma_start3A_228] : memref<10240x128xf32, #tpu.memory_space<vmem_shared>> -> memref<40x128xf32, #tpu.memory_space<vmem_shared>>
        %dma_start3A_230 = arith.constant 0 : i32
        %dma_start3A_231 = tpu.memref_slice %arg11[%mul3A_227, %dma_start3A_230] : memref<10240x128xf32, #tpu.memory_space<vmem_shared>> -> memref<40x128xf32, #tpu.memory_space<vmem_shared>>
        tpu.enqueue_dma source(%dma_start3A_231 : memref<40x128xf32, #tpu.memory_space<vmem_shared>>) target(%arg10 : memref<40x128xf32, #tpu.memory_space<vmem>>) target_semaphore(%run_scoped3A : memref<!tpu.dma_semaphore, #tpu.memory_space<semaphore_mem>>)
        %dma_wait3A = arith.constant 0 : i32
        %dma_wait3A_232 = tpu.memref_slice %arg11[%mul3A_227, %dma_wait3A] : memref<10240x128xf32, #tpu.memory_space<vmem_shared>> -> memref<40x128xf32, #tpu.memory_space<vmem_shared>>
        %dma_wait3A_233 = arith.constant 0 : i32
        %dma_wait3A_234 = tpu.memref_slice %arg11[%mul3A_227, %dma_wait3A_233] : memref<10240x128xf32, #tpu.memory_space<vmem_shared>> -> memref<40x128xf32, #tpu.memory_space<vmem_shared>>
        tpu.wait_dma2 semaphore(%run_scoped3A : memref<!tpu.dma_semaphore, #tpu.memory_space<semaphore_mem>>) src(%dma_wait3A_234 : memref<40x128xf32, #tpu.memory_space<vmem_shared>>) dst(%arg10 : memref<40x128xf32, #tpu.memory_space<vmem>>)
        tpu.yield
      }) : () -> ()
      "tpu.region"() ({
        %run_scoped3A = tpu.sem_alloc : memref<!tpu.dma_semaphore, #tpu.memory_space<semaphore_mem>>
        %dma_start3A_228 = arith.constant 0 : i32
        %dma_start3A_229 = tpu.memref_slice %arg5[%arg0, %mul3A_227, %dma_start3A_228] : memref<2x10000x128xf32, #tpu.memory_space<hbm>> -> memref<1x40x128xf32, #tpu.memory_space<hbm>>
        %dma_start3A_230 = tpu.memref_squeeze %dma_start3A_229 : memref<1x40x128xf32, #tpu.memory_space<hbm>> -> memref<40x128xf32, #tpu.memory_space<hbm>>
        %dma_start3A_231 = arith.constant 0 : i32
        %dma_start3A_232 = tpu.memref_slice %arg5[%arg0, %mul3A_227, %dma_start3A_231] : memref<2x10000x128xf32, #tpu.memory_space<hbm>> -> memref<1x40x128xf32, #tpu.memory_space<hbm>>
        %dma_start3A_233 = tpu.memref_squeeze %dma_start3A_232 : memref<1x40x128xf32, #tpu.memory_space<hbm>> -> memref<40x128xf32, #tpu.memory_space<hbm>>
        tpu.enqueue_dma source(%arg10 : memref<40x128xf32, #tpu.memory_space<vmem>>) target(%dma_start3A_233 : memref<40x128xf32, #tpu.memory_space<hbm>>) target_semaphore(%run_scoped3A : memref<!tpu.dma_semaphore, #tpu.memory_space<semaphore_mem>>)
        %dma_wait3A = arith.constant 0 : i32
        %dma_wait3A_234 = tpu.memref_slice %arg5[%arg0, %mul3A_227, %dma_wait3A] : memref<2x10000x128xf32, #tpu.memory_space<hbm>> -> memref<1x40x128xf32, #tpu.memory_space<hbm>>
        %dma_wait3A_235 = tpu.memref_squeeze %dma_wait3A_234 : memref<1x40x128xf32, #tpu.memory_space<hbm>> -> memref<40x128xf32, #tpu.memory_space<hbm>>
        %dma_wait3A_236 = arith.constant 0 : i32
        %dma_wait3A_237 = tpu.memref_slice %arg5[%arg0, %mul3A_227, %dma_wait3A_236] : memref<2x10000x128xf32, #tpu.memory_space<hbm>> -> memref<1x40x128xf32, #tpu.memory_space<hbm>>
        %dma_wait3A_238 = tpu.memref_squeeze %dma_wait3A_237 : memref<1x40x128xf32, #tpu.memory_space<hbm>> -> memref<40x128xf32, #tpu.memory_space<hbm>>
        tpu.wait_dma2 semaphore(%run_scoped3A : memref<!tpu.dma_semaphore, #tpu.memory_space<semaphore_mem>>) src(%arg10 : memref<40x128xf32, #tpu.memory_space<vmem>>) dst(%dma_wait3A_238 : memref<40x128xf32, #tpu.memory_space<hbm>>)
        tpu.yield
      }) : () -> ()
    } else {
    }
    %add3A_149 = arith.constant 80 : i32
    %add3A_150 = arith.addi %arg1, %add3A_149 : i32
    %lt3A_151 = arith.constant 250 : i32
    %lt3A_152 = arith.cmpi slt, %add3A_150, %lt3A_151 : i32
    %convert_element_type3A_153 = arith.extui %lt3A_152 : i1 to i32
    %cond3A_154 = arith.constant 0 : i32
    %cond3A_155 = arith.cmpi ne, %convert_element_type3A_153, %cond3A_154 : i32
    scf.if %cond3A_155 {
      %mul3A_226 = arith.constant 40 : i32
      %mul3A_227 = arith.muli %add3A_150, %mul3A_226 : i32
      "tpu.region"() ({
        %run_scoped3A = tpu.sem_alloc : memref<!tpu.dma_semaphore, #tpu.memory_space<semaphore_mem>>
        %dma_start3A_228 = arith.constant 0 : i32
        %dma_start3A_229 = tpu.memref_slice %arg11[%mul3A_227, %dma_start3A_228] : memref<10240x128xf32, #tpu.memory_space<vmem_shared>> -> memref<40x128xf32, #tpu.memory_space<vmem_shared>>
        %dma_start3A_230 = arith.constant 0 : i32
        %dma_start3A_231 = tpu.memref_slice %arg11[%mul3A_227, %dma_start3A_230] : memref<10240x128xf32, #tpu.memory_space<vmem_shared>> -> memref<40x128xf32, #tpu.memory_space<vmem_shared>>
        tpu.enqueue_dma source(%dma_start3A_231 : memref<40x128xf32, #tpu.memory_space<vmem_shared>>) target(%arg10 : memref<40x128xf32, #tpu.memory_space<vmem>>) target_semaphore(%run_scoped3A : memref<!tpu.dma_semaphore, #tpu.memory_space<semaphore_mem>>)
        %dma_wait3A = arith.constant 0 : i32
        %dma_wait3A_232 = tpu.memref_slice %arg11[%mul3A_227, %dma_wait3A] : memref<10240x128xf32, #tpu.memory_space<vmem_shared>> -> memref<40x128xf32, #tpu.memory_space<vmem_shared>>
        %dma_wait3A_233 = arith.constant 0 : i32
        %dma_wait3A_234 = tpu.memref_slice %arg11[%mul3A_227, %dma_wait3A_233] : memref<10240x128xf32, #tpu.memory_space<vmem_shared>> -> memref<40x128xf32, #tpu.memory_space<vmem_shared>>
        tpu.wait_dma2 semaphore(%run_scoped3A : memref<!tpu.dma_semaphore, #tpu.memory_space<semaphore_mem>>) src(%dma_wait3A_234 : memref<40x128xf32, #tpu.memory_space<vmem_shared>>) dst(%arg10 : memref<40x128xf32, #tpu.memory_space<vmem>>)
        tpu.yield
      }) : () -> ()
      "tpu.region"() ({
        %run_scoped3A = tpu.sem_alloc : memref<!tpu.dma_semaphore, #tpu.memory_space<semaphore_mem>>
        %dma_start3A_228 = arith.constant 0 : i32
        %dma_start3A_229 = tpu.memref_slice %arg5[%arg0, %mul3A_227, %dma_start3A_228] : memref<2x10000x128xf32, #tpu.memory_space<hbm>> -> memref<1x40x128xf32, #tpu.memory_space<hbm>>
        %dma_start3A_230 = tpu.memref_squeeze %dma_start3A_229 : memref<1x40x128xf32, #tpu.memory_space<hbm>> -> memref<40x128xf32, #tpu.memory_space<hbm>>
        %dma_start3A_231 = arith.constant 0 : i32
        %dma_start3A_232 = tpu.memref_slice %arg5[%arg0, %mul3A_227, %dma_start3A_231] : memref<2x10000x128xf32, #tpu.memory_space<hbm>> -> memref<1x40x128xf32, #tpu.memory_space<hbm>>
        %dma_start3A_233 = tpu.memref_squeeze %dma_start3A_232 : memref<1x40x128xf32, #tpu.memory_space<hbm>> -> memref<40x128xf32, #tpu.memory_space<hbm>>
        tpu.enqueue_dma source(%arg10 : memref<40x128xf32, #tpu.memory_space<vmem>>) target(%dma_start3A_233 : memref<40x128xf32, #tpu.memory_space<hbm>>) target_semaphore(%run_scoped3A : memref<!tpu.dma_semaphore, #tpu.memory_space<semaphore_mem>>)
        %dma_wait3A = arith.constant 0 : i32
        %dma_wait3A_234 = tpu.memref_slice %arg5[%arg0, %mul3A_227, %dma_wait3A] : memref<2x10000x128xf32, #tpu.memory_space<hbm>> -> memref<1x40x128xf32, #tpu.memory_space<hbm>>
        %dma_wait3A_235 = tpu.memref_squeeze %dma_wait3A_234 : memref<1x40x128xf32, #tpu.memory_space<hbm>> -> memref<40x128xf32, #tpu.memory_space<hbm>>
        %dma_wait3A_236 = arith.constant 0 : i32
        %dma_wait3A_237 = tpu.memref_slice %arg5[%arg0, %mul3A_227, %dma_wait3A_236] : memref<2x10000x128xf32, #tpu.memory_space<hbm>> -> memref<1x40x128xf32, #tpu.memory_space<hbm>>
        %dma_wait3A_238 = tpu.memref_squeeze %dma_wait3A_237 : memref<1x40x128xf32, #tpu.memory_space<hbm>> -> memref<40x128xf32, #tpu.memory_space<hbm>>
        tpu.wait_dma2 semaphore(%run_scoped3A : memref<!tpu.dma_semaphore, #tpu.memory_space<semaphore_mem>>) src(%arg10 : memref<40x128xf32, #tpu.memory_space<vmem>>) dst(%dma_wait3A_238 : memref<40x128xf32, #tpu.memory_space<hbm>>)
        tpu.yield
      }) : () -> ()
    } else {
    }
    %add3A_156 = arith.constant 96 : i32
    %add3A_157 = arith.addi %arg1, %add3A_156 : i32
    %lt3A_158 = arith.constant 250 : i32
    %lt3A_159 = arith.cmpi slt, %add3A_157, %lt3A_158 : i32
    %convert_element_type3A_160 = arith.extui %lt3A_159 : i1 to i32
    %cond3A_161 = arith.constant 0 : i32
    %cond3A_162 = arith.cmpi ne, %convert_element_type3A_160, %cond3A_161 : i32
    scf.if %cond3A_162 {
      %mul3A_226 = arith.constant 40 : i32
      %mul3A_227 = arith.muli %add3A_157, %mul3A_226 : i32
      "tpu.region"() ({
        %run_scoped3A = tpu.sem_alloc : memref<!tpu.dma_semaphore, #tpu.memory_space<semaphore_mem>>
        %dma_start3A_228 = arith.constant 0 : i32
        %dma_start3A_229 = tpu.memref_slice %arg11[%mul3A_227, %dma_start3A_228] : memref<10240x128xf32, #tpu.memory_space<vmem_shared>> -> memref<40x128xf32, #tpu.memory_space<vmem_shared>>
        %dma_start3A_230 = arith.constant 0 : i32
        %dma_start3A_231 = tpu.memref_slice %arg11[%mul3A_227, %dma_start3A_230] : memref<10240x128xf32, #tpu.memory_space<vmem_shared>> -> memref<40x128xf32, #tpu.memory_space<vmem_shared>>
        tpu.enqueue_dma source(%dma_start3A_231 : memref<40x128xf32, #tpu.memory_space<vmem_shared>>) target(%arg10 : memref<40x128xf32, #tpu.memory_space<vmem>>) target_semaphore(%run_scoped3A : memref<!tpu.dma_semaphore, #tpu.memory_space<semaphore_mem>>)
        %dma_wait3A = arith.constant 0 : i32
        %dma_wait3A_232 = tpu.memref_slice %arg11[%mul3A_227, %dma_wait3A] : memref<10240x128xf32, #tpu.memory_space<vmem_shared>> -> memref<40x128xf32, #tpu.memory_space<vmem_shared>>
        %dma_wait3A_233 = arith.constant 0 : i32
        %dma_wait3A_234 = tpu.memref_slice %arg11[%mul3A_227, %dma_wait3A_233] : memref<10240x128xf32, #tpu.memory_space<vmem_shared>> -> memref<40x128xf32, #tpu.memory_space<vmem_shared>>
        tpu.wait_dma2 semaphore(%run_scoped3A : memref<!tpu.dma_semaphore, #tpu.memory_space<semaphore_mem>>) src(%dma_wait3A_234 : memref<40x128xf32, #tpu.memory_space<vmem_shared>>) dst(%arg10 : memref<40x128xf32, #tpu.memory_space<vmem>>)
        tpu.yield
      }) : () -> ()
      "tpu.region"() ({
        %run_scoped3A = tpu.sem_alloc : memref<!tpu.dma_semaphore, #tpu.memory_space<semaphore_mem>>
        %dma_start3A_228 = arith.constant 0 : i32
        %dma_start3A_229 = tpu.memref_slice %arg5[%arg0, %mul3A_227, %dma_start3A_228] : memref<2x10000x128xf32, #tpu.memory_space<hbm>> -> memref<1x40x128xf32, #tpu.memory_space<hbm>>
        %dma_start3A_230 = tpu.memref_squeeze %dma_start3A_229 : memref<1x40x128xf32, #tpu.memory_space<hbm>> -> memref<40x128xf32, #tpu.memory_space<hbm>>
        %dma_start3A_231 = arith.constant 0 : i32
        %dma_start3A_232 = tpu.memref_slice %arg5[%arg0, %mul3A_227, %dma_start3A_231] : memref<2x10000x128xf32, #tpu.memory_space<hbm>> -> memref<1x40x128xf32, #tpu.memory_space<hbm>>
        %dma_start3A_233 = tpu.memref_squeeze %dma_start3A_232 : memref<1x40x128xf32, #tpu.memory_space<hbm>> -> memref<40x128xf32, #tpu.memory_space<hbm>>
        tpu.enqueue_dma source(%arg10 : memref<40x128xf32, #tpu.memory_space<vmem>>) target(%dma_start3A_233 : memref<40x128xf32, #tpu.memory_space<hbm>>) target_semaphore(%run_scoped3A : memref<!tpu.dma_semaphore, #tpu.memory_space<semaphore_mem>>)
        %dma_wait3A = arith.constant 0 : i32
        %dma_wait3A_234 = tpu.memref_slice %arg5[%arg0, %mul3A_227, %dma_wait3A] : memref<2x10000x128xf32, #tpu.memory_space<hbm>> -> memref<1x40x128xf32, #tpu.memory_space<hbm>>
        %dma_wait3A_235 = tpu.memref_squeeze %dma_wait3A_234 : memref<1x40x128xf32, #tpu.memory_space<hbm>> -> memref<40x128xf32, #tpu.memory_space<hbm>>
        %dma_wait3A_236 = arith.constant 0 : i32
        %dma_wait3A_237 = tpu.memref_slice %arg5[%arg0, %mul3A_227, %dma_wait3A_236] : memref<2x10000x128xf32, #tpu.memory_space<hbm>> -> memref<1x40x128xf32, #tpu.memory_space<hbm>>
        %dma_wait3A_238 = tpu.memref_squeeze %dma_wait3A_237 : memref<1x40x128xf32, #tpu.memory_space<hbm>> -> memref<40x128xf32, #tpu.memory_space<hbm>>
        tpu.wait_dma2 semaphore(%run_scoped3A : memref<!tpu.dma_semaphore, #tpu.memory_space<semaphore_mem>>) src(%arg10 : memref<40x128xf32, #tpu.memory_space<vmem>>) dst(%dma_wait3A_238 : memref<40x128xf32, #tpu.memory_space<hbm>>)
        tpu.yield
      }) : () -> ()
    } else {
    }
    %add3A_163 = arith.constant 112 : i32
    %add3A_164 = arith.addi %arg1, %add3A_163 : i32
    %lt3A_165 = arith.constant 250 : i32
    %lt3A_166 = arith.cmpi slt, %add3A_164, %lt3A_165 : i32
    %convert_element_type3A_167 = arith.extui %lt3A_166 : i1 to i32
    %cond3A_168 = arith.constant 0 : i32
    %cond3A_169 = arith.cmpi ne, %convert_element_type3A_167, %cond3A_168 : i32
    scf.if %cond3A_169 {
      %mul3A_226 = arith.constant 40 : i32
      %mul3A_227 = arith.muli %add3A_164, %mul3A_226 : i32
      "tpu.region"() ({
        %run_scoped3A = tpu.sem_alloc : memref<!tpu.dma_semaphore, #tpu.memory_space<semaphore_mem>>
        %dma_start3A_228 = arith.constant 0 : i32
        %dma_start3A_229 = tpu.memref_slice %arg11[%mul3A_227, %dma_start3A_228] : memref<10240x128xf32, #tpu.memory_space<vmem_shared>> -> memref<40x128xf32, #tpu.memory_space<vmem_shared>>
        %dma_start3A_230 = arith.constant 0 : i32
        %dma_start3A_231 = tpu.memref_slice %arg11[%mul3A_227, %dma_start3A_230] : memref<10240x128xf32, #tpu.memory_space<vmem_shared>> -> memref<40x128xf32, #tpu.memory_space<vmem_shared>>
        tpu.enqueue_dma source(%dma_start3A_231 : memref<40x128xf32, #tpu.memory_space<vmem_shared>>) target(%arg10 : memref<40x128xf32, #tpu.memory_space<vmem>>) target_semaphore(%run_scoped3A : memref<!tpu.dma_semaphore, #tpu.memory_space<semaphore_mem>>)
        %dma_wait3A = arith.constant 0 : i32
        %dma_wait3A_232 = tpu.memref_slice %arg11[%mul3A_227, %dma_wait3A] : memref<10240x128xf32, #tpu.memory_space<vmem_shared>> -> memref<40x128xf32, #tpu.memory_space<vmem_shared>>
        %dma_wait3A_233 = arith.constant 0 : i32
        %dma_wait3A_234 = tpu.memref_slice %arg11[%mul3A_227, %dma_wait3A_233] : memref<10240x128xf32, #tpu.memory_space<vmem_shared>> -> memref<40x128xf32, #tpu.memory_space<vmem_shared>>
        tpu.wait_dma2 semaphore(%run_scoped3A : memref<!tpu.dma_semaphore, #tpu.memory_space<semaphore_mem>>) src(%dma_wait3A_234 : memref<40x128xf32, #tpu.memory_space<vmem_shared>>) dst(%arg10 : memref<40x128xf32, #tpu.memory_space<vmem>>)
        tpu.yield
      }) : () -> ()
      "tpu.region"() ({
        %run_scoped3A = tpu.sem_alloc : memref<!tpu.dma_semaphore, #tpu.memory_space<semaphore_mem>>
        %dma_start3A_228 = arith.constant 0 : i32
        %dma_start3A_229 = tpu.memref_slice %arg5[%arg0, %mul3A_227, %dma_start3A_228] : memref<2x10000x128xf32, #tpu.memory_space<hbm>> -> memref<1x40x128xf32, #tpu.memory_space<hbm>>
        %dma_start3A_230 = tpu.memref_squeeze %dma_start3A_229 : memref<1x40x128xf32, #tpu.memory_space<hbm>> -> memref<40x128xf32, #tpu.memory_space<hbm>>
        %dma_start3A_231 = arith.constant 0 : i32
        %dma_start3A_232 = tpu.memref_slice %arg5[%arg0, %mul3A_227, %dma_start3A_231] : memref<2x10000x128xf32, #tpu.memory_space<hbm>> -> memref<1x40x128xf32, #tpu.memory_space<hbm>>
        %dma_start3A_233 = tpu.memref_squeeze %dma_start3A_232 : memref<1x40x128xf32, #tpu.memory_space<hbm>> -> memref<40x128xf32, #tpu.memory_space<hbm>>
        tpu.enqueue_dma source(%arg10 : memref<40x128xf32, #tpu.memory_space<vmem>>) target(%dma_start3A_233 : memref<40x128xf32, #tpu.memory_space<hbm>>) target_semaphore(%run_scoped3A : memref<!tpu.dma_semaphore, #tpu.memory_space<semaphore_mem>>)
        %dma_wait3A = arith.constant 0 : i32
        %dma_wait3A_234 = tpu.memref_slice %arg5[%arg0, %mul3A_227, %dma_wait3A] : memref<2x10000x128xf32, #tpu.memory_space<hbm>> -> memref<1x40x128xf32, #tpu.memory_space<hbm>>
        %dma_wait3A_235 = tpu.memref_squeeze %dma_wait3A_234 : memref<1x40x128xf32, #tpu.memory_space<hbm>> -> memref<40x128xf32, #tpu.memory_space<hbm>>
        %dma_wait3A_236 = arith.constant 0 : i32
        %dma_wait3A_237 = tpu.memref_slice %arg5[%arg0, %mul3A_227, %dma_wait3A_236] : memref<2x10000x128xf32, #tpu.memory_space<hbm>> -> memref<1x40x128xf32, #tpu.memory_space<hbm>>
        %dma_wait3A_238 = tpu.memref_squeeze %dma_wait3A_237 : memref<1x40x128xf32, #tpu.memory_space<hbm>> -> memref<40x128xf32, #tpu.memory_space<hbm>>
        tpu.wait_dma2 semaphore(%run_scoped3A : memref<!tpu.dma_semaphore, #tpu.memory_space<semaphore_mem>>) src(%arg10 : memref<40x128xf32, #tpu.memory_space<vmem>>) dst(%dma_wait3A_238 : memref<40x128xf32, #tpu.memory_space<hbm>>)
        tpu.yield
      }) : () -> ()
    } else {
    }
    %add3A_170 = arith.constant 128 : i32
    %add3A_171 = arith.addi %arg1, %add3A_170 : i32
    %lt3A_172 = arith.constant 250 : i32
    %lt3A_173 = arith.cmpi slt, %add3A_171, %lt3A_172 : i32
    %convert_element_type3A_174 = arith.extui %lt3A_173 : i1 to i32
    %cond3A_175 = arith.constant 0 : i32
    %cond3A_176 = arith.cmpi ne, %convert_element_type3A_174, %cond3A_175 : i32
    scf.if %cond3A_176 {
      %mul3A_226 = arith.constant 40 : i32
      %mul3A_227 = arith.muli %add3A_171, %mul3A_226 : i32
      "tpu.region"() ({
        %run_scoped3A = tpu.sem_alloc : memref<!tpu.dma_semaphore, #tpu.memory_space<semaphore_mem>>
        %dma_start3A_228 = arith.constant 0 : i32
        %dma_start3A_229 = tpu.memref_slice %arg11[%mul3A_227, %dma_start3A_228] : memref<10240x128xf32, #tpu.memory_space<vmem_shared>> -> memref<40x128xf32, #tpu.memory_space<vmem_shared>>
        %dma_start3A_230 = arith.constant 0 : i32
        %dma_start3A_231 = tpu.memref_slice %arg11[%mul3A_227, %dma_start3A_230] : memref<10240x128xf32, #tpu.memory_space<vmem_shared>> -> memref<40x128xf32, #tpu.memory_space<vmem_shared>>
        tpu.enqueue_dma source(%dma_start3A_231 : memref<40x128xf32, #tpu.memory_space<vmem_shared>>) target(%arg10 : memref<40x128xf32, #tpu.memory_space<vmem>>) target_semaphore(%run_scoped3A : memref<!tpu.dma_semaphore, #tpu.memory_space<semaphore_mem>>)
        %dma_wait3A = arith.constant 0 : i32
        %dma_wait3A_232 = tpu.memref_slice %arg11[%mul3A_227, %dma_wait3A] : memref<10240x128xf32, #tpu.memory_space<vmem_shared>> -> memref<40x128xf32, #tpu.memory_space<vmem_shared>>
        %dma_wait3A_233 = arith.constant 0 : i32
        %dma_wait3A_234 = tpu.memref_slice %arg11[%mul3A_227, %dma_wait3A_233] : memref<10240x128xf32, #tpu.memory_space<vmem_shared>> -> memref<40x128xf32, #tpu.memory_space<vmem_shared>>
        tpu.wait_dma2 semaphore(%run_scoped3A : memref<!tpu.dma_semaphore, #tpu.memory_space<semaphore_mem>>) src(%dma_wait3A_234 : memref<40x128xf32, #tpu.memory_space<vmem_shared>>) dst(%arg10 : memref<40x128xf32, #tpu.memory_space<vmem>>)
        tpu.yield
      }) : () -> ()
      "tpu.region"() ({
        %run_scoped3A = tpu.sem_alloc : memref<!tpu.dma_semaphore, #tpu.memory_space<semaphore_mem>>
        %dma_start3A_228 = arith.constant 0 : i32
        %dma_start3A_229 = tpu.memref_slice %arg5[%arg0, %mul3A_227, %dma_start3A_228] : memref<2x10000x128xf32, #tpu.memory_space<hbm>> -> memref<1x40x128xf32, #tpu.memory_space<hbm>>
        %dma_start3A_230 = tpu.memref_squeeze %dma_start3A_229 : memref<1x40x128xf32, #tpu.memory_space<hbm>> -> memref<40x128xf32, #tpu.memory_space<hbm>>
        %dma_start3A_231 = arith.constant 0 : i32
        %dma_start3A_232 = tpu.memref_slice %arg5[%arg0, %mul3A_227, %dma_start3A_231] : memref<2x10000x128xf32, #tpu.memory_space<hbm>> -> memref<1x40x128xf32, #tpu.memory_space<hbm>>
        %dma_start3A_233 = tpu.memref_squeeze %dma_start3A_232 : memref<1x40x128xf32, #tpu.memory_space<hbm>> -> memref<40x128xf32, #tpu.memory_space<hbm>>
        tpu.enqueue_dma source(%arg10 : memref<40x128xf32, #tpu.memory_space<vmem>>) target(%dma_start3A_233 : memref<40x128xf32, #tpu.memory_space<hbm>>) target_semaphore(%run_scoped3A : memref<!tpu.dma_semaphore, #tpu.memory_space<semaphore_mem>>)
        %dma_wait3A = arith.constant 0 : i32
        %dma_wait3A_234 = tpu.memref_slice %arg5[%arg0, %mul3A_227, %dma_wait3A] : memref<2x10000x128xf32, #tpu.memory_space<hbm>> -> memref<1x40x128xf32, #tpu.memory_space<hbm>>
        %dma_wait3A_235 = tpu.memref_squeeze %dma_wait3A_234 : memref<1x40x128xf32, #tpu.memory_space<hbm>> -> memref<40x128xf32, #tpu.memory_space<hbm>>
        %dma_wait3A_236 = arith.constant 0 : i32
        %dma_wait3A_237 = tpu.memref_slice %arg5[%arg0, %mul3A_227, %dma_wait3A_236] : memref<2x10000x128xf32, #tpu.memory_space<hbm>> -> memref<1x40x128xf32, #tpu.memory_space<hbm>>
        %dma_wait3A_238 = tpu.memref_squeeze %dma_wait3A_237 : memref<1x40x128xf32, #tpu.memory_space<hbm>> -> memref<40x128xf32, #tpu.memory_space<hbm>>
        tpu.wait_dma2 semaphore(%run_scoped3A : memref<!tpu.dma_semaphore, #tpu.memory_space<semaphore_mem>>) src(%arg10 : memref<40x128xf32, #tpu.memory_space<vmem>>) dst(%dma_wait3A_238 : memref<40x128xf32, #tpu.memory_space<hbm>>)
        tpu.yield
      }) : () -> ()
    } else {
    }
    %add3A_177 = arith.constant 144 : i32
    %add3A_178 = arith.addi %arg1, %add3A_177 : i32
    %lt3A_179 = arith.constant 250 : i32
    %lt3A_180 = arith.cmpi slt, %add3A_178, %lt3A_179 : i32
    %convert_element_type3A_181 = arith.extui %lt3A_180 : i1 to i32
    %cond3A_182 = arith.constant 0 : i32
    %cond3A_183 = arith.cmpi ne, %convert_element_type3A_181, %cond3A_182 : i32
    scf.if %cond3A_183 {
      %mul3A_226 = arith.constant 40 : i32
      %mul3A_227 = arith.muli %add3A_178, %mul3A_226 : i32
      "tpu.region"() ({
        %run_scoped3A = tpu.sem_alloc : memref<!tpu.dma_semaphore, #tpu.memory_space<semaphore_mem>>
        %dma_start3A_228 = arith.constant 0 : i32
        %dma_start3A_229 = tpu.memref_slice %arg11[%mul3A_227, %dma_start3A_228] : memref<10240x128xf32, #tpu.memory_space<vmem_shared>> -> memref<40x128xf32, #tpu.memory_space<vmem_shared>>
        %dma_start3A_230 = arith.constant 0 : i32
        %dma_start3A_231 = tpu.memref_slice %arg11[%mul3A_227, %dma_start3A_230] : memref<10240x128xf32, #tpu.memory_space<vmem_shared>> -> memref<40x128xf32, #tpu.memory_space<vmem_shared>>
        tpu.enqueue_dma source(%dma_start3A_231 : memref<40x128xf32, #tpu.memory_space<vmem_shared>>) target(%arg10 : memref<40x128xf32, #tpu.memory_space<vmem>>) target_semaphore(%run_scoped3A : memref<!tpu.dma_semaphore, #tpu.memory_space<semaphore_mem>>)
        %dma_wait3A = arith.constant 0 : i32
        %dma_wait3A_232 = tpu.memref_slice %arg11[%mul3A_227, %dma_wait3A] : memref<10240x128xf32, #tpu.memory_space<vmem_shared>> -> memref<40x128xf32, #tpu.memory_space<vmem_shared>>
        %dma_wait3A_233 = arith.constant 0 : i32
        %dma_wait3A_234 = tpu.memref_slice %arg11[%mul3A_227, %dma_wait3A_233] : memref<10240x128xf32, #tpu.memory_space<vmem_shared>> -> memref<40x128xf32, #tpu.memory_space<vmem_shared>>
        tpu.wait_dma2 semaphore(%run_scoped3A : memref<!tpu.dma_semaphore, #tpu.memory_space<semaphore_mem>>) src(%dma_wait3A_234 : memref<40x128xf32, #tpu.memory_space<vmem_shared>>) dst(%arg10 : memref<40x128xf32, #tpu.memory_space<vmem>>)
        tpu.yield
      }) : () -> ()
      "tpu.region"() ({
        %run_scoped3A = tpu.sem_alloc : memref<!tpu.dma_semaphore, #tpu.memory_space<semaphore_mem>>
        %dma_start3A_228 = arith.constant 0 : i32
        %dma_start3A_229 = tpu.memref_slice %arg5[%arg0, %mul3A_227, %dma_start3A_228] : memref<2x10000x128xf32, #tpu.memory_space<hbm>> -> memref<1x40x128xf32, #tpu.memory_space<hbm>>
        %dma_start3A_230 = tpu.memref_squeeze %dma_start3A_229 : memref<1x40x128xf32, #tpu.memory_space<hbm>> -> memref<40x128xf32, #tpu.memory_space<hbm>>
        %dma_start3A_231 = arith.constant 0 : i32
        %dma_start3A_232 = tpu.memref_slice %arg5[%arg0, %mul3A_227, %dma_start3A_231] : memref<2x10000x128xf32, #tpu.memory_space<hbm>> -> memref<1x40x128xf32, #tpu.memory_space<hbm>>
        %dma_start3A_233 = tpu.memref_squeeze %dma_start3A_232 : memref<1x40x128xf32, #tpu.memory_space<hbm>> -> memref<40x128xf32, #tpu.memory_space<hbm>>
        tpu.enqueue_dma source(%arg10 : memref<40x128xf32, #tpu.memory_space<vmem>>) target(%dma_start3A_233 : memref<40x128xf32, #tpu.memory_space<hbm>>) target_semaphore(%run_scoped3A : memref<!tpu.dma_semaphore, #tpu.memory_space<semaphore_mem>>)
        %dma_wait3A = arith.constant 0 : i32
        %dma_wait3A_234 = tpu.memref_slice %arg5[%arg0, %mul3A_227, %dma_wait3A] : memref<2x10000x128xf32, #tpu.memory_space<hbm>> -> memref<1x40x128xf32, #tpu.memory_space<hbm>>
        %dma_wait3A_235 = tpu.memref_squeeze %dma_wait3A_234 : memref<1x40x128xf32, #tpu.memory_space<hbm>> -> memref<40x128xf32, #tpu.memory_space<hbm>>
        %dma_wait3A_236 = arith.constant 0 : i32
        %dma_wait3A_237 = tpu.memref_slice %arg5[%arg0, %mul3A_227, %dma_wait3A_236] : memref<2x10000x128xf32, #tpu.memory_space<hbm>> -> memref<1x40x128xf32, #tpu.memory_space<hbm>>
        %dma_wait3A_238 = tpu.memref_squeeze %dma_wait3A_237 : memref<1x40x128xf32, #tpu.memory_space<hbm>> -> memref<40x128xf32, #tpu.memory_space<hbm>>
        tpu.wait_dma2 semaphore(%run_scoped3A : memref<!tpu.dma_semaphore, #tpu.memory_space<semaphore_mem>>) src(%arg10 : memref<40x128xf32, #tpu.memory_space<vmem>>) dst(%dma_wait3A_238 : memref<40x128xf32, #tpu.memory_space<hbm>>)
        tpu.yield
      }) : () -> ()
    } else {
    }
    %add3A_184 = arith.constant 160 : i32
    %add3A_185 = arith.addi %arg1, %add3A_184 : i32
    %lt3A_186 = arith.constant 250 : i32
    %lt3A_187 = arith.cmpi slt, %add3A_185, %lt3A_186 : i32
    %convert_element_type3A_188 = arith.extui %lt3A_187 : i1 to i32
    %cond3A_189 = arith.constant 0 : i32
    %cond3A_190 = arith.cmpi ne, %convert_element_type3A_188, %cond3A_189 : i32
    scf.if %cond3A_190 {
      %mul3A_226 = arith.constant 40 : i32
      %mul3A_227 = arith.muli %add3A_185, %mul3A_226 : i32
      "tpu.region"() ({
        %run_scoped3A = tpu.sem_alloc : memref<!tpu.dma_semaphore, #tpu.memory_space<semaphore_mem>>
        %dma_start3A_228 = arith.constant 0 : i32
        %dma_start3A_229 = tpu.memref_slice %arg11[%mul3A_227, %dma_start3A_228] : memref<10240x128xf32, #tpu.memory_space<vmem_shared>> -> memref<40x128xf32, #tpu.memory_space<vmem_shared>>
        %dma_start3A_230 = arith.constant 0 : i32
        %dma_start3A_231 = tpu.memref_slice %arg11[%mul3A_227, %dma_start3A_230] : memref<10240x128xf32, #tpu.memory_space<vmem_shared>> -> memref<40x128xf32, #tpu.memory_space<vmem_shared>>
        tpu.enqueue_dma source(%dma_start3A_231 : memref<40x128xf32, #tpu.memory_space<vmem_shared>>) target(%arg10 : memref<40x128xf32, #tpu.memory_space<vmem>>) target_semaphore(%run_scoped3A : memref<!tpu.dma_semaphore, #tpu.memory_space<semaphore_mem>>)
        %dma_wait3A = arith.constant 0 : i32
        %dma_wait3A_232 = tpu.memref_slice %arg11[%mul3A_227, %dma_wait3A] : memref<10240x128xf32, #tpu.memory_space<vmem_shared>> -> memref<40x128xf32, #tpu.memory_space<vmem_shared>>
        %dma_wait3A_233 = arith.constant 0 : i32
        %dma_wait3A_234 = tpu.memref_slice %arg11[%mul3A_227, %dma_wait3A_233] : memref<10240x128xf32, #tpu.memory_space<vmem_shared>> -> memref<40x128xf32, #tpu.memory_space<vmem_shared>>
        tpu.wait_dma2 semaphore(%run_scoped3A : memref<!tpu.dma_semaphore, #tpu.memory_space<semaphore_mem>>) src(%dma_wait3A_234 : memref<40x128xf32, #tpu.memory_space<vmem_shared>>) dst(%arg10 : memref<40x128xf32, #tpu.memory_space<vmem>>)
        tpu.yield
      }) : () -> ()
      "tpu.region"() ({
        %run_scoped3A = tpu.sem_alloc : memref<!tpu.dma_semaphore, #tpu.memory_space<semaphore_mem>>
        %dma_start3A_228 = arith.constant 0 : i32
        %dma_start3A_229 = tpu.memref_slice %arg5[%arg0, %mul3A_227, %dma_start3A_228] : memref<2x10000x128xf32, #tpu.memory_space<hbm>> -> memref<1x40x128xf32, #tpu.memory_space<hbm>>
        %dma_start3A_230 = tpu.memref_squeeze %dma_start3A_229 : memref<1x40x128xf32, #tpu.memory_space<hbm>> -> memref<40x128xf32, #tpu.memory_space<hbm>>
        %dma_start3A_231 = arith.constant 0 : i32
        %dma_start3A_232 = tpu.memref_slice %arg5[%arg0, %mul3A_227, %dma_start3A_231] : memref<2x10000x128xf32, #tpu.memory_space<hbm>> -> memref<1x40x128xf32, #tpu.memory_space<hbm>>
        %dma_start3A_233 = tpu.memref_squeeze %dma_start3A_232 : memref<1x40x128xf32, #tpu.memory_space<hbm>> -> memref<40x128xf32, #tpu.memory_space<hbm>>
        tpu.enqueue_dma source(%arg10 : memref<40x128xf32, #tpu.memory_space<vmem>>) target(%dma_start3A_233 : memref<40x128xf32, #tpu.memory_space<hbm>>) target_semaphore(%run_scoped3A : memref<!tpu.dma_semaphore, #tpu.memory_space<semaphore_mem>>)
        %dma_wait3A = arith.constant 0 : i32
        %dma_wait3A_234 = tpu.memref_slice %arg5[%arg0, %mul3A_227, %dma_wait3A] : memref<2x10000x128xf32, #tpu.memory_space<hbm>> -> memref<1x40x128xf32, #tpu.memory_space<hbm>>
        %dma_wait3A_235 = tpu.memref_squeeze %dma_wait3A_234 : memref<1x40x128xf32, #tpu.memory_space<hbm>> -> memref<40x128xf32, #tpu.memory_space<hbm>>
        %dma_wait3A_236 = arith.constant 0 : i32
        %dma_wait3A_237 = tpu.memref_slice %arg5[%arg0, %mul3A_227, %dma_wait3A_236] : memref<2x10000x128xf32, #tpu.memory_space<hbm>> -> memref<1x40x128xf32, #tpu.memory_space<hbm>>
        %dma_wait3A_238 = tpu.memref_squeeze %dma_wait3A_237 : memref<1x40x128xf32, #tpu.memory_space<hbm>> -> memref<40x128xf32, #tpu.memory_space<hbm>>
        tpu.wait_dma2 semaphore(%run_scoped3A : memref<!tpu.dma_semaphore, #tpu.memory_space<semaphore_mem>>) src(%arg10 : memref<40x128xf32, #tpu.memory_space<vmem>>) dst(%dma_wait3A_238 : memref<40x128xf32, #tpu.memory_space<hbm>>)
        tpu.yield
      }) : () -> ()
    } else {
    }
    %add3A_191 = arith.constant 176 : i32
    %add3A_192 = arith.addi %arg1, %add3A_191 : i32
    %lt3A_193 = arith.constant 250 : i32
    %lt3A_194 = arith.cmpi slt, %add3A_192, %lt3A_193 : i32
    %convert_element_type3A_195 = arith.extui %lt3A_194 : i1 to i32
    %cond3A_196 = arith.constant 0 : i32
    %cond3A_197 = arith.cmpi ne, %convert_element_type3A_195, %cond3A_196 : i32
    scf.if %cond3A_197 {
      %mul3A_226 = arith.constant 40 : i32
      %mul3A_227 = arith.muli %add3A_192, %mul3A_226 : i32
      "tpu.region"() ({
        %run_scoped3A = tpu.sem_alloc : memref<!tpu.dma_semaphore, #tpu.memory_space<semaphore_mem>>
        %dma_start3A_228 = arith.constant 0 : i32
        %dma_start3A_229 = tpu.memref_slice %arg11[%mul3A_227, %dma_start3A_228] : memref<10240x128xf32, #tpu.memory_space<vmem_shared>> -> memref<40x128xf32, #tpu.memory_space<vmem_shared>>
        %dma_start3A_230 = arith.constant 0 : i32
        %dma_start3A_231 = tpu.memref_slice %arg11[%mul3A_227, %dma_start3A_230] : memref<10240x128xf32, #tpu.memory_space<vmem_shared>> -> memref<40x128xf32, #tpu.memory_space<vmem_shared>>
        tpu.enqueue_dma source(%dma_start3A_231 : memref<40x128xf32, #tpu.memory_space<vmem_shared>>) target(%arg10 : memref<40x128xf32, #tpu.memory_space<vmem>>) target_semaphore(%run_scoped3A : memref<!tpu.dma_semaphore, #tpu.memory_space<semaphore_mem>>)
        %dma_wait3A = arith.constant 0 : i32
        %dma_wait3A_232 = tpu.memref_slice %arg11[%mul3A_227, %dma_wait3A] : memref<10240x128xf32, #tpu.memory_space<vmem_shared>> -> memref<40x128xf32, #tpu.memory_space<vmem_shared>>
        %dma_wait3A_233 = arith.constant 0 : i32
        %dma_wait3A_234 = tpu.memref_slice %arg11[%mul3A_227, %dma_wait3A_233] : memref<10240x128xf32, #tpu.memory_space<vmem_shared>> -> memref<40x128xf32, #tpu.memory_space<vmem_shared>>
        tpu.wait_dma2 semaphore(%run_scoped3A : memref<!tpu.dma_semaphore, #tpu.memory_space<semaphore_mem>>) src(%dma_wait3A_234 : memref<40x128xf32, #tpu.memory_space<vmem_shared>>) dst(%arg10 : memref<40x128xf32, #tpu.memory_space<vmem>>)
        tpu.yield
      }) : () -> ()
      "tpu.region"() ({
        %run_scoped3A = tpu.sem_alloc : memref<!tpu.dma_semaphore, #tpu.memory_space<semaphore_mem>>
        %dma_start3A_228 = arith.constant 0 : i32
        %dma_start3A_229 = tpu.memref_slice %arg5[%arg0, %mul3A_227, %dma_start3A_228] : memref<2x10000x128xf32, #tpu.memory_space<hbm>> -> memref<1x40x128xf32, #tpu.memory_space<hbm>>
        %dma_start3A_230 = tpu.memref_squeeze %dma_start3A_229 : memref<1x40x128xf32, #tpu.memory_space<hbm>> -> memref<40x128xf32, #tpu.memory_space<hbm>>
        %dma_start3A_231 = arith.constant 0 : i32
        %dma_start3A_232 = tpu.memref_slice %arg5[%arg0, %mul3A_227, %dma_start3A_231] : memref<2x10000x128xf32, #tpu.memory_space<hbm>> -> memref<1x40x128xf32, #tpu.memory_space<hbm>>
        %dma_start3A_233 = tpu.memref_squeeze %dma_start3A_232 : memref<1x40x128xf32, #tpu.memory_space<hbm>> -> memref<40x128xf32, #tpu.memory_space<hbm>>
        tpu.enqueue_dma source(%arg10 : memref<40x128xf32, #tpu.memory_space<vmem>>) target(%dma_start3A_233 : memref<40x128xf32, #tpu.memory_space<hbm>>) target_semaphore(%run_scoped3A : memref<!tpu.dma_semaphore, #tpu.memory_space<semaphore_mem>>)
        %dma_wait3A = arith.constant 0 : i32
        %dma_wait3A_234 = tpu.memref_slice %arg5[%arg0, %mul3A_227, %dma_wait3A] : memref<2x10000x128xf32, #tpu.memory_space<hbm>> -> memref<1x40x128xf32, #tpu.memory_space<hbm>>
        %dma_wait3A_235 = tpu.memref_squeeze %dma_wait3A_234 : memref<1x40x128xf32, #tpu.memory_space<hbm>> -> memref<40x128xf32, #tpu.memory_space<hbm>>
        %dma_wait3A_236 = arith.constant 0 : i32
        %dma_wait3A_237 = tpu.memref_slice %arg5[%arg0, %mul3A_227, %dma_wait3A_236] : memref<2x10000x128xf32, #tpu.memory_space<hbm>> -> memref<1x40x128xf32, #tpu.memory_space<hbm>>
        %dma_wait3A_238 = tpu.memref_squeeze %dma_wait3A_237 : memref<1x40x128xf32, #tpu.memory_space<hbm>> -> memref<40x128xf32, #tpu.memory_space<hbm>>
        tpu.wait_dma2 semaphore(%run_scoped3A : memref<!tpu.dma_semaphore, #tpu.memory_space<semaphore_mem>>) src(%arg10 : memref<40x128xf32, #tpu.memory_space<vmem>>) dst(%dma_wait3A_238 : memref<40x128xf32, #tpu.memory_space<hbm>>)
        tpu.yield
      }) : () -> ()
    } else {
    }
    %add3A_198 = arith.constant 192 : i32
    %add3A_199 = arith.addi %arg1, %add3A_198 : i32
    %lt3A_200 = arith.constant 250 : i32
    %lt3A_201 = arith.cmpi slt, %add3A_199, %lt3A_200 : i32
    %convert_element_type3A_202 = arith.extui %lt3A_201 : i1 to i32
    %cond3A_203 = arith.constant 0 : i32
    %cond3A_204 = arith.cmpi ne, %convert_element_type3A_202, %cond3A_203 : i32
    scf.if %cond3A_204 {
      %mul3A_226 = arith.constant 40 : i32
      %mul3A_227 = arith.muli %add3A_199, %mul3A_226 : i32
      "tpu.region"() ({
        %run_scoped3A = tpu.sem_alloc : memref<!tpu.dma_semaphore, #tpu.memory_space<semaphore_mem>>
        %dma_start3A_228 = arith.constant 0 : i32
        %dma_start3A_229 = tpu.memref_slice %arg11[%mul3A_227, %dma_start3A_228] : memref<10240x128xf32, #tpu.memory_space<vmem_shared>> -> memref<40x128xf32, #tpu.memory_space<vmem_shared>>
        %dma_start3A_230 = arith.constant 0 : i32
        %dma_start3A_231 = tpu.memref_slice %arg11[%mul3A_227, %dma_start3A_230] : memref<10240x128xf32, #tpu.memory_space<vmem_shared>> -> memref<40x128xf32, #tpu.memory_space<vmem_shared>>
        tpu.enqueue_dma source(%dma_start3A_231 : memref<40x128xf32, #tpu.memory_space<vmem_shared>>) target(%arg10 : memref<40x128xf32, #tpu.memory_space<vmem>>) target_semaphore(%run_scoped3A : memref<!tpu.dma_semaphore, #tpu.memory_space<semaphore_mem>>)
        %dma_wait3A = arith.constant 0 : i32
        %dma_wait3A_232 = tpu.memref_slice %arg11[%mul3A_227, %dma_wait3A] : memref<10240x128xf32, #tpu.memory_space<vmem_shared>> -> memref<40x128xf32, #tpu.memory_space<vmem_shared>>
        %dma_wait3A_233 = arith.constant 0 : i32
        %dma_wait3A_234 = tpu.memref_slice %arg11[%mul3A_227, %dma_wait3A_233] : memref<10240x128xf32, #tpu.memory_space<vmem_shared>> -> memref<40x128xf32, #tpu.memory_space<vmem_shared>>
        tpu.wait_dma2 semaphore(%run_scoped3A : memref<!tpu.dma_semaphore, #tpu.memory_space<semaphore_mem>>) src(%dma_wait3A_234 : memref<40x128xf32, #tpu.memory_space<vmem_shared>>) dst(%arg10 : memref<40x128xf32, #tpu.memory_space<vmem>>)
        tpu.yield
      }) : () -> ()
      "tpu.region"() ({
        %run_scoped3A = tpu.sem_alloc : memref<!tpu.dma_semaphore, #tpu.memory_space<semaphore_mem>>
        %dma_start3A_228 = arith.constant 0 : i32
        %dma_start3A_229 = tpu.memref_slice %arg5[%arg0, %mul3A_227, %dma_start3A_228] : memref<2x10000x128xf32, #tpu.memory_space<hbm>> -> memref<1x40x128xf32, #tpu.memory_space<hbm>>
        %dma_start3A_230 = tpu.memref_squeeze %dma_start3A_229 : memref<1x40x128xf32, #tpu.memory_space<hbm>> -> memref<40x128xf32, #tpu.memory_space<hbm>>
        %dma_start3A_231 = arith.constant 0 : i32
        %dma_start3A_232 = tpu.memref_slice %arg5[%arg0, %mul3A_227, %dma_start3A_231] : memref<2x10000x128xf32, #tpu.memory_space<hbm>> -> memref<1x40x128xf32, #tpu.memory_space<hbm>>
        %dma_start3A_233 = tpu.memref_squeeze %dma_start3A_232 : memref<1x40x128xf32, #tpu.memory_space<hbm>> -> memref<40x128xf32, #tpu.memory_space<hbm>>
        tpu.enqueue_dma source(%arg10 : memref<40x128xf32, #tpu.memory_space<vmem>>) target(%dma_start3A_233 : memref<40x128xf32, #tpu.memory_space<hbm>>) target_semaphore(%run_scoped3A : memref<!tpu.dma_semaphore, #tpu.memory_space<semaphore_mem>>)
        %dma_wait3A = arith.constant 0 : i32
        %dma_wait3A_234 = tpu.memref_slice %arg5[%arg0, %mul3A_227, %dma_wait3A] : memref<2x10000x128xf32, #tpu.memory_space<hbm>> -> memref<1x40x128xf32, #tpu.memory_space<hbm>>
        %dma_wait3A_235 = tpu.memref_squeeze %dma_wait3A_234 : memref<1x40x128xf32, #tpu.memory_space<hbm>> -> memref<40x128xf32, #tpu.memory_space<hbm>>
        %dma_wait3A_236 = arith.constant 0 : i32
        %dma_wait3A_237 = tpu.memref_slice %arg5[%arg0, %mul3A_227, %dma_wait3A_236] : memref<2x10000x128xf32, #tpu.memory_space<hbm>> -> memref<1x40x128xf32, #tpu.memory_space<hbm>>
        %dma_wait3A_238 = tpu.memref_squeeze %dma_wait3A_237 : memref<1x40x128xf32, #tpu.memory_space<hbm>> -> memref<40x128xf32, #tpu.memory_space<hbm>>
        tpu.wait_dma2 semaphore(%run_scoped3A : memref<!tpu.dma_semaphore, #tpu.memory_space<semaphore_mem>>) src(%arg10 : memref<40x128xf32, #tpu.memory_space<vmem>>) dst(%dma_wait3A_238 : memref<40x128xf32, #tpu.memory_space<hbm>>)
        tpu.yield
      }) : () -> ()
    } else {
    }
    %add3A_205 = arith.constant 208 : i32
    %add3A_206 = arith.addi %arg1, %add3A_205 : i32
    %lt3A_207 = arith.constant 250 : i32
    %lt3A_208 = arith.cmpi slt, %add3A_206, %lt3A_207 : i32
    %convert_element_type3A_209 = arith.extui %lt3A_208 : i1 to i32
    %cond3A_210 = arith.constant 0 : i32
    %cond3A_211 = arith.cmpi ne, %convert_element_type3A_209, %cond3A_210 : i32
    scf.if %cond3A_211 {
      %mul3A_226 = arith.constant 40 : i32
      %mul3A_227 = arith.muli %add3A_206, %mul3A_226 : i32
      "tpu.region"() ({
        %run_scoped3A = tpu.sem_alloc : memref<!tpu.dma_semaphore, #tpu.memory_space<semaphore_mem>>
        %dma_start3A_228 = arith.constant 0 : i32
        %dma_start3A_229 = tpu.memref_slice %arg11[%mul3A_227, %dma_start3A_228] : memref<10240x128xf32, #tpu.memory_space<vmem_shared>> -> memref<40x128xf32, #tpu.memory_space<vmem_shared>>
        %dma_start3A_230 = arith.constant 0 : i32
        %dma_start3A_231 = tpu.memref_slice %arg11[%mul3A_227, %dma_start3A_230] : memref<10240x128xf32, #tpu.memory_space<vmem_shared>> -> memref<40x128xf32, #tpu.memory_space<vmem_shared>>
        tpu.enqueue_dma source(%dma_start3A_231 : memref<40x128xf32, #tpu.memory_space<vmem_shared>>) target(%arg10 : memref<40x128xf32, #tpu.memory_space<vmem>>) target_semaphore(%run_scoped3A : memref<!tpu.dma_semaphore, #tpu.memory_space<semaphore_mem>>)
        %dma_wait3A = arith.constant 0 : i32
        %dma_wait3A_232 = tpu.memref_slice %arg11[%mul3A_227, %dma_wait3A] : memref<10240x128xf32, #tpu.memory_space<vmem_shared>> -> memref<40x128xf32, #tpu.memory_space<vmem_shared>>
        %dma_wait3A_233 = arith.constant 0 : i32
        %dma_wait3A_234 = tpu.memref_slice %arg11[%mul3A_227, %dma_wait3A_233] : memref<10240x128xf32, #tpu.memory_space<vmem_shared>> -> memref<40x128xf32, #tpu.memory_space<vmem_shared>>
        tpu.wait_dma2 semaphore(%run_scoped3A : memref<!tpu.dma_semaphore, #tpu.memory_space<semaphore_mem>>) src(%dma_wait3A_234 : memref<40x128xf32, #tpu.memory_space<vmem_shared>>) dst(%arg10 : memref<40x128xf32, #tpu.memory_space<vmem>>)
        tpu.yield
      }) : () -> ()
      "tpu.region"() ({
        %run_scoped3A = tpu.sem_alloc : memref<!tpu.dma_semaphore, #tpu.memory_space<semaphore_mem>>
        %dma_start3A_228 = arith.constant 0 : i32
        %dma_start3A_229 = tpu.memref_slice %arg5[%arg0, %mul3A_227, %dma_start3A_228] : memref<2x10000x128xf32, #tpu.memory_space<hbm>> -> memref<1x40x128xf32, #tpu.memory_space<hbm>>
        %dma_start3A_230 = tpu.memref_squeeze %dma_start3A_229 : memref<1x40x128xf32, #tpu.memory_space<hbm>> -> memref<40x128xf32, #tpu.memory_space<hbm>>
        %dma_start3A_231 = arith.constant 0 : i32
        %dma_start3A_232 = tpu.memref_slice %arg5[%arg0, %mul3A_227, %dma_start3A_231] : memref<2x10000x128xf32, #tpu.memory_space<hbm>> -> memref<1x40x128xf32, #tpu.memory_space<hbm>>
        %dma_start3A_233 = tpu.memref_squeeze %dma_start3A_232 : memref<1x40x128xf32, #tpu.memory_space<hbm>> -> memref<40x128xf32, #tpu.memory_space<hbm>>
        tpu.enqueue_dma source(%arg10 : memref<40x128xf32, #tpu.memory_space<vmem>>) target(%dma_start3A_233 : memref<40x128xf32, #tpu.memory_space<hbm>>) target_semaphore(%run_scoped3A : memref<!tpu.dma_semaphore, #tpu.memory_space<semaphore_mem>>)
        %dma_wait3A = arith.constant 0 : i32
        %dma_wait3A_234 = tpu.memref_slice %arg5[%arg0, %mul3A_227, %dma_wait3A] : memref<2x10000x128xf32, #tpu.memory_space<hbm>> -> memref<1x40x128xf32, #tpu.memory_space<hbm>>
        %dma_wait3A_235 = tpu.memref_squeeze %dma_wait3A_234 : memref<1x40x128xf32, #tpu.memory_space<hbm>> -> memref<40x128xf32, #tpu.memory_space<hbm>>
        %dma_wait3A_236 = arith.constant 0 : i32
        %dma_wait3A_237 = tpu.memref_slice %arg5[%arg0, %mul3A_227, %dma_wait3A_236] : memref<2x10000x128xf32, #tpu.memory_space<hbm>> -> memref<1x40x128xf32, #tpu.memory_space<hbm>>
        %dma_wait3A_238 = tpu.memref_squeeze %dma_wait3A_237 : memref<1x40x128xf32, #tpu.memory_space<hbm>> -> memref<40x128xf32, #tpu.memory_space<hbm>>
        tpu.wait_dma2 semaphore(%run_scoped3A : memref<!tpu.dma_semaphore, #tpu.memory_space<semaphore_mem>>) src(%arg10 : memref<40x128xf32, #tpu.memory_space<vmem>>) dst(%dma_wait3A_238 : memref<40x128xf32, #tpu.memory_space<hbm>>)
        tpu.yield
      }) : () -> ()
    } else {
    }
    %add3A_212 = arith.constant 224 : i32
    %add3A_213 = arith.addi %arg1, %add3A_212 : i32
    %lt3A_214 = arith.constant 250 : i32
    %lt3A_215 = arith.cmpi slt, %add3A_213, %lt3A_214 : i32
    %convert_element_type3A_216 = arith.extui %lt3A_215 : i1 to i32
    %cond3A_217 = arith.constant 0 : i32
    %cond3A_218 = arith.cmpi ne, %convert_element_type3A_216, %cond3A_217 : i32
    scf.if %cond3A_218 {
      %mul3A_226 = arith.constant 40 : i32
      %mul3A_227 = arith.muli %add3A_213, %mul3A_226 : i32
      "tpu.region"() ({
        %run_scoped3A = tpu.sem_alloc : memref<!tpu.dma_semaphore, #tpu.memory_space<semaphore_mem>>
        %dma_start3A_228 = arith.constant 0 : i32
        %dma_start3A_229 = tpu.memref_slice %arg11[%mul3A_227, %dma_start3A_228] : memref<10240x128xf32, #tpu.memory_space<vmem_shared>> -> memref<40x128xf32, #tpu.memory_space<vmem_shared>>
        %dma_start3A_230 = arith.constant 0 : i32
        %dma_start3A_231 = tpu.memref_slice %arg11[%mul3A_227, %dma_start3A_230] : memref<10240x128xf32, #tpu.memory_space<vmem_shared>> -> memref<40x128xf32, #tpu.memory_space<vmem_shared>>
        tpu.enqueue_dma source(%dma_start3A_231 : memref<40x128xf32, #tpu.memory_space<vmem_shared>>) target(%arg10 : memref<40x128xf32, #tpu.memory_space<vmem>>) target_semaphore(%run_scoped3A : memref<!tpu.dma_semaphore, #tpu.memory_space<semaphore_mem>>)
        %dma_wait3A = arith.constant 0 : i32
        %dma_wait3A_232 = tpu.memref_slice %arg11[%mul3A_227, %dma_wait3A] : memref<10240x128xf32, #tpu.memory_space<vmem_shared>> -> memref<40x128xf32, #tpu.memory_space<vmem_shared>>
        %dma_wait3A_233 = arith.constant 0 : i32
        %dma_wait3A_234 = tpu.memref_slice %arg11[%mul3A_227, %dma_wait3A_233] : memref<10240x128xf32, #tpu.memory_space<vmem_shared>> -> memref<40x128xf32, #tpu.memory_space<vmem_shared>>
        tpu.wait_dma2 semaphore(%run_scoped3A : memref<!tpu.dma_semaphore, #tpu.memory_space<semaphore_mem>>) src(%dma_wait3A_234 : memref<40x128xf32, #tpu.memory_space<vmem_shared>>) dst(%arg10 : memref<40x128xf32, #tpu.memory_space<vmem>>)
        tpu.yield
      }) : () -> ()
      "tpu.region"() ({
        %run_scoped3A = tpu.sem_alloc : memref<!tpu.dma_semaphore, #tpu.memory_space<semaphore_mem>>
        %dma_start3A_228 = arith.constant 0 : i32
        %dma_start3A_229 = tpu.memref_slice %arg5[%arg0, %mul3A_227, %dma_start3A_228] : memref<2x10000x128xf32, #tpu.memory_space<hbm>> -> memref<1x40x128xf32, #tpu.memory_space<hbm>>
        %dma_start3A_230 = tpu.memref_squeeze %dma_start3A_229 : memref<1x40x128xf32, #tpu.memory_space<hbm>> -> memref<40x128xf32, #tpu.memory_space<hbm>>
        %dma_start3A_231 = arith.constant 0 : i32
        %dma_start3A_232 = tpu.memref_slice %arg5[%arg0, %mul3A_227, %dma_start3A_231] : memref<2x10000x128xf32, #tpu.memory_space<hbm>> -> memref<1x40x128xf32, #tpu.memory_space<hbm>>
        %dma_start3A_233 = tpu.memref_squeeze %dma_start3A_232 : memref<1x40x128xf32, #tpu.memory_space<hbm>> -> memref<40x128xf32, #tpu.memory_space<hbm>>
        tpu.enqueue_dma source(%arg10 : memref<40x128xf32, #tpu.memory_space<vmem>>) target(%dma_start3A_233 : memref<40x128xf32, #tpu.memory_space<hbm>>) target_semaphore(%run_scoped3A : memref<!tpu.dma_semaphore, #tpu.memory_space<semaphore_mem>>)
        %dma_wait3A = arith.constant 0 : i32
        %dma_wait3A_234 = tpu.memref_slice %arg5[%arg0, %mul3A_227, %dma_wait3A] : memref<2x10000x128xf32, #tpu.memory_space<hbm>> -> memref<1x40x128xf32, #tpu.memory_space<hbm>>
        %dma_wait3A_235 = tpu.memref_squeeze %dma_wait3A_234 : memref<1x40x128xf32, #tpu.memory_space<hbm>> -> memref<40x128xf32, #tpu.memory_space<hbm>>
        %dma_wait3A_236 = arith.constant 0 : i32
        %dma_wait3A_237 = tpu.memref_slice %arg5[%arg0, %mul3A_227, %dma_wait3A_236] : memref<2x10000x128xf32, #tpu.memory_space<hbm>> -> memref<1x40x128xf32, #tpu.memory_space<hbm>>
        %dma_wait3A_238 = tpu.memref_squeeze %dma_wait3A_237 : memref<1x40x128xf32, #tpu.memory_space<hbm>> -> memref<40x128xf32, #tpu.memory_space<hbm>>
        tpu.wait_dma2 semaphore(%run_scoped3A : memref<!tpu.dma_semaphore, #tpu.memory_space<semaphore_mem>>) src(%arg10 : memref<40x128xf32, #tpu.memory_space<vmem>>) dst(%dma_wait3A_238 : memref<40x128xf32, #tpu.memory_space<hbm>>)
        tpu.yield
      }) : () -> ()
    } else {
    }
    %add3A_219 = arith.constant 240 : i32
    %add3A_220 = arith.addi %arg1, %add3A_219 : i32
    %lt3A_221 = arith.constant 250 : i32
    %lt3A_222 = arith.cmpi slt, %add3A_220, %lt3A_221 : i32
    %convert_element_type3A_223 = arith.extui %lt3A_222 : i1 to i32
    %cond3A_224 = arith.constant 0 : i32
    %cond3A_225 = arith.cmpi ne, %convert_element_type3A_223, %cond3A_224 : i32
    scf.if %cond3A_225 {
      %mul3A_226 = arith.constant 40 : i32
      %mul3A_227 = arith.muli %add3A_220, %mul3A_226 : i32
      "tpu.region"() ({
        %run_scoped3A = tpu.sem_alloc : memref<!tpu.dma_semaphore, #tpu.memory_space<semaphore_mem>>
        %dma_start3A_228 = arith.constant 0 : i32
        %dma_start3A_229 = tpu.memref_slice %arg11[%mul3A_227, %dma_start3A_228] : memref<10240x128xf32, #tpu.memory_space<vmem_shared>> -> memref<40x128xf32, #tpu.memory_space<vmem_shared>>
        %dma_start3A_230 = arith.constant 0 : i32
        %dma_start3A_231 = tpu.memref_slice %arg11[%mul3A_227, %dma_start3A_230] : memref<10240x128xf32, #tpu.memory_space<vmem_shared>> -> memref<40x128xf32, #tpu.memory_space<vmem_shared>>
        tpu.enqueue_dma source(%dma_start3A_231 : memref<40x128xf32, #tpu.memory_space<vmem_shared>>) target(%arg10 : memref<40x128xf32, #tpu.memory_space<vmem>>) target_semaphore(%run_scoped3A : memref<!tpu.dma_semaphore, #tpu.memory_space<semaphore_mem>>)
        %dma_wait3A = arith.constant 0 : i32
        %dma_wait3A_232 = tpu.memref_slice %arg11[%mul3A_227, %dma_wait3A] : memref<10240x128xf32, #tpu.memory_space<vmem_shared>> -> memref<40x128xf32, #tpu.memory_space<vmem_shared>>
        %dma_wait3A_233 = arith.constant 0 : i32
        %dma_wait3A_234 = tpu.memref_slice %arg11[%mul3A_227, %dma_wait3A_233] : memref<10240x128xf32, #tpu.memory_space<vmem_shared>> -> memref<40x128xf32, #tpu.memory_space<vmem_shared>>
        tpu.wait_dma2 semaphore(%run_scoped3A : memref<!tpu.dma_semaphore, #tpu.memory_space<semaphore_mem>>) src(%dma_wait3A_234 : memref<40x128xf32, #tpu.memory_space<vmem_shared>>) dst(%arg10 : memref<40x128xf32, #tpu.memory_space<vmem>>)
        tpu.yield
      }) : () -> ()
      "tpu.region"() ({
        %run_scoped3A = tpu.sem_alloc : memref<!tpu.dma_semaphore, #tpu.memory_space<semaphore_mem>>
        %dma_start3A_228 = arith.constant 0 : i32
        %dma_start3A_229 = tpu.memref_slice %arg5[%arg0, %mul3A_227, %dma_start3A_228] : memref<2x10000x128xf32, #tpu.memory_space<hbm>> -> memref<1x40x128xf32, #tpu.memory_space<hbm>>
        %dma_start3A_230 = tpu.memref_squeeze %dma_start3A_229 : memref<1x40x128xf32, #tpu.memory_space<hbm>> -> memref<40x128xf32, #tpu.memory_space<hbm>>
        %dma_start3A_231 = arith.constant 0 : i32
        %dma_start3A_232 = tpu.memref_slice %arg5[%arg0, %mul3A_227, %dma_start3A_231] : memref<2x10000x128xf32, #tpu.memory_space<hbm>> -> memref<1x40x128xf32, #tpu.memory_space<hbm>>
        %dma_start3A_233 = tpu.memref_squeeze %dma_start3A_232 : memref<1x40x128xf32, #tpu.memory_space<hbm>> -> memref<40x128xf32, #tpu.memory_space<hbm>>
        tpu.enqueue_dma source(%arg10 : memref<40x128xf32, #tpu.memory_space<vmem>>) target(%dma_start3A_233 : memref<40x128xf32, #tpu.memory_space<hbm>>) target_semaphore(%run_scoped3A : memref<!tpu.dma_semaphore, #tpu.memory_space<semaphore_mem>>)
        %dma_wait3A = arith.constant 0 : i32
        %dma_wait3A_234 = tpu.memref_slice %arg5[%arg0, %mul3A_227, %dma_wait3A] : memref<2x10000x128xf32, #tpu.memory_space<hbm>> -> memref<1x40x128xf32, #tpu.memory_space<hbm>>
        %dma_wait3A_235 = tpu.memref_squeeze %dma_wait3A_234 : memref<1x40x128xf32, #tpu.memory_space<hbm>> -> memref<40x128xf32, #tpu.memory_space<hbm>>
        %dma_wait3A_236 = arith.constant 0 : i32
        %dma_wait3A_237 = tpu.memref_slice %arg5[%arg0, %mul3A_227, %dma_wait3A_236] : memref<2x10000x128xf32, #tpu.memory_space<hbm>> -> memref<1x40x128xf32, #tpu.memory_space<hbm>>
        %dma_wait3A_238 = tpu.memref_squeeze %dma_wait3A_237 : memref<1x40x128xf32, #tpu.memory_space<hbm>> -> memref<40x128xf32, #tpu.memory_space<hbm>>
        tpu.wait_dma2 semaphore(%run_scoped3A : memref<!tpu.dma_semaphore, #tpu.memory_space<semaphore_mem>>) src(%arg10 : memref<40x128xf32, #tpu.memory_space<vmem>>) dst(%dma_wait3A_238 : memref<40x128xf32, #tpu.memory_space<hbm>>)
        tpu.yield
      }) : () -> ()
    } else {
    }
    return
  }
}

module attributes {stable_mosaic.version = 14 : i64} {
  func.func @_tc_matmul_body(%arg0: i32, %arg1: memref<2000x128xf32, #tpu.memory_space<vmem>>, %arg2: memref<128x128xf32, #tpu.memory_space<vmem>>, %arg3: memref<2000x128xf32, #tpu.memory_space<vmem>>) attributes {dimension_semantics = [#tpu.dimension_semantics<arbitrary>], iteration_bounds = array<i64: 5>, scalar_prefetch = 0 : i64, scratch_operands = 0 : i64, tpu.core_type = #tpu.core_type<tc>, window_params = [{transform_indices = @transform_0, window_bounds = array<i64: 2000, 128>}, {pipeline_mode = #tpu.pipeline_mode<synchronous>, transform_indices = @transform_1, window_bounds = array<i64: 128, 128>}, {transform_indices = @transform_2, window_bounds = array<i64: 2000, 128>}]} {
    %get3A = arith.constant 0 : index
    %get3A_0 = arith.constant 0 : index
    %get3A_1 = vector.load %arg1[%get3A, %get3A_0] : memref<2000x128xf32, #tpu.memory_space<vmem>>, vector<2000x128xf32>
    %get3A_2 = arith.constant 0 : index
    %get3A_3 = arith.constant 0 : index
    %get3A_4 = vector.load %arg2[%get3A_2, %get3A_3] : memref<128x128xf32, #tpu.memory_space<vmem>>, vector<128x128xf32>
    %dot_general3A = arith.constant dense<0.000000e+00> : vector<2000x128xf32>
    %dot_general3A_5 = tpu.matmul %get3A_1, %get3A_4, %dot_general3A {dimension_numbers = #tpu.dot_dimension_numbers<[1], [0], [0], [1], [0, 0, 1, 1], [], []>, transpose_lhs_hint = false} : vector<2000x128xf32>, vector<128x128xf32>, vector<2000x128xf32> -> vector<2000x128xf32>
    %swap3A = arith.constant 0 : index
    %swap3A_6 = arith.constant 0 : index
    %swap3A_7 = vector.load %arg3[%swap3A, %swap3A_6] : memref<2000x128xf32, #tpu.memory_space<vmem>>, vector<2000x128xf32>
    tpu.vector_store %arg3[%swap3A, %swap3A_6], %dot_general3A_5 {strides = array<i32>} : memref<2000x128xf32, #tpu.memory_space<vmem>>, vector<2000x128xf32>,
    return
  }
  func.func @transform_0(%arg0: i32) -> (i32, i32) {
    %c0_i32 = arith.constant 0 : i32
    %c0_i32_0 = arith.constant 0 : i32
    return %arg0, %c0_i32 : i32, i32
  }
  func.func @transform_1(%arg0: i32) -> (i32, i32) {
    %c0_i32 = arith.constant 0 : i32
    %c0_i32_0 = arith.constant 0 : i32
    %c0_i32_1 = arith.constant 0 : i32
    return %c0_i32, %c0_i32_0 : i32, i32
  }
  func.func @transform_2(%arg0: i32) -> (i32, i32) {
    %c0_i32 = arith.constant 0 : i32
    %c0_i32_0 = arith.constant 0 : i32
    return %arg0, %c0_i32 : i32, i32
  }
}

module attributes {stable_mosaic.version = 14 : i64} {
  func.func @_tc_scale_body(%arg0: i32, %arg1: memref<2000x1xf32, #tpu.memory_space<vmem>>, %arg2: memref<2000x1xf32, #tpu.memory_space<vmem>>, %arg3: memref<2000x128xf32, #tpu.memory_space<vmem>>, %arg4: memref<2000x128xf32, #tpu.memory_space<vmem>>) attributes {dimension_semantics = [#tpu.dimension_semantics<arbitrary>], iteration_bounds = array<i64: 5>, scalar_prefetch = 0 : i64, scratch_operands = 0 : i64, tpu.core_type = #tpu.core_type<tc>, window_params = [{transform_indices = @transform_0, window_bounds = array<i64: 2000, 1>}, {transform_indices = @transform_1, window_bounds = array<i64: 2000, 1>}, {transform_indices = @transform_2, window_bounds = array<i64: 2000, 128>}, {transform_indices = @transform_3, window_bounds = array<i64: 2000, 128>}]} {
    %get3A = arith.constant 0 : index
    %get3A_0 = arith.constant 0 : index
    %get3A_1 = vector.load %arg1[%get3A, %get3A_0] : memref<2000x1xf32, #tpu.memory_space<vmem>>, vector<2000x1xf32>
    %get3A_2 = arith.constant 0 : index
    %get3A_3 = arith.constant 0 : index
    %get3A_4 = vector.load %arg2[%get3A_2, %get3A_3] : memref<2000x1xf32, #tpu.memory_space<vmem>>, vector<2000x1xf32>
    %add3A = arith.addf %get3A_1, %get3A_4 : vector<2000x1xf32>
    %add3A_5 = arith.constant 1.000000e+00 : f32
    %add3A_6 = vector.broadcast %add3A_5 : f32 to vector<2000x1xf32>
    %add3A_7 = arith.addf %add3A, %add3A_6 : vector<2000x1xf32>
    %rsqrt3A = math.rsqrt %add3A_7 : vector<2000x1xf32>
    %get3A_8 = arith.constant 0 : index
    %get3A_9 = arith.constant 0 : index
    %get3A_10 = vector.load %arg3[%get3A_8, %get3A_9] : memref<2000x128xf32, #tpu.memory_space<vmem>>, vector<2000x128xf32>
    %mul3A = vector.broadcast %rsqrt3A : vector<2000x1xf32> to vector<2000x128xf32>
    %mul3A_11 = arith.mulf %get3A_10, %mul3A : vector<2000x128xf32>
    %swap3A = arith.constant 0 : index
    %swap3A_12 = arith.constant 0 : index
    %swap3A_13 = vector.load %arg4[%swap3A, %swap3A_12] : memref<2000x128xf32, #tpu.memory_space<vmem>>, vector<2000x128xf32>
    tpu.vector_store %arg4[%swap3A, %swap3A_12], %mul3A_11 {strides = array<i32>} : memref<2000x128xf32, #tpu.memory_space<vmem>>, vector<2000x128xf32>,
    return
  }
  func.func @transform_0(%arg0: i32) -> (i32, i32) {
    %c0_i32 = arith.constant 0 : i32
    %c0_i32_0 = arith.constant 0 : i32
    return %arg0, %c0_i32 : i32, i32
  }
  func.func @transform_1(%arg0: i32) -> (i32, i32) {
    %c0_i32 = arith.constant 0 : i32
    %c0_i32_0 = arith.constant 0 : i32
    return %arg0, %c0_i32 : i32, i32
  }
  func.func @transform_2(%arg0: i32) -> (i32, i32) {
    %c0_i32 = arith.constant 0 : i32
    %c0_i32_0 = arith.constant 0 : i32
    return %arg0, %c0_i32 : i32, i32
  }
  func.func @transform_3(%arg0: i32) -> (i32, i32) {
    %c0_i32 = arith.constant 0 : i32
    %c0_i32_0 = arith.constant 0 : i32
    return %arg0, %c0_i32 : i32, i32
  }
}

module attributes {stable_mosaic.version = 14 : i64} {
  func.func @_tc_mid_body(%arg0: i32, %arg1: memref<2000x1xf32, #tpu.memory_space<vmem>>, %arg2: memref<2000x1xf32, #tpu.memory_space<vmem>>, %arg3: memref<2000x128xf32, #tpu.memory_space<vmem>>, %arg4: memref<2000x128xf32, #tpu.memory_space<vmem>>, %arg5: memref<2000x128xf32, #tpu.memory_space<vmem>>, %arg6: memref<1x128xf32, #tpu.memory_space<vmem>>, %arg7: memref<128x128xf32, #tpu.memory_space<vmem>>, %arg8: memref<2000x128xf32, #tpu.memory_space<vmem>>) attributes {dimension_semantics = [#tpu.dimension_semantics<arbitrary>], iteration_bounds = array<i64: 5>, scalar_prefetch = 0 : i64, scratch_operands = 0 : i64, tpu.core_type = #tpu.core_type<tc>, window_params = [{transform_indices = @transform_0, window_bounds = array<i64: 2000, 1>}, {transform_indices = @transform_1, window_bounds = array<i64: 2000, 1>}, {transform_indices = @transform_2, window_bounds = array<i64: 2000, 128>}, {transform_indices = @transform_3, window_bounds = array<i64: 2000, 128>}, {transform_indices = @transform_4, window_bounds = array<i64: 2000, 128>}, {pipeline_mode = #tpu.pipeline_mode<synchronous>, transform_indices = @transform_5, window_bounds = array<i64: 1, 128>}, {pipeline_mode = #tpu.pipeline_mode<synchronous>, transform_indices = @transform_6, window_bounds = array<i64: 128, 128>}, {transform_indices = @transform_7, window_bounds = array<i64: 2000, 128>}]} {
    %get3A = arith.constant 0 : index
    %get3A_0 = arith.constant 0 : index
    %get3A_1 = vector.load %arg1[%get3A, %get3A_0] : memref<2000x1xf32, #tpu.memory_space<vmem>>, vector<2000x1xf32>
    %get3A_2 = arith.constant 0 : index
    %get3A_3 = arith.constant 0 : index
    %get3A_4 = vector.load %arg2[%get3A_2, %get3A_3] : memref<2000x1xf32, #tpu.memory_space<vmem>>, vector<2000x1xf32>
    %add3A = arith.addf %get3A_1, %get3A_4 : vector<2000x1xf32>
    %add3A_5 = arith.constant 1.000000e+00 : f32
    %add3A_6 = vector.broadcast %add3A_5 : f32 to vector<2000x1xf32>
    %add3A_7 = arith.addf %add3A, %add3A_6 : vector<2000x1xf32>
    %rsqrt3A = math.rsqrt %add3A_7 : vector<2000x1xf32>
    %get3A_8 = arith.constant 0 : index
    %get3A_9 = arith.constant 0 : index
    %get3A_10 = vector.load %arg3[%get3A_8, %get3A_9] : memref<2000x128xf32, #tpu.memory_space<vmem>>, vector<2000x128xf32>
    %get3A_11 = arith.constant 0 : index
    %get3A_12 = arith.constant 0 : index
    %get3A_13 = vector.load %arg4[%get3A_11, %get3A_12] : memref<2000x128xf32, #tpu.memory_space<vmem>>, vector<2000x128xf32>
    %add3A_14 = arith.addf %get3A_10, %get3A_13 : vector<2000x128xf32>
    %get3A_15 = arith.constant 0 : index
    %get3A_16 = arith.constant 0 : index
    %get3A_17 = vector.load %arg5[%get3A_15, %get3A_16] : memref<2000x128xf32, #tpu.memory_space<vmem>>, vector<2000x128xf32>
    %add3A_18 = arith.addf %add3A_14, %get3A_17 : vector<2000x128xf32>
    %mul3A = vector.broadcast %rsqrt3A : vector<2000x1xf32> to vector<2000x128xf32>
    %mul3A_19 = arith.mulf %add3A_18, %mul3A : vector<2000x128xf32>
    %get3A_20 = arith.constant 0 : index
    %get3A_21 = arith.constant 0 : index
    %get3A_22 = vector.load %arg6[%get3A_20, %get3A_21] : memref<1x128xf32, #tpu.memory_space<vmem>>, vector<1x128xf32>
    %add3A_23 = vector.broadcast %get3A_22 : vector<1x128xf32> to vector<2000x128xf32>
    %add3A_24 = arith.addf %mul3A_19, %add3A_23 : vector<2000x128xf32>
    %max3A = arith.constant 0.000000e+00 : f32
    %max3A_25 = vector.broadcast %max3A : f32 to vector<2000x128xf32>
    %max3A_26 = arith.maximumf %add3A_24, %max3A_25 : vector<2000x128xf32>
    %get3A_27 = arith.constant 0 : index
    %get3A_28 = arith.constant 0 : index
    %get3A_29 = vector.load %arg7[%get3A_27, %get3A_28] : memref<128x128xf32, #tpu.memory_space<vmem>>, vector<128x128xf32>
    %dot_general3A = arith.constant dense<0.000000e+00> : vector<2000x128xf32>
    %dot_general3A_30 = tpu.matmul %max3A_26, %get3A_29, %dot_general3A {dimension_numbers = #tpu.dot_dimension_numbers<[1], [0], [0], [1], [0, 0, 1, 1], [], []>, transpose_lhs_hint = false} : vector<2000x128xf32>, vector<128x128xf32>, vector<2000x128xf32> -> vector<2000x128xf32>
    %mul3A_31 = vector.broadcast %rsqrt3A : vector<2000x1xf32> to vector<2000x128xf32>
    %mul3A_32 = arith.mulf %dot_general3A_30, %mul3A_31 : vector<2000x128xf32>
    %swap3A = arith.constant 0 : index
    %swap3A_33 = arith.constant 0 : index
    %swap3A_34 = vector.load %arg8[%swap3A, %swap3A_33] : memref<2000x128xf32, #tpu.memory_space<vmem>>, vector<2000x128xf32>
    tpu.vector_store %arg8[%swap3A, %swap3A_33], %mul3A_32 {strides = array<i32>} : memref<2000x128xf32, #tpu.memory_space<vmem>>, vector<2000x128xf32>,
    return
  }
  func.func @transform_0(%arg0: i32) -> (i32, i32) {
    %c0_i32 = arith.constant 0 : i32
    %c0_i32_0 = arith.constant 0 : i32
    return %arg0, %c0_i32 : i32, i32
  }
  func.func @transform_1(%arg0: i32) -> (i32, i32) {
    %c0_i32 = arith.constant 0 : i32
    %c0_i32_0 = arith.constant 0 : i32
    return %arg0, %c0_i32 : i32, i32
  }
  func.func @transform_2(%arg0: i32) -> (i32, i32) {
    %c0_i32 = arith.constant 0 : i32
    %c0_i32_0 = arith.constant 0 : i32
    return %arg0, %c0_i32 : i32, i32
  }
  func.func @transform_3(%arg0: i32) -> (i32, i32) {
    %c0_i32 = arith.constant 0 : i32
    %c0_i32_0 = arith.constant 0 : i32
    return %arg0, %c0_i32 : i32, i32
  }
  func.func @transform_4(%arg0: i32) -> (i32, i32) {
    %c0_i32 = arith.constant 0 : i32
    %c0_i32_0 = arith.constant 0 : i32
    return %arg0, %c0_i32 : i32, i32
  }
  func.func @transform_5(%arg0: i32) -> (i32, i32) {
    %c0_i32 = arith.constant 0 : i32
    %c0_i32_0 = arith.constant 0 : i32
    %c0_i32_1 = arith.constant 0 : i32
    return %c0_i32, %c0_i32_0 : i32, i32
  }
  func.func @transform_6(%arg0: i32) -> (i32, i32) {
    %c0_i32 = arith.constant 0 : i32
    %c0_i32_0 = arith.constant 0 : i32
    %c0_i32_1 = arith.constant 0 : i32
    return %c0_i32, %c0_i32_0 : i32, i32
  }
  func.func @transform_7(%arg0: i32) -> (i32, i32) {
    %c0_i32 = arith.constant 0 : i32
    %c0_i32_0 = arith.constant 0 : i32
    return %arg0, %c0_i32 : i32, i32
  }
}

module attributes {stable_mosaic.version = 14 : i64} {
  func.func @_tc_final_body(%arg0: i32, %arg1: memref<2000x1xf32, #tpu.memory_space<vmem>>, %arg2: memref<2000x1xf32, #tpu.memory_space<vmem>>, %arg3: memref<2000x128xf32, #tpu.memory_space<vmem>>, %arg4: memref<2000x128xf32, #tpu.memory_space<vmem>>, %arg5: memref<2000x128xf32, #tpu.memory_space<vmem>>, %arg6: memref<1x128xf32, #tpu.memory_space<vmem>>, %arg7: memref<2000x128xf32, #tpu.memory_space<vmem>>) attributes {dimension_semantics = [#tpu.dimension_semantics<arbitrary>], iteration_bounds = array<i64: 5>, scalar_prefetch = 0 : i64, scratch_operands = 0 : i64, tpu.core_type = #tpu.core_type<tc>, window_params = [{transform_indices = @transform_0, window_bounds = array<i64: 2000, 1>}, {transform_indices = @transform_1, window_bounds = array<i64: 2000, 1>}, {transform_indices = @transform_2, window_bounds = array<i64: 2000, 128>}, {transform_indices = @transform_3, window_bounds = array<i64: 2000, 128>}, {transform_indices = @transform_4, window_bounds = array<i64: 2000, 128>}, {pipeline_mode = #tpu.pipeline_mode<synchronous>, transform_indices = @transform_5, window_bounds = array<i64: 1, 128>}, {transform_indices = @transform_6, window_bounds = array<i64: 2000, 128>}]} {
    %get3A = arith.constant 0 : index
    %get3A_0 = arith.constant 0 : index
    %get3A_1 = vector.load %arg1[%get3A, %get3A_0] : memref<2000x1xf32, #tpu.memory_space<vmem>>, vector<2000x1xf32>
    %get3A_2 = arith.constant 0 : index
    %get3A_3 = arith.constant 0 : index
    %get3A_4 = vector.load %arg2[%get3A_2, %get3A_3] : memref<2000x1xf32, #tpu.memory_space<vmem>>, vector<2000x1xf32>
    %add3A = arith.addf %get3A_1, %get3A_4 : vector<2000x1xf32>
    %add3A_5 = arith.constant 1.000000e+00 : f32
    %add3A_6 = vector.broadcast %add3A_5 : f32 to vector<2000x1xf32>
    %add3A_7 = arith.addf %add3A, %add3A_6 : vector<2000x1xf32>
    %rsqrt3A = math.rsqrt %add3A_7 : vector<2000x1xf32>
    %get3A_8 = arith.constant 0 : index
    %get3A_9 = arith.constant 0 : index
    %get3A_10 = vector.load %arg3[%get3A_8, %get3A_9] : memref<2000x128xf32, #tpu.memory_space<vmem>>, vector<2000x128xf32>
    %get3A_11 = arith.constant 0 : index
    %get3A_12 = arith.constant 0 : index
    %get3A_13 = vector.load %arg4[%get3A_11, %get3A_12] : memref<2000x128xf32, #tpu.memory_space<vmem>>, vector<2000x128xf32>
    %add3A_14 = arith.addf %get3A_10, %get3A_13 : vector<2000x128xf32>
    %get3A_15 = arith.constant 0 : index
    %get3A_16 = arith.constant 0 : index
    %get3A_17 = vector.load %arg5[%get3A_15, %get3A_16] : memref<2000x128xf32, #tpu.memory_space<vmem>>, vector<2000x128xf32>
    %add3A_18 = arith.addf %add3A_14, %get3A_17 : vector<2000x128xf32>
    %mul3A = vector.broadcast %rsqrt3A : vector<2000x1xf32> to vector<2000x128xf32>
    %mul3A_19 = arith.mulf %add3A_18, %mul3A : vector<2000x128xf32>
    %get3A_20 = arith.constant 0 : index
    %get3A_21 = arith.constant 0 : index
    %get3A_22 = vector.load %arg6[%get3A_20, %get3A_21] : memref<1x128xf32, #tpu.memory_space<vmem>>, vector<1x128xf32>
    %add3A_23 = vector.broadcast %get3A_22 : vector<1x128xf32> to vector<2000x128xf32>
    %add3A_24 = arith.addf %mul3A_19, %add3A_23 : vector<2000x128xf32>
    %max3A = arith.constant 0.000000e+00 : f32
    %max3A_25 = vector.broadcast %max3A : f32 to vector<2000x128xf32>
    %max3A_26 = arith.maximumf %add3A_24, %max3A_25 : vector<2000x128xf32>
    %swap3A = arith.constant 0 : index
    %swap3A_27 = arith.constant 0 : index
    %swap3A_28 = vector.load %arg7[%swap3A, %swap3A_27] : memref<2000x128xf32, #tpu.memory_space<vmem>>, vector<2000x128xf32>
    tpu.vector_store %arg7[%swap3A, %swap3A_27], %max3A_26 {strides = array<i32>} : memref<2000x128xf32, #tpu.memory_space<vmem>>, vector<2000x128xf32>,
    return
  }
  func.func @transform_0(%arg0: i32) -> (i32, i32) {
    %c0_i32 = arith.constant 0 : i32
    %c0_i32_0 = arith.constant 0 : i32
    return %arg0, %c0_i32 : i32, i32
  }
  func.func @transform_1(%arg0: i32) -> (i32, i32) {
    %c0_i32 = arith.constant 0 : i32
    %c0_i32_0 = arith.constant 0 : i32
    return %arg0, %c0_i32 : i32, i32
  }
  func.func @transform_2(%arg0: i32) -> (i32, i32) {
    %c0_i32 = arith.constant 0 : i32
    %c0_i32_0 = arith.constant 0 : i32
    return %arg0, %c0_i32 : i32, i32
  }
  func.func @transform_3(%arg0: i32) -> (i32, i32) {
    %c0_i32 = arith.constant 0 : i32
    %c0_i32_0 = arith.constant 0 : i32
    return %arg0, %c0_i32 : i32, i32
  }
  func.func @transform_4(%arg0: i32) -> (i32, i32) {
    %c0_i32 = arith.constant 0 : i32
    %c0_i32_0 = arith.constant 0 : i32
    return %arg0, %c0_i32 : i32, i32
  }
  func.func @transform_5(%arg0: i32) -> (i32, i32) {
    %c0_i32 = arith.constant 0 : i32
    %c0_i32_0 = arith.constant 0 : i32
    %c0_i32_1 = arith.constant 0 : i32
    return %c0_i32, %c0_i32_0 : i32, i32
  }
  func.func @transform_6(%arg0: i32) -> (i32, i32) {
    %c0_i32 = arith.constant 0 : i32
    %c0_i32_0 = arith.constant 0 : i32
    return %arg0, %c0_i32 : i32, i32
  }
}

</mosaic_0001>

<sc_bundles>
// kernel: kernel.12.cloned.1.call-start
scs
__scs_entry_jumppad:
0x0: {  	(pc) =	sbr.rel $0x88, $3  }
0x1: {  	(tag) =	ssettag $0x0;
	lr =	simm.s32 $0x1  }
0x2: {  	[smem:$0x3F9B] =	sst lr;
	_ =	strace $0xD0000000  }
0x3: {  	_ = 	snop  }
0x4: {  	_ = 	snop  }
0x5: {  	_ = 	snop  }
0x6: {  	_ = 	snop  }
0x7: {  	_ = 	snop  }
__scs_overlays_trampoline_lowered:
0x8: {  	[smem:$0x3FAA] =	sst s0  }
0x9: {  	[smem:$0x3FAB] =	sst s1  }
0xa: {  	[smem:$0x3FAC] =	sst s2  }
0xb: {  	[smem:$0x3FAD] =	sst s3  }
0xc: {  	[smem:$0x3FAE] =	sst s4  }
0xd: {  	[smem:$0x3FAF] =	sst s5  }
0xe: {  	[smem:$0x3FB0] =	sst s6  }
0xf: {  	[smem:$0x3FB1] =	sst s7  }
0x10: {  	[smem:$0x3FB2] =	sst s8  }
0x11: {  	[smem:$0x3FB3] =	sst s9;
	s0 =	simm.s32 @!p0 $0x0  }
0x12: {  	s1 =	sld [smem:$0x3F99];
	s0 =	simm.s32 @p0 $0x1  }
0x13: {  	[smem:$0x3FB4] =	sst s0;
	s0 =	simm.s32 @!p1 $0x0  }
0x14: {  	s2 =	sld [smem:$0x3F98];
	s0 =	simm.s32 @p1 $0x1  }
0x15: {  	[smem:$0x3FB5] =	sst s0;
	s0 =	simm.s32 @!p2 $0x0  }
0x16: {  	s3 =	sld [smem:$0x3FDB];
	s0 =	simm.s32 @p2 $0x1  }
0x17: {  	s4 =	simm.s32 $0x1BF5;
	[smem:$0x3FB7] =	sst s0  }
0x18: {  	s0 =	sld [smem:$0x3F9A];
	_ =	swait.ge [sflag:s4], $0x0  }
0x19: {  	s7 =	sld [smem:$0x3F9B]  }
0x1a: {  	s8 =	sadd.s32 $0xFFFFE003, lr  }
0x1b: {  	s9 =	sadd.s32 $0xFFFFFEF7, lr;
	s5 =	simm.s32 $0xFFFFFFFF;
	p2 =	slt.u32 s8, $0xFFFFF086  }
0x1c: {  	p1 =	slt.u32 s9, $0xF7A;
	s5 =	simm.s32 @!p2 $0x0  }
0x1d: {  	s5 =	simm.s32 @p1 $0x1;
	p0 =	seq.s32 s7, s2  }
0x1e: {  	s7 =	smul.u32 @!p0 $0xF7A, s2;
	p2 =	seq.s32 @!p0 s5, $0x0  }
0x1f: {  	s9 =	smul.u32 $0xF7A, s1;
	s8 =	simm.s32 @!p0 $0x1BF5;
	p2 =	por !p2, p0  }
0x20: {  	[sflag:s8] =	ssyncset.s32 @!p0 $0xFFFFF086;
	s6 =	sadd.s32 @!p0 s3, s7;
	s7 =	simm.s32 @!p0 $0x108  }
0x21: {  	s3 =	sadd.s32 s3, s9;
	s6 =	sadd.s32 @!p0 $0x88, s6;
	s7 =	simm.s32 @p2 $0x1082  }
0x22: {  	[simem:s7], [sflag:s8] =	dma.local @!p0 [hbm:s6], $0xF7A  }
0x23: {  	s9 =	sor.u32 $0xD0000000, s2;
	s6 =	simm.s32 $0x108;
	_ =	swait.ge @!p0 [sflag:s8], $0x0  }
0x24: {  	s3 =	sadd.s32 $0x88, s3;
	s6 =	simm.s32 @!p1 $0x1082;
	[sflag:s4] =	ssyncset.s32 $0xFFFFF086  }
0x25: {  	[simem:s6], [sflag:s4] =	dma.local [hbm:s3], $0xF7A  }
0x26: {  	[smem:$0x3F9B] =	sst s1;
	(tag) =	ssettag s2;
	_ =	strace s9  }
0x27: {  	s1 =	sld [smem:$0x3FAB]  }
0x28: {  	s2 =	sld [smem:$0x3FAC]  }
0x29: {  	s4 =	sld [smem:$0x3FAE]  }
0x2a: {  	p0 =	seq.s32 s5, $0x0;
	s5 =	sld [smem:$0x3FAF]  }
0x2b: {  	s6 =	sld [smem:$0x3FB0]  }
0x2c: {  	s7 =	sld [smem:$0x3FB1]  }
0x2d: {  	s3 =	simm.s32 $0x108;
	s8 =	sld [smem:$0x3FB2]  }
0x2e: {  	s3 =	simm.s32 @!p0 $0x1082;
	s9 =	sld [smem:$0x3FB3]  }
0x2f: {  	lr =	sadd.s32 s0, s3;
	s0 =	sld [smem:$0x3FAA]  }
0x30: {  	s3 =	sld [smem:$0x3FAD]  }
0x31: {  	[smem:$0x3FB6] =	sst s10  }
0x32: {  	s10 =	sld [smem:$0x3FB4];
	_ =	sdelay $0x3  }
0x33: {  	p0 =	seq.s32 s10, $0x1;
	s10 =	sld [smem:$0x3FB6];
	_ =	sdelay $0x3  }
0x34: {  	[smem:$0x3FB6] =	sst s10  }
0x35: {  	s10 =	sld [smem:$0x3FB5];
	_ =	sdelay $0x3  }
0x36: {  	p1 =	seq.s32 s10, $0x1;
	s10 =	sld [smem:$0x3FB6];
	_ =	sdelay $0x3  }
0x37: {  	[smem:$0x3FB6] =	sst s10  }
0x38: {  	s10 =	sld [smem:$0x3FB7]  }
0x39: {  	_ = 	snop;
	(pc) =	sbr.ind lr, $3  }
0x3a: {  	_ = 	snop  }
0x3b: {  	_ = 	snop  }
0x3c: {  	p2 =	seq.s32 s10, $0x1;
	s10 =	sld [smem:$0x3FB6]  }
0x3d: {  	_ =	shalt  }
0x3e: {  	_ =	shalt  }
0x3f: {  	_ =	shalt  }
0x40: {  	_ =	shalt  }
0x41: {  	_ =	shalt  }
0x42: {  	_ =	shalt  }
0x43: {  	_ =	shalt  }
0x44: {  	_ =	shalt  }
0x45: {  	_ =	shalt  }
0x46: {  	_ =	shalt  }
0x47: {  	_ =	shalt  }
0x48: {  	_ =	shalt  }
0x49: {  	_ =	shalt  }
0x4a: {  	_ =	shalt  }
0x4b: {  	_ =	shalt  }
0x4c: {  	_ =	shalt  }
0x4d: {  	_ =	shalt  }
0x4e: {  	_ =	shalt  }
0x4f: {  	_ =	shalt  }
0x50: {  	_ =	shalt  }
0x51: {  	_ =	shalt  }
0x52: {  	_ =	shalt  }
0x53: {  	_ =	shalt  }
0x54: {  	_ =	shalt  }
0x55: {  	_ =	shalt  }
0x56: {  	_ =	shalt  }
0x57: {  	_ =	shalt  }
0x58: {  	_ =	shalt  }
0x59: {  	_ =	shalt  }
0x5a: {  	_ =	shalt  }
0x5b: {  	_ =	shalt  }
0x5c: {  	_ =	shalt  }
0x5d: {  	_ =	shalt  }
0x5e: {  	_ =	shalt  }
0x5f: {  	_ =	shalt  }
0x60: {  	_ =	shalt  }
0x61: {  	_ =	shalt  }
0x62: {  	_ =	shalt  }
0x63: {  	_ =	shalt  }
0x64: {  	_ =	shalt  }
0x65: {  	_ =	shalt  }
0x66: {  	_ =	shalt  }
0x67: {  	_ =	shalt  }
0x68: {  	_ =	shalt  }
0x69: {  	_ =	shalt  }
0x6a: {  	_ =	shalt  }
0x6b: {  	_ =	shalt  }
0x6c: {  	_ =	shalt  }
0x6d: {  	_ =	shalt  }
0x6e: {  	_ =	shalt  }
0x6f: {  	_ =	shalt  }
0x70: {  	_ =	shalt  }
0x71: {  	_ =	shalt  }
0x72: {  	_ =	shalt  }
0x73: {  	_ =	shalt  }
0x74: {  	_ =	shalt  }
0x75: {  	_ =	shalt  }
0x76: {  	_ =	shalt  }
0x77: {  	_ =	shalt  }
0x78: {  	_ =	shalt  }
0x79: {  	_ =	shalt  }
0x7a: {  	_ =	shalt  }
0x7b: {  	_ =	shalt  }
0x7c: {  	_ =	shalt  }
0x7d: {  	_ =	shalt  }
0x7e: {  	_ =	shalt  }
0x7f: {  	_ =	shalt  }
0x80: {  	_ =	shalt  }
0x81: {  	_ =	shalt  }
0x82: {  	_ =	shalt  }
0x83: {  	_ =	shalt  }
0x84: {  	_ =	shalt  }
0x85: {  	_ =	shalt  }
0x86: {  	_ =	shalt  }
0x87: {  	_ =	shalt  }
.Lfunc_end0:
.L_simem_size_0:
called_computation.1_lowered:
.L_overlay_start_0:
0x88: {  	s2 =	sld [smem:$0x3FD9]  }
0x89: {  	s3 =	sld [smem:$0x3FFE];
	_ =	sdelay $0x1  }
0x8a: {  	s1 =	srdreg.scid  }
0x8b: {  	s0 =	sand.u32 $0x1, s1  }
0x8c: {  	s17 =	sshll.u32 s0, $0xA;
	s2 =	sadd.s32 s3, s2  }
0x8d: {  	s2 =	sadd.s32 s2, s17  }
0x8e: {  	[smem:$0x3FC2] =	sst s2  }
0x8f: {  	_ = 	snop  }
0x90: {  	s2 =	sld [smem:$0x3FC8]  }
0x91: {  	s18 =	sld [smem:$0x3FD0];
	(tm) =	ssettm $0x1  }
0x92: {  	s4 =	sld [smem:$0x3FFB];
	_ =	sdelay $0x3  }
0x93: {  	_ =	strace s4  }
0x94: {  	s4 =	sld [smem:$0x3FFC];
	_ =	sdelay $0x3  }
0x95: {  	_ =	strace s4  }
0x96: {  	s4 =	sld [smem:$0x3FFD];
	_ =	sdelay $0x3  }
0x97: {  	_ =	strace s4  }
0x98: {  	_ =	strace $0x8FFFFFFF  }
0x99: {  	s19 =	sld [smem:$0x3FDB];
	_ =	sdelay $0x1  }
0x9a: {  	s5 =	simm.s32 $_scs_section_size  }
0x9b: {  	s6 =	simm.s32 $_size__tile_overlayer_lowered;
	s7 =	simm.s32 $_tile_overlayer_lowered  }
0x9c: {  	s22 =	simm.s32 $0x1BFF;
	s21 =	sshll.u32 s7, $0x1;
	s4 =	sadd.s32 s5, s19  }
0x9d: {  	s8 =	simm.s32 $0x0;
	s20 =	sshll.u32 s6, $0x1;
	s6 =	sadd.s32 s21, s4  }
0x9e: {  	[timem:s8], [sflag:s22] =	dma.local [hbm:s6], s20  }
0x9f: {  	_ =	swait.ge [sflag:s22], s20  }
0xa0: {  	s5 =	ssub.s32 $0x0, s20;
	[sflag:s22] =	ssyncset.done $0x0  }
0xa1: {  	[sflag:s22] =	ssyncadd.s32 s5;
	_ =	sdelay $0x1  }
0xa2: {  	s23 =	simm.s32 $0x1B8B  }
0xa3: {  	_ =	swait.ge [sflag:s23], $0x1  }
0xa4: {  	[sflag:s23] =	ssyncset.done $0x0  }
0xa5: {  	s25 =	simm.s32 $0x1B8E;
	s24 =	sld [smem:$0x3FFE];
	[sflag:s23] =	ssyncadd.s32 $0xFFFFFFFF  }
0xa6: {  	s26 =	simm.s32 $execute0_lowered;
	[smem:$0x3FD2] =	sst s25  }
0xa7: {  	s6 =	sshll.u32 s26, $0x1;
	_ =	strace $0x80000049;
	[dreg:$0x1] =	wrdreg $0xFFFFFFFF  }
0xa8: {  	s28 =	simm.s32 $_size_execute0_lowered;
	s4 =	sadd.s32 s4, s6;
	[dreg:$0x0] =	wrdreg $0x0  }
0xa9: {  	s6 =	sshll.u32 s28, $0x1;
	[dreg:$0x2] =	wrdreg s4  }
0xaa: {  	[dreg:$0x3] =	wrdreg s6  }
0xab: {  	[dreg:$0x4] =	wrdreg $0xC0  }
0xac: {  	_ =	task [dreg:s8], $0x5FFFF  }
0xad: {  	[dreg:$0x1] =	wrdreg $0xFFFFFFFF  }
0xae: {  	[dreg:$0x0] =	wrdreg $0x60  }
0xaf: {  	[dreg:$0x2] =	wrdreg s18  }
0xb0: {  	[dreg:$0x3] =	wrdreg s2  }
0xb1: {  	[dreg:$0x4] =	wrdreg s24  }
0xb2: {  	[dreg:$0x5] =	wrdreg $0x96000  }
0xb3: {  	[dreg:$0x6] =	wrdreg $0x9  }
0xb4: {  	_ =	task.clear_ibuf [dreg:s8], $0x7FFFF;
	_ =	strace $0x90000049  }
0xb5: {  	s29 =	simm.s32 $0x9;
	_ =	strace $0x8000004B  }
0xb6: {  	_ =	swait.ge [sflag:s29], $0x1  }
0xb7: {  	[sflag:s29] =	ssyncadd.s32 $0xFFFFFFFF  }
0xb8: {  	_ =	strace $0x9000004B  }
0xb9: {  	_ =	sfence  }
0xba: {  	s30 =	sld [smem:$0x0];
	_ =	sdelay $0x2  }
0xbb: {  	s31 =	sshll.u32 s1, $0xD;
	s1 =	sshrl.u32 s1, $0x2  }
0xbc: {  	s3 =	sand.u32 $0x4000, s31;
	s1 =	sadd.s32 s1, s30  }
0xbd: {  	s0 =	sor.u32 s3, s0;
	s1 =	sshll.u32 s1, $0x11  }
0xbe: {  	s0 =	sor.u32 s1, s0  }
0xbf: {  	s0 =	sadd.s32 $0x8F2B, s0  }
0xc0: {  	[sflag:s0] =	ssyncadd.remote.s32 $0x1  }
0xc1: {  	_ =	sfence.sel $0xFFFF  }
0xc2: {  	[dreg:$0x0] =	wrdreg $0xFFFFFFFF;
	(pc) =	sbr.abs _section_cstart, $3  }
0xc3: {  	[dreg:$0x1] =	wrdreg $0xFFFFFFFF  }
0xc4: {  	_ =	task.clear_ibuf [dreg:s8], $0x2FFFF;
	_ =	strace $0x9FFFFFFF  }
0xc5: {  	(tm) =	ssettm $0x7FFFFFFF  }
tec
execute0_lowered:
.L_overlay_start_1:
0x0: {  	(tag) =	ssettag $0x1  }
0x1: {  	s9 =	stileid.u32  }
0x2: {  	s0 =	srdreg.scid;
	s5 =	smul.u32 $0x4E, s9  }
0x3: {  	s2 =	sand.u32 $0x1, s0;
	s8 =	smul.u32 $0x1400, s9  }
0x4: {  	s7 =	smul.u32 $0x4E2, s2  }
0x5: {  	s1 =	simm.s32 $0x0;
	s11 =	sor.u32 $0x10, s9;
	s18 =	smul.u32 $0x138800, s2  }
0x6: {  	[smem:$0x7FF] =	sst s1;
	s20 =	sor.u32 $0x20, s9;
	s30 =	smul.u32 $0x1400, s11  }
0x7: {  	p0 =	seq.s32 s9, $0x0;
	s31 =	sor.u32 $0x30, s9;
	s10 =	smul.u32 $0x1400, s20  }
0x8: {  	s4 =	sor.u32 $0x40, s9;
	[smem:$0x7DC] =	sst s31;
	s12 =	smul.u32 $0x1400, s31  }
0x9: {  	s6 =	sor.u32 $0x60, s9;
	[smem:$0x7DD] =	sst s4;
	s13 =	smul.u32 $0x1400, s4  }
0xa: {  	s0 =	ssub.s32 $0x2, s2;
	[smem:$0x7DF] =	sst s6;
	s15 =	smul.u32 $0x1400, s6  }
0xb: {  	s3 =	sshrl.u32 s0, $0x1;
	s19 =	sadd.s32 $0x2, s5;
	s5 =	sor.u32 $0x50, s9  }
0xc: {  	s0 =	ssub.s32 s0, s3;
	s19 =	simm.s32 @p0 $0x0;
	[smem:$0x7DE] =	sst s5  }
0xd: {  	s14 =	smul.u32 $0x1400, s5;
	s21 =	sadd.s32 s8, s18;
	s22 =	sadd.s32 s18, s30  }
0xe: {  	s8 =	sor.u32 $0x80, s9;
	s23 =	sadd.s32 s18, s10;
	s10 =	sor.u32 $0x90, s9  }
0xf: {  	s24 =	sadd.s32 s18, s12;
	s25 =	sadd.s32 s18, s13;
	s12 =	sor.u32 $0xA0, s9  }
0x10: {  	s29 =	sadd.s32 s18, s15;
	s13 =	sor.u32 $0xB0, s9;
	s17 =	smul.u32 $0x1400, s8  }
0x11: {  	[smem:$0x7EB] =	sst s0;
	s4 =	sadd.s32 s7, s19;
	s26 =	smul.u32 $0x1400, s10  }
0x12: {  	s7 =	sor.u32 $0x70, s9;
	[smem:$0x7E1] =	sst s8;
	s30 =	smul.u32 $0x1400, s12  }
0x13: {  	s15 =	sor.u32 $0xD0, s9;
	[smem:$0x7DB] =	sst s4;
	s16 =	smul.u32 $0x1400, s7  }
0x14: {  	s19 =	sshll.u32 s19, $0x8;
	[smem:$0x7E0] =	sst s7;
	s4 =	smul.u32 $0x4E200, s2  }
0x15: {  	s28 =	sadd.s32 s18, s14;
	s14 =	sor.u32 $0xC0, s9;
	s2 =	smul.u32 $0x1400, s15  }
0x16: {  	s8 =	sadd.s32 s18, s17;
	s3 =	smul.u32 $0x1400, s14;
	s17 =	sadd.s32 s18, s26  }
0x17: {  	s26 =	sor.u32 $0xE0, s9;
	s31 =	sadd.s32 s18, s16;
	s16 =	smul.u32 $0x1400, s13  }
0x18: {  	s5 =	sadd.s32 s18, s30;
	s30 =	sor.u32 $0xF0, s9;
	s7 =	smul.u32 $0x1400, s26  }
0x19: {  	s0 =	smul.u32 $0x1400, s30;
	s6 =	sadd.s32 s18, s16;
	s16 =	sadd.s32 s18, s3  }
0x1a: {  	s3 =	sadd.s32 s18, s2;
	s2 =	sadd.s32 s19, s4;
	s4 =	rddreg [dreg:$0x2]  }
0x1b: {  	s22 =	sshrl.u32 s22, $0x3;
	s19 =	sshrl.u32 s21, $0x3;
	s21 =	sadd.s32 $0x2200, s4  }
0x1c: {  	s7 =	sadd.s32 s18, s7;
	s0 =	sadd.s32 s18, s0;
	s18 =	sadd.s32 s21, s19  }
0x1d: {  	s8 =	sshrl.u32 s8, $0x3;
	s22 =	sadd.s32 s21, s22;
	[dreg:$0x5] =	wrdreg s18  }
0x1e: {  	s5 =	sshrl.u32 s5, $0x3;
	s8 =	sadd.s32 s21, s8;
	[dreg:$0x6] =	wrdreg s22  }
0x1f: {  	s3 =	sshrl.u32 s3, $0x3;
	s5 =	sadd.s32 s21, s5;
	[dreg:$0xd] =	wrdreg s8  }
0x20: {  	s0 =	sshrl.u32 s0, $0x3;
	s3 =	sadd.s32 s21, s3;
	[dreg:$0xf] =	wrdreg s5  }
0x21: {  	s23 =	sshrl.u32 s23, $0x3;
	s0 =	sadd.s32 s21, s0;
	[dreg:$0x12] =	wrdreg s3  }
0x22: {  	s25 =	sshrl.u32 s25, $0x3;
	s19 =	sshrl.u32 s6, $0x3;
	[dreg:$0x14] =	wrdreg s0  }
0x23: {  	s18 =	sadd.s32 s21, s23;
	s5 =	sadd.s32 s21, s19;
	s19 =	rddreg [dreg:$0x0]  }
0x24: {  	s22 =	sadd.s32 s21, s25;
	[dreg:$0x7] =	wrdreg s18  }
0x25: {  	s24 =	sshrl.u32 s24, $0x3;
	[dreg:$0x9] =	wrdreg s22  }
0x26: {  	s25 =	sshrl.u32 s31, $0x3;
	s18 =	sadd.s32 s21, s24;
	[dreg:$0x10] =	wrdreg s5  }
0x27: {  	s31 =	sadd.s32 s21, s25;
	[dreg:$0x8] =	wrdreg s18  }
0x28: {  	s23 =	sshrl.u32 s28, $0x3;
	s22 =	sshrl.u32 s16, $0x3;
	[dreg:$0xc] =	wrdreg s31  }
0x29: {  	s18 =	sadd.s32 s21, s23;
	s5 =	sadd.s32 s21, s22;
	s22 =	rddreg [dreg:$0x3]  }
0x2a: {  	s24 =	sshrl.u32 s29, $0x3;
	[dreg:$0xa] =	wrdreg s18  }
0x2b: {  	s23 =	sshrl.u32 s7, $0x3;
	s18 =	sadd.s32 s21, s24;
	[dreg:$0x11] =	wrdreg s5  }
0x2c: {  	s6 =	sadd.s32 $0x400, s2;
	s3 =	sadd.s32 s21, s23;
	[dreg:$0xb] =	wrdreg s18  }
0x2d: {  	s7 =	sshrl.u32 s6, $0x3;
	s18 =	sshrl.u32 s17, $0x3;
	[dreg:$0x13] =	wrdreg s3  }
0x2e: {  	s24 =	sadd.s32 $0x500, s2;
	s8 =	sadd.s32 s21, s18;
	s18 =	rddreg [dreg:$0x1]  }
0x2f: {  	s25 =	sshrl.u32 s24, $0x3;
	s17 =	smul.u32 $0x5000, s11;
	s31 =	ssub.s32 $0x40, s18  }
0x30: {  	s21 =	smul.u32 $0x5000, s9;
	[dreg:$0xe] =	wrdreg s8;
	s0 =	ssub.s32 s31, s25  }
0x31: {  	s16 =	sadd.s32 $0x1E00, s4;
	[dreg:$0x15] =	wrdreg s0;
	s0 =	ssub.s32 s31, s7  }
0x32: {  	s3 =	sshrl.u32 s17, $0x2;
	s5 =	sshrl.u32 s21, $0x2;
	[dreg:$0x16] =	wrdreg s0  }
0x33: {  	s5 =	sadd.s32 s5, s22;
	_ =	strace $0x8000004A;
	[dreg:$0x17] =	wrdreg s16  }
0x34: {  	s15 =	smul.u32 $0x5000, s15;
	s3 =	sadd.s32 s3, s22;
	[dreg:$0x19] =	wrdreg s5  }
0x35: {  	s8 =	smul.u32 $0x50000, s9;
	[dreg:$0x1a] =	wrdreg s3  }
0x36: {  	s23 =	smul.u32 $0x5000, s20;
	s31 =	sld [smem:$0x7DC]  }
0x37: {  	s4 =	simm.s32 $0x50;
	s0 =	sshrl.u32 s8, $0x2;
	s16 =	sld [smem:$0x7DF]  }
0x38: {  	s25 =	sadd.s32 s0, s22;
	s0 =	sshrl.u32 s23, $0x2;
	s24 =	sld [smem:$0x7DB]  }
0x39: {  	s11 =	sld [smem:$0x7DE];
	s0 =	sadd.s32 s0, s22;
	s7 =	smul.u32 $0x5000, s31  }
0x3a: {  	s4 =	simm.s32 @!p0 $0x4E;
	[dreg:$0x1b] =	wrdreg s0;
	s0 =	smul.u32 $0x5000, s16  }
0x3b: {  	p0 =	sgt.u32 s9, $0x9;
	s20 =	sld [smem:$0x7E0];
	s31 =	smul.u32 $0x5000, s10  }
0x3c: {  	s23 =	sld [smem:$0x7E1];
	s9 =	sadd.s32 $0x6400, s25;
	s10 =	smul.u32 $0x5000, s12  }
0x3d: {  	[smem:$0x7F2] =	sst s9;
	s6 =	sshll.u32 s24, $0x5;
	s12 =	smul.u32 $0x5000, s13  }
0x3e: {  	s16 =	smul.u32 $0x5000, s26;
	s8 =	sadd.s32 s18, s6;
	s6 =	sld [smem:$0x7DD]  }
0x3f: {  	s26 =	sld [smem:$0x7EB];
	s17 =	sshrl.u32 s7, $0x2;
	s7 =	smul.u32 $0x5000, s20  }
0x40: {  	s0 =	sshrl.u32 s0, $0x2;
	s20 =	smul.u32 $0x5000, s30;
	[dreg:$0x18] =	wrdreg s8  }
0x41: {  	s3 =	sadd.s32 s17, s22;
	s0 =	sadd.s32 s0, s22;
	s5 =	smul.u32 $0x5000, s6  }
0x42: {  	s17 =	sshrl.u32 s12, $0x2;
	s6 =	smul.u32 $0x5000, s11;
	[dreg:$0x1c] =	wrdreg s3  }
0x43: {  	s12 =	sadd.s32 $0xA000, s25;
	s3 =	smul.u32 $0x5000, s23;
	[dreg:$0x1f] =	wrdreg s0  }
0x44: {  	s11 =	sshrl.u32 s7, $0x2;
	s7 =	sadd.s32 $0x5000, s25;
	[smem:$0x7F5] =	sst s12  }
0x45: {  	s0 =	sshrl.u32 s10, $0x2;
	s10 =	sadd.s32 $0x7800, s25;
	[smem:$0x7F1] =	sst s7  }
0x46: {  	s23 =	sshrl.u32 s20, $0x2;
	s20 =	sadd.s32 $0xC800, s25;
	[smem:$0x7F3] =	sst s10  }
0x47: {  	s0 =	sadd.s32 s0, s22;
	[smem:$0x7F7] =	sst s20;
	s5 =	sshrl.u32 s5, $0x2  }
0x48: {  	s24 =	sshrl.u32 s6, $0x2;
	[smem:$0x7E5] =	sst s0;
	s6 =	sadd.s32 $0x3C00, s25  }
0x49: {  	s28 =	simm.s32 $0x180;
	s21 =	sadd.s32 s5, s22;
	[smem:$0x7F0] =	sst s6  }
0x4a: {  	s3 =	sshrl.u32 s3, $0x2;
	s5 =	sadd.s32 s24, s22;
	[dreg:$0x1d] =	wrdreg s21  }
0x4b: {  	s0 =	sshrl.u32 s16, $0x2;
	s3 =	sadd.s32 s3, s22;
	[dreg:$0x1e] =	wrdreg s5  }
0x4c: {  	s29 =	simm.s32 $0x0;
	s0 =	sadd.s32 s0, s22;
	[smem:$0x7E3] =	sst s3  }
0x4d: {  	s9 =	simm.s32 $0x3;
	s24 =	sadd.s32 s23, s22;
	[smem:$0x7E9] =	sst s0  }
0x4e: {  	s13 =	smul.u32 $0x5000, s14;
	s23 =	sadd.s32 $0xF000, s25;
	[smem:$0x7EA] =	sst s24  }
0x4f: {  	s14 =	sshrl.u32 s31, $0x2;
	s5 =	sadd.s32 s11, s22;
	[smem:$0x7F9] =	sst s23  }
0x50: {  	s30 =	sshrl.u32 s4, $0x1;
	s0 =	smax.u32 s26, $0x1;
	[smem:$0x7E2] =	sst s5  }
0x51: {  	s31 =	sadd.s32 $0x300, s2;
	s11 =	sadd.s32 $0x8C00, s25;
	[smem:$0x7EC] =	sst s0  }
0x52: {  	s21 =	sshrl.u32 s15, $0x2;
	s15 =	sadd.s32 $0xB400, s25;
	[smem:$0x7F4] =	sst s11  }
0x53: {  	s12 =	simm.s32 $0x200;
	s24 =	sadd.s32 $0x10400, s25;
	[smem:$0x7F6] =	sst s15  }
0x54: {  	s10 =	simm.s32 $0x100;
	s26 =	sadd.s32 $0x11800, s25;
	[smem:$0x7FA] =	sst s24  }
0x55: {  	s3 =	sshrl.u32 s13, $0x2;
	s5 =	sadd.s32 s14, s22;
	[smem:$0x7FB] =	sst s26  }
0x56: {  	s16 =	sadd.s32 $0x200, s2;
	s3 =	sadd.s32 s3, s22;
	[smem:$0x7E4] =	sst s5  }
0x57: {  	s13 =	sadd.s32 $0xFFFFFFFE, s4;
	s0 =	sadd.s32 $0xFFFFFFFF, s30;
	[smem:$0x7E7] =	sst s3  }
0x58: {  	s14 =	sadd.s32 $0xFFFFFFFD, s4;
	s4 =	sadd.s32 $0x1400, s25;
	[smem:$0x7ED] =	sst s0  }
0x59: {  	s23 =	simm.s32 $0x4;
	s30 =	sadd.s32 $0x12C00, s25;
	[smem:$0x7EE] =	sst s4  }
0x5a: {  	s11 =	simm.s32 $0x80;
	s5 =	sadd.s32 s17, s22;
	[smem:$0x7FC] =	sst s30  }
0x5b: {  	s15 =	simm.s32 $0x4200;
	s3 =	sadd.s32 s21, s22;
	[smem:$0x7E6] =	sst s5  }
0x5c: {  	s24 =	simm.s32 $0x2;
	s21 =	sadd.s32 $0xDC00, s25;
	[smem:$0x7E8] =	sst s3  }
0x5d: {  	s3 =	sshrl.u32 s31, $0x3;
	s5 =	sadd.s32 $0x2800, s25;
	[smem:$0x7F8] =	sst s21  }
0x5e: {  	s31 =	sadd.s32 $0x20, s8;
	s8 =	simm.s32 $0x8200;
	[smem:$0x7EF] =	sst s5  }
0x5f: {  	s21 =	simm.s32 $0x1;
	s17 =	sadd.s32 s3, s18;
	[smem:$0x7FD] =	sst s31  }
.LBB2_1:
0x60: {  	s0 =	rddreg [dreg:$0x17]  }
0x61: {  	[tilespmem:s8], [sflag:$0x3] =	stream.linear.gather [hbm4b:s0+s1], $0x1400, $0x38;
	[tilespmem:$0x1D600] =	vst v63  }
0x62: {  	_ =	swait.ge [sflag:s9], $0x1400  }
0x63: {  	[sflag:s9] =	ssyncset.done $0x0  }
0x64: {  	[sflag:s9] =	ssyncadd.s32 $0xFFFFEC00  }
0x65: {  	[spmem:s25] =	stream.linear.scatter [tilespmem:s8], [sflag:$0x3], $0x1400, $0x38;
	[tilespmem:$0x1D600] =	vst v63  }
0x66: {  	_ =	swait.ge [sflag:s9], $0x1400  }
0x67: {  	s7 =	sld [smem:$0x7EE]  }
0x68: {  	[sflag:s9] =	ssyncset.done $0x0  }
0x69: {  	[sflag:s9] =	ssyncadd.s32 $0xFFFFEC00  }
0x6a: {  	[spmem:s7] =	stream.linear.scatter [tilespmem:s8], [sflag:$0x3], $0x1400, $0x38;
	[tilespmem:$0x1D600] =	vst v63  }
0x6b: {  	_ =	swait.ge [sflag:s9], $0x1400  }
0x6c: {  	s20 =	sld [smem:$0x7EF]  }
0x6d: {  	[sflag:s9] =	ssyncset.done $0x0  }
0x6e: {  	[sflag:s9] =	ssyncadd.s32 $0xFFFFEC00  }
0x6f: {  	[spmem:s20] =	stream.linear.scatter [tilespmem:s8], [sflag:$0x3], $0x1400, $0x38;
	[tilespmem:$0x1D600] =	vst v63  }
0x70: {  	_ =	swait.ge [sflag:s9], $0x1400  }
0x71: {  	s26 =	sld [smem:$0x7F0]  }
0x72: {  	[sflag:s9] =	ssyncset.done $0x0  }
0x73: {  	[sflag:s9] =	ssyncadd.s32 $0xFFFFEC00  }
0x74: {  	[spmem:s26] =	stream.linear.scatter [tilespmem:s8], [sflag:$0x3], $0x1400, $0x38;
	[tilespmem:$0x1D600] =	vst v63  }
0x75: {  	_ =	swait.ge [sflag:s9], $0x1400  }
0x76: {  	s2 =	sld [smem:$0x7F1]  }
0x77: {  	[sflag:s9] =	ssyncset.done $0x0  }
0x78: {  	[sflag:s9] =	ssyncadd.s32 $0xFFFFEC00  }
0x79: {  	[spmem:s2] =	stream.linear.scatter [tilespmem:s8], [sflag:$0x3], $0x1400, $0x38;
	[tilespmem:$0x1D600] =	vst v63  }
0x7a: {  	_ =	swait.ge [sflag:s9], $0x1400  }
0x7b: {  	s3 =	sld [smem:$0x7F2]  }
0x7c: {  	[sflag:s9] =	ssyncset.done $0x0  }
0x7d: {  	[sflag:s9] =	ssyncadd.s32 $0xFFFFEC00  }
0x7e: {  	[spmem:s3] =	stream.linear.scatter [tilespmem:s8], [sflag:$0x3], $0x1400, $0x38;
	[tilespmem:$0x1D600] =	vst v63  }
0x7f: {  	_ =	swait.ge [sflag:s9], $0x1400  }
0x80: {  	s4 =	sld [smem:$0x7F3]  }
0x81: {  	[sflag:s9] =	ssyncset.done $0x0  }
0x82: {  	[sflag:s9] =	ssyncadd.s32 $0xFFFFEC00  }
0x83: {  	[spmem:s4] =	stream.linear.scatter [tilespmem:s8], [sflag:$0x3], $0x1400, $0x38;
	[tilespmem:$0x1D600] =	vst v63  }
0x84: {  	_ =	swait.ge [sflag:s9], $0x1400  }
0x85: {  	s5 =	sld [smem:$0x7F4]  }
0x86: {  	[sflag:s9] =	ssyncset.done $0x0  }
0x87: {  	[sflag:s9] =	ssyncadd.s32 $0xFFFFEC00  }
0x88: {  	[spmem:s5] =	stream.linear.scatter [tilespmem:s8], [sflag:$0x3], $0x1400, $0x38;
	[tilespmem:$0x1D600] =	vst v63  }
0x89: {  	_ =	swait.ge [sflag:s9], $0x1400  }
0x8a: {  	s6 =	sld [smem:$0x7F5]  }
0x8b: {  	[sflag:s9] =	ssyncset.done $0x0  }
0x8c: {  	[sflag:s9] =	ssyncadd.s32 $0xFFFFEC00  }
0x8d: {  	[spmem:s6] =	stream.linear.scatter [tilespmem:s8], [sflag:$0x3], $0x1400, $0x38;
	[tilespmem:$0x1D600] =	vst v63  }
0x8e: {  	_ =	swait.ge [sflag:s9], $0x1400  }
0x8f: {  	s7 =	sld [smem:$0x7F6]  }
0x90: {  	[sflag:s9] =	ssyncset.done $0x0  }
0x91: {  	[sflag:s9] =	ssyncadd.s32 $0xFFFFEC00  }
0x92: {  	[spmem:s7] =	stream.linear.scatter [tilespmem:s8], [sflag:$0x3], $0x1400, $0x38;
	[tilespmem:$0x1D600] =	vst v63  }
0x93: {  	_ =	swait.ge [sflag:s9], $0x1400  }
0x94: {  	s20 =	sld [smem:$0x7F7]  }
0x95: {  	[sflag:s9] =	ssyncset.done $0x0  }
0x96: {  	[sflag:s9] =	ssyncadd.s32 $0xFFFFEC00  }
0x97: {  	[spmem:s20] =	stream.linear.scatter [tilespmem:s8], [sflag:$0x3], $0x1400, $0x38;
	[tilespmem:$0x1D600] =	vst v63  }
0x98: {  	_ =	swait.ge [sflag:s9], $0x1400  }
0x99: {  	s26 =	sld [smem:$0x7F8]  }
0x9a: {  	[sflag:s9] =	ssyncset.done $0x0  }
0x9b: {  	[sflag:s9] =	ssyncadd.s32 $0xFFFFEC00  }
0x9c: {  	[spmem:s26] =	stream.linear.scatter [tilespmem:s8], [sflag:$0x3], $0x1400, $0x38;
	[tilespmem:$0x1D600] =	vst v63  }
0x9d: {  	_ =	swait.ge [sflag:s9], $0x1400  }
0x9e: {  	s2 =	sld [smem:$0x7F9]  }
0x9f: {  	[sflag:s9] =	ssyncset.done $0x0  }
0xa0: {  	[sflag:s9] =	ssyncadd.s32 $0xFFFFEC00  }
0xa1: {  	[spmem:s2] =	stream.linear.scatter [tilespmem:s8], [sflag:$0x3], $0x1400, $0x38;
	[tilespmem:$0x1D600] =	vst v63  }
0xa2: {  	_ =	swait.ge [sflag:s9], $0x1400  }
0xa3: {  	s3 =	sld [smem:$0x7FA]  }
0xa4: {  	[sflag:s9] =	ssyncset.done $0x0  }
0xa5: {  	[sflag:s9] =	ssyncadd.s32 $0xFFFFEC00  }
0xa6: {  	[spmem:s3] =	stream.linear.scatter [tilespmem:s8], [sflag:$0x3], $0x1400, $0x38;
	[tilespmem:$0x1D600] =	vst v63  }
0xa7: {  	_ =	swait.ge [sflag:s9], $0x1400  }
0xa8: {  	s4 =	sld [smem:$0x7FB]  }
0xa9: {  	[sflag:s9] =	ssyncset.done $0x0  }
0xaa: {  	[sflag:s9] =	ssyncadd.s32 $0xFFFFEC00  }
0xab: {  	[spmem:s4] =	stream.linear.scatter [tilespmem:s8], [sflag:$0x3], $0x1400, $0x38;
	[tilespmem:$0x1D600] =	vst v63  }
0xac: {  	_ =	swait.ge [sflag:s9], $0x1400  }
0xad: {  	s5 =	sld [smem:$0x7FC]  }
0xae: {  	[sflag:s9] =	ssyncset.done $0x0  }
0xaf: {  	[sflag:s9] =	ssyncadd.s32 $0xFFFFEC00  }
0xb0: {  	[spmem:s5] =	stream.linear.scatter [tilespmem:s8], [sflag:$0x3], $0x1400, $0x38;
	[tilespmem:$0x1D600] =	vst v63  }
0xb1: {  	_ =	swait.ge [sflag:s9], $0x1400  }
0xb2: {  	[sflag:s9] =	ssyncset.done $0x0  }
0xb3: {  	s6 =	rddreg [dreg:$0x18];
	[sflag:s9] =	ssyncadd.s32 $0xFFFFEC00  }
0xb4: {  	[tilespmem:s1], [sflag:$0x3] =	stream.linear.gather [hbm4b:s6+s1], $0x100, $0x38;
	[tilespmem:$0x1D600] =	vst v63  }
0xb5: {  	_ =	swait.ge [sflag:s9], $0x100  }
0xb6: {  	s7 =	sld [smem:$0x7FD]  }
0xb7: {  	[sflag:s9] =	ssyncset.done $0x0  }
0xb8: {  	[sflag:s9] =	ssyncadd.s32 $0xFFFFFF00  }
0xb9: {  	[tilespmem:s10], [sflag:$0x3] =	stream.linear.gather [hbm4b:s7+s1], $0x100, $0x38;
	[tilespmem:$0x1D600] =	vst v63  }
0xba: {  	_ =	swait.ge [sflag:s9], $0x100  }
0xbb: {  	[sflag:s9] =	ssyncset.done $0x0  }
0xbc: {  	[sflag:s9] =	ssyncadd.s32 $0xFFFFFF00  }
0xbd: {  	[bflag:$0x0] =	sbarrier.arrive $0xFFFF  }
0xbe: {  	[tilespmem:s12], [sflag:$0x1] =	stream.indirect.gather [hbm4b:s19+s11], $0x80, s1, s11, $0xb8;
	[tilespmem:$0x1D600] =	vst v63  }
0xbf: {  	_ = 	snop  }
0xc0: {  	[tilespmem:s15], [sflag:$0x2] =	stream.indirect.gather [hbm4b:s19+s11], $0x80, s10, s11, $0xb8;
	[tilespmem:$0x1D600] =	vst v63  }
0xc1: {  	_ =	swait.ge [sflag:s21], $0x4000  }
0xc2: {  	[sflag:s21] =	ssyncset.done $0x0  }
0xc3: {  	p1 =	sle.u32 s13, $0x0;
	[sflag:s21] =	ssyncadd.s32 $0xFFFFC000  }
0xc4: {  	[spmem:s22] =	stream.indirect.scatter.add.f32 [tilespmem:s12], [sflag:$0x4], $0x80, s11, s11, $0xb8;
	[tilespmem:$0x1D600] =	vst v63  }
0xc5: {  	s0 =	sshrl.u32 @!p1 s16, $0x3;
	_ =	swait.ge [sflag:s23], $0x4000  }
0xc6: {  	s0 =	sadd.s32 @!p1 s18, s0;
	[sflag:s23] =	ssyncset.done $0x0  }
0xc7: {  	s2 =	simm.s32 @!p1 $0x4;
	s3 =	simm.s32 @!p1 $0x0;
	[sflag:s23] =	ssyncadd.s32 $0xFFFFC000  }
0xc8: {  	[tilespmem:s3], [sflag:$0x4] =	stream.linear.gather @!p1 [hbm4b:s0+s3], $0x100, $0x38;
	[tilespmem:$0x1D600] =	vst v63  }
0xc9: {  	_ =	swait.ge @!p1 [sflag:s2], $0x100  }
0xca: {  	[sflag:s2] =	ssyncset.done @!p1 $0x0  }
0xcb: {  	s20 =	simm.s32 @!p1 $0x200;
	s0 =	simm.s32 @!p1 $0x80;
	[sflag:s2] =	ssyncadd.s32 @!p1 $0xFFFFFF00  }
0xcc: {  	[tilespmem:s20], [sflag:$0x1] =	stream.indirect.gather @!p1 [hbm4b:s19+s0], $0x80, s3, s0, $0xb8;
	[tilespmem:$0x1D600] =	vst v63  }
0xcd: {  	_ =	swait.ge [sflag:s24], $0x4000  }
0xce: {  	[sflag:s24] =	ssyncset.done $0x0  }
0xcf: {  	s20 =	sld [smem:$0x7ED];
	[sflag:s24] =	ssyncadd.s32 $0xFFFFC000  }
0xd0: {  	[spmem:s22] =	stream.indirect.scatter.add.f32 [tilespmem:s15], [sflag:$0x4], $0x80, s28, s11, $0xb8;
	[tilespmem:$0x1D600] =	vst v63  }
0xd1: {  	p2 =	sle.u32 s14, $0x0;
	_ =	swait.ge [sflag:s23], $0x4000  }
0xd2: {  	s2 =	simm.s32 @!p2 $0x100;
	s31 =	sadd.s32 $0xFFFFFFFF, s20;
	[sflag:s23] =	ssyncset.done $0x0  }
0xd3: {  	s0 =	simm.s32 @!p2 $0x0;
	p1 =	sne.s32 s31, $0x0;
	[sflag:s23] =	ssyncadd.s32 $0xFFFFC000  }
0xd4: {  	[tilespmem:s2], [sflag:$0x3] =	stream.linear.gather @!p2 [hbm4b:s17+s0], $0x100, $0x38;
	[tilespmem:$0x1D600] =	vst v63  }
.Ltmp0:
0xd5: {  	s3 =	simm.s32 @!p2 $0x3;
	(pc) =	sbr.rel @!p1 .LBB2_3-.Ltmp0, $4  }
0xd6: {  	_ =	swait.ge @!p2 [sflag:s3], $0x100  }
0xd7: {  	s4 =	rddreg [dreg:$0x15]  }
0xd8: {  	s0 =	sadd.s32 $0x40, s17;
	s2 =	sadd.s32 $0x200, s16;
	s26 =	rddreg [dreg:$0x16]  }
0xd9: {  	s30 =	sadd.s32 $0xFFFFFFC0, s4;
	s20 =	sadd.s32 $0xFFFFFFC0, s26;
	s26 =	simm.s32 $0x0  }
.LBB2_2:
0xda: {  	s31 =	sadd.s32 $0xFFFFFFFF, s31;
	[sflag:s3] =	ssyncset.done @!p2 $0x0;
	s26 =	sadd.s32 $0x2, s26  }
0xdb: {  	s4 =	smov.u32 s0;
	p1 =	sne.s32 s31, $0x0;
	[sflag:s3] =	ssyncadd.s32 @!p2 $0xFFFFFF00  }
0xdc: {  	[tilespmem:s15], [sflag:$0x2] =	stream.indirect.gather [hbm4b:s19+s11], $0x80, s10, s11, $0xb8;
	[tilespmem:$0x1D600] =	vst v63  }
0xdd: {  	_ =	swait.ge [sflag:s21], $0x4000  }
0xde: {  	[sflag:s21] =	ssyncset.done $0x0  }
0xdf: {  	p2 =	sge.u32 s26, s13;
	[sflag:s21] =	ssyncadd.s32 $0xFFFFC000  }
0xe0: {  	[spmem:s22] =	stream.indirect.scatter.add.f32 [tilespmem:s12], [sflag:$0x4], $0x80, s11, s11, $0xb8;
	[tilespmem:$0x1D600] =	vst v63  }
0xe1: {  	s3 =	sshrl.u32 @!p2 s2, $0x3;
	s5 =	simm.s32 @!p2 $0x4;
	_ =	swait.ge [sflag:s23], $0x4000  }
0xe2: {  	s6 =	simm.s32 @!p2 $0x0;
	s3 =	sadd.s32 @!p2 s18, s3;
	[sflag:s23] =	ssyncset.done $0x0  }
0xe3: {  	[sflag:s23] =	ssyncadd.s32 $0xFFFFC000  }
0xe4: {  	[tilespmem:s6], [sflag:$0x4] =	stream.linear.gather @!p2 [hbm4b:s3+s6], $0x100, $0x38;
	[tilespmem:$0x1D600] =	vst v63  }
0xe5: {  	_ =	swait.ge @!p2 [sflag:s5], $0x100  }
0xe6: {  	s7 =	simm.s32 @!p2 $0x200;
	s3 =	simm.s32 @!p2 $0x80;
	[sflag:s5] =	ssyncset.done @!p2 $0x0  }
0xe7: {  	[sflag:s5] =	ssyncadd.s32 @!p2 $0xFFFFFF00  }
0xe8: {  	[tilespmem:s7], [sflag:$0x1] =	stream.indirect.gather @!p2 [hbm4b:s19+s3], $0x80, s6, s3, $0xb8;
	[tilespmem:$0x1D600] =	vst v63  }
0xe9: {  	_ =	swait.ge [sflag:s24], $0x4000  }
0xea: {  	[sflag:s24] =	ssyncset.done $0x0  }
0xeb: {  	s0 =	sadd.s32 $0x40, s0;
	[sflag:s24] =	ssyncadd.s32 $0xFFFFC000  }
0xec: {  	[spmem:s22] =	stream.indirect.scatter.add.f32 [tilespmem:s15], [sflag:$0x4], $0x80, s28, s11, $0xb8;
	[tilespmem:$0x1D600] =	vst v63  }
.Ltmp1:
0xed: {  	p2 =	sge.u32 s26, s14;
	_ =	swait.ge [sflag:s23], $0x4000;
	(pc) =	sbr.rel @p1 .LBB2_2-.Ltmp1, $4  }
0xee: {  	s5 =	simm.s32 @!p2 $0x0;
	s6 =	simm.s32 @!p2 $0x100;
	[sflag:s23] =	ssyncset.done $0x0  }
0xef: {  	s2 =	sadd.s32 $0x200, s2;
	s3 =	simm.s32 @!p2 $0x3;
	[sflag:s23] =	ssyncadd.s32 $0xFFFFC000  }
0xf0: {  	[tilespmem:s6], [sflag:$0x3] =	stream.linear.gather @!p2 [hbm4b:s4+s5], $0x100, $0x38;
	[tilespmem:$0x1D600] =	vst v63  }
0xf1: {  	s30 =	sadd.s32 $0xFFFFFFC0, s30;
	s20 =	sadd.s32 $0xFFFFFFC0, s20;
	_ =	swait.ge @!p2 [sflag:s3], $0x100  }
.LBB2_3:
0xf2: {  	[sflag:s3] =	ssyncset.done @!p2 $0x0  }
0xf3: {  	[sflag:s3] =	ssyncadd.s32 @!p2 $0xFFFFFF00  }
0xf4: {  	[tilespmem:s15], [sflag:$0x2] =	stream.indirect.gather [hbm4b:s19+s11], $0x80, s10, s11, $0xb8;
	[tilespmem:$0x1D600] =	vst v63  }
0xf5: {  	_ =	swait.ge [sflag:s21], $0x4000  }
0xf6: {  	[sflag:s21] =	ssyncset.done $0x0  }
0xf7: {  	[sflag:s21] =	ssyncadd.s32 $0xFFFFC000  }
0xf8: {  	[spmem:s22] =	stream.indirect.scatter.add.f32 [tilespmem:s12], [sflag:$0x4], $0x80, s11, s11, $0xb8;
	[tilespmem:$0x1D600] =	vst v63  }
0xf9: {  	s0 =	sadd.s32 $0x2, s26;
	_ =	swait.ge [sflag:s23], $0x4000  }
0xfa: {  	p1 =	sge.u32 s0, s13;
	[sflag:s23] =	ssyncset.done $0x0  }
0xfb: {  	s2 =	ssub.s32 @!p1 $0x0, s20;
	s3 =	simm.s32 @!p1 $0x0;
	[sflag:s23] =	ssyncadd.s32 $0xFFFFC000  }
0xfc: {  	[tilespmem:s3], [sflag:$0x4] =	stream.linear.gather @!p1 [hbm4b:s2+s3], $0x100, $0x38;
	[tilespmem:$0x1D600] =	vst v63  }
0xfd: {  	s2 =	simm.s32 @!p1 $0x4  }
0xfe: {  	_ =	swait.ge @!p1 [sflag:s2], $0x100  }
0xff: {  	[sflag:s2] =	ssyncset.done @!p1 $0x0  }
0x100: {  	s4 =	simm.s32 @!p1 $0x200;
	[sflag:s2] =	ssyncadd.s32 @!p1 $0xFFFFFF00;
	s2 =	simm.s32 @!p1 $0x80  }
0x101: {  	[tilespmem:s4], [sflag:$0x1] =	stream.indirect.gather @!p1 [hbm4b:s19+s2], $0x80, s3, s2, $0xb8;
	[tilespmem:$0x1D600] =	vst v63  }
0x102: {  	_ =	swait.ge [sflag:s24], $0x4000  }
0x103: {  	[sflag:s24] =	ssyncset.done $0x0  }
0x104: {  	[sflag:s24] =	ssyncadd.s32 $0xFFFFC000  }
0x105: {  	[spmem:s22] =	stream.indirect.scatter.add.f32 [tilespmem:s15], [sflag:$0x4], $0x80, s28, s11, $0xb8;
	[tilespmem:$0x1D600] =	vst v63  }
0x106: {  	p1 =	sge.u32 s0, s14;
	_ =	swait.ge [sflag:s23], $0x4000  }
0x107: {  	s0 =	ssub.s32 @!p1 $0x0, s30;
	[sflag:s23] =	ssyncset.done $0x0  }
0x108: {  	s2 =	simm.s32 @!p1 $0x0;
	s3 =	simm.s32 @!p1 $0x100;
	[sflag:s23] =	ssyncadd.s32 $0xFFFFC000  }
0x109: {  	[tilespmem:s3], [sflag:$0x3] =	stream.linear.gather @!p1 [hbm4b:s0+s2], $0x100, $0x38;
	[tilespmem:$0x1D600] =	vst v63  }
0x10a: {  	s0 =	simm.s32 @!p1 $0x3  }
0x10b: {  	_ =	swait.ge @!p1 [sflag:s0], $0x100  }
0x10c: {  	[sflag:s0] =	ssyncset.done @!p1 $0x0  }
0x10d: {  	[sflag:s0] =	ssyncadd.s32 @!p1 $0xFFFFFF00  }
0x10e: {  	[bflag:$0x0] =	sbarrier.arrive $0xFFFF  }
0x10f: {  	s31 =	rddreg [dreg:$0x19]  }
0x110: {  	[tilespmem:s8], [sflag:$0x3] =	stream.linear.gather [spmem:s31], $0x1400, $0x38;
	[tilespmem:$0x1D600] =	vst v63  }
0x111: {  	_ =	swait.ge [sflag:s9], $0x1400  }
0x112: {  	[sflag:s9] =	ssyncset.done $0x0  }
0x113: {  	s2 =	rddreg [dreg:$0x5];
	[sflag:s9] =	ssyncadd.s32 $0xFFFFEC00  }
0x114: {  	[hbm4b:s2+s1] =	stream.linear.scatter [tilespmem:s8], [sflag:$0x3], $0x1400, $0x38;
	[tilespmem:$0x1D600] =	vst v63  }
0x115: {  	_ =	swait.ge [sflag:s9], $0x1400  }
0x116: {  	[sflag:s9] =	ssyncset.done $0x0  }
0x117: {  	s3 =	rddreg [dreg:$0x1a];
	[sflag:s9] =	ssyncadd.s32 $0xFFFFEC00  }
0x118: {  	[tilespmem:s8], [sflag:$0x3] =	stream.linear.gather [spmem:s3], $0x1400, $0x38;
	[tilespmem:$0x1D600] =	vst v63  }
0x119: {  	_ =	swait.ge [sflag:s9], $0x1400  }
0x11a: {  	[sflag:s9] =	ssyncset.done $0x0  }
0x11b: {  	s4 =	rddreg [dreg:$0x6];
	[sflag:s9] =	ssyncadd.s32 $0xFFFFEC00  }
0x11c: {  	[hbm4b:s4+s1] =	stream.linear.scatter [tilespmem:s8], [sflag:$0x3], $0x1400, $0x38;
	[tilespmem:$0x1D600] =	vst v63  }
0x11d: {  	_ =	swait.ge [sflag:s9], $0x1400  }
0x11e: {  	[sflag:s9] =	ssyncset.done $0x0  }
0x11f: {  	s5 =	rddreg [dreg:$0x1b];
	[sflag:s9] =	ssyncadd.s32 $0xFFFFEC00  }
0x120: {  	[tilespmem:s8], [sflag:$0x3] =	stream.linear.gather [spmem:s5], $0x1400, $0x38;
	[tilespmem:$0x1D600] =	vst v63  }
0x121: {  	_ =	swait.ge [sflag:s9], $0x1400  }
0x122: {  	[sflag:s9] =	ssyncset.done $0x0  }
0x123: {  	s6 =	rddreg [dreg:$0x7];
	[sflag:s9] =	ssyncadd.s32 $0xFFFFEC00  }
0x124: {  	[hbm4b:s6+s1] =	stream.linear.scatter [tilespmem:s8], [sflag:$0x3], $0x1400, $0x38;
	[tilespmem:$0x1D600] =	vst v63  }
0x125: {  	_ =	swait.ge [sflag:s9], $0x1400  }
0x126: {  	[sflag:s9] =	ssyncset.done $0x0  }
0x127: {  	s7 =	rddreg [dreg:$0x1c];
	[sflag:s9] =	ssyncadd.s32 $0xFFFFEC00  }
0x128: {  	[tilespmem:s8], [sflag:$0x3] =	stream.linear.gather [spmem:s7], $0x1400, $0x38;
	[tilespmem:$0x1D600] =	vst v63  }
0x129: {  	_ =	swait.ge [sflag:s9], $0x1400  }
0x12a: {  	[sflag:s9] =	ssyncset.done $0x0  }
0x12b: {  	s20 =	rddreg [dreg:$0x8];
	[sflag:s9] =	ssyncadd.s32 $0xFFFFEC00  }
0x12c: {  	[hbm4b:s20+s1] =	stream.linear.scatter [tilespmem:s8], [sflag:$0x3], $0x1400, $0x38;
	[tilespmem:$0x1D600] =	vst v63  }
0x12d: {  	_ =	swait.ge [sflag:s9], $0x1400  }
0x12e: {  	[sflag:s9] =	ssyncset.done $0x0  }
0x12f: {  	s26 =	rddreg [dreg:$0x1d];
	[sflag:s9] =	ssyncadd.s32 $0xFFFFEC00  }
0x130: {  	[tilespmem:s8], [sflag:$0x3] =	stream.linear.gather [spmem:s26], $0x1400, $0x38;
	[tilespmem:$0x1D600] =	vst v63  }
0x131: {  	_ =	swait.ge [sflag:s9], $0x1400  }
0x132: {  	[sflag:s9] =	ssyncset.done $0x0  }
0x133: {  	s30 =	rddreg [dreg:$0x9];
	[sflag:s9] =	ssyncadd.s32 $0xFFFFEC00  }
0x134: {  	[hbm4b:s30+s1] =	stream.linear.scatter [tilespmem:s8], [sflag:$0x3], $0x1400, $0x38;
	[tilespmem:$0x1D600] =	vst v63  }
0x135: {  	_ =	swait.ge [sflag:s9], $0x1400  }
0x136: {  	[sflag:s9] =	ssyncset.done $0x0  }
0x137: {  	s31 =	rddreg [dreg:$0x1e];
	[sflag:s9] =	ssyncadd.s32 $0xFFFFEC00  }
0x138: {  	[tilespmem:s8], [sflag:$0x3] =	stream.linear.gather [spmem:s31], $0x1400, $0x38;
	[tilespmem:$0x1D600] =	vst v63  }
0x139: {  	_ =	swait.ge [sflag:s9], $0x1400  }
0x13a: {  	[sflag:s9] =	ssyncset.done $0x0  }
0x13b: {  	s2 =	rddreg [dreg:$0xa];
	[sflag:s9] =	ssyncadd.s32 $0xFFFFEC00  }
0x13c: {  	[hbm4b:s2+s1] =	stream.linear.scatter [tilespmem:s8], [sflag:$0x3], $0x1400, $0x38;
	[tilespmem:$0x1D600] =	vst v63  }
0x13d: {  	_ =	swait.ge [sflag:s9], $0x1400  }
0x13e: {  	[sflag:s9] =	ssyncset.done $0x0  }
0x13f: {  	s3 =	rddreg [dreg:$0x1f];
	[sflag:s9] =	ssyncadd.s32 $0xFFFFEC00  }
0x140: {  	[tilespmem:s8], [sflag:$0x3] =	stream.linear.gather [spmem:s3], $0x1400, $0x38;
	[tilespmem:$0x1D600] =	vst v63  }
0x141: {  	_ =	swait.ge [sflag:s9], $0x1400  }
0x142: {  	[sflag:s9] =	ssyncset.done $0x0  }
0x143: {  	s4 =	rddreg [dreg:$0xb];
	[sflag:s9] =	ssyncadd.s32 $0xFFFFEC00  }
0x144: {  	[hbm4b:s4+s1] =	stream.linear.scatter [tilespmem:s8], [sflag:$0x3], $0x1400, $0x38;
	[tilespmem:$0x1D600] =	vst v63  }
0x145: {  	_ =	swait.ge [sflag:s9], $0x1400  }
0x146: {  	s5 =	sld [smem:$0x7E2]  }
0x147: {  	[sflag:s9] =	ssyncset.done $0x0  }
0x148: {  	[sflag:s9] =	ssyncadd.s32 $0xFFFFEC00  }
0x149: {  	[tilespmem:s8], [sflag:$0x3] =	stream.linear.gather [spmem:s5], $0x1400, $0x38;
	[tilespmem:$0x1D600] =	vst v63  }
0x14a: {  	_ =	swait.ge [sflag:s9], $0x1400  }
0x14b: {  	[sflag:s9] =	ssyncset.done $0x0  }
0x14c: {  	s6 =	rddreg [dreg:$0xc];
	[sflag:s9] =	ssyncadd.s32 $0xFFFFEC00  }
0x14d: {  	[hbm4b:s6+s1] =	stream.linear.scatter [tilespmem:s8], [sflag:$0x3], $0x1400, $0x38;
	[tilespmem:$0x1D600] =	vst v63  }
0x14e: {  	_ =	swait.ge [sflag:s9], $0x1400  }
0x14f: {  	s7 =	sld [smem:$0x7E3]  }
0x150: {  	[sflag:s9] =	ssyncset.done $0x0  }
0x151: {  	[sflag:s9] =	ssyncadd.s32 $0xFFFFEC00  }
0x152: {  	[tilespmem:s8], [sflag:$0x3] =	stream.linear.gather [spmem:s7], $0x1400, $0x38;
	[tilespmem:$0x1D600] =	vst v63  }
0x153: {  	_ =	swait.ge [sflag:s9], $0x1400  }
0x154: {  	[sflag:s9] =	ssyncset.done $0x0  }
0x155: {  	s20 =	rddreg [dreg:$0xd];
	[sflag:s9] =	ssyncadd.s32 $0xFFFFEC00  }
0x156: {  	[hbm4b:s20+s1] =	stream.linear.scatter [tilespmem:s8], [sflag:$0x3], $0x1400, $0x38;
	[tilespmem:$0x1D600] =	vst v63  }
0x157: {  	_ =	swait.ge [sflag:s9], $0x1400  }
0x158: {  	s26 =	sld [smem:$0x7E4]  }
0x159: {  	[sflag:s9] =	ssyncset.done $0x0  }
0x15a: {  	[sflag:s9] =	ssyncadd.s32 $0xFFFFEC00  }
0x15b: {  	[tilespmem:s8], [sflag:$0x3] =	stream.linear.gather [spmem:s26], $0x1400, $0x38;
	[tilespmem:$0x1D600] =	vst v63  }
0x15c: {  	_ =	swait.ge [sflag:s9], $0x1400  }
0x15d: {  	[sflag:s9] =	ssyncset.done $0x0  }
0x15e: {  	s30 =	rddreg [dreg:$0xe];
	[sflag:s9] =	ssyncadd.s32 $0xFFFFEC00  }
0x15f: {  	[hbm4b:s30+s1] =	stream.linear.scatter [tilespmem:s8], [sflag:$0x3], $0x1400, $0x38;
	[tilespmem:$0x1D600] =	vst v63  }
0x160: {  	_ =	swait.ge [sflag:s9], $0x1400  }
0x161: {  	s31 =	sld [smem:$0x7E5]  }
0x162: {  	[sflag:s9] =	ssyncset.done $0x0  }
0x163: {  	[sflag:s9] =	ssyncadd.s32 $0xFFFFEC00  }
0x164: {  	[tilespmem:s8], [sflag:$0x3] =	stream.linear.gather [spmem:s31], $0x1400, $0x38;
	[tilespmem:$0x1D600] =	vst v63  }
0x165: {  	_ =	swait.ge [sflag:s9], $0x1400  }
0x166: {  	[sflag:s9] =	ssyncset.done $0x0  }
0x167: {  	s2 =	rddreg [dreg:$0xf];
	[sflag:s9] =	ssyncadd.s32 $0xFFFFEC00  }
0x168: {  	[hbm4b:s2+s1] =	stream.linear.scatter [tilespmem:s8], [sflag:$0x3], $0x1400, $0x38;
	[tilespmem:$0x1D600] =	vst v63  }
0x169: {  	_ =	swait.ge [sflag:s9], $0x1400  }
0x16a: {  	s3 =	sld [smem:$0x7E6]  }
0x16b: {  	[sflag:s9] =	ssyncset.done $0x0  }
0x16c: {  	[sflag:s9] =	ssyncadd.s32 $0xFFFFEC00  }
0x16d: {  	[tilespmem:s8], [sflag:$0x3] =	stream.linear.gather [spmem:s3], $0x1400, $0x38;
	[tilespmem:$0x1D600] =	vst v63  }
0x16e: {  	_ =	swait.ge [sflag:s9], $0x1400  }
0x16f: {  	[sflag:s9] =	ssyncset.done $0x0  }
0x170: {  	s4 =	rddreg [dreg:$0x10];
	[sflag:s9] =	ssyncadd.s32 $0xFFFFEC00  }
0x171: {  	[hbm4b:s4+s1] =	stream.linear.scatter [tilespmem:s8], [sflag:$0x3], $0x1400, $0x38;
	[tilespmem:$0x1D600] =	vst v63  }
0x172: {  	_ =	swait.ge [sflag:s9], $0x1400  }
0x173: {  	s5 =	sld [smem:$0x7E7]  }
0x174: {  	[sflag:s9] =	ssyncset.done $0x0  }
0x175: {  	[sflag:s9] =	ssyncadd.s32 $0xFFFFEC00  }
0x176: {  	[tilespmem:s8], [sflag:$0x3] =	stream.linear.gather [spmem:s5], $0x1400, $0x38;
	[tilespmem:$0x1D600] =	vst v63  }
0x177: {  	_ =	swait.ge [sflag:s9], $0x1400  }
0x178: {  	[sflag:s9] =	ssyncset.done $0x0  }
0x179: {  	s6 =	rddreg [dreg:$0x11];
	[sflag:s9] =	ssyncadd.s32 $0xFFFFEC00  }
0x17a: {  	[hbm4b:s6+s1] =	stream.linear.scatter [tilespmem:s8], [sflag:$0x3], $0x1400, $0x38;
	[tilespmem:$0x1D600] =	vst v63  }
0x17b: {  	_ =	swait.ge [sflag:s9], $0x1400  }
0x17c: {  	s7 =	sld [smem:$0x7E8]  }
0x17d: {  	[sflag:s9] =	ssyncset.done $0x0  }
0x17e: {  	[sflag:s9] =	ssyncadd.s32 $0xFFFFEC00  }
0x17f: {  	[tilespmem:s8], [sflag:$0x3] =	stream.linear.gather [spmem:s7], $0x1400, $0x38;
	[tilespmem:$0x1D600] =	vst v63  }
0x180: {  	_ =	swait.ge [sflag:s9], $0x1400  }
0x181: {  	[sflag:s9] =	ssyncset.done $0x0  }
0x182: {  	s20 =	rddreg [dreg:$0x12];
	[sflag:s9] =	ssyncadd.s32 $0xFFFFEC00  }
0x183: {  	[hbm4b:s20+s1] =	stream.linear.scatter [tilespmem:s8], [sflag:$0x3], $0x1400, $0x38;
	[tilespmem:$0x1D600] =	vst v63  }
0x184: {  	_ =	swait.ge [sflag:s9], $0x1400  }
0x185: {  	s26 =	sld [smem:$0x7E9]  }
0x186: {  	[sflag:s9] =	ssyncset.done $0x0  }
0x187: {  	[sflag:s9] =	ssyncadd.s32 $0xFFFFEC00  }
0x188: {  	[tilespmem:s8], [sflag:$0x3] =	stream.linear.gather [spmem:s26], $0x1400, $0x38;
	[tilespmem:$0x1D600] =	vst v63  }
0x189: {  	_ =	swait.ge [sflag:s9], $0x1400  }
0x18a: {  	[sflag:s9] =	ssyncset.done $0x0  }
0x18b: {  	s30 =	rddreg [dreg:$0x13];
	[sflag:s9] =	ssyncadd.s32 $0xFFFFEC00  }
0x18c: {  	[hbm4b:s30+s1] =	stream.linear.scatter [tilespmem:s8], [sflag:$0x3], $0x1400, $0x38;
	[tilespmem:$0x1D600] =	vst v63  }
0x18d: {  	_ =	swait.ge [sflag:s9], $0x1400  }
0x18e: {  	s2 =	sld [smem:$0x7EA]  }
0x18f: {  	[sflag:s9] =	ssyncset.done $0x0  }
0x190: {  	s0 =	simm.s32 @!p0 $0x8200;
	[sflag:s9] =	ssyncadd.s32 $0xFFFFEC00  }
0x191: {  	[tilespmem:s0], [sflag:$0x3] =	stream.linear.gather @!p0 [spmem:s2], $0x1400, $0x38;
	[tilespmem:$0x1D600] =	vst v63  }
0x192: {  	s2 =	simm.s32 @!p0 $0x3  }
0x193: {  	_ =	swait.ge @!p0 [sflag:s2], $0x1400  }
0x194: {  	[sflag:s2] =	ssyncset.done @!p0 $0x0  }
0x195: {  	s3 =	simm.s32 @!p0 $0x0;
	s4 =	rddreg [dreg:$0x14];
	[sflag:s2] =	ssyncadd.s32 @!p0 $0xFFFFEC00  }
0x196: {  	[hbm4b:s4+s3] =	stream.linear.scatter @!p0 [tilespmem:s0], [sflag:$0x3], $0x1400, $0x38;
	[tilespmem:$0x1D600] =	vst v63  }
0x197: {  	_ =	swait.ge @!p0 [sflag:s2], $0x1400  }
0x198: {  	s31 =	sld [smem:$0x7EC];
	_ =	sdelay $0x1  }
0x199: {  	s29 =	sadd.s32 $0x1, s29  }
0x19a: {  	p1 =	sne.s32 s29, s31  }
.Ltmp2:
0x19b: {  	_ = 	snop;
	(pc) =	sbr.rel @p1 .LBB2_1-.Ltmp2, $3  }
0x19c: {  	_ =	sdelay $0x1  }
0x19d: {  	[sflag:s2] =	ssyncset.done @!p0 $0x0  }
0x19e: {  	[sflag:s2] =	ssyncadd.s32 @!p0 $0xFFFFEC00  }
0x19f: {  	_ =	sfence.sel $0x180000  }
0x1a0: {  	[bflag:$0x0] =	sbarrier.arrive $0xFFFF  }
0x1a1: {  	_ =	strace $0x9000004A  }
0x1a2: {  	s0 =	stileid.u32;
	[bflag:$0x2] =	sbarrier.arrive $0xFFFF  }
0x1a3: {  	p0 =	sne.s32 s0, $0x0;
	s0 =	rddreg [dreg:$0x4]  }
0x1a4: {  	s0 =	sadd.s32 @!p0 $0x100000, s0  }
0x1a5: {  	[sflag:s0] =	ssyncadd.tile.s32 @!p0 $0x1;
	_ =	shalt  }
.Lfunc_end2:
_tile_overlayer_lowered:
.L_overlay_start_2:
0x1a6: {  	(tag) =	ssettag $0x2  }
0x1a7: {  	s0 =	rddreg [dreg:$0x0];
	s2 =	stileid.u32  }
0x1a8: {  	s1 =	rddreg [dreg:$0x1];
	p0 =	sne.s32 s2, $0x0  }
0x1a9: {  	s3 =	rddreg [dreg:$0x2];
	[bflag:$0x3] =	sbarrier.arrive $0xFFFF;
	s2 =	simm.s32 @!p0 $0x1C03  }
0x1aa: {  	[timem:s3], [sflag:s2] =	dma.local @!p0 [hbm:s0], s1  }
0x1ab: {  	s0 =	simm.s32 @!p0 $0x3  }
0x1ac: {  	_ =	swait.ge @!p0 [sflag:s0], s1  }
0x1ad: {  	s1 =	ssub.s32 @!p0 $0x0, s1;
	[sflag:s0] =	ssyncset.done @!p0 $0x0  }
0x1ae: {  	[sflag:s0] =	ssyncadd.s32 @!p0 s1  }
0x1af: {  	[bflag:$0x3] =	sbarrier.arrive $0xFFFF  }
0x1b0: {  	_ =	shalt  }

// kernel: kernel.15.cloned.1.call-start
scs
__scs_entry_jumppad:
0x0: {  	(pc) =	sbr.rel $0x88, $3  }
0x1: {  	(tag) =	ssettag $0x0;
	lr =	simm.s32 $0x1  }
0x2: {  	[smem:$0x3F9B] =	sst lr;
	_ =	strace $0xD0000000  }
0x3: {  	_ = 	snop  }
0x4: {  	_ = 	snop  }
0x5: {  	_ = 	snop  }
0x6: {  	_ = 	snop  }
0x7: {  	_ = 	snop  }
__scs_overlays_trampoline_lowered:
0x8: {  	[smem:$0x3FAA] =	sst s0  }
0x9: {  	[smem:$0x3FAB] =	sst s1  }
0xa: {  	[smem:$0x3FAC] =	sst s2  }
0xb: {  	[smem:$0x3FAD] =	sst s3  }
0xc: {  	[smem:$0x3FAE] =	sst s4  }
0xd: {  	[smem:$0x3FAF] =	sst s5  }
0xe: {  	[smem:$0x3FB0] =	sst s6  }
0xf: {  	[smem:$0x3FB1] =	sst s7  }
0x10: {  	[smem:$0x3FB2] =	sst s8  }
0x11: {  	[smem:$0x3FB3] =	sst s9;
	s0 =	simm.s32 @!p0 $0x0  }
0x12: {  	s1 =	sld [smem:$0x3F99];
	s0 =	simm.s32 @p0 $0x1  }
0x13: {  	[smem:$0x3FB4] =	sst s0;
	s0 =	simm.s32 @!p1 $0x0  }
0x14: {  	s2 =	sld [smem:$0x3F98];
	s0 =	simm.s32 @p1 $0x1  }
0x15: {  	[smem:$0x3FB5] =	sst s0;
	s0 =	simm.s32 @!p2 $0x0  }
0x16: {  	s3 =	sld [smem:$0x3FDB];
	s0 =	simm.s32 @p2 $0x1  }
0x17: {  	s4 =	simm.s32 $0x1BF5;
	[smem:$0x3FB7] =	sst s0  }
0x18: {  	s0 =	sld [smem:$0x3F9A];
	_ =	swait.ge [sflag:s4], $0x0  }
0x19: {  	s7 =	sld [smem:$0x3F9B]  }
0x1a: {  	s8 =	sadd.s32 $0xFFFFE003, lr  }
0x1b: {  	s9 =	sadd.s32 $0xFFFFFEF7, lr;
	s5 =	simm.s32 $0xFFFFFFFF;
	p2 =	slt.u32 s8, $0xFFFFF086  }
0x1c: {  	p1 =	slt.u32 s9, $0xF7A;
	s5 =	simm.s32 @!p2 $0x0  }
0x1d: {  	s5 =	simm.s32 @p1 $0x1;
	p0 =	seq.s32 s7, s2  }
0x1e: {  	s7 =	smul.u32 @!p0 $0xF7A, s2;
	p2 =	seq.s32 @!p0 s5, $0x0  }
0x1f: {  	s9 =	smul.u32 $0xF7A, s1;
	s8 =	simm.s32 @!p0 $0x1BF5;
	p2 =	por !p2, p0  }
0x20: {  	[sflag:s8] =	ssyncset.s32 @!p0 $0xFFFFF086;
	s6 =	sadd.s32 @!p0 s3, s7;
	s7 =	simm.s32 @!p0 $0x108  }
0x21: {  	s3 =	sadd.s32 s3, s9;
	s6 =	sadd.s32 @!p0 $0x88, s6;
	s7 =	simm.s32 @p2 $0x1082  }
0x22: {  	[simem:s7], [sflag:s8] =	dma.local @!p0 [hbm:s6], $0xF7A  }
0x23: {  	s9 =	sor.u32 $0xD0000000, s2;
	s6 =	simm.s32 $0x108;
	_ =	swait.ge @!p0 [sflag:s8], $0x0  }
0x24: {  	s3 =	sadd.s32 $0x88, s3;
	s6 =	simm.s32 @!p1 $0x1082;
	[sflag:s4] =	ssyncset.s32 $0xFFFFF086  }
0x25: {  	[simem:s6], [sflag:s4] =	dma.local [hbm:s3], $0xF7A  }
0x26: {  	[smem:$0x3F9B] =	sst s1;
	(tag) =	ssettag s2;
	_ =	strace s9  }
0x27: {  	s1 =	sld [smem:$0x3FAB]  }
0x28: {  	s2 =	sld [smem:$0x3FAC]  }
0x29: {  	s4 =	sld [smem:$0x3FAE]  }
0x2a: {  	p0 =	seq.s32 s5, $0x0;
	s5 =	sld [smem:$0x3FAF]  }
0x2b: {  	s6 =	sld [smem:$0x3FB0]  }
0x2c: {  	s7 =	sld [smem:$0x3FB1]  }
0x2d: {  	s3 =	simm.s32 $0x108;
	s8 =	sld [smem:$0x3FB2]  }
0x2e: {  	s3 =	simm.s32 @!p0 $0x1082;
	s9 =	sld [smem:$0x3FB3]  }
0x2f: {  	lr =	sadd.s32 s0, s3;
	s0 =	sld [smem:$0x3FAA]  }
0x30: {  	s3 =	sld [smem:$0x3FAD]  }
0x31: {  	[smem:$0x3FB6] =	sst s10  }
0x32: {  	s10 =	sld [smem:$0x3FB4];
	_ =	sdelay $0x3  }
0x33: {  	p0 =	seq.s32 s10, $0x1;
	s10 =	sld [smem:$0x3FB6];
	_ =	sdelay $0x3  }
0x34: {  	[smem:$0x3FB6] =	sst s10  }
0x35: {  	s10 =	sld [smem:$0x3FB5];
	_ =	sdelay $0x3  }
0x36: {  	p1 =	seq.s32 s10, $0x1;
	s10 =	sld [smem:$0x3FB6];
	_ =	sdelay $0x3  }
0x37: {  	[smem:$0x3FB6] =	sst s10  }
0x38: {  	s10 =	sld [smem:$0x3FB7]  }
0x39: {  	_ = 	snop;
	(pc) =	sbr.ind lr, $3  }
0x3a: {  	_ = 	snop  }
0x3b: {  	_ = 	snop  }
0x3c: {  	p2 =	seq.s32 s10, $0x1;
	s10 =	sld [smem:$0x3FB6]  }
0x3d: {  	_ =	shalt  }
0x3e: {  	_ =	shalt  }
0x3f: {  	_ =	shalt  }
0x40: {  	_ =	shalt  }
0x41: {  	_ =	shalt  }
0x42: {  	_ =	shalt  }
0x43: {  	_ =	shalt  }
0x44: {  	_ =	shalt  }
0x45: {  	_ =	shalt  }
0x46: {  	_ =	shalt  }
0x47: {  	_ =	shalt  }
0x48: {  	_ =	shalt  }
0x49: {  	_ =	shalt  }
0x4a: {  	_ =	shalt  }
0x4b: {  	_ =	shalt  }
0x4c: {  	_ =	shalt  }
0x4d: {  	_ =	shalt  }
0x4e: {  	_ =	shalt  }
0x4f: {  	_ =	shalt  }
0x50: {  	_ =	shalt  }
0x51: {  	_ =	shalt  }
0x52: {  	_ =	shalt  }
0x53: {  	_ =	shalt  }
0x54: {  	_ =	shalt  }
0x55: {  	_ =	shalt  }
0x56: {  	_ =	shalt  }
0x57: {  	_ =	shalt  }
0x58: {  	_ =	shalt  }
0x59: {  	_ =	shalt  }
0x5a: {  	_ =	shalt  }
0x5b: {  	_ =	shalt  }
0x5c: {  	_ =	shalt  }
0x5d: {  	_ =	shalt  }
0x5e: {  	_ =	shalt  }
0x5f: {  	_ =	shalt  }
0x60: {  	_ =	shalt  }
0x61: {  	_ =	shalt  }
0x62: {  	_ =	shalt  }
0x63: {  	_ =	shalt  }
0x64: {  	_ =	shalt  }
0x65: {  	_ =	shalt  }
0x66: {  	_ =	shalt  }
0x67: {  	_ =	shalt  }
0x68: {  	_ =	shalt  }
0x69: {  	_ =	shalt  }
0x6a: {  	_ =	shalt  }
0x6b: {  	_ =	shalt  }
0x6c: {  	_ =	shalt  }
0x6d: {  	_ =	shalt  }
0x6e: {  	_ =	shalt  }
0x6f: {  	_ =	shalt  }
0x70: {  	_ =	shalt  }
0x71: {  	_ =	shalt  }
0x72: {  	_ =	shalt  }
0x73: {  	_ =	shalt  }
0x74: {  	_ =	shalt  }
0x75: {  	_ =	shalt  }
0x76: {  	_ =	shalt  }
0x77: {  	_ =	shalt  }
0x78: {  	_ =	shalt  }
0x79: {  	_ =	shalt  }
0x7a: {  	_ =	shalt  }
0x7b: {  	_ =	shalt  }
0x7c: {  	_ =	shalt  }
0x7d: {  	_ =	shalt  }
0x7e: {  	_ =	shalt  }
0x7f: {  	_ =	shalt  }
0x80: {  	_ =	shalt  }
0x81: {  	_ =	shalt  }
0x82: {  	_ =	shalt  }
0x83: {  	_ =	shalt  }
0x84: {  	_ =	shalt  }
0x85: {  	_ =	shalt  }
0x86: {  	_ =	shalt  }
0x87: {  	_ =	shalt  }
.Lfunc_end0:
.L_simem_size_0:
called_computation.2_lowered:
.L_overlay_start_0:
0x88: {  	s2 =	sld [smem:$0x3FD9]  }
0x89: {  	s3 =	sld [smem:$0x3FFE];
	_ =	sdelay $0x1  }
0x8a: {  	s1 =	srdreg.scid  }
0x8b: {  	s0 =	sand.u32 $0x1, s1  }
0x8c: {  	s17 =	sshll.u32 s0, $0xA;
	s2 =	sadd.s32 s3, s2  }
0x8d: {  	s2 =	sadd.s32 s2, s17  }
0x8e: {  	[smem:$0x3FC2] =	sst s2  }
0x8f: {  	_ = 	snop  }
0x90: {  	s2 =	sld [smem:$0x3FC8];
	(tm) =	ssettm $0x1  }
0x91: {  	s18 =	sld [smem:$0x3FFB];
	_ =	sdelay $0x3  }
0x92: {  	_ =	strace s18  }
0x93: {  	s3 =	sld [smem:$0x3FFC];
	_ =	sdelay $0x3  }
0x94: {  	_ =	strace s3  }
0x95: {  	s3 =	sld [smem:$0x3FFD];
	_ =	sdelay $0x3  }
0x96: {  	_ =	strace s3  }
0x97: {  	_ =	strace $0x8FFFFFFF  }
0x98: {  	s19 =	sld [smem:$0x3FDB];
	_ =	sdelay $0x1  }
0x99: {  	s4 =	simm.s32 $_scs_section_size  }
0x9a: {  	s5 =	simm.s32 $_size__tile_overlayer_lowered;
	s6 =	simm.s32 $_tile_overlayer_lowered  }
0x9b: {  	s22 =	simm.s32 $0x1BFF;
	s21 =	sshll.u32 s6, $0x1;
	s3 =	sadd.s32 s4, s19  }
0x9c: {  	s7 =	simm.s32 $0x0;
	s20 =	sshll.u32 s5, $0x1;
	s5 =	sadd.s32 s21, s3  }
0x9d: {  	[timem:s7], [sflag:s22] =	dma.local [hbm:s5], s20  }
0x9e: {  	_ =	swait.ge [sflag:s22], s20  }
0x9f: {  	s4 =	ssub.s32 $0x0, s20;
	[sflag:s22] =	ssyncset.done $0x0  }
0xa0: {  	[sflag:s22] =	ssyncadd.s32 s4;
	_ =	sdelay $0x1  }
0xa1: {  	s23 =	simm.s32 $0x1B8B  }
0xa2: {  	_ =	swait.ge [sflag:s23], $0x1  }
0xa3: {  	[sflag:s23] =	ssyncset.done $0x0  }
0xa4: {  	s25 =	simm.s32 $0x1B8E;
	s24 =	sld [smem:$0x3FFE];
	[sflag:s23] =	ssyncadd.s32 $0xFFFFFFFF  }
0xa5: {  	s26 =	simm.s32 $execute0_lowered;
	[smem:$0x3FD2] =	sst s25  }
0xa6: {  	s5 =	sshll.u32 s26, $0x1;
	_ =	strace $0x8000004C;
	[dreg:$0x1] =	wrdreg $0xFFFFFFFF  }
0xa7: {  	s28 =	simm.s32 $_size_execute0_lowered;
	s3 =	sadd.s32 s3, s5;
	[dreg:$0x0] =	wrdreg $0x0  }
0xa8: {  	s5 =	sshll.u32 s28, $0x1;
	[dreg:$0x2] =	wrdreg s3  }
0xa9: {  	[dreg:$0x3] =	wrdreg s5  }
0xaa: {  	[dreg:$0x4] =	wrdreg $0xC0  }
0xab: {  	_ =	task [dreg:s7], $0x5FFFF  }
0xac: {  	[dreg:$0x1] =	wrdreg $0xFFFFFFFF  }
0xad: {  	[dreg:$0x0] =	wrdreg $0x60  }
0xae: {  	[dreg:$0x2] =	wrdreg s24  }
0xaf: {  	[dreg:$0x3] =	wrdreg s2  }
0xb0: {  	[dreg:$0x4] =	wrdreg $0x96000  }
0xb1: {  	[dreg:$0x5] =	wrdreg $0x9  }
0xb2: {  	_ =	task.clear_ibuf [dreg:s7], $0x6FFFF;
	_ =	strace $0x9000004C  }
0xb3: {  	s29 =	simm.s32 $0x9;
	_ =	strace $0x8000004E  }
0xb4: {  	_ =	swait.ge [sflag:s29], $0x1  }
0xb5: {  	[sflag:s29] =	ssyncadd.s32 $0xFFFFFFFF  }
0xb6: {  	_ =	strace $0x9000004E  }
0xb7: {  	_ =	sfence  }
0xb8: {  	s30 =	sld [smem:$0x0];
	_ =	sdelay $0x2  }
0xb9: {  	s31 =	sshll.u32 s1, $0xD;
	s1 =	sshrl.u32 s1, $0x2  }
0xba: {  	s3 =	sand.u32 $0x4000, s31;
	s1 =	sadd.s32 s1, s30  }
0xbb: {  	s0 =	sor.u32 s3, s0;
	s1 =	sshll.u32 s1, $0x11  }
0xbc: {  	s0 =	sor.u32 s1, s0  }
0xbd: {  	s0 =	sadd.s32 $0x8F2B, s0  }
0xbe: {  	[sflag:s0] =	ssyncadd.remote.s32 $0x1  }
0xbf: {  	_ =	sfence.sel $0xFFFF  }
0xc0: {  	[dreg:$0x0] =	wrdreg $0xFFFFFFFF;
	(pc) =	sbr.abs _section_cstart, $3  }
0xc1: {  	[dreg:$0x1] =	wrdreg $0xFFFFFFFF  }
0xc2: {  	_ =	task.clear_ibuf [dreg:s7], $0x2FFFF;
	_ =	strace $0x9FFFFFFF  }
0xc3: {  	(tm) =	ssettm $0x7FFFFFFF  }
tec
execute0_lowered:
.L_overlay_start_1:
0x0: {  	(tag) =	ssettag $0x1  }
0x1: {  	s9 =	stileid.u32  }
0x2: {  	s0 =	srdreg.scid;
	s5 =	smul.u32 $0x4E, s9  }
0x3: {  	s2 =	sand.u32 $0x1, s0;
	s8 =	smul.u32 $0x1400, s9  }
0x4: {  	s7 =	smul.u32 $0x4E2, s2  }
0x5: {  	s1 =	simm.s32 $0x0;
	s11 =	sor.u32 $0x10, s9;
	s19 =	smul.u32 $0x138800, s2  }
0x6: {  	[smem:$0x7FF] =	sst s1;
	s18 =	sor.u32 $0x20, s9;
	s30 =	smul.u32 $0x1400, s11  }
0x7: {  	p0 =	seq.s32 s9, $0x0;
	s31 =	sor.u32 $0x30, s9;
	s10 =	smul.u32 $0x1400, s18  }
0x8: {  	s4 =	sor.u32 $0x40, s9;
	[smem:$0x7DD] =	sst s31;
	s12 =	smul.u32 $0x1400, s31  }
0x9: {  	s6 =	sor.u32 $0x60, s9;
	[smem:$0x7DE] =	sst s4;
	s13 =	smul.u32 $0x1400, s4  }
0xa: {  	s0 =	ssub.s32 $0x2, s2;
	[smem:$0x7E0] =	sst s6;
	s15 =	smul.u32 $0x1400, s6  }
0xb: {  	s3 =	sshrl.u32 s0, $0x1;
	s20 =	sadd.s32 $0x2, s5;
	s5 =	sor.u32 $0x50, s9  }
0xc: {  	s0 =	ssub.s32 s0, s3;
	s20 =	simm.s32 @p0 $0x0;
	[smem:$0x7DF] =	sst s5  }
0xd: {  	s14 =	smul.u32 $0x1400, s5;
	s21 =	sadd.s32 s8, s19;
	s22 =	sadd.s32 s19, s30  }
0xe: {  	s8 =	sor.u32 $0x80, s9;
	s23 =	sadd.s32 s19, s10;
	s10 =	sor.u32 $0x90, s9  }
0xf: {  	s24 =	sadd.s32 s19, s12;
	s25 =	sadd.s32 s19, s13;
	s12 =	sor.u32 $0xA0, s9  }
0x10: {  	s29 =	sadd.s32 s19, s15;
	s13 =	sor.u32 $0xB0, s9;
	s17 =	smul.u32 $0x1400, s8  }
0x11: {  	[smem:$0x7EB] =	sst s0;
	s4 =	sadd.s32 s7, s20;
	s26 =	smul.u32 $0x1400, s10  }
0x12: {  	s7 =	sor.u32 $0x70, s9;
	[smem:$0x7E2] =	sst s8;
	s30 =	smul.u32 $0x1400, s12  }
0x13: {  	s15 =	sor.u32 $0xD0, s9;
	[smem:$0x7DC] =	sst s4;
	s16 =	smul.u32 $0x1400, s7  }
0x14: {  	s20 =	sshll.u32 s20, $0x8;
	[smem:$0x7E1] =	sst s7;
	s4 =	smul.u32 $0x4E200, s2  }
0x15: {  	s28 =	sadd.s32 s19, s14;
	s14 =	sor.u32 $0xC0, s9;
	s2 =	smul.u32 $0x1400, s15  }
0x16: {  	s8 =	sadd.s32 s19, s17;
	s3 =	smul.u32 $0x1400, s14;
	s17 =	sadd.s32 s19, s26  }
0x17: {  	s26 =	sor.u32 $0xE0, s9;
	s31 =	sadd.s32 s19, s16;
	s16 =	smul.u32 $0x1400, s13  }
0x18: {  	s5 =	sadd.s32 s19, s30;
	s30 =	sor.u32 $0xF0, s9;
	s7 =	smul.u32 $0x1400, s26  }
0x19: {  	s0 =	smul.u32 $0x1400, s30;
	s6 =	sadd.s32 s19, s16;
	s16 =	sadd.s32 s19, s3  }
0x1a: {  	s3 =	sadd.s32 s19, s2;
	s2 =	sadd.s32 s20, s4;
	s4 =	rddreg [dreg:$0x0]  }
0x1b: {  	s22 =	sshrl.u32 s22, $0x3;
	s20 =	sshrl.u32 s21, $0x3;
	s21 =	sadd.s32 $0x29400, s4  }
0x1c: {  	s7 =	sadd.s32 s19, s7;
	s0 =	sadd.s32 s19, s0;
	s19 =	sadd.s32 s21, s20  }
0x1d: {  	s8 =	sshrl.u32 s8, $0x3;
	s22 =	sadd.s32 s21, s22;
	[dreg:$0x4] =	wrdreg s19  }
0x1e: {  	s5 =	sshrl.u32 s5, $0x3;
	s8 =	sadd.s32 s21, s8;
	[dreg:$0x5] =	wrdreg s22  }
0x1f: {  	s3 =	sshrl.u32 s3, $0x3;
	s5 =	sadd.s32 s21, s5;
	[dreg:$0xc] =	wrdreg s8  }
0x20: {  	s0 =	sshrl.u32 s0, $0x3;
	s3 =	sadd.s32 s21, s3;
	[dreg:$0xe] =	wrdreg s5  }
0x21: {  	s23 =	sshrl.u32 s23, $0x3;
	s0 =	sadd.s32 s21, s0;
	[dreg:$0x11] =	wrdreg s3  }
0x22: {  	s25 =	sshrl.u32 s25, $0x3;
	s20 =	sshrl.u32 s6, $0x3;
	[dreg:$0x13] =	wrdreg s0  }
0x23: {  	s19 =	sadd.s32 s21, s23;
	s5 =	sadd.s32 s21, s20;
	s20 =	rddreg [dreg:$0x2]  }
0x24: {  	s22 =	sadd.s32 s21, s25;
	[dreg:$0x6] =	wrdreg s19  }
0x25: {  	s24 =	sshrl.u32 s24, $0x3;
	[dreg:$0x8] =	wrdreg s22  }
0x26: {  	s25 =	sshrl.u32 s31, $0x3;
	s19 =	sadd.s32 s21, s24;
	[dreg:$0xf] =	wrdreg s5  }
0x27: {  	s23 =	sshrl.u32 s28, $0x3;
	s31 =	sadd.s32 s21, s25;
	[dreg:$0x7] =	wrdreg s19  }
0x28: {  	s22 =	sshrl.u32 s16, $0x3;
	s19 =	sadd.s32 s21, s23;
	[dreg:$0xb] =	wrdreg s31  }
0x29: {  	s24 =	sshrl.u32 s29, $0x3;
	s5 =	sadd.s32 s21, s22;
	[dreg:$0x9] =	wrdreg s19  }
0x2a: {  	s23 =	sshrl.u32 s7, $0x3;
	s19 =	sadd.s32 s21, s24;
	[dreg:$0x10] =	wrdreg s5  }
0x2b: {  	s6 =	sadd.s32 $0x400, s2;
	s3 =	sadd.s32 s21, s23;
	[dreg:$0xa] =	wrdreg s19  }
0x2c: {  	s7 =	sshrl.u32 s6, $0x3;
	s19 =	sshrl.u32 s17, $0x3;
	[dreg:$0x12] =	wrdreg s3  }
0x2d: {  	s24 =	sadd.s32 $0x500, s2;
	s8 =	sadd.s32 s21, s19;
	s19 =	rddreg [dreg:$0x1]  }
0x2e: {  	s25 =	sshrl.u32 s24, $0x3;
	s17 =	smul.u32 $0x5000, s11;
	s31 =	ssub.s32 $0x40, s19  }
0x2f: {  	s21 =	smul.u32 $0x5000, s9;
	[dreg:$0xd] =	wrdreg s8;
	s0 =	ssub.s32 s31, s25  }
0x30: {  	s16 =	sadd.s32 $0x1E00, s4;
	[dreg:$0x14] =	wrdreg s0;
	s0 =	ssub.s32 s31, s7  }
0x31: {  	s3 =	sshrl.u32 s17, $0x2;
	s5 =	sshrl.u32 s21, $0x2;
	[dreg:$0x15] =	wrdreg s0  }
0x32: {  	s5 =	sadd.s32 s5, s20;
	_ =	strace $0x8000004D;
	[dreg:$0x16] =	wrdreg s16  }
0x33: {  	s15 =	smul.u32 $0x5000, s15;
	s3 =	sadd.s32 s3, s20;
	[dreg:$0x18] =	wrdreg s5  }
0x34: {  	s8 =	smul.u32 $0x50000, s9;
	[dreg:$0x19] =	wrdreg s3  }
0x35: {  	s22 =	smul.u32 $0x5000, s18;
	s23 =	sadd.s32 $0x2200, s4;
	s31 =	sld [smem:$0x7DD]  }
0x36: {  	s4 =	simm.s32 $0x50;
	s0 =	sshrl.u32 s8, $0x2;
	s16 =	sld [smem:$0x7E0]  }
0x37: {  	s25 =	sadd.s32 s0, s20;
	s0 =	sshrl.u32 s22, $0x2;
	s24 =	sld [smem:$0x7DC]  }
0x38: {  	s11 =	sld [smem:$0x7DF];
	s0 =	sadd.s32 s0, s20;
	s7 =	smul.u32 $0x5000, s31  }
0x39: {  	s4 =	simm.s32 @!p0 $0x4E;
	[dreg:$0x1a] =	wrdreg s0;
	s0 =	smul.u32 $0x5000, s16  }
0x3a: {  	p0 =	sgt.u32 s9, $0x9;
	s18 =	sld [smem:$0x7E1];
	s31 =	smul.u32 $0x5000, s10  }
0x3b: {  	s22 =	sld [smem:$0x7E2];
	s9 =	sadd.s32 $0x6400, s25;
	s10 =	smul.u32 $0x5000, s12  }
0x3c: {  	[smem:$0x7F2] =	sst s9;
	s6 =	sshll.u32 s24, $0x5;
	s12 =	smul.u32 $0x5000, s13  }
0x3d: {  	s16 =	smul.u32 $0x5000, s26;
	s8 =	sadd.s32 s19, s6;
	s6 =	sld [smem:$0x7DE]  }
0x3e: {  	s26 =	sld [smem:$0x7EB];
	s17 =	sshrl.u32 s7, $0x2;
	s7 =	smul.u32 $0x5000, s18  }
0x3f: {  	s0 =	sshrl.u32 s0, $0x2;
	s18 =	smul.u32 $0x5000, s30;
	[dreg:$0x17] =	wrdreg s8  }
0x40: {  	s3 =	sadd.s32 s17, s20;
	s0 =	sadd.s32 s0, s20;
	s5 =	smul.u32 $0x5000, s6  }
0x41: {  	s17 =	sshrl.u32 s12, $0x2;
	s6 =	smul.u32 $0x5000, s11;
	[dreg:$0x1b] =	wrdreg s3  }
0x42: {  	s12 =	sadd.s32 $0xA000, s25;
	s3 =	smul.u32 $0x5000, s22;
	[dreg:$0x1e] =	wrdreg s0  }
0x43: {  	s11 =	sshrl.u32 s7, $0x2;
	s7 =	sadd.s32 $0x5000, s25;
	[smem:$0x7F5] =	sst s12  }
0x44: {  	s0 =	sshrl.u32 s10, $0x2;
	s10 =	sadd.s32 $0x7800, s25;
	[smem:$0x7F1] =	sst s7  }
0x45: {  	s22 =	sshrl.u32 s18, $0x2;
	s18 =	sadd.s32 $0xC800, s25;
	[smem:$0x7F3] =	sst s10  }
0x46: {  	s0 =	sadd.s32 s0, s20;
	[smem:$0x7F7] =	sst s18;
	s5 =	sshrl.u32 s5, $0x2  }
0x47: {  	s24 =	sshrl.u32 s6, $0x2;
	[smem:$0x7E5] =	sst s0;
	s6 =	sadd.s32 $0x3C00, s25  }
0x48: {  	s28 =	simm.s32 $0x180;
	s21 =	sadd.s32 s5, s20;
	[smem:$0x7F0] =	sst s6  }
0x49: {  	s3 =	sshrl.u32 s3, $0x2;
	s5 =	sadd.s32 s24, s20;
	[dreg:$0x1c] =	wrdreg s21  }
0x4a: {  	s0 =	sshrl.u32 s16, $0x2;
	s3 =	sadd.s32 s3, s20;
	[dreg:$0x1d] =	wrdreg s5  }
0x4b: {  	s29 =	simm.s32 $0x0;
	s0 =	sadd.s32 s0, s20;
	[smem:$0x7E3] =	sst s3  }
0x4c: {  	s9 =	simm.s32 $0x3;
	s24 =	sadd.s32 s22, s20;
	[smem:$0x7E9] =	sst s0  }
0x4d: {  	s13 =	smul.u32 $0x5000, s14;
	s22 =	sadd.s32 $0xF000, s25;
	[smem:$0x7EA] =	sst s24  }
0x4e: {  	s14 =	sshrl.u32 s31, $0x2;
	s5 =	sadd.s32 s11, s20;
	[smem:$0x7F9] =	sst s22  }
0x4f: {  	s30 =	sshrl.u32 s4, $0x1;
	s0 =	smax.u32 s26, $0x1;
	[dreg:$0x1f] =	wrdreg s5  }
0x50: {  	s31 =	sadd.s32 $0x300, s2;
	s11 =	sadd.s32 $0x8C00, s25;
	[smem:$0x7EC] =	sst s0  }
0x51: {  	s21 =	sshrl.u32 s15, $0x2;
	s15 =	sadd.s32 $0xB400, s25;
	[smem:$0x7F4] =	sst s11  }
0x52: {  	s12 =	simm.s32 $0x200;
	s24 =	sadd.s32 $0x10400, s25;
	[smem:$0x7F6] =	sst s15  }
0x53: {  	s10 =	simm.s32 $0x100;
	s26 =	sadd.s32 $0x11800, s25;
	[smem:$0x7FA] =	sst s24  }
0x54: {  	s3 =	sshrl.u32 s13, $0x2;
	s5 =	sadd.s32 s14, s20;
	[smem:$0x7FB] =	sst s26  }
0x55: {  	s16 =	sadd.s32 $0x200, s2;
	s3 =	sadd.s32 s3, s20;
	[smem:$0x7E4] =	sst s5  }
0x56: {  	s13 =	sadd.s32 $0xFFFFFFFE, s4;
	s0 =	sadd.s32 $0xFFFFFFFF, s30;
	[smem:$0x7E7] =	sst s3  }
0x57: {  	s14 =	sadd.s32 $0xFFFFFFFD, s4;
	s4 =	sadd.s32 $0x1400, s25;
	[smem:$0x7ED] =	sst s0  }
0x58: {  	s22 =	simm.s32 $0x4;
	s30 =	sadd.s32 $0x12C00, s25;
	[smem:$0x7EE] =	sst s4  }
0x59: {  	s11 =	simm.s32 $0x80;
	s5 =	sadd.s32 s17, s20;
	[smem:$0x7FC] =	sst s30  }
0x5a: {  	s15 =	simm.s32 $0x4200;
	s3 =	sadd.s32 s21, s20;
	[smem:$0x7E6] =	sst s5  }
0x5b: {  	s24 =	simm.s32 $0x2;
	s21 =	sadd.s32 $0xDC00, s25;
	[smem:$0x7E8] =	sst s3  }
0x5c: {  	s3 =	sshrl.u32 s31, $0x3;
	s5 =	sadd.s32 $0x2800, s25;
	[smem:$0x7F8] =	sst s21  }
0x5d: {  	s31 =	sadd.s32 $0x20, s8;
	s8 =	simm.s32 $0x8200;
	[smem:$0x7EF] =	sst s5  }
0x5e: {  	s21 =	simm.s32 $0x1;
	s17 =	sadd.s32 s3, s19;
	[smem:$0x7FD] =	sst s31  }
.LBB2_1:
0x5f: {  	s0 =	rddreg [dreg:$0x16]  }
0x60: {  	[tilespmem:s8], [sflag:$0x3] =	stream.linear.gather [hbm4b:s0+s1], $0x1400, $0x38;
	[tilespmem:$0x1D600] =	vst v63  }
0x61: {  	_ =	swait.ge [sflag:s9], $0x1400  }
0x62: {  	[sflag:s9] =	ssyncset.done $0x0  }
0x63: {  	[sflag:s9] =	ssyncadd.s32 $0xFFFFEC00  }
0x64: {  	[spmem:s25] =	stream.linear.scatter [tilespmem:s8], [sflag:$0x3], $0x1400, $0x38;
	[tilespmem:$0x1D600] =	vst v63  }
0x65: {  	_ =	swait.ge [sflag:s9], $0x1400  }
0x66: {  	s7 =	sld [smem:$0x7EE]  }
0x67: {  	[sflag:s9] =	ssyncset.done $0x0  }
0x68: {  	[sflag:s9] =	ssyncadd.s32 $0xFFFFEC00  }
0x69: {  	[spmem:s7] =	stream.linear.scatter [tilespmem:s8], [sflag:$0x3], $0x1400, $0x38;
	[tilespmem:$0x1D600] =	vst v63  }
0x6a: {  	_ =	swait.ge [sflag:s9], $0x1400  }
0x6b: {  	s18 =	sld [smem:$0x7EF]  }
0x6c: {  	[sflag:s9] =	ssyncset.done $0x0  }
0x6d: {  	[sflag:s9] =	ssyncadd.s32 $0xFFFFEC00  }
0x6e: {  	[spmem:s18] =	stream.linear.scatter [tilespmem:s8], [sflag:$0x3], $0x1400, $0x38;
	[tilespmem:$0x1D600] =	vst v63  }
0x6f: {  	_ =	swait.ge [sflag:s9], $0x1400  }
0x70: {  	s26 =	sld [smem:$0x7F0]  }
0x71: {  	[sflag:s9] =	ssyncset.done $0x0  }
0x72: {  	[sflag:s9] =	ssyncadd.s32 $0xFFFFEC00  }
0x73: {  	[spmem:s26] =	stream.linear.scatter [tilespmem:s8], [sflag:$0x3], $0x1400, $0x38;
	[tilespmem:$0x1D600] =	vst v63  }
0x74: {  	_ =	swait.ge [sflag:s9], $0x1400  }
0x75: {  	s2 =	sld [smem:$0x7F1]  }
0x76: {  	[sflag:s9] =	ssyncset.done $0x0  }
0x77: {  	[sflag:s9] =	ssyncadd.s32 $0xFFFFEC00  }
0x78: {  	[spmem:s2] =	stream.linear.scatter [tilespmem:s8], [sflag:$0x3], $0x1400, $0x38;
	[tilespmem:$0x1D600] =	vst v63  }
0x79: {  	_ =	swait.ge [sflag:s9], $0x1400  }
0x7a: {  	s3 =	sld [smem:$0x7F2]  }
0x7b: {  	[sflag:s9] =	ssyncset.done $0x0  }
0x7c: {  	[sflag:s9] =	ssyncadd.s32 $0xFFFFEC00  }
0x7d: {  	[spmem:s3] =	stream.linear.scatter [tilespmem:s8], [sflag:$0x3], $0x1400, $0x38;
	[tilespmem:$0x1D600] =	vst v63  }
0x7e: {  	_ =	swait.ge [sflag:s9], $0x1400  }
0x7f: {  	s4 =	sld [smem:$0x7F3]  }
0x80: {  	[sflag:s9] =	ssyncset.done $0x0  }
0x81: {  	[sflag:s9] =	ssyncadd.s32 $0xFFFFEC00  }
0x82: {  	[spmem:s4] =	stream.linear.scatter [tilespmem:s8], [sflag:$0x3], $0x1400, $0x38;
	[tilespmem:$0x1D600] =	vst v63  }
0x83: {  	_ =	swait.ge [sflag:s9], $0x1400  }
0x84: {  	s5 =	sld [smem:$0x7F4]  }
0x85: {  	[sflag:s9] =	ssyncset.done $0x0  }
0x86: {  	[sflag:s9] =	ssyncadd.s32 $0xFFFFEC00  }
0x87: {  	[spmem:s5] =	stream.linear.scatter [tilespmem:s8], [sflag:$0x3], $0x1400, $0x38;
	[tilespmem:$0x1D600] =	vst v63  }
0x88: {  	_ =	swait.ge [sflag:s9], $0x1400  }
0x89: {  	s6 =	sld [smem:$0x7F5]  }
0x8a: {  	[sflag:s9] =	ssyncset.done $0x0  }
0x8b: {  	[sflag:s9] =	ssyncadd.s32 $0xFFFFEC00  }
0x8c: {  	[spmem:s6] =	stream.linear.scatter [tilespmem:s8], [sflag:$0x3], $0x1400, $0x38;
	[tilespmem:$0x1D600] =	vst v63  }
0x8d: {  	_ =	swait.ge [sflag:s9], $0x1400  }
0x8e: {  	s7 =	sld [smem:$0x7F6]  }
0x8f: {  	[sflag:s9] =	ssyncset.done $0x0  }
0x90: {  	[sflag:s9] =	ssyncadd.s32 $0xFFFFEC00  }
0x91: {  	[spmem:s7] =	stream.linear.scatter [tilespmem:s8], [sflag:$0x3], $0x1400, $0x38;
	[tilespmem:$0x1D600] =	vst v63  }
0x92: {  	_ =	swait.ge [sflag:s9], $0x1400  }
0x93: {  	s18 =	sld [smem:$0x7F7]  }
0x94: {  	[sflag:s9] =	ssyncset.done $0x0  }
0x95: {  	[sflag:s9] =	ssyncadd.s32 $0xFFFFEC00  }
0x96: {  	[spmem:s18] =	stream.linear.scatter [tilespmem:s8], [sflag:$0x3], $0x1400, $0x38;
	[tilespmem:$0x1D600] =	vst v63  }
0x97: {  	_ =	swait.ge [sflag:s9], $0x1400  }
0x98: {  	s26 =	sld [smem:$0x7F8]  }
0x99: {  	[sflag:s9] =	ssyncset.done $0x0  }
0x9a: {  	[sflag:s9] =	ssyncadd.s32 $0xFFFFEC00  }
0x9b: {  	[spmem:s26] =	stream.linear.scatter [tilespmem:s8], [sflag:$0x3], $0x1400, $0x38;
	[tilespmem:$0x1D600] =	vst v63  }
0x9c: {  	_ =	swait.ge [sflag:s9], $0x1400  }
0x9d: {  	s2 =	sld [smem:$0x7F9]  }
0x9e: {  	[sflag:s9] =	ssyncset.done $0x0  }
0x9f: {  	[sflag:s9] =	ssyncadd.s32 $0xFFFFEC00  }
0xa0: {  	[spmem:s2] =	stream.linear.scatter [tilespmem:s8], [sflag:$0x3], $0x1400, $0x38;
	[tilespmem:$0x1D600] =	vst v63  }
0xa1: {  	_ =	swait.ge [sflag:s9], $0x1400  }
0xa2: {  	s3 =	sld [smem:$0x7FA]  }
0xa3: {  	[sflag:s9] =	ssyncset.done $0x0  }
0xa4: {  	[sflag:s9] =	ssyncadd.s32 $0xFFFFEC00  }
0xa5: {  	[spmem:s3] =	stream.linear.scatter [tilespmem:s8], [sflag:$0x3], $0x1400, $0x38;
	[tilespmem:$0x1D600] =	vst v63  }
0xa6: {  	_ =	swait.ge [sflag:s9], $0x1400  }
0xa7: {  	s4 =	sld [smem:$0x7FB]  }
0xa8: {  	[sflag:s9] =	ssyncset.done $0x0  }
0xa9: {  	[sflag:s9] =	ssyncadd.s32 $0xFFFFEC00  }
0xaa: {  	[spmem:s4] =	stream.linear.scatter [tilespmem:s8], [sflag:$0x3], $0x1400, $0x38;
	[tilespmem:$0x1D600] =	vst v63  }
0xab: {  	_ =	swait.ge [sflag:s9], $0x1400  }
0xac: {  	s5 =	sld [smem:$0x7FC]  }
0xad: {  	[sflag:s9] =	ssyncset.done $0x0  }
0xae: {  	[sflag:s9] =	ssyncadd.s32 $0xFFFFEC00  }
0xaf: {  	[spmem:s5] =	stream.linear.scatter [tilespmem:s8], [sflag:$0x3], $0x1400, $0x38;
	[tilespmem:$0x1D600] =	vst v63  }
0xb0: {  	_ =	swait.ge [sflag:s9], $0x1400  }
0xb1: {  	[sflag:s9] =	ssyncset.done $0x0  }
0xb2: {  	s6 =	rddreg [dreg:$0x17];
	[sflag:s9] =	ssyncadd.s32 $0xFFFFEC00  }
0xb3: {  	[tilespmem:s1], [sflag:$0x3] =	stream.linear.gather [hbm4b:s6+s1], $0x100, $0x38;
	[tilespmem:$0x1D600] =	vst v63  }
0xb4: {  	_ =	swait.ge [sflag:s9], $0x100  }
0xb5: {  	s7 =	sld [smem:$0x7FD]  }
0xb6: {  	[sflag:s9] =	ssyncset.done $0x0  }
0xb7: {  	[sflag:s9] =	ssyncadd.s32 $0xFFFFFF00  }
0xb8: {  	[tilespmem:s10], [sflag:$0x3] =	stream.linear.gather [hbm4b:s7+s1], $0x100, $0x38;
	[tilespmem:$0x1D600] =	vst v63  }
0xb9: {  	_ =	swait.ge [sflag:s9], $0x100  }
0xba: {  	[sflag:s9] =	ssyncset.done $0x0  }
0xbb: {  	[sflag:s9] =	ssyncadd.s32 $0xFFFFFF00  }
0xbc: {  	[bflag:$0x0] =	sbarrier.arrive $0xFFFF  }
0xbd: {  	[tilespmem:s12], [sflag:$0x1] =	stream.indirect.gather [hbm4b:s23+s11], $0x80, s1, s11, $0xb8;
	[tilespmem:$0x1D600] =	vst v63  }
0xbe: {  	_ = 	snop  }
0xbf: {  	[tilespmem:s15], [sflag:$0x2] =	stream.indirect.gather [hbm4b:s23+s11], $0x80, s10, s11, $0xb8;
	[tilespmem:$0x1D600] =	vst v63  }
0xc0: {  	_ =	swait.ge [sflag:s21], $0x4000  }
0xc1: {  	[sflag:s21] =	ssyncset.done $0x0  }
0xc2: {  	p1 =	sle.u32 s13, $0x0;
	[sflag:s21] =	ssyncadd.s32 $0xFFFFC000  }
0xc3: {  	[spmem:s20] =	stream.indirect.scatter.add.f32 [tilespmem:s12], [sflag:$0x4], $0x80, s11, s11, $0xb8;
	[tilespmem:$0x1D600] =	vst v63  }
0xc4: {  	s0 =	sshrl.u32 @!p1 s16, $0x3;
	_ =	swait.ge [sflag:s22], $0x4000  }
0xc5: {  	s0 =	sadd.s32 @!p1 s19, s0;
	[sflag:s22] =	ssyncset.done $0x0  }
0xc6: {  	s2 =	simm.s32 @!p1 $0x4;
	s3 =	simm.s32 @!p1 $0x0;
	[sflag:s22] =	ssyncadd.s32 $0xFFFFC000  }
0xc7: {  	[tilespmem:s3], [sflag:$0x4] =	stream.linear.gather @!p1 [hbm4b:s0+s3], $0x100, $0x38;
	[tilespmem:$0x1D600] =	vst v63  }
0xc8: {  	_ =	swait.ge @!p1 [sflag:s2], $0x100  }
0xc9: {  	[sflag:s2] =	ssyncset.done @!p1 $0x0  }
0xca: {  	s18 =	simm.s32 @!p1 $0x200;
	s0 =	simm.s32 @!p1 $0x80;
	[sflag:s2] =	ssyncadd.s32 @!p1 $0xFFFFFF00  }
0xcb: {  	[tilespmem:s18], [sflag:$0x1] =	stream.indirect.gather @!p1 [hbm4b:s23+s0], $0x80, s3, s0, $0xb8;
	[tilespmem:$0x1D600] =	vst v63  }
0xcc: {  	_ =	swait.ge [sflag:s24], $0x4000  }
0xcd: {  	[sflag:s24] =	ssyncset.done $0x0  }
0xce: {  	s18 =	sld [smem:$0x7ED];
	[sflag:s24] =	ssyncadd.s32 $0xFFFFC000  }
0xcf: {  	[spmem:s20] =	stream.indirect.scatter.add.f32 [tilespmem:s15], [sflag:$0x4], $0x80, s28, s11, $0xb8;
	[tilespmem:$0x1D600] =	vst v63  }
0xd0: {  	p2 =	sle.u32 s14, $0x0;
	_ =	swait.ge [sflag:s22], $0x4000  }
0xd1: {  	s2 =	simm.s32 @!p2 $0x100;
	s31 =	sadd.s32 $0xFFFFFFFF, s18;
	[sflag:s22] =	ssyncset.done $0x0  }
0xd2: {  	s0 =	simm.s32 @!p2 $0x0;
	p1 =	sne.s32 s31, $0x0;
	[sflag:s22] =	ssyncadd.s32 $0xFFFFC000  }
0xd3: {  	[tilespmem:s2], [sflag:$0x3] =	stream.linear.gather @!p2 [hbm4b:s17+s0], $0x100, $0x38;
	[tilespmem:$0x1D600] =	vst v63  }
.Ltmp0:
0xd4: {  	s3 =	simm.s32 @!p2 $0x3;
	(pc) =	sbr.rel @!p1 .LBB2_3-.Ltmp0, $4  }
0xd5: {  	_ =	swait.ge @!p2 [sflag:s3], $0x100  }
0xd6: {  	s4 =	rddreg [dreg:$0x14]  }
0xd7: {  	s0 =	sadd.s32 $0x40, s17;
	s2 =	sadd.s32 $0x200, s16;
	s26 =	rddreg [dreg:$0x15]  }
0xd8: {  	s30 =	sadd.s32 $0xFFFFFFC0, s4;
	s18 =	sadd.s32 $0xFFFFFFC0, s26;
	s26 =	simm.s32 $0x0  }
.LBB2_2:
0xd9: {  	s31 =	sadd.s32 $0xFFFFFFFF, s31;
	[sflag:s3] =	ssyncset.done @!p2 $0x0;
	s26 =	sadd.s32 $0x2, s26  }
0xda: {  	s4 =	smov.u32 s0;
	p1 =	sne.s32 s31, $0x0;
	[sflag:s3] =	ssyncadd.s32 @!p2 $0xFFFFFF00  }
0xdb: {  	[tilespmem:s15], [sflag:$0x2] =	stream.indirect.gather [hbm4b:s23+s11], $0x80, s10, s11, $0xb8;
	[tilespmem:$0x1D600] =	vst v63  }
0xdc: {  	_ =	swait.ge [sflag:s21], $0x4000  }
0xdd: {  	[sflag:s21] =	ssyncset.done $0x0  }
0xde: {  	p2 =	sge.u32 s26, s13;
	[sflag:s21] =	ssyncadd.s32 $0xFFFFC000  }
0xdf: {  	[spmem:s20] =	stream.indirect.scatter.add.f32 [tilespmem:s12], [sflag:$0x4], $0x80, s11, s11, $0xb8;
	[tilespmem:$0x1D600] =	vst v63  }
0xe0: {  	s3 =	sshrl.u32 @!p2 s2, $0x3;
	s5 =	simm.s32 @!p2 $0x4;
	_ =	swait.ge [sflag:s22], $0x4000  }
0xe1: {  	s6 =	simm.s32 @!p2 $0x0;
	s3 =	sadd.s32 @!p2 s19, s3;
	[sflag:s22] =	ssyncset.done $0x0  }
0xe2: {  	[sflag:s22] =	ssyncadd.s32 $0xFFFFC000  }
0xe3: {  	[tilespmem:s6], [sflag:$0x4] =	stream.linear.gather @!p2 [hbm4b:s3+s6], $0x100, $0x38;
	[tilespmem:$0x1D600] =	vst v63  }
0xe4: {  	_ =	swait.ge @!p2 [sflag:s5], $0x100  }
0xe5: {  	s7 =	simm.s32 @!p2 $0x200;
	s3 =	simm.s32 @!p2 $0x80;
	[sflag:s5] =	ssyncset.done @!p2 $0x0  }
0xe6: {  	[sflag:s5] =	ssyncadd.s32 @!p2 $0xFFFFFF00  }
0xe7: {  	[tilespmem:s7], [sflag:$0x1] =	stream.indirect.gather @!p2 [hbm4b:s23+s3], $0x80, s6, s3, $0xb8;
	[tilespmem:$0x1D600] =	vst v63  }
0xe8: {  	_ =	swait.ge [sflag:s24], $0x4000  }
0xe9: {  	[sflag:s24] =	ssyncset.done $0x0  }
0xea: {  	s0 =	sadd.s32 $0x40, s0;
	[sflag:s24] =	ssyncadd.s32 $0xFFFFC000  }
0xeb: {  	[spmem:s20] =	stream.indirect.scatter.add.f32 [tilespmem:s15], [sflag:$0x4], $0x80, s28, s11, $0xb8;
	[tilespmem:$0x1D600] =	vst v63  }
.Ltmp1:
0xec: {  	p2 =	sge.u32 s26, s14;
	_ =	swait.ge [sflag:s22], $0x4000;
	(pc) =	sbr.rel @p1 .LBB2_2-.Ltmp1, $4  }
0xed: {  	s5 =	simm.s32 @!p2 $0x0;
	s6 =	simm.s32 @!p2 $0x100;
	[sflag:s22] =	ssyncset.done $0x0  }
0xee: {  	s2 =	sadd.s32 $0x200, s2;
	s3 =	simm.s32 @!p2 $0x3;
	[sflag:s22] =	ssyncadd.s32 $0xFFFFC000  }
0xef: {  	[tilespmem:s6], [sflag:$0x3] =	stream.linear.gather @!p2 [hbm4b:s4+s5], $0x100, $0x38;
	[tilespmem:$0x1D600] =	vst v63  }
0xf0: {  	s30 =	sadd.s32 $0xFFFFFFC0, s30;
	s18 =	sadd.s32 $0xFFFFFFC0, s18;
	_ =	swait.ge @!p2 [sflag:s3], $0x100  }
.LBB2_3:
0xf1: {  	[sflag:s3] =	ssyncset.done @!p2 $0x0  }
0xf2: {  	[sflag:s3] =	ssyncadd.s32 @!p2 $0xFFFFFF00  }
0xf3: {  	[tilespmem:s15], [sflag:$0x2] =	stream.indirect.gather [hbm4b:s23+s11], $0x80, s10, s11, $0xb8;
	[tilespmem:$0x1D600] =	vst v63  }
0xf4: {  	_ =	swait.ge [sflag:s21], $0x4000  }
0xf5: {  	[sflag:s21] =	ssyncset.done $0x0  }
0xf6: {  	[sflag:s21] =	ssyncadd.s32 $0xFFFFC000  }
0xf7: {  	[spmem:s20] =	stream.indirect.scatter.add.f32 [tilespmem:s12], [sflag:$0x4], $0x80, s11, s11, $0xb8;
	[tilespmem:$0x1D600] =	vst v63  }
0xf8: {  	s0 =	sadd.s32 $0x2, s26;
	_ =	swait.ge [sflag:s22], $0x4000  }
0xf9: {  	p1 =	sge.u32 s0, s13;
	[sflag:s22] =	ssyncset.done $0x0  }
0xfa: {  	s2 =	ssub.s32 @!p1 $0x0, s18;
	s3 =	simm.s32 @!p1 $0x0;
	[sflag:s22] =	ssyncadd.s32 $0xFFFFC000  }
0xfb: {  	[tilespmem:s3], [sflag:$0x4] =	stream.linear.gather @!p1 [hbm4b:s2+s3], $0x100, $0x38;
	[tilespmem:$0x1D600] =	vst v63  }
0xfc: {  	s2 =	simm.s32 @!p1 $0x4  }
0xfd: {  	_ =	swait.ge @!p1 [sflag:s2], $0x100  }
0xfe: {  	[sflag:s2] =	ssyncset.done @!p1 $0x0  }
0xff: {  	s4 =	simm.s32 @!p1 $0x200;
	[sflag:s2] =	ssyncadd.s32 @!p1 $0xFFFFFF00;
	s2 =	simm.s32 @!p1 $0x80  }
0x100: {  	[tilespmem:s4], [sflag:$0x1] =	stream.indirect.gather @!p1 [hbm4b:s23+s2], $0x80, s3, s2, $0xb8;
	[tilespmem:$0x1D600] =	vst v63  }
0x101: {  	_ =	swait.ge [sflag:s24], $0x4000  }
0x102: {  	[sflag:s24] =	ssyncset.done $0x0  }
0x103: {  	[sflag:s24] =	ssyncadd.s32 $0xFFFFC000  }
0x104: {  	[spmem:s20] =	stream.indirect.scatter.add.f32 [tilespmem:s15], [sflag:$0x4], $0x80, s28, s11, $0xb8;
	[tilespmem:$0x1D600] =	vst v63  }
0x105: {  	p1 =	sge.u32 s0, s14;
	_ =	swait.ge [sflag:s22], $0x4000  }
0x106: {  	s0 =	ssub.s32 @!p1 $0x0, s30;
	[sflag:s22] =	ssyncset.done $0x0  }
0x107: {  	s2 =	simm.s32 @!p1 $0x0;
	s3 =	simm.s32 @!p1 $0x100;
	[sflag:s22] =	ssyncadd.s32 $0xFFFFC000  }
0x108: {  	[tilespmem:s3], [sflag:$0x3] =	stream.linear.gather @!p1 [hbm4b:s0+s2], $0x100, $0x38;
	[tilespmem:$0x1D600] =	vst v63  }
0x109: {  	s0 =	simm.s32 @!p1 $0x3  }
0x10a: {  	_ =	swait.ge @!p1 [sflag:s0], $0x100  }
0x10b: {  	[sflag:s0] =	ssyncset.done @!p1 $0x0  }
0x10c: {  	[sflag:s0] =	ssyncadd.s32 @!p1 $0xFFFFFF00  }
0x10d: {  	[bflag:$0x0] =	sbarrier.arrive $0xFFFF  }
0x10e: {  	s31 =	rddreg [dreg:$0x18]  }
0x10f: {  	[tilespmem:s8], [sflag:$0x3] =	stream.linear.gather [spmem:s31], $0x1400, $0x38;
	[tilespmem:$0x1D600] =	vst v63  }
0x110: {  	_ =	swait.ge [sflag:s9], $0x1400  }
0x111: {  	[sflag:s9] =	ssyncset.done $0x0  }
0x112: {  	s2 =	rddreg [dreg:$0x4];
	[sflag:s9] =	ssyncadd.s32 $0xFFFFEC00  }
0x113: {  	[hbm4b:s2+s1] =	stream.linear.scatter [tilespmem:s8], [sflag:$0x3], $0x1400, $0x38;
	[tilespmem:$0x1D600] =	vst v63  }
0x114: {  	_ =	swait.ge [sflag:s9], $0x1400  }
0x115: {  	[sflag:s9] =	ssyncset.done $0x0  }
0x116: {  	s3 =	rddreg [dreg:$0x19];
	[sflag:s9] =	ssyncadd.s32 $0xFFFFEC00  }
0x117: {  	[tilespmem:s8], [sflag:$0x3] =	stream.linear.gather [spmem:s3], $0x1400, $0x38;
	[tilespmem:$0x1D600] =	vst v63  }
0x118: {  	_ =	swait.ge [sflag:s9], $0x1400  }
0x119: {  	[sflag:s9] =	ssyncset.done $0x0  }
0x11a: {  	s4 =	rddreg [dreg:$0x5];
	[sflag:s9] =	ssyncadd.s32 $0xFFFFEC00  }
0x11b: {  	[hbm4b:s4+s1] =	stream.linear.scatter [tilespmem:s8], [sflag:$0x3], $0x1400, $0x38;
	[tilespmem:$0x1D600] =	vst v63  }
0x11c: {  	_ =	swait.ge [sflag:s9], $0x1400  }
0x11d: {  	[sflag:s9] =	ssyncset.done $0x0  }
0x11e: {  	s5 =	rddreg [dreg:$0x1a];
	[sflag:s9] =	ssyncadd.s32 $0xFFFFEC00  }
0x11f: {  	[tilespmem:s8], [sflag:$0x3] =	stream.linear.gather [spmem:s5], $0x1400, $0x38;
	[tilespmem:$0x1D600] =	vst v63  }
0x120: {  	_ =	swait.ge [sflag:s9], $0x1400  }
0x121: {  	[sflag:s9] =	ssyncset.done $0x0  }
0x122: {  	s6 =	rddreg [dreg:$0x6];
	[sflag:s9] =	ssyncadd.s32 $0xFFFFEC00  }
0x123: {  	[hbm4b:s6+s1] =	stream.linear.scatter [tilespmem:s8], [sflag:$0x3], $0x1400, $0x38;
	[tilespmem:$0x1D600] =	vst v63  }
0x124: {  	_ =	swait.ge [sflag:s9], $0x1400  }
0x125: {  	[sflag:s9] =	ssyncset.done $0x0  }
0x126: {  	s7 =	rddreg [dreg:$0x1b];
	[sflag:s9] =	ssyncadd.s32 $0xFFFFEC00  }
0x127: {  	[tilespmem:s8], [sflag:$0x3] =	stream.linear.gather [spmem:s7], $0x1400, $0x38;
	[tilespmem:$0x1D600] =	vst v63  }
0x128: {  	_ =	swait.ge [sflag:s9], $0x1400  }
0x129: {  	[sflag:s9] =	ssyncset.done $0x0  }
0x12a: {  	s18 =	rddreg [dreg:$0x7];
	[sflag:s9] =	ssyncadd.s32 $0xFFFFEC00  }
0x12b: {  	[hbm4b:s18+s1] =	stream.linear.scatter [tilespmem:s8], [sflag:$0x3], $0x1400, $0x38;
	[tilespmem:$0x1D600] =	vst v63  }
0x12c: {  	_ =	swait.ge [sflag:s9], $0x1400  }
0x12d: {  	[sflag:s9] =	ssyncset.done $0x0  }
0x12e: {  	s26 =	rddreg [dreg:$0x1c];
	[sflag:s9] =	ssyncadd.s32 $0xFFFFEC00  }
0x12f: {  	[tilespmem:s8], [sflag:$0x3] =	stream.linear.gather [spmem:s26], $0x1400, $0x38;
	[tilespmem:$0x1D600] =	vst v63  }
0x130: {  	_ =	swait.ge [sflag:s9], $0x1400  }
0x131: {  	[sflag:s9] =	ssyncset.done $0x0  }
0x132: {  	s30 =	rddreg [dreg:$0x8];
	[sflag:s9] =	ssyncadd.s32 $0xFFFFEC00  }
0x133: {  	[hbm4b:s30+s1] =	stream.linear.scatter [tilespmem:s8], [sflag:$0x3], $0x1400, $0x38;
	[tilespmem:$0x1D600] =	vst v63  }
0x134: {  	_ =	swait.ge [sflag:s9], $0x1400  }
0x135: {  	[sflag:s9] =	ssyncset.done $0x0  }
0x136: {  	s31 =	rddreg [dreg:$0x1d];
	[sflag:s9] =	ssyncadd.s32 $0xFFFFEC00  }
0x137: {  	[tilespmem:s8], [sflag:$0x3] =	stream.linear.gather [spmem:s31], $0x1400, $0x38;
	[tilespmem:$0x1D600] =	vst v63  }
0x138: {  	_ =	swait.ge [sflag:s9], $0x1400  }
0x139: {  	[sflag:s9] =	ssyncset.done $0x0  }
0x13a: {  	s2 =	rddreg [dreg:$0x9];
	[sflag:s9] =	ssyncadd.s32 $0xFFFFEC00  }
0x13b: {  	[hbm4b:s2+s1] =	stream.linear.scatter [tilespmem:s8], [sflag:$0x3], $0x1400, $0x38;
	[tilespmem:$0x1D600] =	vst v63  }
0x13c: {  	_ =	swait.ge [sflag:s9], $0x1400  }
0x13d: {  	[sflag:s9] =	ssyncset.done $0x0  }
0x13e: {  	s3 =	rddreg [dreg:$0x1e];
	[sflag:s9] =	ssyncadd.s32 $0xFFFFEC00  }
0x13f: {  	[tilespmem:s8], [sflag:$0x3] =	stream.linear.gather [spmem:s3], $0x1400, $0x38;
	[tilespmem:$0x1D600] =	vst v63  }
0x140: {  	_ =	swait.ge [sflag:s9], $0x1400  }
0x141: {  	[sflag:s9] =	ssyncset.done $0x0  }
0x142: {  	s4 =	rddreg [dreg:$0xa];
	[sflag:s9] =	ssyncadd.s32 $0xFFFFEC00  }
0x143: {  	[hbm4b:s4+s1] =	stream.linear.scatter [tilespmem:s8], [sflag:$0x3], $0x1400, $0x38;
	[tilespmem:$0x1D600] =	vst v63  }
0x144: {  	_ =	swait.ge [sflag:s9], $0x1400  }
0x145: {  	[sflag:s9] =	ssyncset.done $0x0  }
0x146: {  	s5 =	rddreg [dreg:$0x1f];
	[sflag:s9] =	ssyncadd.s32 $0xFFFFEC00  }
0x147: {  	[tilespmem:s8], [sflag:$0x3] =	stream.linear.gather [spmem:s5], $0x1400, $0x38;
	[tilespmem:$0x1D600] =	vst v63  }
0x148: {  	_ =	swait.ge [sflag:s9], $0x1400  }
0x149: {  	[sflag:s9] =	ssyncset.done $0x0  }
0x14a: {  	s6 =	rddreg [dreg:$0xb];
	[sflag:s9] =	ssyncadd.s32 $0xFFFFEC00  }
0x14b: {  	[hbm4b:s6+s1] =	stream.linear.scatter [tilespmem:s8], [sflag:$0x3], $0x1400, $0x38;
	[tilespmem:$0x1D600] =	vst v63  }
0x14c: {  	_ =	swait.ge [sflag:s9], $0x1400  }
0x14d: {  	s7 =	sld [smem:$0x7E3]  }
0x14e: {  	[sflag:s9] =	ssyncset.done $0x0  }
0x14f: {  	[sflag:s9] =	ssyncadd.s32 $0xFFFFEC00  }
0x150: {  	[tilespmem:s8], [sflag:$0x3] =	stream.linear.gather [spmem:s7], $0x1400, $0x38;
	[tilespmem:$0x1D600] =	vst v63  }
0x151: {  	_ =	swait.ge [sflag:s9], $0x1400  }
0x152: {  	[sflag:s9] =	ssyncset.done $0x0  }
0x153: {  	s18 =	rddreg [dreg:$0xc];
	[sflag:s9] =	ssyncadd.s32 $0xFFFFEC00  }
0x154: {  	[hbm4b:s18+s1] =	stream.linear.scatter [tilespmem:s8], [sflag:$0x3], $0x1400, $0x38;
	[tilespmem:$0x1D600] =	vst v63  }
0x155: {  	_ =	swait.ge [sflag:s9], $0x1400  }
0x156: {  	s26 =	sld [smem:$0x7E4]  }
0x157: {  	[sflag:s9] =	ssyncset.done $0x0  }
0x158: {  	[sflag:s9] =	ssyncadd.s32 $0xFFFFEC00  }
0x159: {  	[tilespmem:s8], [sflag:$0x3] =	stream.linear.gather [spmem:s26], $0x1400, $0x38;
	[tilespmem:$0x1D600] =	vst v63  }
0x15a: {  	_ =	swait.ge [sflag:s9], $0x1400  }
0x15b: {  	[sflag:s9] =	ssyncset.done $0x0  }
0x15c: {  	s30 =	rddreg [dreg:$0xd];
	[sflag:s9] =	ssyncadd.s32 $0xFFFFEC00  }
0x15d: {  	[hbm4b:s30+s1] =	stream.linear.scatter [tilespmem:s8], [sflag:$0x3], $0x1400, $0x38;
	[tilespmem:$0x1D600] =	vst v63  }
0x15e: {  	_ =	swait.ge [sflag:s9], $0x1400  }
0x15f: {  	s31 =	sld [smem:$0x7E5]  }
0x160: {  	[sflag:s9] =	ssyncset.done $0x0  }
0x161: {  	[sflag:s9] =	ssyncadd.s32 $0xFFFFEC00  }
0x162: {  	[tilespmem:s8], [sflag:$0x3] =	stream.linear.gather [spmem:s31], $0x1400, $0x38;
	[tilespmem:$0x1D600] =	vst v63  }
0x163: {  	_ =	swait.ge [sflag:s9], $0x1400  }
0x164: {  	[sflag:s9] =	ssyncset.done $0x0  }
0x165: {  	s2 =	rddreg [dreg:$0xe];
	[sflag:s9] =	ssyncadd.s32 $0xFFFFEC00  }
0x166: {  	[hbm4b:s2+s1] =	stream.linear.scatter [tilespmem:s8], [sflag:$0x3], $0x1400, $0x38;
	[tilespmem:$0x1D600] =	vst v63  }
0x167: {  	_ =	swait.ge [sflag:s9], $0x1400  }
0x168: {  	s3 =	sld [smem:$0x7E6]  }
0x169: {  	[sflag:s9] =	ssyncset.done $0x0  }
0x16a: {  	[sflag:s9] =	ssyncadd.s32 $0xFFFFEC00  }
0x16b: {  	[tilespmem:s8], [sflag:$0x3] =	stream.linear.gather [spmem:s3], $0x1400, $0x38;
	[tilespmem:$0x1D600] =	vst v63  }
0x16c: {  	_ =	swait.ge [sflag:s9], $0x1400  }
0x16d: {  	[sflag:s9] =	ssyncset.done $0x0  }
0x16e: {  	s4 =	rddreg [dreg:$0xf];
	[sflag:s9] =	ssyncadd.s32 $0xFFFFEC00  }
0x16f: {  	[hbm4b:s4+s1] =	stream.linear.scatter [tilespmem:s8], [sflag:$0x3], $0x1400, $0x38;
	[tilespmem:$0x1D600] =	vst v63  }
0x170: {  	_ =	swait.ge [sflag:s9], $0x1400  }
0x171: {  	s5 =	sld [smem:$0x7E7]  }
0x172: {  	[sflag:s9] =	ssyncset.done $0x0  }
0x173: {  	[sflag:s9] =	ssyncadd.s32 $0xFFFFEC00  }
0x174: {  	[tilespmem:s8], [sflag:$0x3] =	stream.linear.gather [spmem:s5], $0x1400, $0x38;
	[tilespmem:$0x1D600] =	vst v63  }
0x175: {  	_ =	swait.ge [sflag:s9], $0x1400  }
0x176: {  	[sflag:s9] =	ssyncset.done $0x0  }
0x177: {  	s6 =	rddreg [dreg:$0x10];
	[sflag:s9] =	ssyncadd.s32 $0xFFFFEC00  }
0x178: {  	[hbm4b:s6+s1] =	stream.linear.scatter [tilespmem:s8], [sflag:$0x3], $0x1400, $0x38;
	[tilespmem:$0x1D600] =	vst v63  }
0x179: {  	_ =	swait.ge [sflag:s9], $0x1400  }
0x17a: {  	s7 =	sld [smem:$0x7E8]  }
0x17b: {  	[sflag:s9] =	ssyncset.done $0x0  }
0x17c: {  	[sflag:s9] =	ssyncadd.s32 $0xFFFFEC00  }
0x17d: {  	[tilespmem:s8], [sflag:$0x3] =	stream.linear.gather [spmem:s7], $0x1400, $0x38;
	[tilespmem:$0x1D600] =	vst v63  }
0x17e: {  	_ =	swait.ge [sflag:s9], $0x1400  }
0x17f: {  	[sflag:s9] =	ssyncset.done $0x0  }
0x180: {  	s18 =	rddreg [dreg:$0x11];
	[sflag:s9] =	ssyncadd.s32 $0xFFFFEC00  }
0x181: {  	[hbm4b:s18+s1] =	stream.linear.scatter [tilespmem:s8], [sflag:$0x3], $0x1400, $0x38;
	[tilespmem:$0x1D600] =	vst v63  }
0x182: {  	_ =	swait.ge [sflag:s9], $0x1400  }
0x183: {  	s26 =	sld [smem:$0x7E9]  }
0x184: {  	[sflag:s9] =	ssyncset.done $0x0  }
0x185: {  	[sflag:s9] =	ssyncadd.s32 $0xFFFFEC00  }
0x186: {  	[tilespmem:s8], [sflag:$0x3] =	stream.linear.gather [spmem:s26], $0x1400, $0x38;
	[tilespmem:$0x1D600] =	vst v63  }
0x187: {  	_ =	swait.ge [sflag:s9], $0x1400  }
0x188: {  	[sflag:s9] =	ssyncset.done $0x0  }
0x189: {  	s30 =	rddreg [dreg:$0x12];
	[sflag:s9] =	ssyncadd.s32 $0xFFFFEC00  }
0x18a: {  	[hbm4b:s30+s1] =	stream.linear.scatter [tilespmem:s8], [sflag:$0x3], $0x1400, $0x38;
	[tilespmem:$0x1D600] =	vst v63  }
0x18b: {  	_ =	swait.ge [sflag:s9], $0x1400  }
0x18c: {  	s2 =	sld [smem:$0x7EA]  }
0x18d: {  	[sflag:s9] =	ssyncset.done $0x0  }
0x18e: {  	s0 =	simm.s32 @!p0 $0x8200;
	[sflag:s9] =	ssyncadd.s32 $0xFFFFEC00  }
0x18f: {  	[tilespmem:s0], [sflag:$0x3] =	stream.linear.gather @!p0 [spmem:s2], $0x1400, $0x38;
	[tilespmem:$0x1D600] =	vst v63  }
0x190: {  	s2 =	simm.s32 @!p0 $0x3  }
0x191: {  	_ =	swait.ge @!p0 [sflag:s2], $0x1400  }
0x192: {  	[sflag:s2] =	ssyncset.done @!p0 $0x0  }
0x193: {  	s3 =	simm.s32 @!p0 $0x0;
	s4 =	rddreg [dreg:$0x13];
	[sflag:s2] =	ssyncadd.s32 @!p0 $0xFFFFEC00  }
0x194: {  	[hbm4b:s4+s3] =	stream.linear.scatter @!p0 [tilespmem:s0], [sflag:$0x3], $0x1400, $0x38;
	[tilespmem:$0x1D600] =	vst v63  }
0x195: {  	_ =	swait.ge @!p0 [sflag:s2], $0x1400  }
0x196: {  	s31 =	sld [smem:$0x7EC];
	_ =	sdelay $0x1  }
0x197: {  	s29 =	sadd.s32 $0x1, s29  }
0x198: {  	p1 =	sne.s32 s29, s31  }
.Ltmp2:
0x199: {  	_ = 	snop;
	(pc) =	sbr.rel @p1 .LBB2_1-.Ltmp2, $3  }
0x19a: {  	_ =	sdelay $0x1  }
0x19b: {  	[sflag:s2] =	ssyncset.done @!p0 $0x0  }
0x19c: {  	[sflag:s2] =	ssyncadd.s32 @!p0 $0xFFFFEC00  }
0x19d: {  	_ =	sfence.sel $0x180000  }
0x19e: {  	[bflag:$0x0] =	sbarrier.arrive $0xFFFF  }
0x19f: {  	_ =	strace $0x9000004D  }
0x1a0: {  	s0 =	stileid.u32;
	[bflag:$0x2] =	sbarrier.arrive $0xFFFF  }
0x1a1: {  	p0 =	sne.s32 s0, $0x0;
	s0 =	rddreg [dreg:$0x3]  }
0x1a2: {  	s0 =	sadd.s32 @!p0 $0x100000, s0  }
0x1a3: {  	[sflag:s0] =	ssyncadd.tile.s32 @!p0 $0x1;
	_ =	shalt  }
.Lfunc_end2:
_tile_overlayer_lowered:
.L_overlay_start_2:
0x1a4: {  	(tag) =	ssettag $0x2  }
0x1a5: {  	s0 =	rddreg [dreg:$0x0];
	s2 =	stileid.u32  }
0x1a6: {  	s1 =	rddreg [dreg:$0x1];
	p0 =	sne.s32 s2, $0x0  }
0x1a7: {  	s3 =	rddreg [dreg:$0x2];
	[bflag:$0x3] =	sbarrier.arrive $0xFFFF;
	s2 =	simm.s32 @!p0 $0x1C03  }
0x1a8: {  	[timem:s3], [sflag:s2] =	dma.local @!p0 [hbm:s0], s1  }
0x1a9: {  	s0 =	simm.s32 @!p0 $0x3  }
0x1aa: {  	_ =	swait.ge @!p0 [sflag:s0], s1  }
0x1ab: {  	s1 =	ssub.s32 @!p0 $0x0, s1;
	[sflag:s0] =	ssyncset.done @!p0 $0x0  }
0x1ac: {  	[sflag:s0] =	ssyncadd.s32 @!p0 s1  }
0x1ad: {  	[bflag:$0x3] =	sbarrier.arrive $0xFFFF  }
0x1ae: {  	_ =	shalt  }

// kernel: kernel.9.cloned.1.call-start
scs
__scs_entry_jumppad:
0x0: {  	(pc) =	sbr.rel $0x88, $3  }
0x1: {  	(tag) =	ssettag $0x0;
	lr =	simm.s32 $0x1  }
0x2: {  	[smem:$0x3F9B] =	sst lr;
	_ =	strace $0xD0000000  }
0x3: {  	_ = 	snop  }
0x4: {  	_ = 	snop  }
0x5: {  	_ = 	snop  }
0x6: {  	_ = 	snop  }
0x7: {  	_ = 	snop  }
__scs_overlays_trampoline_lowered:
0x8: {  	[smem:$0x3FAA] =	sst s0  }
0x9: {  	[smem:$0x3FAB] =	sst s1  }
0xa: {  	[smem:$0x3FAC] =	sst s2  }
0xb: {  	[smem:$0x3FAD] =	sst s3  }
0xc: {  	[smem:$0x3FAE] =	sst s4  }
0xd: {  	[smem:$0x3FAF] =	sst s5  }
0xe: {  	[smem:$0x3FB0] =	sst s6  }
0xf: {  	[smem:$0x3FB1] =	sst s7  }
0x10: {  	[smem:$0x3FB2] =	sst s8  }
0x11: {  	[smem:$0x3FB3] =	sst s9;
	s0 =	simm.s32 @!p0 $0x0  }
0x12: {  	s1 =	sld [smem:$0x3F99];
	s0 =	simm.s32 @p0 $0x1  }
0x13: {  	[smem:$0x3FB4] =	sst s0;
	s0 =	simm.s32 @!p1 $0x0  }
0x14: {  	s2 =	sld [smem:$0x3F98];
	s0 =	simm.s32 @p1 $0x1  }
0x15: {  	[smem:$0x3FB5] =	sst s0;
	s0 =	simm.s32 @!p2 $0x0  }
0x16: {  	s3 =	sld [smem:$0x3FDB];
	s0 =	simm.s32 @p2 $0x1  }
0x17: {  	s4 =	simm.s32 $0x1BF5;
	[smem:$0x3FB7] =	sst s0  }
0x18: {  	s0 =	sld [smem:$0x3F9A];
	_ =	swait.ge [sflag:s4], $0x0  }
0x19: {  	s7 =	sld [smem:$0x3F9B]  }
0x1a: {  	s8 =	sadd.s32 $0xFFFFE003, lr  }
0x1b: {  	s9 =	sadd.s32 $0xFFFFFEF7, lr;
	s5 =	simm.s32 $0xFFFFFFFF;
	p2 =	slt.u32 s8, $0xFFFFF086  }
0x1c: {  	p1 =	slt.u32 s9, $0xF7A;
	s5 =	simm.s32 @!p2 $0x0  }
0x1d: {  	s5 =	simm.s32 @p1 $0x1;
	p0 =	seq.s32 s7, s2  }
0x1e: {  	s7 =	smul.u32 @!p0 $0xF7A, s2;
	p2 =	seq.s32 @!p0 s5, $0x0  }
0x1f: {  	s9 =	smul.u32 $0xF7A, s1;
	s8 =	simm.s32 @!p0 $0x1BF5;
	p2 =	por !p2, p0  }
0x20: {  	[sflag:s8] =	ssyncset.s32 @!p0 $0xFFFFF086;
	s6 =	sadd.s32 @!p0 s3, s7;
	s7 =	simm.s32 @!p0 $0x108  }
0x21: {  	s3 =	sadd.s32 s3, s9;
	s6 =	sadd.s32 @!p0 $0x88, s6;
	s7 =	simm.s32 @p2 $0x1082  }
0x22: {  	[simem:s7], [sflag:s8] =	dma.local @!p0 [hbm:s6], $0xF7A  }
0x23: {  	s9 =	sor.u32 $0xD0000000, s2;
	s6 =	simm.s32 $0x108;
	_ =	swait.ge @!p0 [sflag:s8], $0x0  }
0x24: {  	s3 =	sadd.s32 $0x88, s3;
	s6 =	simm.s32 @!p1 $0x1082;
	[sflag:s4] =	ssyncset.s32 $0xFFFFF086  }
0x25: {  	[simem:s6], [sflag:s4] =	dma.local [hbm:s3], $0xF7A  }
0x26: {  	[smem:$0x3F9B] =	sst s1;
	(tag) =	ssettag s2;
	_ =	strace s9  }
0x27: {  	s1 =	sld [smem:$0x3FAB]  }
0x28: {  	s2 =	sld [smem:$0x3FAC]  }
0x29: {  	s4 =	sld [smem:$0x3FAE]  }
0x2a: {  	p0 =	seq.s32 s5, $0x0;
	s5 =	sld [smem:$0x3FAF]  }
0x2b: {  	s6 =	sld [smem:$0x3FB0]  }
0x2c: {  	s7 =	sld [smem:$0x3FB1]  }
0x2d: {  	s3 =	simm.s32 $0x108;
	s8 =	sld [smem:$0x3FB2]  }
0x2e: {  	s3 =	simm.s32 @!p0 $0x1082;
	s9 =	sld [smem:$0x3FB3]  }
0x2f: {  	lr =	sadd.s32 s0, s3;
	s0 =	sld [smem:$0x3FAA]  }
0x30: {  	s3 =	sld [smem:$0x3FAD]  }
0x31: {  	[smem:$0x3FB6] =	sst s10  }
0x32: {  	s10 =	sld [smem:$0x3FB4];
	_ =	sdelay $0x3  }
0x33: {  	p0 =	seq.s32 s10, $0x1;
	s10 =	sld [smem:$0x3FB6];
	_ =	sdelay $0x3  }
0x34: {  	[smem:$0x3FB6] =	sst s10  }
0x35: {  	s10 =	sld [smem:$0x3FB5];
	_ =	sdelay $0x3  }
0x36: {  	p1 =	seq.s32 s10, $0x1;
	s10 =	sld [smem:$0x3FB6];
	_ =	sdelay $0x3  }
0x37: {  	[smem:$0x3FB6] =	sst s10  }
0x38: {  	s10 =	sld [smem:$0x3FB7]  }
0x39: {  	_ = 	snop;
	(pc) =	sbr.ind lr, $3  }
0x3a: {  	_ = 	snop  }
0x3b: {  	_ = 	snop  }
0x3c: {  	p2 =	seq.s32 s10, $0x1;
	s10 =	sld [smem:$0x3FB6]  }
0x3d: {  	_ =	shalt  }
0x3e: {  	_ =	shalt  }
0x3f: {  	_ =	shalt  }
0x40: {  	_ =	shalt  }
0x41: {  	_ =	shalt  }
0x42: {  	_ =	shalt  }
0x43: {  	_ =	shalt  }
0x44: {  	_ =	shalt  }
0x45: {  	_ =	shalt  }
0x46: {  	_ =	shalt  }
0x47: {  	_ =	shalt  }
0x48: {  	_ =	shalt  }
0x49: {  	_ =	shalt  }
0x4a: {  	_ =	shalt  }
0x4b: {  	_ =	shalt  }
0x4c: {  	_ =	shalt  }
0x4d: {  	_ =	shalt  }
0x4e: {  	_ =	shalt  }
0x4f: {  	_ =	shalt  }
0x50: {  	_ =	shalt  }
0x51: {  	_ =	shalt  }
0x52: {  	_ =	shalt  }
0x53: {  	_ =	shalt  }
0x54: {  	_ =	shalt  }
0x55: {  	_ =	shalt  }
0x56: {  	_ =	shalt  }
0x57: {  	_ =	shalt  }
0x58: {  	_ =	shalt  }
0x59: {  	_ =	shalt  }
0x5a: {  	_ =	shalt  }
0x5b: {  	_ =	shalt  }
0x5c: {  	_ =	shalt  }
0x5d: {  	_ =	shalt  }
0x5e: {  	_ =	shalt  }
0x5f: {  	_ =	shalt  }
0x60: {  	_ =	shalt  }
0x61: {  	_ =	shalt  }
0x62: {  	_ =	shalt  }
0x63: {  	_ =	shalt  }
0x64: {  	_ =	shalt  }
0x65: {  	_ =	shalt  }
0x66: {  	_ =	shalt  }
0x67: {  	_ =	shalt  }
0x68: {  	_ =	shalt  }
0x69: {  	_ =	shalt  }
0x6a: {  	_ =	shalt  }
0x6b: {  	_ =	shalt  }
0x6c: {  	_ =	shalt  }
0x6d: {  	_ =	shalt  }
0x6e: {  	_ =	shalt  }
0x6f: {  	_ =	shalt  }
0x70: {  	_ =	shalt  }
0x71: {  	_ =	shalt  }
0x72: {  	_ =	shalt  }
0x73: {  	_ =	shalt  }
0x74: {  	_ =	shalt  }
0x75: {  	_ =	shalt  }
0x76: {  	_ =	shalt  }
0x77: {  	_ =	shalt  }
0x78: {  	_ =	shalt  }
0x79: {  	_ =	shalt  }
0x7a: {  	_ =	shalt  }
0x7b: {  	_ =	shalt  }
0x7c: {  	_ =	shalt  }
0x7d: {  	_ =	shalt  }
0x7e: {  	_ =	shalt  }
0x7f: {  	_ =	shalt  }
0x80: {  	_ =	shalt  }
0x81: {  	_ =	shalt  }
0x82: {  	_ =	shalt  }
0x83: {  	_ =	shalt  }
0x84: {  	_ =	shalt  }
0x85: {  	_ =	shalt  }
0x86: {  	_ =	shalt  }
0x87: {  	_ =	shalt  }
.Lfunc_end0:
.L_simem_size_0:
called_computation_lowered:
.L_overlay_start_0:
0x88: {  	s2 =	sld [smem:$0x3FD9]  }
0x89: {  	s3 =	sld [smem:$0x3FFE];
	_ =	sdelay $0x1  }
0x8a: {  	s1 =	srdreg.scid  }
0x8b: {  	s0 =	sand.u32 $0x1, s1  }
0x8c: {  	s17 =	sshll.u32 s0, $0xA;
	s2 =	sadd.s32 s3, s2  }
0x8d: {  	s2 =	sadd.s32 s2, s17  }
0x8e: {  	[smem:$0x3FC2] =	sst s2  }
0x8f: {  	_ = 	snop  }
0x90: {  	s2 =	sld [smem:$0x3FC8]  }
0x91: {  	s18 =	sld [smem:$0x3FD0];
	(tm) =	ssettm $0x1  }
0x92: {  	s4 =	sld [smem:$0x3FFB];
	_ =	sdelay $0x3  }
0x93: {  	_ =	strace s4  }
0x94: {  	s4 =	sld [smem:$0x3FFC];
	_ =	sdelay $0x3  }
0x95: {  	_ =	strace s4  }
0x96: {  	s4 =	sld [smem:$0x3FFD];
	_ =	sdelay $0x3  }
0x97: {  	_ =	strace s4  }
0x98: {  	_ =	strace $0x8FFFFFFF  }
0x99: {  	s19 =	sld [smem:$0x3FDB];
	_ =	sdelay $0x1  }
0x9a: {  	s5 =	simm.s32 $_scs_section_size  }
0x9b: {  	s6 =	simm.s32 $_size__tile_overlayer_lowered;
	s7 =	simm.s32 $_tile_overlayer_lowered  }
0x9c: {  	s22 =	simm.s32 $0x1BFF;
	s21 =	sshll.u32 s7, $0x1;
	s4 =	sadd.s32 s5, s19  }
0x9d: {  	s8 =	simm.s32 $0x0;
	s20 =	sshll.u32 s6, $0x1;
	s6 =	sadd.s32 s21, s4  }
0x9e: {  	[timem:s8], [sflag:s22] =	dma.local [hbm:s6], s20  }
0x9f: {  	_ =	swait.ge [sflag:s22], s20  }
0xa0: {  	s5 =	ssub.s32 $0x0, s20;
	[sflag:s22] =	ssyncset.done $0x0  }
0xa1: {  	[sflag:s22] =	ssyncadd.s32 s5;
	_ =	sdelay $0x1  }
0xa2: {  	s23 =	simm.s32 $0x1B8B  }
0xa3: {  	_ =	swait.ge [sflag:s23], $0x1  }
0xa4: {  	[sflag:s23] =	ssyncset.done $0x0  }
0xa5: {  	s25 =	simm.s32 $0x1B8E;
	s24 =	sld [smem:$0x3FFE];
	[sflag:s23] =	ssyncadd.s32 $0xFFFFFFFF  }
0xa6: {  	s26 =	simm.s32 $execute0_lowered;
	[smem:$0x3FD2] =	sst s25  }
0xa7: {  	s6 =	sshll.u32 s26, $0x1;
	_ =	strace $0x80000046;
	[dreg:$0x1] =	wrdreg $0xFFFFFFFF  }
0xa8: {  	s28 =	simm.s32 $_size_execute0_lowered;
	s4 =	sadd.s32 s4, s6;
	[dreg:$0x0] =	wrdreg $0x0  }
0xa9: {  	s6 =	sshll.u32 s28, $0x1;
	[dreg:$0x2] =	wrdreg s4  }
0xaa: {  	[dreg:$0x3] =	wrdreg s6  }
0xab: {  	[dreg:$0x4] =	wrdreg $0xC0  }
0xac: {  	_ =	task [dreg:s8], $0x5FFFF  }
0xad: {  	[dreg:$0x1] =	wrdreg $0xFFFFFFFF  }
0xae: {  	[dreg:$0x0] =	wrdreg $0x60  }
0xaf: {  	[dreg:$0x2] =	wrdreg s2  }
0xb0: {  	[dreg:$0x3] =	wrdreg s24  }
0xb1: {  	[dreg:$0x4] =	wrdreg s18  }
0xb2: {  	[dreg:$0x5] =	wrdreg $0x54800  }
0xb3: {  	[dreg:$0x6] =	wrdreg $0x9  }
0xb4: {  	_ =	task.clear_ibuf [dreg:s8], $0x7FFFF;
	_ =	strace $0x90000046  }
0xb5: {  	s29 =	simm.s32 $0x9;
	_ =	strace $0x80000048  }
0xb6: {  	_ =	swait.ge [sflag:s29], $0x1  }
0xb7: {  	[sflag:s29] =	ssyncadd.s32 $0xFFFFFFFF  }
0xb8: {  	_ =	strace $0x90000048  }
0xb9: {  	_ =	sfence  }
0xba: {  	s30 =	sld [smem:$0x0];
	_ =	sdelay $0x2  }
0xbb: {  	s31 =	sshll.u32 s1, $0xD;
	s1 =	sshrl.u32 s1, $0x2  }
0xbc: {  	s3 =	sand.u32 $0x4000, s31;
	s1 =	sadd.s32 s1, s30  }
0xbd: {  	s0 =	sor.u32 s3, s0;
	s1 =	sshll.u32 s1, $0x11  }
0xbe: {  	s0 =	sor.u32 s1, s0  }
0xbf: {  	s0 =	sadd.s32 $0x8F2B, s0  }
0xc0: {  	[sflag:s0] =	ssyncadd.remote.s32 $0x1  }
0xc1: {  	_ =	sfence.sel $0xFFFF  }
0xc2: {  	[dreg:$0x0] =	wrdreg $0xFFFFFFFF;
	(pc) =	sbr.abs _section_cstart, $3  }
0xc3: {  	[dreg:$0x1] =	wrdreg $0xFFFFFFFF  }
0xc4: {  	_ =	task.clear_ibuf [dreg:s8], $0x2FFFF;
	_ =	strace $0x9FFFFFFF  }
0xc5: {  	(tm) =	ssettm $0x7FFFFFFF  }
tec
execute0_lowered:
.L_overlay_start_1:
0x0: {  	(tag) =	ssettag $0x1  }
0x1: {  	s8 =	rddreg [dreg:$0x0]  }
0x2: {  	s5 =	rddreg [dreg:$0x1]  }
0x3: {  	s10 =	rddreg [dreg:$0x2]  }
0x4: {  	s1 =	rddreg [dreg:$0x3];
	s3 =	srdreg.scid  }
0x5: {  	s0 =	rddreg [dreg:$0x4];
	s7 =	sand.u32 $0x1, s3  }
0x6: {  	s2 =	simm.s32 $0x0;
	s3 =	stileid.u32;
	s9 =	smul.u32 $0x4E2, s7  }
0x7: {  	[smem:$0x7FF] =	sst s2;
	s4 =	sadd.s32 $0x1E00, s5;
	s12 =	smul.u32 $0x4E, s3  }
0x8: {  	s5 =	sadd.s32 $0x2000, s5;
	s6 =	ssub.s32 $0x2, s7;
	s13 =	smul.u32 $0xFA0, s3  }
0x9: {  	_ =	strace $0x80000047;
	s14 =	smul.u32 $0x3E8, s3;
	s11 =	sshrl.u32 s6, $0x1  }
0xa: {  	p0 =	seq.s32 s3, $0x0;
	s15 =	smul.u32 $0x2710, s7;
	s11 =	ssub.s32 s6, s11  }
0xb: {  	s12 =	sadd.s32 $0x2, s12;
	s6 =	simm.s32 $0x50;
	s30 =	sshrl.u32 s13, $0x2  }
0xc: {  	s31 =	sadd.s32 s14, s15;
	s13 =	simm.s32 $0x5000;
	s15 =	simm.s32 $0x0  }
0xd: {  	s12 =	simm.s32 @p0 $0x0;
	s6 =	simm.s32 @!p0 $0x4E;
	s7 =	sadd.s32 s30, s1  }
0xe: {  	p0 =	sgt.u32 s3, $0x9;
	s11 =	smax.u32 s11, $0x1;
	s9 =	sadd.s32 s9, s12  }
0xf: {  	s12 =	sshrl.u32 s31, $0x3;
	p1 =	sne.s32 @!p0 s3, $0x0;
	s9 =	sshll.u32 s9, $0x5  }
0x10: {  	s10 =	sadd.s32 s10, s12;
	p1 =	por p0, p1;
	s12 =	simm.s32 $0x1  }
0x11: {  	s8 =	sadd.s32 s8, s9;
	s9 =	sadd.s32 s14, s1;
	s14 =	simm.s32 $0x80  }
.LBB2_1:
0x12: {  	s16 =	simm.s32 @!p0 $0x1;
	s17 =	simm.s32 @!p0 $0x0;
	s18 =	simm.s32 @!p0 $0x5080  }
0x13: {  	[tilespmem:s18], [sflag:$0x1] =	stream.linear.gather @!p0 [hbm4b:s5+s17], $0x400, $0x38;
	[tilespmem:$0x5700] =	vst v63  }
0x14: {  	_ =	swait.ge @!p0 [sflag:s16], $0x400  }
0x15: {  	[sflag:s16] =	ssyncset.done @!p0 $0x0  }
0x16: {  	[sflag:s16] =	ssyncadd.s32 @!p0 $0xFFFFFC00  }
0x17: {  	[spmem:s7] =	stream.linear.scatter @!p0 [tilespmem:s18], [sflag:$0x1], $0x3E8, $0x38;
	[tilespmem:$0x5700] =	vst v63  }
0x18: {  	_ =	swait.ge @!p0 [sflag:s16], $0x3E8  }
0x19: {  	[sflag:s16] =	ssyncset.done @!p0 $0x0  }
0x1a: {  	[sflag:s16] =	ssyncadd.s32 @!p0 $0xFFFFFC18  }
0x1b: {  	[tilespmem:s2], [sflag:$0x1] =	stream.linear.gather @p1 [hbm4b:s8+s2], $0x4E00, $0x38;
	[tilespmem:$0x5700] =	vst v63  }
0x1c: {  	_ =	swait.ge @p1 [sflag:s12], $0x4E00  }
0x1d: {  	[sflag:s12] =	ssyncset.done @p1 $0x0  }
0x1e: {  	[sflag:s12] =	ssyncadd.s32 @p1 $0xFFFFB200  }
0x1f: {  	[tilespmem:s2], [sflag:$0x1] =	stream.linear.gather @!p1 [hbm4b:s8+s2], $0x5000, $0x38;
	[tilespmem:$0x5700] =	vst v63  }
0x20: {  	_ =	swait.ge @!p1 [sflag:s12], $0x5000  }
0x21: {  	[sflag:s12] =	ssyncset.done @!p1 $0x0  }
0x22: {  	[sflag:s12] =	ssyncadd.s32 @!p1 $0xFFFFB000  }
0x23: {  	[tilespmem:s13], [sflag:$0x1] =	stream.linear.gather [hbm4b:s4+s2], $0x80, $0x38;
	[tilespmem:$0x5700] =	vst v63  }
0x24: {  	_ =	swait.ge [sflag:s12], $0x80  }
0x25: {  	p2 =	sne.s32 s6, $0x1;
	[sflag:s12] =	ssyncset.done $0x0  }
.Ltmp0:
0x26: {  	[sflag:s12] =	ssyncadd.s32 $0xFFFFFF80;
	(pc) =	sbr.rel @!p2 .LBB2_3-.Ltmp0, $4  }
0x27: {  	s16 =	simm.s32 $0x80;
	[bflag:$0x0] =	sbarrier.arrive $0xFFFF  }
0x28: {  	[spmem:s1] =	stream.indirect.scatter.add.f32 [tilespmem:s13], [sflag:$0x1], $0x1, s16, s14, $0xb8;
	[tilespmem:$0x5700] =	vst v63  }
0x29: {  	_ =	swait.ge [sflag:s12], $0x80  }
0x2a: {  	s17 =	sadd.s32 $0xFFFFFFFF, s6;
	[sflag:s12] =	ssyncset.done $0x0  }
.LBB2_2:
0x2b: {  	p2 =	sne.s32 s17, $0x1;
	[sflag:s12] =	ssyncadd.s32 $0xFFFFFF80;
	s16 =	sadd.s32 $0x100, s16  }
.Ltmp1:
0x2c: {  	s17 =	sadd.s32 $0xFFFFFFFF, s17;
	(pc) =	sbr.rel @p2 .LBB2_2-.Ltmp1, $4  }
0x2d: {  	_ = 	snop  }
0x2e: {  	[spmem:s1] =	stream.indirect.scatter.add.f32 [tilespmem:s13], [sflag:$0x1], $0x1, s16, s14, $0xb8;
	[tilespmem:$0x5700] =	vst v63  }
0x2f: {  	_ =	swait.ge [sflag:s12], $0x80  }
0x30: {  	[sflag:s12] =	ssyncset.done $0x0  }
.LBB2_3:
0x31: {  	[sflag:s12] =	ssyncadd.s32 $0xFFFFFF80  }
0x32: {  	s16 =	simm.s32 @!p0 $0x5080;
	s17 =	simm.s32 @!p0 $0x1;
	[bflag:$0x0] =	sbarrier.arrive $0xFFFF  }
0x33: {  	[tilespmem:s16], [sflag:$0x1] =	stream.linear.gather @!p0 [spmem:s9], $0x3E8, $0x38;
	[tilespmem:$0x5700] =	vst v63  }
0x34: {  	s15 =	sadd.s32 $0x1, s15;
	_ =	swait.ge @!p0 [sflag:s17], $0x3E8  }
0x35: {  	p2 =	sne.s32 s15, s11;
	[sflag:s17] =	ssyncset.done @!p0 $0x0  }
.Ltmp2:
0x36: {  	s18 =	simm.s32 @!p0 $0x0;
	[sflag:s17] =	ssyncadd.s32 @!p0 $0xFFFFFC18;
	(pc) =	sbr.rel @p2 .LBB2_1-.Ltmp2, $4  }
0x37: {  	[hbm4b:s10+s18] =	stream.linear.scatter @!p0 [tilespmem:s16], [sflag:$0x1], $0x3E8, $0x38;
	[tilespmem:$0x5700] =	vst v63  }
0x38: {  	_ =	swait.ge @!p0 [sflag:s17], $0x3E8  }
0x39: {  	[sflag:s17] =	ssyncset.done @!p0 $0x0  }
0x3a: {  	[sflag:s17] =	ssyncadd.s32 @!p0 $0xFFFFFC18  }
0x3b: {  	_ =	sfence.sel $0x180000  }
0x3c: {  	[bflag:$0x0] =	sbarrier.arrive $0xFFFF  }
0x3d: {  	p0 =	sne.s32 s3, $0x0;
	_ =	strace $0x90000047  }
0x3e: {  	s0 =	sadd.s32 @!p0 $0x100000, s0;
	[bflag:$0x2] =	sbarrier.arrive $0xFFFF  }
0x3f: {  	[sflag:s0] =	ssyncadd.tile.s32 @!p0 $0x1;
	_ =	shalt  }
.Lfunc_end2:
_tile_overlayer_lowered:
.L_overlay_start_2:
0x40: {  	(tag) =	ssettag $0x2  }
0x41: {  	s0 =	rddreg [dreg:$0x0];
	s2 =	stileid.u32  }
0x42: {  	s1 =	rddreg [dreg:$0x1];
	p0 =	sne.s32 s2, $0x0  }
0x43: {  	s3 =	rddreg [dreg:$0x2];
	[bflag:$0x3] =	sbarrier.arrive $0xFFFF;
	s2 =	simm.s32 @!p0 $0x1C01  }
0x44: {  	[timem:s3], [sflag:s2] =	dma.local @!p0 [hbm:s0], s1  }
0x45: {  	s0 =	simm.s32 @!p0 $0x1  }
0x46: {  	_ =	swait.ge @!p0 [sflag:s0], s1  }
0x47: {  	s1 =	ssub.s32 @!p0 $0x0, s1;
	[sflag:s0] =	ssyncset.done @!p0 $0x0  }
0x48: {  	[sflag:s0] =	ssyncadd.s32 @!p0 s1  }
0x49: {  	[bflag:$0x3] =	sbarrier.arrive $0xFFFF  }
0x4a: {  	_ =	shalt  }

</sc_bundles>
